<compile_context>
chip_gen: v7x
topology: tpu7x:2x2x1
jax: 0.10.2.dev20260603
libtpu: 0.0.44.dev20260713+nightly
codegen_flags: <defaults>
</compile_context>

<pallas_src>
import functools

import jax
import jax.numpy as jnp
from jax import lax
from jax.experimental import pallas as pl
from jax.experimental.pallas import tpu as pltpu
from jax.experimental.pallas import tpu_sc as plsc

SCALE = 32.0


@functools.lru_cache(maxsize=None)
def _make_kernel(BATCH: int, S: int, D: int):
    info = plsc.get_sparse_core_info()
    NC, NS, L = info.num_cores, info.num_subcores, info.num_lanes
    NW = NC * NS
    B = BATCH * S
    assert B % NW == 0
    b_per_w = B // NW
    assert S % b_per_w == 0
    runs_per_row = S // b_per_w
    C = 16
    NBUF = 4
    assert b_per_w % (C * NBUF) == 0
    n_chunks = b_per_w // C
    n_outer = n_chunks // NBUF
    mesh = plsc.VectorSubcoreMesh(core_axis_name="c", subcore_axis_name="s")

    @functools.partial(
        pl.kernel,
        out_type=jax.ShapeDtypeStruct((BATCH, S, D), jnp.float32),
        mesh=mesh,
        scratch_types=[
            pltpu.VMEM((b_per_w,), jnp.int32),
            pltpu.VMEM((NBUF, C, D), jnp.float32),
        ] + [pltpu.SemaphoreType.DMA] * 8,
    )
    def k(x_hbm, table_hbm, out_hbm, idx_v, rows_v, *sems):
        gsem = sems[:NBUF]
        wsem = sems[NBUF:]
        wid = lax.axis_index("s") * NC + lax.axis_index("c")
        row = wid // runs_per_row
        col = (wid % runs_per_row) * b_per_w
        pltpu.sync_copy(x_hbm.at[row, pl.ds(col, b_per_w)], idx_v)

        def start_gather(c, b):
            pltpu.async_copy(
                table_hbm.at[idx_v.at[pl.ds(c * C, C)]], rows_v.at[b], gsem[b]
            )

        def wait_gather(b):
            pltpu.make_async_copy(
                table_hbm.at[idx_v.at[pl.ds(0, C)]], rows_v.at[b], gsem[b]
            ).wait()

        def start_write(c, b):
            pltpu.async_copy(
                rows_v.at[b], out_hbm.at[row, pl.ds(col + c * C, C)], wsem[b]
            )

        def wait_write(b):
            pltpu.make_async_copy(
                rows_v.at[b], out_hbm.at[0, pl.ds(0, C)], wsem[b]
            ).wait()

        start_gather(0, 0)
        start_gather(1, 1)

        def outer(g, carry):
            for b in range(NBUF):
                c = g * NBUF + b
                nb = (b + 2) % NBUF
                not_last = True if b < NBUF - 2 else g < n_outer - 1
                needs_drain = g >= 1 if b < NBUF - 2 else True

                def prefetch(nb=nb, c=c, needs_drain=needs_drain):
                    if needs_drain is True:
                        wait_write(nb)
                    else:

                        @pl.when(needs_drain)
                        def _():
                            wait_write(nb)

                    start_gather(c + 2, nb)

                if not_last is True:
                    prefetch()
                else:
                    pl.when(not_last)(prefetch)

                wait_gather(b)

                def _scale(r, carry2, b=b):
                    for j in range(D // L):
                        rows_v[b, r, pl.ds(j * L, L)] = (
                            rows_v[b, r, pl.ds(j * L, L)] * SCALE
                        )
                    return carry2

                lax.fori_loop(0, C, _scale, 0)

                start_write(c, b)
            return carry

        lax.fori_loop(0, n_outer, outer, 0)
        for b in range(NBUF):
            wait_write(b)

    return k


@jax.jit
def kernel(x, table):
    batch, s = x.shape
    return _make_kernel(batch, s, table.shape[1])(x, table)

# --- scband reference (transcript-rebuilt; emitter-appended) ---
"""Pipeline reference for scband-input-embedding-26018911879590 (READ-ONLY COPY).

The authoritative reference and input builder live on the scoring server;
editing this copy changes nothing except your own understanding.
"""

import jax, jax.numpy as jnp
import numpy as np

D_MODEL = 1024
VOCAB = 100000

def setup_inputs(seed: int = 0) -> dict:
    key = jax.random.key(seed)
    k1, k2 = jax.random.split(key)
    x = jax.random.randint(k1, (4, 8192), 0, VOCAB, dtype=jnp.int64 if jax.config.jax_enable_x64 else jnp.int32)
    table = jax.random.normal(k2, (VOCAB, D_MODEL), dtype=jnp.float32)
    return {"x": x, "table": table}

def reference(x, table):
    # nn.Embedding lookup: gather rows of the table by token id
    emb = jnp.take(table, x, axis=0)  # [B, S, d_model]
    scale = jnp.sqrt(jnp.asarray([D_MODEL], dtype=jnp.float32))
    return emb * scale

if __name__ == "__main__":
    import jax
    _d = setup_inputs()
    print(jax.jit(kernel)(*tuple(_d.values())))

</pallas_src>

<mosaic_0001>
#map = affine_map<(d0, d1) -> (0, 0)>
#map1 = affine_map<(d0, d1) -> (0, 0, 0)>
module attributes {stable_mosaic.version = 14 : i64} {
  func.func @k(%arg0: i32, %arg1: i32, %arg2: memref<4x8192xi32, #tpu.memory_space<hbm>>, %arg3: memref<100000x1024xf32, #tpu.memory_space<hbm>>, %arg4: memref<4x8192x1024xf32, #tpu.memory_space<hbm>>, %arg5: memref<1024xi32, #tpu.memory_space<vmem>>, %arg6: memref<4x16x1024xf32, #tpu.memory_space<vmem>>, %arg7: memref<!tpu.dma_semaphore, #tpu.memory_space<semaphore_mem>>, %arg8: memref<!tpu.dma_semaphore, #tpu.memory_space<semaphore_mem>>, %arg9: memref<!tpu.dma_semaphore, #tpu.memory_space<semaphore_mem>>, %arg10: memref<!tpu.dma_semaphore, #tpu.memory_space<semaphore_mem>>, %arg11: memref<!tpu.dma_semaphore, #tpu.memory_space<semaphore_mem>>, %arg12: memref<!tpu.dma_semaphore, #tpu.memory_space<semaphore_mem>>, %arg13: memref<!tpu.dma_semaphore, #tpu.memory_space<semaphore_mem>>, %arg14: memref<!tpu.dma_semaphore, #tpu.memory_space<semaphore_mem>>) attributes {dimension_semantics = [#tpu.dimension_semantics<core_parallel>, #tpu.dimension_semantics<subcore_parallel>], iteration_bounds = array<i64: 2, 16>, scalar_prefetch = 0 : i64, scratch_operands = 10 : i64, tpu.core_type = #tpu.core_type<sc_vector_subcore>, window_params = [{transform_indices = #map}, {transform_indices = #map}, {transform_indices = #map1}]} {
    %mul3A = arith.constant 2 : i32
    %mul3A_0 = arith.muli %arg1, %mul3A : i32
    %add3A = arith.addi %mul3A_0, %arg0 : i32
    %jit3A = arith.constant 8 : i32
    %div3A = arith.divsi %add3A, %jit3A : i32
    %sign3A = arith.constant 0 : i32
    %sign3A_1 = arith.cmpi sgt, %add3A, %sign3A : i32
    %sign3A_2 = arith.extui %sign3A_1 : i1 to i32
    %sign3A_3 = arith.constant 0 : i32
    %sign3A_4 = arith.cmpi slt, %add3A, %sign3A_3 : i32
    %sign3A_5 = arith.extui %sign3A_4 : i1 to i32
    %sign3A_6 = arith.subi %sign3A_2, %sign3A_5 : i32
    %sign3A_7 = arith.constant 0 : i32
    %sign3A_8 = arith.cmpi sgt, %jit3A, %sign3A_7 : i32
    %sign3A_9 = arith.extui %sign3A_8 : i1 to i32
    %sign3A_10 = arith.constant 0 : i32
    %sign3A_11 = arith.cmpi slt, %jit3A, %sign3A_10 : i32
    %sign3A_12 = arith.extui %sign3A_11 : i1 to i32
    %sign3A_13 = arith.subi %sign3A_9, %sign3A_12 : i32
    %ne3A = arith.cmpi ne, %sign3A_6, %sign3A_13 : i32
    %rem3A = arith.remsi %add3A, %jit3A : i32
    %ne3A_14 = arith.constant 0 : i32
    %ne3A_15 = arith.cmpi ne, %rem3A, %ne3A_14 : i32
    %and3A = arith.andi %ne3A, %ne3A_15 : i1
    %sub3A = arith.constant 1 : i32
    %sub3A_16 = arith.subi %div3A, %sub3A : i32
    %select_n3A = arith.select %and3A, %sub3A_16, %div3A : i32
    %jit3A_17 = arith.constant 8 : i32
    %eq3A = arith.constant 0 : i32
    %eq3A_18 = arith.cmpi eq, %jit3A_17, %eq3A : i32
    %jit3A_19 = arith.constant 1 : i32
    %select_n3A_20 = arith.select %eq3A_18, %jit3A_19, %jit3A_17 : i32
    %rem3A_21 = arith.remsi %add3A, %select_n3A_20 : i32
    %ne3A_22 = arith.constant 0 : i32
    %ne3A_23 = arith.cmpi ne, %rem3A_21, %ne3A_22 : i32
    %lt3A = arith.constant 0 : i32
    %lt3A_24 = arith.cmpi slt, %rem3A_21, %lt3A : i32
    %lt3A_25 = arith.constant 0 : i32
    %lt3A_26 = arith.cmpi slt, %select_n3A_20, %lt3A_25 : i32
    %ne3A_27 = arith.xori %lt3A_24, %lt3A_26 : i1
    %and3A_28 = arith.andi %ne3A_27, %ne3A_23 : i1
    %add3A_29 = arith.addi %rem3A_21, %select_n3A_20 : i32
    %select_n3A_30 = arith.select %and3A_28, %add3A_29, %rem3A_21 : i32
    %mul3A_31 = arith.constant 1024 : i32
    %mul3A_32 = arith.muli %select_n3A_30, %mul3A_31 : i32
    "tpu.region"() ({
      %run_scoped3A = tpu.sem_alloc : memref<!tpu.dma_semaphore, #tpu.memory_space<semaphore_mem>>
      %dma_start3A_128 = tpu.memref_slice %arg2[%select_n3A, %mul3A_32] : memref<4x8192xi32, #tpu.memory_space<hbm>> -> memref<1x1024xi32, #tpu.memory_space<hbm>>
      %dma_start3A_129 = tpu.memref_squeeze %dma_start3A_128 : memref<1x1024xi32, #tpu.memory_space<hbm>> -> memref<1024xi32, #tpu.memory_space<hbm>>
      %dma_start3A_130 = tpu.memref_slice %arg2[%select_n3A, %mul3A_32] : memref<4x8192xi32, #tpu.memory_space<hbm>> -> memref<1x1024xi32, #tpu.memory_space<hbm>>
      %dma_start3A_131 = tpu.memref_squeeze %dma_start3A_130 : memref<1x1024xi32, #tpu.memory_space<hbm>> -> memref<1024xi32, #tpu.memory_space<hbm>>
      tpu.enqueue_dma source(%dma_start3A_131 : memref<1024xi32, #tpu.memory_space<hbm>>) target(%arg5 : memref<1024xi32, #tpu.memory_space<vmem>>) target_semaphore(%run_scoped3A : memref<!tpu.dma_semaphore, #tpu.memory_space<semaphore_mem>>)
      %dma_wait3A_132 = tpu.memref_slice %arg2[%select_n3A, %mul3A_32] : memref<4x8192xi32, #tpu.memory_space<hbm>> -> memref<1x1024xi32, #tpu.memory_space<hbm>>
      %dma_wait3A_133 = tpu.memref_squeeze %dma_wait3A_132 : memref<1x1024xi32, #tpu.memory_space<hbm>> -> memref<1024xi32, #tpu.memory_space<hbm>>
      %dma_wait3A_134 = tpu.memref_slice %arg2[%select_n3A, %mul3A_32] : memref<4x8192xi32, #tpu.memory_space<hbm>> -> memref<1x1024xi32, #tpu.memory_space<hbm>>
      %dma_wait3A_135 = tpu.memref_squeeze %dma_wait3A_134 : memref<1x1024xi32, #tpu.memory_space<hbm>> -> memref<1024xi32, #tpu.memory_space<hbm>>
      tpu.wait_dma2 semaphore(%run_scoped3A : memref<!tpu.dma_semaphore, #tpu.memory_space<semaphore_mem>>) src(%dma_wait3A_135 : memref<1024xi32, #tpu.memory_space<hbm>>) dst(%arg5 : memref<1024xi32, #tpu.memory_space<vmem>>)
      tpu.yield
    }) : () -> ()
    %dma_start3A = arith.constant 0 : i32
    %dma_start3A_33 = arith.constant 0 : i32
    %dma_start3A_34 = arith.constant 0 : i32
    %dma_start3A_35 = tpu.memref_slice %arg6[%dma_start3A, %dma_start3A_33, %dma_start3A_34] : memref<4x16x1024xf32, #tpu.memory_space<vmem>> -> memref<1x16x1024xf32, #tpu.memory_space<vmem>>
    %dma_start3A_36 = tpu.memref_squeeze %dma_start3A_35 : memref<1x16x1024xf32, #tpu.memory_space<vmem>> -> memref<16x1024xf32, #tpu.memory_space<vmem>>
    %dma_start3A_37 = arith.constant 0 : i32
    %dma_start3A_38 = tpu.memref_slice %arg5[%dma_start3A_37] : memref<1024xi32, #tpu.memory_space<vmem>> -> memref<16xi32, #tpu.memory_space<vmem>>
    %dma_start3A_39 = arith.constant 0 : i32
    %dma_start3A_40 = arith.constant 0 : i32
    %dma_start3A_41 = tpu.memref_slice %arg3[%dma_start3A_39, %dma_start3A_40] : memref<100000x1024xf32, #tpu.memory_space<hbm>> -> memref<100000x1024xf32, #tpu.memory_space<hbm>>
    tpu.enqueue_indirect_dma source(%dma_start3A_41 : memref<100000x1024xf32, #tpu.memory_space<hbm>>) target(%dma_start3A_36 : memref<16x1024xf32, #tpu.memory_space<vmem>>) offsets(%dma_start3A_38 : memref<16xi32, #tpu.memory_space<vmem>>) semaphore(%arg7 : memref<!tpu.dma_semaphore, #tpu.memory_space<semaphore_mem>>)
    %dma_start3A_42 = arith.constant 1 : i32
    %dma_start3A_43 = arith.constant 0 : i32
    %dma_start3A_44 = arith.constant 0 : i32
    %dma_start3A_45 = tpu.memref_slice %arg6[%dma_start3A_42, %dma_start3A_43, %dma_start3A_44] : memref<4x16x1024xf32, #tpu.memory_space<vmem>> -> memref<1x16x1024xf32, #tpu.memory_space<vmem>>
    %dma_start3A_46 = tpu.memref_squeeze %dma_start3A_45 : memref<1x16x1024xf32, #tpu.memory_space<vmem>> -> memref<16x1024xf32, #tpu.memory_space<vmem>>
    %dma_start3A_47 = arith.constant 16 : i32
    %dma_start3A_48 = tpu.memref_slice %arg5[%dma_start3A_47] : memref<1024xi32, #tpu.memory_space<vmem>> -> memref<16xi32, #tpu.memory_space<vmem>>
    %dma_start3A_49 = arith.constant 0 : i32
    %dma_start3A_50 = arith.constant 0 : i32
    %dma_start3A_51 = tpu.memref_slice %arg3[%dma_start3A_49, %dma_start3A_50] : memref<100000x1024xf32, #tpu.memory_space<hbm>> -> memref<100000x1024xf32, #tpu.memory_space<hbm>>
    tpu.enqueue_indirect_dma source(%dma_start3A_51 : memref<100000x1024xf32, #tpu.memory_space<hbm>>) target(%dma_start3A_46 : memref<16x1024xf32, #tpu.memory_space<vmem>>) offsets(%dma_start3A_48 : memref<16xi32, #tpu.memory_space<vmem>>) semaphore(%arg8 : memref<!tpu.dma_semaphore, #tpu.memory_space<semaphore_mem>>)
    %scan3A = arith.constant 0 : i32
    %scan3A_52 = arith.constant 0 : i32
    %scan3A_53 = arith.constant 16 : i32
    %scan3A_54 = arith.addi %scan3A_52, %scan3A_53 : i32
    %scan3A_55 = arith.constant 1 : i32
    scf.for %scan3A_128 = %scan3A_52 to %scan3A_54 step %scan3A_55  : i32 {
      %mul3A_129 = arith.constant 4 : i32
      %mul3A_130 = arith.muli %scan3A_128, %mul3A_129 : i32
      %add3A_131 = arith.constant 0 : i32
      %add3A_132 = arith.addi %mul3A_130, %add3A_131 : i32
      %ge3A = arith.constant 1 : i32
      %ge3A_133 = arith.cmpi sge, %scan3A_128, %ge3A : i32
      %convert_element_type3A = arith.extui %ge3A_133 : i1 to i32
      %cond3A = arith.constant 0 : i32
      %cond3A_134 = arith.cmpi ne, %convert_element_type3A, %cond3A : i32
      scf.if %cond3A_134 {
        %dma_wait3A_324 = arith.constant 2 : i32
        %dma_wait3A_325 = arith.constant 0 : i32
        %dma_wait3A_326 = arith.constant 0 : i32
        %dma_wait3A_327 = arith.constant 0 : i32
        %dma_wait3A_328 = tpu.memref_slice %arg6[%dma_wait3A_324, %dma_wait3A_326, %dma_wait3A_327] : memref<4x16x1024xf32, #tpu.memory_space<vmem>> -> memref<1x16x1024xf32, #tpu.memory_space<vmem>>
        %dma_wait3A_329 = tpu.memref_squeeze %dma_wait3A_328 : memref<1x16x1024xf32, #tpu.memory_space<vmem>> -> memref<16x1024xf32, #tpu.memory_space<vmem>>
        %dma_wait3A_330 = arith.constant 0 : i32
        %dma_wait3A_331 = arith.constant 0 : i32
        %dma_wait3A_332 = tpu.memref_slice %arg4[%dma_wait3A_325, %dma_wait3A_330, %dma_wait3A_331] : memref<4x8192x1024xf32, #tpu.memory_space<hbm>> -> memref<1x16x1024xf32, #tpu.memory_space<hbm>>
        %dma_wait3A_333 = tpu.memref_squeeze %dma_wait3A_332 : memref<1x16x1024xf32, #tpu.memory_space<hbm>> -> memref<16x1024xf32, #tpu.memory_space<hbm>>
        %dma_wait3A_334 = arith.constant 0 : i32
        %dma_wait3A_335 = arith.constant 0 : i32
        %dma_wait3A_336 = tpu.memref_slice %arg4[%dma_wait3A_325, %dma_wait3A_334, %dma_wait3A_335] : memref<4x8192x1024xf32, #tpu.memory_space<hbm>> -> memref<1x16x1024xf32, #tpu.memory_space<hbm>>
        %dma_wait3A_337 = tpu.memref_squeeze %dma_wait3A_336 : memref<1x16x1024xf32, #tpu.memory_space<hbm>> -> memref<16x1024xf32, #tpu.memory_space<hbm>>
        %dma_wait3A_338 = arith.constant 0 : i32
        %dma_wait3A_339 = arith.constant 0 : i32
        %dma_wait3A_340 = tpu.memref_slice %arg6[%dma_wait3A_324, %dma_wait3A_338, %dma_wait3A_339] : memref<4x16x1024xf32, #tpu.memory_space<vmem>> -> memref<1x16x1024xf32, #tpu.memory_space<vmem>>
        %dma_wait3A_341 = tpu.memref_squeeze %dma_wait3A_340 : memref<1x16x1024xf32, #tpu.memory_space<vmem>> -> memref<16x1024xf32, #tpu.memory_space<vmem>>
        tpu.wait_dma2 semaphore(%arg13 : memref<!tpu.dma_semaphore, #tpu.memory_space<semaphore_mem>>) src(%dma_wait3A_341 : memref<16x1024xf32, #tpu.memory_space<vmem>>) dst(%dma_wait3A_337 : memref<16x1024xf32, #tpu.memory_space<hbm>>)
      } else {
      }
      %add3A_135 = arith.constant 2 : i32
      %add3A_136 = arith.addi %add3A_132, %add3A_135 : i32
      %mul3A_137 = arith.constant 16 : i32
      %mul3A_138 = arith.muli %add3A_136, %mul3A_137 : i32
      %dma_start3A_139 = arith.constant 2 : i32
      %dma_start3A_140 = arith.constant 0 : i32
      %dma_start3A_141 = arith.constant 0 : i32
      %dma_start3A_142 = tpu.memref_slice %arg6[%dma_start3A_139, %dma_start3A_140, %dma_start3A_141] : memref<4x16x1024xf32, #tpu.memory_space<vmem>> -> memref<1x16x1024xf32, #tpu.memory_space<vmem>>
      %dma_start3A_143 = tpu.memref_squeeze %dma_start3A_142 : memref<1x16x1024xf32, #tpu.memory_space<vmem>> -> memref<16x1024xf32, #tpu.memory_space<vmem>>
      %dma_start3A_144 = tpu.memref_slice %arg5[%mul3A_138] : memref<1024xi32, #tpu.memory_space<vmem>> -> memref<16xi32, #tpu.memory_space<vmem>>
      %dma_start3A_145 = arith.constant 0 : i32
      %dma_start3A_146 = arith.constant 0 : i32
      %dma_start3A_147 = tpu.memref_slice %arg3[%dma_start3A_145, %dma_start3A_146] : memref<100000x1024xf32, #tpu.memory_space<hbm>> -> memref<100000x1024xf32, #tpu.memory_space<hbm>>
      tpu.enqueue_indirect_dma source(%dma_start3A_147 : memref<100000x1024xf32, #tpu.memory_space<hbm>>) target(%dma_start3A_143 : memref<16x1024xf32, #tpu.memory_space<vmem>>) offsets(%dma_start3A_144 : memref<16xi32, #tpu.memory_space<vmem>>) semaphore(%arg9 : memref<!tpu.dma_semaphore, #tpu.memory_space<semaphore_mem>>)
      %dma_wait3A_148 = arith.constant 0 : i32
      %dma_wait3A_149 = arith.constant 0 : i32
      %dma_wait3A_150 = arith.constant 0 : i32
      %dma_wait3A_151 = tpu.memref_slice %arg6[%dma_wait3A_148, %dma_wait3A_149, %dma_wait3A_150] : memref<4x16x1024xf32, #tpu.memory_space<vmem>> -> memref<1x16x1024xf32, #tpu.memory_space<vmem>>
      %dma_wait3A_152 = tpu.memref_squeeze %dma_wait3A_151 : memref<1x16x1024xf32, #tpu.memory_space<vmem>> -> memref<16x1024xf32, #tpu.memory_space<vmem>>
      %dma_wait3A_153 = arith.constant 0 : i32
      %dma_wait3A_154 = tpu.memref_slice %arg5[%dma_wait3A_153] : memref<1024xi32, #tpu.memory_space<vmem>> -> memref<16xi32, #tpu.memory_space<vmem>>
      %dma_wait3A_155 = arith.constant 0 : i32
      %dma_wait3A_156 = arith.constant 0 : i32
      %dma_wait3A_157 = tpu.memref_slice %arg3[%dma_wait3A_155, %dma_wait3A_156] : memref<100000x1024xf32, #tpu.memory_space<hbm>> -> memref<100000x1024xf32, #tpu.memory_space<hbm>>
      tpu.wait_indirect_dma semaphore(%arg7 : memref<!tpu.dma_semaphore, #tpu.memory_space<semaphore_mem>>) src(%dma_wait3A_157 : memref<100000x1024xf32, #tpu.memory_space<hbm>>) dst(%dma_wait3A_152 : memref<16x1024xf32, #tpu.memory_space<vmem>>)
      %scan3A_158 = arith.constant 0 : i32
      %scan3A_159 = arith.constant 0 : i32
      %scan3A_160 = arith.constant 16 : i32
      %scan3A_161 = arith.addi %scan3A_159, %scan3A_160 : i32
      %scan3A_162 = arith.constant 1 : i32
      scf.for %scan3A_324 = %scan3A_159 to %scan3A_161 step %scan3A_162  : i32 {
        %get3A = arith.constant 0 : i32
        %get3A_325 = arith.index_cast %get3A : i32 to index
        %get3A_326 = arith.index_cast %scan3A_324 : i32 to index
        %get3A_327 = arith.constant 0 : index
        %get3A_328 = tpu.vector_load %arg6[%get3A_325, %get3A_326, %get3A_327] {strides = array<i32>} : memref<4x16x1024xf32, #tpu.memory_space<vmem>>, vector<1x1x16xf32>,
        %get3A_329 = vector.shape_cast %get3A_328 : vector<1x1x16xf32> to vector<16xf32>
        %mul3A_330 = arith.constant 3.200000e+01 : f32
        %mul3A_331 = vector.broadcast %mul3A_330 : f32 to vector<16xf32>
        %mul3A_332 = arith.mulf %get3A_329, %mul3A_331 : vector<16xf32>
        %swap3A = arith.constant 0 : i32
        %swap3A_333 = arith.index_cast %swap3A : i32 to index
        %swap3A_334 = arith.index_cast %scan3A_324 : i32 to index
        %swap3A_335 = arith.constant 0 : index
        %swap3A_336 = tpu.vector_load %arg6[%swap3A_333, %swap3A_334, %swap3A_335] {strides = array<i32>} : memref<4x16x1024xf32, #tpu.memory_space<vmem>>, vector<1x1x16xf32>,
        %swap3A_337 = vector.shape_cast %swap3A_336 : vector<1x1x16xf32> to vector<16xf32>
        %swap3A_338 = vector.shape_cast %mul3A_332 : vector<16xf32> to vector<1x1x16xf32>
        tpu.vector_store %arg6[%swap3A_333, %swap3A_334, %swap3A_335], %swap3A_338 {strides = array<i32>} : memref<4x16x1024xf32, #tpu.memory_space<vmem>>, vector<1x1x16xf32>,
        %get3A_339 = arith.constant 0 : i32
        %get3A_340 = arith.index_cast %get3A_339 : i32 to index
        %get3A_341 = arith.index_cast %scan3A_324 : i32 to index
        %get3A_342 = arith.constant 16 : index
        %get3A_343 = tpu.vector_load %arg6[%get3A_340, %get3A_341, %get3A_342] {strides = array<i32>} : memref<4x16x1024xf32, #tpu.memory_space<vmem>>, vector<1x1x16xf32>,
        %get3A_344 = vector.shape_cast %get3A_343 : vector<1x1x16xf32> to vector<16xf32>
        %mul3A_345 = arith.constant 3.200000e+01 : f32
        %mul3A_346 = vector.broadcast %mul3A_345 : f32 to vector<16xf32>
        %mul3A_347 = arith.mulf %get3A_344, %mul3A_346 : vector<16xf32>
        %swap3A_348 = arith.constant 0 : i32
        %swap3A_349 = arith.index_cast %swap3A_348 : i32 to index
        %swap3A_350 = arith.index_cast %scan3A_324 : i32 to index
        %swap3A_351 = arith.constant 16 : index
        %swap3A_352 = tpu.vector_load %arg6[%swap3A_349, %swap3A_350, %swap3A_351] {strides = array<i32>} : memref<4x16x1024xf32, #tpu.memory_space<vmem>>, vector<1x1x16xf32>,
        %swap3A_353 = vector.shape_cast %swap3A_352 : vector<1x1x16xf32> to vector<16xf32>
        %swap3A_354 = vector.shape_cast %mul3A_347 : vector<16xf32> to vector<1x1x16xf32>
        tpu.vector_store %arg6[%swap3A_349, %swap3A_350, %swap3A_351], %swap3A_354 {strides = array<i32>} : memref<4x16x1024xf32, #tpu.memory_space<vmem>>, vector<1x1x16xf32>,
        %get3A_355 = arith.constant 0 : i32
        %get3A_356 = arith.index_cast %get3A_355 : i32 to index
        %get3A_357 = arith.index_cast %scan3A_324 : i32 to index
        %get3A_358 = arith.constant 32 : index
        %get3A_359 = tpu.vector_load %arg6[%get3A_356, %get3A_357, %get3A_358] {strides = array<i32>} : memref<4x16x1024xf32, #tpu.memory_space<vmem>>, vector<1x1x16xf32>,
        %get3A_360 = vector.shape_cast %get3A_359 : vector<1x1x16xf32> to vector<16xf32>
        %mul3A_361 = arith.constant 3.200000e+01 : f32
        %mul3A_362 = vector.broadcast %mul3A_361 : f32 to vector<16xf32>
        %mul3A_363 = arith.mulf %get3A_360, %mul3A_362 : vector<16xf32>
        %swap3A_364 = arith.constant 0 : i32
        %swap3A_365 = arith.index_cast %swap3A_364 : i32 to index
        %swap3A_366 = arith.index_cast %scan3A_324 : i32 to index
        %swap3A_367 = arith.constant 32 : index
        %swap3A_368 = tpu.vector_load %arg6[%swap3A_365, %swap3A_366, %swap3A_367] {strides = array<i32>} : memref<4x16x1024xf32, #tpu.memory_space<vmem>>, vector<1x1x16xf32>,
        %swap3A_369 = vector.shape_cast %swap3A_368 : vector<1x1x16xf32> to vector<16xf32>
        %swap3A_370 = vector.shape_cast %mul3A_363 : vector<16xf32> to vector<1x1x16xf32>
        tpu.vector_store %arg6[%swap3A_365, %swap3A_366, %swap3A_367], %swap3A_370 {strides = array<i32>} : memref<4x16x1024xf32, #tpu.memory_space<vmem>>, vector<1x1x16xf32>,
        %get3A_371 = arith.constant 0 : i32
        %get3A_372 = arith.index_cast %get3A_371 : i32 to index
        %get3A_373 = arith.index_cast %scan3A_324 : i32 to index
        %get3A_374 = arith.constant 48 : index
        %get3A_375 = tpu.vector_load %arg6[%get3A_372, %get3A_373, %get3A_374] {strides = array<i32>} : memref<4x16x1024xf32, #tpu.memory_space<vmem>>, vector<1x1x16xf32>,
        %get3A_376 = vector.shape_cast %get3A_375 : vector<1x1x16xf32> to vector<16xf32>
        %mul3A_377 = arith.constant 3.200000e+01 : f32
        %mul3A_378 = vector.broadcast %mul3A_377 : f32 to vector<16xf32>
        %mul3A_379 = arith.mulf %get3A_376, %mul3A_378 : vector<16xf32>
        %swap3A_380 = arith.constant 0 : i32
        %swap3A_381 = arith.index_cast %swap3A_380 : i32 to index
        %swap3A_382 = arith.index_cast %scan3A_324 : i32 to index
        %swap3A_383 = arith.constant 48 : index
        %swap3A_384 = tpu.vector_load %arg6[%swap3A_381, %swap3A_382, %swap3A_383] {strides = array<i32>} : memref<4x16x1024xf32, #tpu.memory_space<vmem>>, vector<1x1x16xf32>,
        %swap3A_385 = vector.shape_cast %swap3A_384 : vector<1x1x16xf32> to vector<16xf32>
        %swap3A_386 = vector.shape_cast %mul3A_379 : vector<16xf32> to vector<1x1x16xf32>
        tpu.vector_store %arg6[%swap3A_381, %swap3A_382, %swap3A_383], %swap3A_386 {strides = array<i32>} : memref<4x16x1024xf32, #tpu.memory_space<vmem>>, vector<1x1x16xf32>,
        %get3A_387 = arith.constant 0 : i32
        %get3A_388 = arith.index_cast %get3A_387 : i32 to index
        %get3A_389 = arith.index_cast %scan3A_324 : i32 to index
        %get3A_390 = arith.constant 64 : index
        %get3A_391 = tpu.vector_load %arg6[%get3A_388, %get3A_389, %get3A_390] {strides = array<i32>} : memref<4x16x1024xf32, #tpu.memory_space<vmem>>, vector<1x1x16xf32>,
        %get3A_392 = vector.shape_cast %get3A_391 : vector<1x1x16xf32> to vector<16xf32>
        %mul3A_393 = arith.constant 3.200000e+01 : f32
        %mul3A_394 = vector.broadcast %mul3A_393 : f32 to vector<16xf32>
        %mul3A_395 = arith.mulf %get3A_392, %mul3A_394 : vector<16xf32>
        %swap3A_396 = arith.constant 0 : i32
        %swap3A_397 = arith.index_cast %swap3A_396 : i32 to index
        %swap3A_398 = arith.index_cast %scan3A_324 : i32 to index
        %swap3A_399 = arith.constant 64 : index
        %swap3A_400 = tpu.vector_load %arg6[%swap3A_397, %swap3A_398, %swap3A_399] {strides = array<i32>} : memref<4x16x1024xf32, #tpu.memory_space<vmem>>, vector<1x1x16xf32>,
        %swap3A_401 = vector.shape_cast %swap3A_400 : vector<1x1x16xf32> to vector<16xf32>
        %swap3A_402 = vector.shape_cast %mul3A_395 : vector<16xf32> to vector<1x1x16xf32>
        tpu.vector_store %arg6[%swap3A_397, %swap3A_398, %swap3A_399], %swap3A_402 {strides = array<i32>} : memref<4x16x1024xf32, #tpu.memory_space<vmem>>, vector<1x1x16xf32>,
        %get3A_403 = arith.constant 0 : i32
        %get3A_404 = arith.index_cast %get3A_403 : i32 to index
        %get3A_405 = arith.index_cast %scan3A_324 : i32 to index
        %get3A_406 = arith.constant 80 : index
        %get3A_407 = tpu.vector_load %arg6[%get3A_404, %get3A_405, %get3A_406] {strides = array<i32>} : memref<4x16x1024xf32, #tpu.memory_space<vmem>>, vector<1x1x16xf32>,
        %get3A_408 = vector.shape_cast %get3A_407 : vector<1x1x16xf32> to vector<16xf32>
        %mul3A_409 = arith.constant 3.200000e+01 : f32
        %mul3A_410 = vector.broadcast %mul3A_409 : f32 to vector<16xf32>
        %mul3A_411 = arith.mulf %get3A_408, %mul3A_410 : vector<16xf32>
        %swap3A_412 = arith.constant 0 : i32
        %swap3A_413 = arith.index_cast %swap3A_412 : i32 to index
        %swap3A_414 = arith.index_cast %scan3A_324 : i32 to index
        %swap3A_415 = arith.constant 80 : index
        %swap3A_416 = tpu.vector_load %arg6[%swap3A_413, %swap3A_414, %swap3A_415] {strides = array<i32>} : memref<4x16x1024xf32, #tpu.memory_space<vmem>>, vector<1x1x16xf32>,
        %swap3A_417 = vector.shape_cast %swap3A_416 : vector<1x1x16xf32> to vector<16xf32>
        %swap3A_418 = vector.shape_cast %mul3A_411 : vector<16xf32> to vector<1x1x16xf32>
        tpu.vector_store %arg6[%swap3A_413, %swap3A_414, %swap3A_415], %swap3A_418 {strides = array<i32>} : memref<4x16x1024xf32, #tpu.memory_space<vmem>>, vector<1x1x16xf32>,
        %get3A_419 = arith.constant 0 : i32
        %get3A_420 = arith.index_cast %get3A_419 : i32 to index
        %get3A_421 = arith.index_cast %scan3A_324 : i32 to index
        %get3A_422 = arith.constant 96 : index
        %get3A_423 = tpu.vector_load %arg6[%get3A_420, %get3A_421, %get3A_422] {strides = array<i32>} : memref<4x16x1024xf32, #tpu.memory_space<vmem>>, vector<1x1x16xf32>,
        %get3A_424 = vector.shape_cast %get3A_423 : vector<1x1x16xf32> to vector<16xf32>
        %mul3A_425 = arith.constant 3.200000e+01 : f32
        %mul3A_426 = vector.broadcast %mul3A_425 : f32 to vector<16xf32>
        %mul3A_427 = arith.mulf %get3A_424, %mul3A_426 : vector<16xf32>
        %swap3A_428 = arith.constant 0 : i32
        %swap3A_429 = arith.index_cast %swap3A_428 : i32 to index
        %swap3A_430 = arith.index_cast %scan3A_324 : i32 to index
        %swap3A_431 = arith.constant 96 : index
        %swap3A_432 = tpu.vector_load %arg6[%swap3A_429, %swap3A_430, %swap3A_431] {strides = array<i32>} : memref<4x16x1024xf32, #tpu.memory_space<vmem>>, vector<1x1x16xf32>,
        %swap3A_433 = vector.shape_cast %swap3A_432 : vector<1x1x16xf32> to vector<16xf32>
        %swap3A_434 = vector.shape_cast %mul3A_427 : vector<16xf32> to vector<1x1x16xf32>
        tpu.vector_store %arg6[%swap3A_429, %swap3A_430, %swap3A_431], %swap3A_434 {strides = array<i32>} : memref<4x16x1024xf32, #tpu.memory_space<vmem>>, vector<1x1x16xf32>,
        %get3A_435 = arith.constant 0 : i32
        %get3A_436 = arith.index_cast %get3A_435 : i32 to index
        %get3A_437 = arith.index_cast %scan3A_324 : i32 to index
        %get3A_438 = arith.constant 112 : index
        %get3A_439 = tpu.vector_load %arg6[%get3A_436, %get3A_437, %get3A_438] {strides = array<i32>} : memref<4x16x1024xf32, #tpu.memory_space<vmem>>, vector<1x1x16xf32>,
        %get3A_440 = vector.shape_cast %get3A_439 : vector<1x1x16xf32> to vector<16xf32>
        %mul3A_441 = arith.constant 3.200000e+01 : f32
        %mul3A_442 = vector.broadcast %mul3A_441 : f32 to vector<16xf32>
        %mul3A_443 = arith.mulf %get3A_440, %mul3A_442 : vector<16xf32>
        %swap3A_444 = arith.constant 0 : i32
        %swap3A_445 = arith.index_cast %swap3A_444 : i32 to index
        %swap3A_446 = arith.index_cast %scan3A_324 : i32 to index
        %swap3A_447 = arith.constant 112 : index
        %swap3A_448 = tpu.vector_load %arg6[%swap3A_445, %swap3A_446, %swap3A_447] {strides = array<i32>} : memref<4x16x1024xf32, #tpu.memory_space<vmem>>, vector<1x1x16xf32>,
        %swap3A_449 = vector.shape_cast %swap3A_448 : vector<1x1x16xf32> to vector<16xf32>
        %swap3A_450 = vector.shape_cast %mul3A_443 : vector<16xf32> to vector<1x1x16xf32>
        tpu.vector_store %arg6[%swap3A_445, %swap3A_446, %swap3A_447], %swap3A_450 {strides = array<i32>} : memref<4x16x1024xf32, #tpu.memory_space<vmem>>, vector<1x1x16xf32>,
        %get3A_451 = arith.constant 0 : i32
        %get3A_452 = arith.index_cast %get3A_451 : i32 to index
        %get3A_453 = arith.index_cast %scan3A_324 : i32 to index
        %get3A_454 = arith.constant 128 : index
        %get3A_455 = tpu.vector_load %arg6[%get3A_452, %get3A_453, %get3A_454] {strides = array<i32>} : memref<4x16x1024xf32, #tpu.memory_space<vmem>>, vector<1x1x16xf32>,
        %get3A_456 = vector.shape_cast %get3A_455 : vector<1x1x16xf32> to vector<16xf32>
        %mul3A_457 = arith.constant 3.200000e+01 : f32
        %mul3A_458 = vector.broadcast %mul3A_457 : f32 to vector<16xf32>
        %mul3A_459 = arith.mulf %get3A_456, %mul3A_458 : vector<16xf32>
        %swap3A_460 = arith.constant 0 : i32
        %swap3A_461 = arith.index_cast %swap3A_460 : i32 to index
        %swap3A_462 = arith.index_cast %scan3A_324 : i32 to index
        %swap3A_463 = arith.constant 128 : index
        %swap3A_464 = tpu.vector_load %arg6[%swap3A_461, %swap3A_462, %swap3A_463] {strides = array<i32>} : memref<4x16x1024xf32, #tpu.memory_space<vmem>>, vector<1x1x16xf32>,
        %swap3A_465 = vector.shape_cast %swap3A_464 : vector<1x1x16xf32> to vector<16xf32>
        %swap3A_466 = vector.shape_cast %mul3A_459 : vector<16xf32> to vector<1x1x16xf32>
        tpu.vector_store %arg6[%swap3A_461, %swap3A_462, %swap3A_463], %swap3A_466 {strides = array<i32>} : memref<4x16x1024xf32, #tpu.memory_space<vmem>>, vector<1x1x16xf32>,
        %get3A_467 = arith.constant 0 : i32
        %get3A_468 = arith.index_cast %get3A_467 : i32 to index
        %get3A_469 = arith.index_cast %scan3A_324 : i32 to index
        %get3A_470 = arith.constant 144 : index
        %get3A_471 = tpu.vector_load %arg6[%get3A_468, %get3A_469, %get3A_470] {strides = array<i32>} : memref<4x16x1024xf32, #tpu.memory_space<vmem>>, vector<1x1x16xf32>,
        %get3A_472 = vector.shape_cast %get3A_471 : vector<1x1x16xf32> to vector<16xf32>
        %mul3A_473 = arith.constant 3.200000e+01 : f32
        %mul3A_474 = vector.broadcast %mul3A_473 : f32 to vector<16xf32>
        %mul3A_475 = arith.mulf %get3A_472, %mul3A_474 : vector<16xf32>
        %swap3A_476 = arith.constant 0 : i32
        %swap3A_477 = arith.index_cast %swap3A_476 : i32 to index
        %swap3A_478 = arith.index_cast %scan3A_324 : i32 to index
        %swap3A_479 = arith.constant 144 : index
        %swap3A_480 = tpu.vector_load %arg6[%swap3A_477, %swap3A_478, %swap3A_479] {strides = array<i32>} : memref<4x16x1024xf32, #tpu.memory_space<vmem>>, vector<1x1x16xf32>,
        %swap3A_481 = vector.shape_cast %swap3A_480 : vector<1x1x16xf32> to vector<16xf32>
        %swap3A_482 = vector.shape_cast %mul3A_475 : vector<16xf32> to vector<1x1x16xf32>
        tpu.vector_store %arg6[%swap3A_477, %swap3A_478, %swap3A_479], %swap3A_482 {strides = array<i32>} : memref<4x16x1024xf32, #tpu.memory_space<vmem>>, vector<1x1x16xf32>,
        %get3A_483 = arith.constant 0 : i32
        %get3A_484 = arith.index_cast %get3A_483 : i32 to index
        %get3A_485 = arith.index_cast %scan3A_324 : i32 to index
        %get3A_486 = arith.constant 160 : index
        %get3A_487 = tpu.vector_load %arg6[%get3A_484, %get3A_485, %get3A_486] {strides = array<i32>} : memref<4x16x1024xf32, #tpu.memory_space<vmem>>, vector<1x1x16xf32>,
        %get3A_488 = vector.shape_cast %get3A_487 : vector<1x1x16xf32> to vector<16xf32>
        %mul3A_489 = arith.constant 3.200000e+01 : f32
        %mul3A_490 = vector.broadcast %mul3A_489 : f32 to vector<16xf32>
        %mul3A_491 = arith.mulf %get3A_488, %mul3A_490 : vector<16xf32>
        %swap3A_492 = arith.constant 0 : i32
        %swap3A_493 = arith.index_cast %swap3A_492 : i32 to index
        %swap3A_494 = arith.index_cast %scan3A_324 : i32 to index
        %swap3A_495 = arith.constant 160 : index
        %swap3A_496 = tpu.vector_load %arg6[%swap3A_493, %swap3A_494, %swap3A_495] {strides = array<i32>} : memref<4x16x1024xf32, #tpu.memory_space<vmem>>, vector<1x1x16xf32>,
        %swap3A_497 = vector.shape_cast %swap3A_496 : vector<1x1x16xf32> to vector<16xf32>
        %swap3A_498 = vector.shape_cast %mul3A_491 : vector<16xf32> to vector<1x1x16xf32>
        tpu.vector_store %arg6[%swap3A_493, %swap3A_494, %swap3A_495], %swap3A_498 {strides = array<i32>} : memref<4x16x1024xf32, #tpu.memory_space<vmem>>, vector<1x1x16xf32>,
        %get3A_499 = arith.constant 0 : i32
        %get3A_500 = arith.index_cast %get3A_499 : i32 to index
        %get3A_501 = arith.index_cast %scan3A_324 : i32 to index
        %get3A_502 = arith.constant 176 : index
        %get3A_503 = tpu.vector_load %arg6[%get3A_500, %get3A_501, %get3A_502] {strides = array<i32>} : memref<4x16x1024xf32, #tpu.memory_space<vmem>>, vector<1x1x16xf32>,
        %get3A_504 = vector.shape_cast %get3A_503 : vector<1x1x16xf32> to vector<16xf32>
        %mul3A_505 = arith.constant 3.200000e+01 : f32
        %mul3A_506 = vector.broadcast %mul3A_505 : f32 to vector<16xf32>
        %mul3A_507 = arith.mulf %get3A_504, %mul3A_506 : vector<16xf32>
        %swap3A_508 = arith.constant 0 : i32
        %swap3A_509 = arith.index_cast %swap3A_508 : i32 to index
        %swap3A_510 = arith.index_cast %scan3A_324 : i32 to index
        %swap3A_511 = arith.constant 176 : index
        %swap3A_512 = tpu.vector_load %arg6[%swap3A_509, %swap3A_510, %swap3A_511] {strides = array<i32>} : memref<4x16x1024xf32, #tpu.memory_space<vmem>>, vector<1x1x16xf32>,
        %swap3A_513 = vector.shape_cast %swap3A_512 : vector<1x1x16xf32> to vector<16xf32>
        %swap3A_514 = vector.shape_cast %mul3A_507 : vector<16xf32> to vector<1x1x16xf32>
        tpu.vector_store %arg6[%swap3A_509, %swap3A_510, %swap3A_511], %swap3A_514 {strides = array<i32>} : memref<4x16x1024xf32, #tpu.memory_space<vmem>>, vector<1x1x16xf32>,
        %get3A_515 = arith.constant 0 : i32
        %get3A_516 = arith.index_cast %get3A_515 : i32 to index
        %get3A_517 = arith.index_cast %scan3A_324 : i32 to index
        %get3A_518 = arith.constant 192 : index
        %get3A_519 = tpu.vector_load %arg6[%get3A_516, %get3A_517, %get3A_518] {strides = array<i32>} : memref<4x16x1024xf32, #tpu.memory_space<vmem>>, vector<1x1x16xf32>,
        %get3A_520 = vector.shape_cast %get3A_519 : vector<1x1x16xf32> to vector<16xf32>
        %mul3A_521 = arith.constant 3.200000e+01 : f32
        %mul3A_522 = vector.broadcast %mul3A_521 : f32 to vector<16xf32>
        %mul3A_523 = arith.mulf %get3A_520, %mul3A_522 : vector<16xf32>
        %swap3A_524 = arith.constant 0 : i32
        %swap3A_525 = arith.index_cast %swap3A_524 : i32 to index
        %swap3A_526 = arith.index_cast %scan3A_324 : i32 to index
        %swap3A_527 = arith.constant 192 : index
        %swap3A_528 = tpu.vector_load %arg6[%swap3A_525, %swap3A_526, %swap3A_527] {strides = array<i32>} : memref<4x16x1024xf32, #tpu.memory_space<vmem>>, vector<1x1x16xf32>,
        %swap3A_529 = vector.shape_cast %swap3A_528 : vector<1x1x16xf32> to vector<16xf32>
        %swap3A_530 = vector.shape_cast %mul3A_523 : vector<16xf32> to vector<1x1x16xf32>
        tpu.vector_store %arg6[%swap3A_525, %swap3A_526, %swap3A_527], %swap3A_530 {strides = array<i32>} : memref<4x16x1024xf32, #tpu.memory_space<vmem>>, vector<1x1x16xf32>,
        %get3A_531 = arith.constant 0 : i32
        %get3A_532 = arith.index_cast %get3A_531 : i32 to index
        %get3A_533 = arith.index_cast %scan3A_324 : i32 to index
        %get3A_534 = arith.constant 208 : index
        %get3A_535 = tpu.vector_load %arg6[%get3A_532, %get3A_533, %get3A_534] {strides = array<i32>} : memref<4x16x1024xf32, #tpu.memory_space<vmem>>, vector<1x1x16xf32>,
        %get3A_536 = vector.shape_cast %get3A_535 : vector<1x1x16xf32> to vector<16xf32>
        %mul3A_537 = arith.constant 3.200000e+01 : f32
        %mul3A_538 = vector.broadcast %mul3A_537 : f32 to vector<16xf32>
        %mul3A_539 = arith.mulf %get3A_536, %mul3A_538 : vector<16xf32>
        %swap3A_540 = arith.constant 0 : i32
        %swap3A_541 = arith.index_cast %swap3A_540 : i32 to index
        %swap3A_542 = arith.index_cast %scan3A_324 : i32 to index
        %swap3A_543 = arith.constant 208 : index
        %swap3A_544 = tpu.vector_load %arg6[%swap3A_541, %swap3A_542, %swap3A_543] {strides = array<i32>} : memref<4x16x1024xf32, #tpu.memory_space<vmem>>, vector<1x1x16xf32>,
        %swap3A_545 = vector.shape_cast %swap3A_544 : vector<1x1x16xf32> to vector<16xf32>
        %swap3A_546 = vector.shape_cast %mul3A_539 : vector<16xf32> to vector<1x1x16xf32>
        tpu.vector_store %arg6[%swap3A_541, %swap3A_542, %swap3A_543], %swap3A_546 {strides = array<i32>} : memref<4x16x1024xf32, #tpu.memory_space<vmem>>, vector<1x1x16xf32>,
        %get3A_547 = arith.constant 0 : i32
        %get3A_548 = arith.index_cast %get3A_547 : i32 to index
        %get3A_549 = arith.index_cast %scan3A_324 : i32 to index
        %get3A_550 = arith.constant 224 : index
        %get3A_551 = tpu.vector_load %arg6[%get3A_548, %get3A_549, %get3A_550] {strides = array<i32>} : memref<4x16x1024xf32, #tpu.memory_space<vmem>>, vector<1x1x16xf32>,
        %get3A_552 = vector.shape_cast %get3A_551 : vector<1x1x16xf32> to vector<16xf32>
        %mul3A_553 = arith.constant 3.200000e+01 : f32
        %mul3A_554 = vector.broadcast %mul3A_553 : f32 to vector<16xf32>
        %mul3A_555 = arith.mulf %get3A_552, %mul3A_554 : vector<16xf32>
        %swap3A_556 = arith.constant 0 : i32
        %swap3A_557 = arith.index_cast %swap3A_556 : i32 to index
        %swap3A_558 = arith.index_cast %scan3A_324 : i32 to index
        %swap3A_559 = arith.constant 224 : index
        %swap3A_560 = tpu.vector_load %arg6[%swap3A_557, %swap3A_558, %swap3A_559] {strides = array<i32>} : memref<4x16x1024xf32, #tpu.memory_space<vmem>>, vector<1x1x16xf32>,
        %swap3A_561 = vector.shape_cast %swap3A_560 : vector<1x1x16xf32> to vector<16xf32>
        %swap3A_562 = vector.shape_cast %mul3A_555 : vector<16xf32> to vector<1x1x16xf32>
        tpu.vector_store %arg6[%swap3A_557, %swap3A_558, %swap3A_559], %swap3A_562 {strides = array<i32>} : memref<4x16x1024xf32, #tpu.memory_space<vmem>>, vector<1x1x16xf32>,
        %get3A_563 = arith.constant 0 : i32
        %get3A_564 = arith.index_cast %get3A_563 : i32 to index
        %get3A_565 = arith.index_cast %scan3A_324 : i32 to index
        %get3A_566 = arith.constant 240 : index
        %get3A_567 = tpu.vector_load %arg6[%get3A_564, %get3A_565, %get3A_566] {strides = array<i32>} : memref<4x16x1024xf32, #tpu.memory_space<vmem>>, vector<1x1x16xf32>,
        %get3A_568 = vector.shape_cast %get3A_567 : vector<1x1x16xf32> to vector<16xf32>
        %mul3A_569 = arith.constant 3.200000e+01 : f32
        %mul3A_570 = vector.broadcast %mul3A_569 : f32 to vector<16xf32>
        %mul3A_571 = arith.mulf %get3A_568, %mul3A_570 : vector<16xf32>
        %swap3A_572 = arith.constant 0 : i32
        %swap3A_573 = arith.index_cast %swap3A_572 : i32 to index
        %swap3A_574 = arith.index_cast %scan3A_324 : i32 to index
        %swap3A_575 = arith.constant 240 : index
        %swap3A_576 = tpu.vector_load %arg6[%swap3A_573, %swap3A_574, %swap3A_575] {strides = array<i32>} : memref<4x16x1024xf32, #tpu.memory_space<vmem>>, vector<1x1x16xf32>,
        %swap3A_577 = vector.shape_cast %swap3A_576 : vector<1x1x16xf32> to vector<16xf32>
        %swap3A_578 = vector.shape_cast %mul3A_571 : vector<16xf32> to vector<1x1x16xf32>
        tpu.vector_store %arg6[%swap3A_573, %swap3A_574, %swap3A_575], %swap3A_578 {strides = array<i32>} : memref<4x16x1024xf32, #tpu.memory_space<vmem>>, vector<1x1x16xf32>,
        %get3A_579 = arith.constant 0 : i32
        %get3A_580 = arith.index_cast %get3A_579 : i32 to index
        %get3A_581 = arith.index_cast %scan3A_324 : i32 to index
        %get3A_582 = arith.constant 256 : index
        %get3A_583 = tpu.vector_load %arg6[%get3A_580, %get3A_581, %get3A_582] {strides = array<i32>} : memref<4x16x1024xf32, #tpu.memory_space<vmem>>, vector<1x1x16xf32>,
        %get3A_584 = vector.shape_cast %get3A_583 : vector<1x1x16xf32> to vector<16xf32>
        %mul3A_585 = arith.constant 3.200000e+01 : f32
        %mul3A_586 = vector.broadcast %mul3A_585 : f32 to vector<16xf32>
        %mul3A_587 = arith.mulf %get3A_584, %mul3A_586 : vector<16xf32>
        %swap3A_588 = arith.constant 0 : i32
        %swap3A_589 = arith.index_cast %swap3A_588 : i32 to index
        %swap3A_590 = arith.index_cast %scan3A_324 : i32 to index
        %swap3A_591 = arith.constant 256 : index
        %swap3A_592 = tpu.vector_load %arg6[%swap3A_589, %swap3A_590, %swap3A_591] {strides = array<i32>} : memref<4x16x1024xf32, #tpu.memory_space<vmem>>, vector<1x1x16xf32>,
        %swap3A_593 = vector.shape_cast %swap3A_592 : vector<1x1x16xf32> to vector<16xf32>
        %swap3A_594 = vector.shape_cast %mul3A_587 : vector<16xf32> to vector<1x1x16xf32>
        tpu.vector_store %arg6[%swap3A_589, %swap3A_590, %swap3A_591], %swap3A_594 {strides = array<i32>} : memref<4x16x1024xf32, #tpu.memory_space<vmem>>, vector<1x1x16xf32>,
        %get3A_595 = arith.constant 0 : i32
        %get3A_596 = arith.index_cast %get3A_595 : i32 to index
        %get3A_597 = arith.index_cast %scan3A_324 : i32 to index
        %get3A_598 = arith.constant 272 : index
        %get3A_599 = tpu.vector_load %arg6[%get3A_596, %get3A_597, %get3A_598] {strides = array<i32>} : memref<4x16x1024xf32, #tpu.memory_space<vmem>>, vector<1x1x16xf32>,
        %get3A_600 = vector.shape_cast %get3A_599 : vector<1x1x16xf32> to vector<16xf32>
        %mul3A_601 = arith.constant 3.200000e+01 : f32
        %mul3A_602 = vector.broadcast %mul3A_601 : f32 to vector<16xf32>
        %mul3A_603 = arith.mulf %get3A_600, %mul3A_602 : vector<16xf32>
        %swap3A_604 = arith.constant 0 : i32
        %swap3A_605 = arith.index_cast %swap3A_604 : i32 to index
        %swap3A_606 = arith.index_cast %scan3A_324 : i32 to index
        %swap3A_607 = arith.constant 272 : index
        %swap3A_608 = tpu.vector_load %arg6[%swap3A_605, %swap3A_606, %swap3A_607] {strides = array<i32>} : memref<4x16x1024xf32, #tpu.memory_space<vmem>>, vector<1x1x16xf32>,
        %swap3A_609 = vector.shape_cast %swap3A_608 : vector<1x1x16xf32> to vector<16xf32>
        %swap3A_610 = vector.shape_cast %mul3A_603 : vector<16xf32> to vector<1x1x16xf32>
        tpu.vector_store %arg6[%swap3A_605, %swap3A_606, %swap3A_607], %swap3A_610 {strides = array<i32>} : memref<4x16x1024xf32, #tpu.memory_space<vmem>>, vector<1x1x16xf32>,
        %get3A_611 = arith.constant 0 : i32
        %get3A_612 = arith.index_cast %get3A_611 : i32 to index
        %get3A_613 = arith.index_cast %scan3A_324 : i32 to index
        %get3A_614 = arith.constant 288 : index
        %get3A_615 = tpu.vector_load %arg6[%get3A_612, %get3A_613, %get3A_614] {strides = array<i32>} : memref<4x16x1024xf32, #tpu.memory_space<vmem>>, vector<1x1x16xf32>,
        %get3A_616 = vector.shape_cast %get3A_615 : vector<1x1x16xf32> to vector<16xf32>
        %mul3A_617 = arith.constant 3.200000e+01 : f32
        %mul3A_618 = vector.broadcast %mul3A_617 : f32 to vector<16xf32>
        %mul3A_619 = arith.mulf %get3A_616, %mul3A_618 : vector<16xf32>
        %swap3A_620 = arith.constant 0 : i32
        %swap3A_621 = arith.index_cast %swap3A_620 : i32 to index
        %swap3A_622 = arith.index_cast %scan3A_324 : i32 to index
        %swap3A_623 = arith.constant 288 : index
        %swap3A_624 = tpu.vector_load %arg6[%swap3A_621, %swap3A_622, %swap3A_623] {strides = array<i32>} : memref<4x16x1024xf32, #tpu.memory_space<vmem>>, vector<1x1x16xf32>,
        %swap3A_625 = vector.shape_cast %swap3A_624 : vector<1x1x16xf32> to vector<16xf32>
        %swap3A_626 = vector.shape_cast %mul3A_619 : vector<16xf32> to vector<1x1x16xf32>
        tpu.vector_store %arg6[%swap3A_621, %swap3A_622, %swap3A_623], %swap3A_626 {strides = array<i32>} : memref<4x16x1024xf32, #tpu.memory_space<vmem>>, vector<1x1x16xf32>,
        %get3A_627 = arith.constant 0 : i32
        %get3A_628 = arith.index_cast %get3A_627 : i32 to index
        %get3A_629 = arith.index_cast %scan3A_324 : i32 to index
        %get3A_630 = arith.constant 304 : index
        %get3A_631 = tpu.vector_load %arg6[%get3A_628, %get3A_629, %get3A_630] {strides = array<i32>} : memref<4x16x1024xf32, #tpu.memory_space<vmem>>, vector<1x1x16xf32>,
        %get3A_632 = vector.shape_cast %get3A_631 : vector<1x1x16xf32> to vector<16xf32>
        %mul3A_633 = arith.constant 3.200000e+01 : f32
        %mul3A_634 = vector.broadcast %mul3A_633 : f32 to vector<16xf32>
        %mul3A_635 = arith.mulf %get3A_632, %mul3A_634 : vector<16xf32>
        %swap3A_636 = arith.constant 0 : i32
        %swap3A_637 = arith.index_cast %swap3A_636 : i32 to index
        %swap3A_638 = arith.index_cast %scan3A_324 : i32 to index
        %swap3A_639 = arith.constant 304 : index
        %swap3A_640 = tpu.vector_load %arg6[%swap3A_637, %swap3A_638, %swap3A_639] {strides = array<i32>} : memref<4x16x1024xf32, #tpu.memory_space<vmem>>, vector<1x1x16xf32>,
        %swap3A_641 = vector.shape_cast %swap3A_640 : vector<1x1x16xf32> to vector<16xf32>
        %swap3A_642 = vector.shape_cast %mul3A_635 : vector<16xf32> to vector<1x1x16xf32>
        tpu.vector_store %arg6[%swap3A_637, %swap3A_638, %swap3A_639], %swap3A_642 {strides = array<i32>} : memref<4x16x1024xf32, #tpu.memory_space<vmem>>, vector<1x1x16xf32>,
        %get3A_643 = arith.constant 0 : i32
        %get3A_644 = arith.index_cast %get3A_643 : i32 to index
        %get3A_645 = arith.index_cast %scan3A_324 : i32 to index
        %get3A_646 = arith.constant 320 : index
        %get3A_647 = tpu.vector_load %arg6[%get3A_644, %get3A_645, %get3A_646] {strides = array<i32>} : memref<4x16x1024xf32, #tpu.memory_space<vmem>>, vector<1x1x16xf32>,
        %get3A_648 = vector.shape_cast %get3A_647 : vector<1x1x16xf32> to vector<16xf32>
        %mul3A_649 = arith.constant 3.200000e+01 : f32
        %mul3A_650 = vector.broadcast %mul3A_649 : f32 to vector<16xf32>
        %mul3A_651 = arith.mulf %get3A_648, %mul3A_650 : vector<16xf32>
        %swap3A_652 = arith.constant 0 : i32
        %swap3A_653 = arith.index_cast %swap3A_652 : i32 to index
        %swap3A_654 = arith.index_cast %scan3A_324 : i32 to index
        %swap3A_655 = arith.constant 320 : index
        %swap3A_656 = tpu.vector_load %arg6[%swap3A_653, %swap3A_654, %swap3A_655] {strides = array<i32>} : memref<4x16x1024xf32, #tpu.memory_space<vmem>>, vector<1x1x16xf32>,
        %swap3A_657 = vector.shape_cast %swap3A_656 : vector<1x1x16xf32> to vector<16xf32>
        %swap3A_658 = vector.shape_cast %mul3A_651 : vector<16xf32> to vector<1x1x16xf32>
        tpu.vector_store %arg6[%swap3A_653, %swap3A_654, %swap3A_655], %swap3A_658 {strides = array<i32>} : memref<4x16x1024xf32, #tpu.memory_space<vmem>>, vector<1x1x16xf32>,
        %get3A_659 = arith.constant 0 : i32
        %get3A_660 = arith.index_cast %get3A_659 : i32 to index
        %get3A_661 = arith.index_cast %scan3A_324 : i32 to index
        %get3A_662 = arith.constant 336 : index
        %get3A_663 = tpu.vector_load %arg6[%get3A_660, %get3A_661, %get3A_662] {strides = array<i32>} : memref<4x16x1024xf32, #tpu.memory_space<vmem>>, vector<1x1x16xf32>,
        %get3A_664 = vector.shape_cast %get3A_663 : vector<1x1x16xf32> to vector<16xf32>
        %mul3A_665 = arith.constant 3.200000e+01 : f32
        %mul3A_666 = vector.broadcast %mul3A_665 : f32 to vector<16xf32>
        %mul3A_667 = arith.mulf %get3A_664, %mul3A_666 : vector<16xf32>
        %swap3A_668 = arith.constant 0 : i32
        %swap3A_669 = arith.index_cast %swap3A_668 : i32 to index
        %swap3A_670 = arith.index_cast %scan3A_324 : i32 to index
        %swap3A_671 = arith.constant 336 : index
        %swap3A_672 = tpu.vector_load %arg6[%swap3A_669, %swap3A_670, %swap3A_671] {strides = array<i32>} : memref<4x16x1024xf32, #tpu.memory_space<vmem>>, vector<1x1x16xf32>,
        %swap3A_673 = vector.shape_cast %swap3A_672 : vector<1x1x16xf32> to vector<16xf32>
        %swap3A_674 = vector.shape_cast %mul3A_667 : vector<16xf32> to vector<1x1x16xf32>
        tpu.vector_store %arg6[%swap3A_669, %swap3A_670, %swap3A_671], %swap3A_674 {strides = array<i32>} : memref<4x16x1024xf32, #tpu.memory_space<vmem>>, vector<1x1x16xf32>,
        %get3A_675 = arith.constant 0 : i32
        %get3A_676 = arith.index_cast %get3A_675 : i32 to index
        %get3A_677 = arith.index_cast %scan3A_324 : i32 to index
        %get3A_678 = arith.constant 352 : index
        %get3A_679 = tpu.vector_load %arg6[%get3A_676, %get3A_677, %get3A_678] {strides = array<i32>} : memref<4x16x1024xf32, #tpu.memory_space<vmem>>, vector<1x1x16xf32>,
        %get3A_680 = vector.shape_cast %get3A_679 : vector<1x1x16xf32> to vector<16xf32>
        %mul3A_681 = arith.constant 3.200000e+01 : f32
        %mul3A_682 = vector.broadcast %mul3A_681 : f32 to vector<16xf32>
        %mul3A_683 = arith.mulf %get3A_680, %mul3A_682 : vector<16xf32>
        %swap3A_684 = arith.constant 0 : i32
        %swap3A_685 = arith.index_cast %swap3A_684 : i32 to index
        %swap3A_686 = arith.index_cast %scan3A_324 : i32 to index
        %swap3A_687 = arith.constant 352 : index
        %swap3A_688 = tpu.vector_load %arg6[%swap3A_685, %swap3A_686, %swap3A_687] {strides = array<i32>} : memref<4x16x1024xf32, #tpu.memory_space<vmem>>, vector<1x1x16xf32>,
        %swap3A_689 = vector.shape_cast %swap3A_688 : vector<1x1x16xf32> to vector<16xf32>
        %swap3A_690 = vector.shape_cast %mul3A_683 : vector<16xf32> to vector<1x1x16xf32>
        tpu.vector_store %arg6[%swap3A_685, %swap3A_686, %swap3A_687], %swap3A_690 {strides = array<i32>} : memref<4x16x1024xf32, #tpu.memory_space<vmem>>, vector<1x1x16xf32>,
        %get3A_691 = arith.constant 0 : i32
        %get3A_692 = arith.index_cast %get3A_691 : i32 to index
        %get3A_693 = arith.index_cast %scan3A_324 : i32 to index
        %get3A_694 = arith.constant 368 : index
        %get3A_695 = tpu.vector_load %arg6[%get3A_692, %get3A_693, %get3A_694] {strides = array<i32>} : memref<4x16x1024xf32, #tpu.memory_space<vmem>>, vector<1x1x16xf32>,
        %get3A_696 = vector.shape_cast %get3A_695 : vector<1x1x16xf32> to vector<16xf32>
        %mul3A_697 = arith.constant 3.200000e+01 : f32
        %mul3A_698 = vector.broadcast %mul3A_697 : f32 to vector<16xf32>
        %mul3A_699 = arith.mulf %get3A_696, %mul3A_698 : vector<16xf32>
        %swap3A_700 = arith.constant 0 : i32
        %swap3A_701 = arith.index_cast %swap3A_700 : i32 to index
        %swap3A_702 = arith.index_cast %scan3A_324 : i32 to index
        %swap3A_703 = arith.constant 368 : index
        %swap3A_704 = tpu.vector_load %arg6[%swap3A_701, %swap3A_702, %swap3A_703] {strides = array<i32>} : memref<4x16x1024xf32, #tpu.memory_space<vmem>>, vector<1x1x16xf32>,
        %swap3A_705 = vector.shape_cast %swap3A_704 : vector<1x1x16xf32> to vector<16xf32>
        %swap3A_706 = vector.shape_cast %mul3A_699 : vector<16xf32> to vector<1x1x16xf32>
        tpu.vector_store %arg6[%swap3A_701, %swap3A_702, %swap3A_703], %swap3A_706 {strides = array<i32>} : memref<4x16x1024xf32, #tpu.memory_space<vmem>>, vector<1x1x16xf32>,
        %get3A_707 = arith.constant 0 : i32
        %get3A_708 = arith.index_cast %get3A_707 : i32 to index
        %get3A_709 = arith.index_cast %scan3A_324 : i32 to index
        %get3A_710 = arith.constant 384 : index
        %get3A_711 = tpu.vector_load %arg6[%get3A_708, %get3A_709, %get3A_710] {strides = array<i32>} : memref<4x16x1024xf32, #tpu.memory_space<vmem>>, vector<1x1x16xf32>,
        %get3A_712 = vector.shape_cast %get3A_711 : vector<1x1x16xf32> to vector<16xf32>
        %mul3A_713 = arith.constant 3.200000e+01 : f32
        %mul3A_714 = vector.broadcast %mul3A_713 : f32 to vector<16xf32>
        %mul3A_715 = arith.mulf %get3A_712, %mul3A_714 : vector<16xf32>
        %swap3A_716 = arith.constant 0 : i32
        %swap3A_717 = arith.index_cast %swap3A_716 : i32 to index
        %swap3A_718 = arith.index_cast %scan3A_324 : i32 to index
        %swap3A_719 = arith.constant 384 : index
        %swap3A_720 = tpu.vector_load %arg6[%swap3A_717, %swap3A_718, %swap3A_719] {strides = array<i32>} : memref<4x16x1024xf32, #tpu.memory_space<vmem>>, vector<1x1x16xf32>,
        %swap3A_721 = vector.shape_cast %swap3A_720 : vector<1x1x16xf32> to vector<16xf32>
        %swap3A_722 = vector.shape_cast %mul3A_715 : vector<16xf32> to vector<1x1x16xf32>
        tpu.vector_store %arg6[%swap3A_717, %swap3A_718, %swap3A_719], %swap3A_722 {strides = array<i32>} : memref<4x16x1024xf32, #tpu.memory_space<vmem>>, vector<1x1x16xf32>,
        %get3A_723 = arith.constant 0 : i32
        %get3A_724 = arith.index_cast %get3A_723 : i32 to index
        %get3A_725 = arith.index_cast %scan3A_324 : i32 to index
        %get3A_726 = arith.constant 400 : index
        %get3A_727 = tpu.vector_load %arg6[%get3A_724, %get3A_725, %get3A_726] {strides = array<i32>} : memref<4x16x1024xf32, #tpu.memory_space<vmem>>, vector<1x1x16xf32>,
        %get3A_728 = vector.shape_cast %get3A_727 : vector<1x1x16xf32> to vector<16xf32>
        %mul3A_729 = arith.constant 3.200000e+01 : f32
        %mul3A_730 = vector.broadcast %mul3A_729 : f32 to vector<16xf32>
        %mul3A_731 = arith.mulf %get3A_728, %mul3A_730 : vector<16xf32>
        %swap3A_732 = arith.constant 0 : i32
        %swap3A_733 = arith.index_cast %swap3A_732 : i32 to index
        %swap3A_734 = arith.index_cast %scan3A_324 : i32 to index
        %swap3A_735 = arith.constant 400 : index
        %swap3A_736 = tpu.vector_load %arg6[%swap3A_733, %swap3A_734, %swap3A_735] {strides = array<i32>} : memref<4x16x1024xf32, #tpu.memory_space<vmem>>, vector<1x1x16xf32>,
        %swap3A_737 = vector.shape_cast %swap3A_736 : vector<1x1x16xf32> to vector<16xf32>
        %swap3A_738 = vector.shape_cast %mul3A_731 : vector<16xf32> to vector<1x1x16xf32>
        tpu.vector_store %arg6[%swap3A_733, %swap3A_734, %swap3A_735], %swap3A_738 {strides = array<i32>} : memref<4x16x1024xf32, #tpu.memory_space<vmem>>, vector<1x1x16xf32>,
        %get3A_739 = arith.constant 0 : i32
        %get3A_740 = arith.index_cast %get3A_739 : i32 to index
        %get3A_741 = arith.index_cast %scan3A_324 : i32 to index
        %get3A_742 = arith.constant 416 : index
        %get3A_743 = tpu.vector_load %arg6[%get3A_740, %get3A_741, %get3A_742] {strides = array<i32>} : memref<4x16x1024xf32, #tpu.memory_space<vmem>>, vector<1x1x16xf32>,
        %get3A_744 = vector.shape_cast %get3A_743 : vector<1x1x16xf32> to vector<16xf32>
        %mul3A_745 = arith.constant 3.200000e+01 : f32
        %mul3A_746 = vector.broadcast %mul3A_745 : f32 to vector<16xf32>
        %mul3A_747 = arith.mulf %get3A_744, %mul3A_746 : vector<16xf32>
        %swap3A_748 = arith.constant 0 : i32
        %swap3A_749 = arith.index_cast %swap3A_748 : i32 to index
        %swap3A_750 = arith.index_cast %scan3A_324 : i32 to index
        %swap3A_751 = arith.constant 416 : index
        %swap3A_752 = tpu.vector_load %arg6[%swap3A_749, %swap3A_750, %swap3A_751] {strides = array<i32>} : memref<4x16x1024xf32, #tpu.memory_space<vmem>>, vector<1x1x16xf32>,
        %swap3A_753 = vector.shape_cast %swap3A_752 : vector<1x1x16xf32> to vector<16xf32>
        %swap3A_754 = vector.shape_cast %mul3A_747 : vector<16xf32> to vector<1x1x16xf32>
        tpu.vector_store %arg6[%swap3A_749, %swap3A_750, %swap3A_751], %swap3A_754 {strides = array<i32>} : memref<4x16x1024xf32, #tpu.memory_space<vmem>>, vector<1x1x16xf32>,
        %get3A_755 = arith.constant 0 : i32
        %get3A_756 = arith.index_cast %get3A_755 : i32 to index
        %get3A_757 = arith.index_cast %scan3A_324 : i32 to index
        %get3A_758 = arith.constant 432 : index
        %get3A_759 = tpu.vector_load %arg6[%get3A_756, %get3A_757, %get3A_758] {strides = array<i32>} : memref<4x16x1024xf32, #tpu.memory_space<vmem>>, vector<1x1x16xf32>,
        %get3A_760 = vector.shape_cast %get3A_759 : vector<1x1x16xf32> to vector<16xf32>
        %mul3A_761 = arith.constant 3.200000e+01 : f32
        %mul3A_762 = vector.broadcast %mul3A_761 : f32 to vector<16xf32>
        %mul3A_763 = arith.mulf %get3A_760, %mul3A_762 : vector<16xf32>
        %swap3A_764 = arith.constant 0 : i32
        %swap3A_765 = arith.index_cast %swap3A_764 : i32 to index
        %swap3A_766 = arith.index_cast %scan3A_324 : i32 to index
        %swap3A_767 = arith.constant 432 : index
        %swap3A_768 = tpu.vector_load %arg6[%swap3A_765, %swap3A_766, %swap3A_767] {strides = array<i32>} : memref<4x16x1024xf32, #tpu.memory_space<vmem>>, vector<1x1x16xf32>,
        %swap3A_769 = vector.shape_cast %swap3A_768 : vector<1x1x16xf32> to vector<16xf32>
        %swap3A_770 = vector.shape_cast %mul3A_763 : vector<16xf32> to vector<1x1x16xf32>
        tpu.vector_store %arg6[%swap3A_765, %swap3A_766, %swap3A_767], %swap3A_770 {strides = array<i32>} : memref<4x16x1024xf32, #tpu.memory_space<vmem>>, vector<1x1x16xf32>,
        %get3A_771 = arith.constant 0 : i32
        %get3A_772 = arith.index_cast %get3A_771 : i32 to index
        %get3A_773 = arith.index_cast %scan3A_324 : i32 to index
        %get3A_774 = arith.constant 448 : index
        %get3A_775 = tpu.vector_load %arg6[%get3A_772, %get3A_773, %get3A_774] {strides = array<i32>} : memref<4x16x1024xf32, #tpu.memory_space<vmem>>, vector<1x1x16xf32>,
        %get3A_776 = vector.shape_cast %get3A_775 : vector<1x1x16xf32> to vector<16xf32>
        %mul3A_777 = arith.constant 3.200000e+01 : f32
        %mul3A_778 = vector.broadcast %mul3A_777 : f32 to vector<16xf32>
        %mul3A_779 = arith.mulf %get3A_776, %mul3A_778 : vector<16xf32>
        %swap3A_780 = arith.constant 0 : i32
        %swap3A_781 = arith.index_cast %swap3A_780 : i32 to index
        %swap3A_782 = arith.index_cast %scan3A_324 : i32 to index
        %swap3A_783 = arith.constant 448 : index
        %swap3A_784 = tpu.vector_load %arg6[%swap3A_781, %swap3A_782, %swap3A_783] {strides = array<i32>} : memref<4x16x1024xf32, #tpu.memory_space<vmem>>, vector<1x1x16xf32>,
        %swap3A_785 = vector.shape_cast %swap3A_784 : vector<1x1x16xf32> to vector<16xf32>
        %swap3A_786 = vector.shape_cast %mul3A_779 : vector<16xf32> to vector<1x1x16xf32>
        tpu.vector_store %arg6[%swap3A_781, %swap3A_782, %swap3A_783], %swap3A_786 {strides = array<i32>} : memref<4x16x1024xf32, #tpu.memory_space<vmem>>, vector<1x1x16xf32>,
        %get3A_787 = arith.constant 0 : i32
        %get3A_788 = arith.index_cast %get3A_787 : i32 to index
        %get3A_789 = arith.index_cast %scan3A_324 : i32 to index
        %get3A_790 = arith.constant 464 : index
        %get3A_791 = tpu.vector_load %arg6[%get3A_788, %get3A_789, %get3A_790] {strides = array<i32>} : memref<4x16x1024xf32, #tpu.memory_space<vmem>>, vector<1x1x16xf32>,
        %get3A_792 = vector.shape_cast %get3A_791 : vector<1x1x16xf32> to vector<16xf32>
        %mul3A_793 = arith.constant 3.200000e+01 : f32
        %mul3A_794 = vector.broadcast %mul3A_793 : f32 to vector<16xf32>
        %mul3A_795 = arith.mulf %get3A_792, %mul3A_794 : vector<16xf32>
        %swap3A_796 = arith.constant 0 : i32
        %swap3A_797 = arith.index_cast %swap3A_796 : i32 to index
        %swap3A_798 = arith.index_cast %scan3A_324 : i32 to index
        %swap3A_799 = arith.constant 464 : index
        %swap3A_800 = tpu.vector_load %arg6[%swap3A_797, %swap3A_798, %swap3A_799] {strides = array<i32>} : memref<4x16x1024xf32, #tpu.memory_space<vmem>>, vector<1x1x16xf32>,
        %swap3A_801 = vector.shape_cast %swap3A_800 : vector<1x1x16xf32> to vector<16xf32>
        %swap3A_802 = vector.shape_cast %mul3A_795 : vector<16xf32> to vector<1x1x16xf32>
        tpu.vector_store %arg6[%swap3A_797, %swap3A_798, %swap3A_799], %swap3A_802 {strides = array<i32>} : memref<4x16x1024xf32, #tpu.memory_space<vmem>>, vector<1x1x16xf32>,
        %get3A_803 = arith.constant 0 : i32
        %get3A_804 = arith.index_cast %get3A_803 : i32 to index
        %get3A_805 = arith.index_cast %scan3A_324 : i32 to index
        %get3A_806 = arith.constant 480 : index
        %get3A_807 = tpu.vector_load %arg6[%get3A_804, %get3A_805, %get3A_806] {strides = array<i32>} : memref<4x16x1024xf32, #tpu.memory_space<vmem>>, vector<1x1x16xf32>,
        %get3A_808 = vector.shape_cast %get3A_807 : vector<1x1x16xf32> to vector<16xf32>
        %mul3A_809 = arith.constant 3.200000e+01 : f32
        %mul3A_810 = vector.broadcast %mul3A_809 : f32 to vector<16xf32>
        %mul3A_811 = arith.mulf %get3A_808, %mul3A_810 : vector<16xf32>
        %swap3A_812 = arith.constant 0 : i32
        %swap3A_813 = arith.index_cast %swap3A_812 : i32 to index
        %swap3A_814 = arith.index_cast %scan3A_324 : i32 to index
        %swap3A_815 = arith.constant 480 : index
        %swap3A_816 = tpu.vector_load %arg6[%swap3A_813, %swap3A_814, %swap3A_815] {strides = array<i32>} : memref<4x16x1024xf32, #tpu.memory_space<vmem>>, vector<1x1x16xf32>,
        %swap3A_817 = vector.shape_cast %swap3A_816 : vector<1x1x16xf32> to vector<16xf32>
        %swap3A_818 = vector.shape_cast %mul3A_811 : vector<16xf32> to vector<1x1x16xf32>
        tpu.vector_store %arg6[%swap3A_813, %swap3A_814, %swap3A_815], %swap3A_818 {strides = array<i32>} : memref<4x16x1024xf32, #tpu.memory_space<vmem>>, vector<1x1x16xf32>,
        %get3A_819 = arith.constant 0 : i32
        %get3A_820 = arith.index_cast %get3A_819 : i32 to index
        %get3A_821 = arith.index_cast %scan3A_324 : i32 to index
        %get3A_822 = arith.constant 496 : index
        %get3A_823 = tpu.vector_load %arg6[%get3A_820, %get3A_821, %get3A_822] {strides = array<i32>} : memref<4x16x1024xf32, #tpu.memory_space<vmem>>, vector<1x1x16xf32>,
        %get3A_824 = vector.shape_cast %get3A_823 : vector<1x1x16xf32> to vector<16xf32>
        %mul3A_825 = arith.constant 3.200000e+01 : f32
        %mul3A_826 = vector.broadcast %mul3A_825 : f32 to vector<16xf32>
        %mul3A_827 = arith.mulf %get3A_824, %mul3A_826 : vector<16xf32>
        %swap3A_828 = arith.constant 0 : i32
        %swap3A_829 = arith.index_cast %swap3A_828 : i32 to index
        %swap3A_830 = arith.index_cast %scan3A_324 : i32 to index
        %swap3A_831 = arith.constant 496 : index
        %swap3A_832 = tpu.vector_load %arg6[%swap3A_829, %swap3A_830, %swap3A_831] {strides = array<i32>} : memref<4x16x1024xf32, #tpu.memory_space<vmem>>, vector<1x1x16xf32>,
        %swap3A_833 = vector.shape_cast %swap3A_832 : vector<1x1x16xf32> to vector<16xf32>
        %swap3A_834 = vector.shape_cast %mul3A_827 : vector<16xf32> to vector<1x1x16xf32>
        tpu.vector_store %arg6[%swap3A_829, %swap3A_830, %swap3A_831], %swap3A_834 {strides = array<i32>} : memref<4x16x1024xf32, #tpu.memory_space<vmem>>, vector<1x1x16xf32>,
        %get3A_835 = arith.constant 0 : i32
        %get3A_836 = arith.index_cast %get3A_835 : i32 to index
        %get3A_837 = arith.index_cast %scan3A_324 : i32 to index
        %get3A_838 = arith.constant 512 : index
        %get3A_839 = tpu.vector_load %arg6[%get3A_836, %get3A_837, %get3A_838] {strides = array<i32>} : memref<4x16x1024xf32, #tpu.memory_space<vmem>>, vector<1x1x16xf32>,
        %get3A_840 = vector.shape_cast %get3A_839 : vector<1x1x16xf32> to vector<16xf32>
        %mul3A_841 = arith.constant 3.200000e+01 : f32
        %mul3A_842 = vector.broadcast %mul3A_841 : f32 to vector<16xf32>
        %mul3A_843 = arith.mulf %get3A_840, %mul3A_842 : vector<16xf32>
        %swap3A_844 = arith.constant 0 : i32
        %swap3A_845 = arith.index_cast %swap3A_844 : i32 to index
        %swap3A_846 = arith.index_cast %scan3A_324 : i32 to index
        %swap3A_847 = arith.constant 512 : index
        %swap3A_848 = tpu.vector_load %arg6[%swap3A_845, %swap3A_846, %swap3A_847] {strides = array<i32>} : memref<4x16x1024xf32, #tpu.memory_space<vmem>>, vector<1x1x16xf32>,
        %swap3A_849 = vector.shape_cast %swap3A_848 : vector<1x1x16xf32> to vector<16xf32>
        %swap3A_850 = vector.shape_cast %mul3A_843 : vector<16xf32> to vector<1x1x16xf32>
        tpu.vector_store %arg6[%swap3A_845, %swap3A_846, %swap3A_847], %swap3A_850 {strides = array<i32>} : memref<4x16x1024xf32, #tpu.memory_space<vmem>>, vector<1x1x16xf32>,
        %get3A_851 = arith.constant 0 : i32
        %get3A_852 = arith.index_cast %get3A_851 : i32 to index
        %get3A_853 = arith.index_cast %scan3A_324 : i32 to index
        %get3A_854 = arith.constant 528 : index
        %get3A_855 = tpu.vector_load %arg6[%get3A_852, %get3A_853, %get3A_854] {strides = array<i32>} : memref<4x16x1024xf32, #tpu.memory_space<vmem>>, vector<1x1x16xf32>,
        %get3A_856 = vector.shape_cast %get3A_855 : vector<1x1x16xf32> to vector<16xf32>
        %mul3A_857 = arith.constant 3.200000e+01 : f32
        %mul3A_858 = vector.broadcast %mul3A_857 : f32 to vector<16xf32>
        %mul3A_859 = arith.mulf %get3A_856, %mul3A_858 : vector<16xf32>
        %swap3A_860 = arith.constant 0 : i32
        %swap3A_861 = arith.index_cast %swap3A_860 : i32 to index
        %swap3A_862 = arith.index_cast %scan3A_324 : i32 to index
        %swap3A_863 = arith.constant 528 : index
        %swap3A_864 = tpu.vector_load %arg6[%swap3A_861, %swap3A_862, %swap3A_863] {strides = array<i32>} : memref<4x16x1024xf32, #tpu.memory_space<vmem>>, vector<1x1x16xf32>,
        %swap3A_865 = vector.shape_cast %swap3A_864 : vector<1x1x16xf32> to vector<16xf32>
        %swap3A_866 = vector.shape_cast %mul3A_859 : vector<16xf32> to vector<1x1x16xf32>
        tpu.vector_store %arg6[%swap3A_861, %swap3A_862, %swap3A_863], %swap3A_866 {strides = array<i32>} : memref<4x16x1024xf32, #tpu.memory_space<vmem>>, vector<1x1x16xf32>,
        %get3A_867 = arith.constant 0 : i32
        %get3A_868 = arith.index_cast %get3A_867 : i32 to index
        %get3A_869 = arith.index_cast %scan3A_324 : i32 to index
        %get3A_870 = arith.constant 544 : index
        %get3A_871 = tpu.vector_load %arg6[%get3A_868, %get3A_869, %get3A_870] {strides = array<i32>} : memref<4x16x1024xf32, #tpu.memory_space<vmem>>, vector<1x1x16xf32>,
        %get3A_872 = vector.shape_cast %get3A_871 : vector<1x1x16xf32> to vector<16xf32>
        %mul3A_873 = arith.constant 3.200000e+01 : f32
        %mul3A_874 = vector.broadcast %mul3A_873 : f32 to vector<16xf32>
        %mul3A_875 = arith.mulf %get3A_872, %mul3A_874 : vector<16xf32>
        %swap3A_876 = arith.constant 0 : i32
        %swap3A_877 = arith.index_cast %swap3A_876 : i32 to index
        %swap3A_878 = arith.index_cast %scan3A_324 : i32 to index
        %swap3A_879 = arith.constant 544 : index
        %swap3A_880 = tpu.vector_load %arg6[%swap3A_877, %swap3A_878, %swap3A_879] {strides = array<i32>} : memref<4x16x1024xf32, #tpu.memory_space<vmem>>, vector<1x1x16xf32>,
        %swap3A_881 = vector.shape_cast %swap3A_880 : vector<1x1x16xf32> to vector<16xf32>
        %swap3A_882 = vector.shape_cast %mul3A_875 : vector<16xf32> to vector<1x1x16xf32>
        tpu.vector_store %arg6[%swap3A_877, %swap3A_878, %swap3A_879], %swap3A_882 {strides = array<i32>} : memref<4x16x1024xf32, #tpu.memory_space<vmem>>, vector<1x1x16xf32>,
        %get3A_883 = arith.constant 0 : i32
        %get3A_884 = arith.index_cast %get3A_883 : i32 to index
        %get3A_885 = arith.index_cast %scan3A_324 : i32 to index
        %get3A_886 = arith.constant 560 : index
        %get3A_887 = tpu.vector_load %arg6[%get3A_884, %get3A_885, %get3A_886] {strides = array<i32>} : memref<4x16x1024xf32, #tpu.memory_space<vmem>>, vector<1x1x16xf32>,
        %get3A_888 = vector.shape_cast %get3A_887 : vector<1x1x16xf32> to vector<16xf32>
        %mul3A_889 = arith.constant 3.200000e+01 : f32
        %mul3A_890 = vector.broadcast %mul3A_889 : f32 to vector<16xf32>
        %mul3A_891 = arith.mulf %get3A_888, %mul3A_890 : vector<16xf32>
        %swap3A_892 = arith.constant 0 : i32
        %swap3A_893 = arith.index_cast %swap3A_892 : i32 to index
        %swap3A_894 = arith.index_cast %scan3A_324 : i32 to index
        %swap3A_895 = arith.constant 560 : index
        %swap3A_896 = tpu.vector_load %arg6[%swap3A_893, %swap3A_894, %swap3A_895] {strides = array<i32>} : memref<4x16x1024xf32, #tpu.memory_space<vmem>>, vector<1x1x16xf32>,
        %swap3A_897 = vector.shape_cast %swap3A_896 : vector<1x1x16xf32> to vector<16xf32>
        %swap3A_898 = vector.shape_cast %mul3A_891 : vector<16xf32> to vector<1x1x16xf32>
        tpu.vector_store %arg6[%swap3A_893, %swap3A_894, %swap3A_895], %swap3A_898 {strides = array<i32>} : memref<4x16x1024xf32, #tpu.memory_space<vmem>>, vector<1x1x16xf32>,
        %get3A_899 = arith.constant 0 : i32
        %get3A_900 = arith.index_cast %get3A_899 : i32 to index
        %get3A_901 = arith.index_cast %scan3A_324 : i32 to index
        %get3A_902 = arith.constant 576 : index
        %get3A_903 = tpu.vector_load %arg6[%get3A_900, %get3A_901, %get3A_902] {strides = array<i32>} : memref<4x16x1024xf32, #tpu.memory_space<vmem>>, vector<1x1x16xf32>,
        %get3A_904 = vector.shape_cast %get3A_903 : vector<1x1x16xf32> to vector<16xf32>
        %mul3A_905 = arith.constant 3.200000e+01 : f32
        %mul3A_906 = vector.broadcast %mul3A_905 : f32 to vector<16xf32>
        %mul3A_907 = arith.mulf %get3A_904, %mul3A_906 : vector<16xf32>
        %swap3A_908 = arith.constant 0 : i32
        %swap3A_909 = arith.index_cast %swap3A_908 : i32 to index
        %swap3A_910 = arith.index_cast %scan3A_324 : i32 to index
        %swap3A_911 = arith.constant 576 : index
        %swap3A_912 = tpu.vector_load %arg6[%swap3A_909, %swap3A_910, %swap3A_911] {strides = array<i32>} : memref<4x16x1024xf32, #tpu.memory_space<vmem>>, vector<1x1x16xf32>,
        %swap3A_913 = vector.shape_cast %swap3A_912 : vector<1x1x16xf32> to vector<16xf32>
        %swap3A_914 = vector.shape_cast %mul3A_907 : vector<16xf32> to vector<1x1x16xf32>
        tpu.vector_store %arg6[%swap3A_909, %swap3A_910, %swap3A_911], %swap3A_914 {strides = array<i32>} : memref<4x16x1024xf32, #tpu.memory_space<vmem>>, vector<1x1x16xf32>,
        %get3A_915 = arith.constant 0 : i32
        %get3A_916 = arith.index_cast %get3A_915 : i32 to index
        %get3A_917 = arith.index_cast %scan3A_324 : i32 to index
        %get3A_918 = arith.constant 592 : index
        %get3A_919 = tpu.vector_load %arg6[%get3A_916, %get3A_917, %get3A_918] {strides = array<i32>} : memref<4x16x1024xf32, #tpu.memory_space<vmem>>, vector<1x1x16xf32>,
        %get3A_920 = vector.shape_cast %get3A_919 : vector<1x1x16xf32> to vector<16xf32>
        %mul3A_921 = arith.constant 3.200000e+01 : f32
        %mul3A_922 = vector.broadcast %mul3A_921 : f32 to vector<16xf32>
        %mul3A_923 = arith.mulf %get3A_920, %mul3A_922 : vector<16xf32>
        %swap3A_924 = arith.constant 0 : i32
        %swap3A_925 = arith.index_cast %swap3A_924 : i32 to index
        %swap3A_926 = arith.index_cast %scan3A_324 : i32 to index
        %swap3A_927 = arith.constant 592 : index
        %swap3A_928 = tpu.vector_load %arg6[%swap3A_925, %swap3A_926, %swap3A_927] {strides = array<i32>} : memref<4x16x1024xf32, #tpu.memory_space<vmem>>, vector<1x1x16xf32>,
        %swap3A_929 = vector.shape_cast %swap3A_928 : vector<1x1x16xf32> to vector<16xf32>
        %swap3A_930 = vector.shape_cast %mul3A_923 : vector<16xf32> to vector<1x1x16xf32>
        tpu.vector_store %arg6[%swap3A_925, %swap3A_926, %swap3A_927], %swap3A_930 {strides = array<i32>} : memref<4x16x1024xf32, #tpu.memory_space<vmem>>, vector<1x1x16xf32>,
        %get3A_931 = arith.constant 0 : i32
        %get3A_932 = arith.index_cast %get3A_931 : i32 to index
        %get3A_933 = arith.index_cast %scan3A_324 : i32 to index
        %get3A_934 = arith.constant 608 : index
        %get3A_935 = tpu.vector_load %arg6[%get3A_932, %get3A_933, %get3A_934] {strides = array<i32>} : memref<4x16x1024xf32, #tpu.memory_space<vmem>>, vector<1x1x16xf32>,
        %get3A_936 = vector.shape_cast %get3A_935 : vector<1x1x16xf32> to vector<16xf32>
        %mul3A_937 = arith.constant 3.200000e+01 : f32
        %mul3A_938 = vector.broadcast %mul3A_937 : f32 to vector<16xf32>
        %mul3A_939 = arith.mulf %get3A_936, %mul3A_938 : vector<16xf32>
        %swap3A_940 = arith.constant 0 : i32
        %swap3A_941 = arith.index_cast %swap3A_940 : i32 to index
        %swap3A_942 = arith.index_cast %scan3A_324 : i32 to index
        %swap3A_943 = arith.constant 608 : index
        %swap3A_944 = tpu.vector_load %arg6[%swap3A_941, %swap3A_942, %swap3A_943] {strides = array<i32>} : memref<4x16x1024xf32, #tpu.memory_space<vmem>>, vector<1x1x16xf32>,
        %swap3A_945 = vector.shape_cast %swap3A_944 : vector<1x1x16xf32> to vector<16xf32>
        %swap3A_946 = vector.shape_cast %mul3A_939 : vector<16xf32> to vector<1x1x16xf32>
        tpu.vector_store %arg6[%swap3A_941, %swap3A_942, %swap3A_943], %swap3A_946 {strides = array<i32>} : memref<4x16x1024xf32, #tpu.memory_space<vmem>>, vector<1x1x16xf32>,
        %get3A_947 = arith.constant 0 : i32
        %get3A_948 = arith.index_cast %get3A_947 : i32 to index
        %get3A_949 = arith.index_cast %scan3A_324 : i32 to index
        %get3A_950 = arith.constant 624 : index
        %get3A_951 = tpu.vector_load %arg6[%get3A_948, %get3A_949, %get3A_950] {strides = array<i32>} : memref<4x16x1024xf32, #tpu.memory_space<vmem>>, vector<1x1x16xf32>,
        %get3A_952 = vector.shape_cast %get3A_951 : vector<1x1x16xf32> to vector<16xf32>
        %mul3A_953 = arith.constant 3.200000e+01 : f32
        %mul3A_954 = vector.broadcast %mul3A_953 : f32 to vector<16xf32>
        %mul3A_955 = arith.mulf %get3A_952, %mul3A_954 : vector<16xf32>
        %swap3A_956 = arith.constant 0 : i32
        %swap3A_957 = arith.index_cast %swap3A_956 : i32 to index
        %swap3A_958 = arith.index_cast %scan3A_324 : i32 to index
        %swap3A_959 = arith.constant 624 : index
        %swap3A_960 = tpu.vector_load %arg6[%swap3A_957, %swap3A_958, %swap3A_959] {strides = array<i32>} : memref<4x16x1024xf32, #tpu.memory_space<vmem>>, vector<1x1x16xf32>,
        %swap3A_961 = vector.shape_cast %swap3A_960 : vector<1x1x16xf32> to vector<16xf32>
        %swap3A_962 = vector.shape_cast %mul3A_955 : vector<16xf32> to vector<1x1x16xf32>
        tpu.vector_store %arg6[%swap3A_957, %swap3A_958, %swap3A_959], %swap3A_962 {strides = array<i32>} : memref<4x16x1024xf32, #tpu.memory_space<vmem>>, vector<1x1x16xf32>,
        %get3A_963 = arith.constant 0 : i32
        %get3A_964 = arith.index_cast %get3A_963 : i32 to index
        %get3A_965 = arith.index_cast %scan3A_324 : i32 to index
        %get3A_966 = arith.constant 640 : index
        %get3A_967 = tpu.vector_load %arg6[%get3A_964, %get3A_965, %get3A_966] {strides = array<i32>} : memref<4x16x1024xf32, #tpu.memory_space<vmem>>, vector<1x1x16xf32>,
        %get3A_968 = vector.shape_cast %get3A_967 : vector<1x1x16xf32> to vector<16xf32>
        %mul3A_969 = arith.constant 3.200000e+01 : f32
        %mul3A_970 = vector.broadcast %mul3A_969 : f32 to vector<16xf32>
        %mul3A_971 = arith.mulf %get3A_968, %mul3A_970 : vector<16xf32>
        %swap3A_972 = arith.constant 0 : i32
        %swap3A_973 = arith.index_cast %swap3A_972 : i32 to index
        %swap3A_974 = arith.index_cast %scan3A_324 : i32 to index
        %swap3A_975 = arith.constant 640 : index
        %swap3A_976 = tpu.vector_load %arg6[%swap3A_973, %swap3A_974, %swap3A_975] {strides = array<i32>} : memref<4x16x1024xf32, #tpu.memory_space<vmem>>, vector<1x1x16xf32>,
        %swap3A_977 = vector.shape_cast %swap3A_976 : vector<1x1x16xf32> to vector<16xf32>
        %swap3A_978 = vector.shape_cast %mul3A_971 : vector<16xf32> to vector<1x1x16xf32>
        tpu.vector_store %arg6[%swap3A_973, %swap3A_974, %swap3A_975], %swap3A_978 {strides = array<i32>} : memref<4x16x1024xf32, #tpu.memory_space<vmem>>, vector<1x1x16xf32>,
        %get3A_979 = arith.constant 0 : i32
        %get3A_980 = arith.index_cast %get3A_979 : i32 to index
        %get3A_981 = arith.index_cast %scan3A_324 : i32 to index
        %get3A_982 = arith.constant 656 : index
        %get3A_983 = tpu.vector_load %arg6[%get3A_980, %get3A_981, %get3A_982] {strides = array<i32>} : memref<4x16x1024xf32, #tpu.memory_space<vmem>>, vector<1x1x16xf32>,
        %get3A_984 = vector.shape_cast %get3A_983 : vector<1x1x16xf32> to vector<16xf32>
        %mul3A_985 = arith.constant 3.200000e+01 : f32
        %mul3A_986 = vector.broadcast %mul3A_985 : f32 to vector<16xf32>
        %mul3A_987 = arith.mulf %get3A_984, %mul3A_986 : vector<16xf32>
        %swap3A_988 = arith.constant 0 : i32
        %swap3A_989 = arith.index_cast %swap3A_988 : i32 to index
        %swap3A_990 = arith.index_cast %scan3A_324 : i32 to index
        %swap3A_991 = arith.constant 656 : index
        %swap3A_992 = tpu.vector_load %arg6[%swap3A_989, %swap3A_990, %swap3A_991] {strides = array<i32>} : memref<4x16x1024xf32, #tpu.memory_space<vmem>>, vector<1x1x16xf32>,
        %swap3A_993 = vector.shape_cast %swap3A_992 : vector<1x1x16xf32> to vector<16xf32>
        %swap3A_994 = vector.shape_cast %mul3A_987 : vector<16xf32> to vector<1x1x16xf32>
        tpu.vector_store %arg6[%swap3A_989, %swap3A_990, %swap3A_991], %swap3A_994 {strides = array<i32>} : memref<4x16x1024xf32, #tpu.memory_space<vmem>>, vector<1x1x16xf32>,
        %get3A_995 = arith.constant 0 : i32
        %get3A_996 = arith.index_cast %get3A_995 : i32 to index
        %get3A_997 = arith.index_cast %scan3A_324 : i32 to index
        %get3A_998 = arith.constant 672 : index
        %get3A_999 = tpu.vector_load %arg6[%get3A_996, %get3A_997, %get3A_998] {strides = array<i32>} : memref<4x16x1024xf32, #tpu.memory_space<vmem>>, vector<1x1x16xf32>,
        %get3A_1000 = vector.shape_cast %get3A_999 : vector<1x1x16xf32> to vector<16xf32>
        %mul3A_1001 = arith.constant 3.200000e+01 : f32
        %mul3A_1002 = vector.broadcast %mul3A_1001 : f32 to vector<16xf32>
        %mul3A_1003 = arith.mulf %get3A_1000, %mul3A_1002 : vector<16xf32>
        %swap3A_1004 = arith.constant 0 : i32
        %swap3A_1005 = arith.index_cast %swap3A_1004 : i32 to index
        %swap3A_1006 = arith.index_cast %scan3A_324 : i32 to index
        %swap3A_1007 = arith.constant 672 : index
        %swap3A_1008 = tpu.vector_load %arg6[%swap3A_1005, %swap3A_1006, %swap3A_1007] {strides = array<i32>} : memref<4x16x1024xf32, #tpu.memory_space<vmem>>, vector<1x1x16xf32>,
        %swap3A_1009 = vector.shape_cast %swap3A_1008 : vector<1x1x16xf32> to vector<16xf32>
        %swap3A_1010 = vector.shape_cast %mul3A_1003 : vector<16xf32> to vector<1x1x16xf32>
        tpu.vector_store %arg6[%swap3A_1005, %swap3A_1006, %swap3A_1007], %swap3A_1010 {strides = array<i32>} : memref<4x16x1024xf32, #tpu.memory_space<vmem>>, vector<1x1x16xf32>,
        %get3A_1011 = arith.constant 0 : i32
        %get3A_1012 = arith.index_cast %get3A_1011 : i32 to index
        %get3A_1013 = arith.index_cast %scan3A_324 : i32 to index
        %get3A_1014 = arith.constant 688 : index
        %get3A_1015 = tpu.vector_load %arg6[%get3A_1012, %get3A_1013, %get3A_1014] {strides = array<i32>} : memref<4x16x1024xf32, #tpu.memory_space<vmem>>, vector<1x1x16xf32>,
        %get3A_1016 = vector.shape_cast %get3A_1015 : vector<1x1x16xf32> to vector<16xf32>
        %mul3A_1017 = arith.constant 3.200000e+01 : f32
        %mul3A_1018 = vector.broadcast %mul3A_1017 : f32 to vector<16xf32>
        %mul3A_1019 = arith.mulf %get3A_1016, %mul3A_1018 : vector<16xf32>
        %swap3A_1020 = arith.constant 0 : i32
        %swap3A_1021 = arith.index_cast %swap3A_1020 : i32 to index
        %swap3A_1022 = arith.index_cast %scan3A_324 : i32 to index
        %swap3A_1023 = arith.constant 688 : index
        %swap3A_1024 = tpu.vector_load %arg6[%swap3A_1021, %swap3A_1022, %swap3A_1023] {strides = array<i32>} : memref<4x16x1024xf32, #tpu.memory_space<vmem>>, vector<1x1x16xf32>,
        %swap3A_1025 = vector.shape_cast %swap3A_1024 : vector<1x1x16xf32> to vector<16xf32>
        %swap3A_1026 = vector.shape_cast %mul3A_1019 : vector<16xf32> to vector<1x1x16xf32>
        tpu.vector_store %arg6[%swap3A_1021, %swap3A_1022, %swap3A_1023], %swap3A_1026 {strides = array<i32>} : memref<4x16x1024xf32, #tpu.memory_space<vmem>>, vector<1x1x16xf32>,
        %get3A_1027 = arith.constant 0 : i32
        %get3A_1028 = arith.index_cast %get3A_1027 : i32 to index
        %get3A_1029 = arith.index_cast %scan3A_324 : i32 to index
        %get3A_1030 = arith.constant 704 : index
        %get3A_1031 = tpu.vector_load %arg6[%get3A_1028, %get3A_1029, %get3A_1030] {strides = array<i32>} : memref<4x16x1024xf32, #tpu.memory_space<vmem>>, vector<1x1x16xf32>,
        %get3A_1032 = vector.shape_cast %get3A_1031 : vector<1x1x16xf32> to vector<16xf32>
        %mul3A_1033 = arith.constant 3.200000e+01 : f32
        %mul3A_1034 = vector.broadcast %mul3A_1033 : f32 to vector<16xf32>
        %mul3A_1035 = arith.mulf %get3A_1032, %mul3A_1034 : vector<16xf32>
        %swap3A_1036 = arith.constant 0 : i32
        %swap3A_1037 = arith.index_cast %swap3A_1036 : i32 to index
        %swap3A_1038 = arith.index_cast %scan3A_324 : i32 to index
        %swap3A_1039 = arith.constant 704 : index
        %swap3A_1040 = tpu.vector_load %arg6[%swap3A_1037, %swap3A_1038, %swap3A_1039] {strides = array<i32>} : memref<4x16x1024xf32, #tpu.memory_space<vmem>>, vector<1x1x16xf32>,
        %swap3A_1041 = vector.shape_cast %swap3A_1040 : vector<1x1x16xf32> to vector<16xf32>
        %swap3A_1042 = vector.shape_cast %mul3A_1035 : vector<16xf32> to vector<1x1x16xf32>
        tpu.vector_store %arg6[%swap3A_1037, %swap3A_1038, %swap3A_1039], %swap3A_1042 {strides = array<i32>} : memref<4x16x1024xf32, #tpu.memory_space<vmem>>, vector<1x1x16xf32>,
        %get3A_1043 = arith.constant 0 : i32
        %get3A_1044 = arith.index_cast %get3A_1043 : i32 to index
        %get3A_1045 = arith.index_cast %scan3A_324 : i32 to index
        %get3A_1046 = arith.constant 720 : index
        %get3A_1047 = tpu.vector_load %arg6[%get3A_1044, %get3A_1045, %get3A_1046] {strides = array<i32>} : memref<4x16x1024xf32, #tpu.memory_space<vmem>>, vector<1x1x16xf32>,
        %get3A_1048 = vector.shape_cast %get3A_1047 : vector<1x1x16xf32> to vector<16xf32>
        %mul3A_1049 = arith.constant 3.200000e+01 : f32
        %mul3A_1050 = vector.broadcast %mul3A_1049 : f32 to vector<16xf32>
        %mul3A_1051 = arith.mulf %get3A_1048, %mul3A_1050 : vector<16xf32>
        %swap3A_1052 = arith.constant 0 : i32
        %swap3A_1053 = arith.index_cast %swap3A_1052 : i32 to index
        %swap3A_1054 = arith.index_cast %scan3A_324 : i32 to index
        %swap3A_1055 = arith.constant 720 : index
        %swap3A_1056 = tpu.vector_load %arg6[%swap3A_1053, %swap3A_1054, %swap3A_1055] {strides = array<i32>} : memref<4x16x1024xf32, #tpu.memory_space<vmem>>, vector<1x1x16xf32>,
        %swap3A_1057 = vector.shape_cast %swap3A_1056 : vector<1x1x16xf32> to vector<16xf32>
        %swap3A_1058 = vector.shape_cast %mul3A_1051 : vector<16xf32> to vector<1x1x16xf32>
        tpu.vector_store %arg6[%swap3A_1053, %swap3A_1054, %swap3A_1055], %swap3A_1058 {strides = array<i32>} : memref<4x16x1024xf32, #tpu.memory_space<vmem>>, vector<1x1x16xf32>,
        %get3A_1059 = arith.constant 0 : i32
        %get3A_1060 = arith.index_cast %get3A_1059 : i32 to index
        %get3A_1061 = arith.index_cast %scan3A_324 : i32 to index
        %get3A_1062 = arith.constant 736 : index
        %get3A_1063 = tpu.vector_load %arg6[%get3A_1060, %get3A_1061, %get3A_1062] {strides = array<i32>} : memref<4x16x1024xf32, #tpu.memory_space<vmem>>, vector<1x1x16xf32>,
        %get3A_1064 = vector.shape_cast %get3A_1063 : vector<1x1x16xf32> to vector<16xf32>
        %mul3A_1065 = arith.constant 3.200000e+01 : f32
        %mul3A_1066 = vector.broadcast %mul3A_1065 : f32 to vector<16xf32>
        %mul3A_1067 = arith.mulf %get3A_1064, %mul3A_1066 : vector<16xf32>
        %swap3A_1068 = arith.constant 0 : i32
        %swap3A_1069 = arith.index_cast %swap3A_1068 : i32 to index
        %swap3A_1070 = arith.index_cast %scan3A_324 : i32 to index
        %swap3A_1071 = arith.constant 736 : index
        %swap3A_1072 = tpu.vector_load %arg6[%swap3A_1069, %swap3A_1070, %swap3A_1071] {strides = array<i32>} : memref<4x16x1024xf32, #tpu.memory_space<vmem>>, vector<1x1x16xf32>,
        %swap3A_1073 = vector.shape_cast %swap3A_1072 : vector<1x1x16xf32> to vector<16xf32>
        %swap3A_1074 = vector.shape_cast %mul3A_1067 : vector<16xf32> to vector<1x1x16xf32>
        tpu.vector_store %arg6[%swap3A_1069, %swap3A_1070, %swap3A_1071], %swap3A_1074 {strides = array<i32>} : memref<4x16x1024xf32, #tpu.memory_space<vmem>>, vector<1x1x16xf32>,
        %get3A_1075 = arith.constant 0 : i32
        %get3A_1076 = arith.index_cast %get3A_1075 : i32 to index
        %get3A_1077 = arith.index_cast %scan3A_324 : i32 to index
        %get3A_1078 = arith.constant 752 : index
        %get3A_1079 = tpu.vector_load %arg6[%get3A_1076, %get3A_1077, %get3A_1078] {strides = array<i32>} : memref<4x16x1024xf32, #tpu.memory_space<vmem>>, vector<1x1x16xf32>,
        %get3A_1080 = vector.shape_cast %get3A_1079 : vector<1x1x16xf32> to vector<16xf32>
        %mul3A_1081 = arith.constant 3.200000e+01 : f32
        %mul3A_1082 = vector.broadcast %mul3A_1081 : f32 to vector<16xf32>
        %mul3A_1083 = arith.mulf %get3A_1080, %mul3A_1082 : vector<16xf32>
        %swap3A_1084 = arith.constant 0 : i32
        %swap3A_1085 = arith.index_cast %swap3A_1084 : i32 to index
        %swap3A_1086 = arith.index_cast %scan3A_324 : i32 to index
        %swap3A_1087 = arith.constant 752 : index
        %swap3A_1088 = tpu.vector_load %arg6[%swap3A_1085, %swap3A_1086, %swap3A_1087] {strides = array<i32>} : memref<4x16x1024xf32, #tpu.memory_space<vmem>>, vector<1x1x16xf32>,
        %swap3A_1089 = vector.shape_cast %swap3A_1088 : vector<1x1x16xf32> to vector<16xf32>
        %swap3A_1090 = vector.shape_cast %mul3A_1083 : vector<16xf32> to vector<1x1x16xf32>
        tpu.vector_store %arg6[%swap3A_1085, %swap3A_1086, %swap3A_1087], %swap3A_1090 {strides = array<i32>} : memref<4x16x1024xf32, #tpu.memory_space<vmem>>, vector<1x1x16xf32>,
        %get3A_1091 = arith.constant 0 : i32
        %get3A_1092 = arith.index_cast %get3A_1091 : i32 to index
        %get3A_1093 = arith.index_cast %scan3A_324 : i32 to index
        %get3A_1094 = arith.constant 768 : index
        %get3A_1095 = tpu.vector_load %arg6[%get3A_1092, %get3A_1093, %get3A_1094] {strides = array<i32>} : memref<4x16x1024xf32, #tpu.memory_space<vmem>>, vector<1x1x16xf32>,
        %get3A_1096 = vector.shape_cast %get3A_1095 : vector<1x1x16xf32> to vector<16xf32>
        %mul3A_1097 = arith.constant 3.200000e+01 : f32
        %mul3A_1098 = vector.broadcast %mul3A_1097 : f32 to vector<16xf32>
        %mul3A_1099 = arith.mulf %get3A_1096, %mul3A_1098 : vector<16xf32>
        %swap3A_1100 = arith.constant 0 : i32
        %swap3A_1101 = arith.index_cast %swap3A_1100 : i32 to index
        %swap3A_1102 = arith.index_cast %scan3A_324 : i32 to index
        %swap3A_1103 = arith.constant 768 : index
        %swap3A_1104 = tpu.vector_load %arg6[%swap3A_1101, %swap3A_1102, %swap3A_1103] {strides = array<i32>} : memref<4x16x1024xf32, #tpu.memory_space<vmem>>, vector<1x1x16xf32>,
        %swap3A_1105 = vector.shape_cast %swap3A_1104 : vector<1x1x16xf32> to vector<16xf32>
        %swap3A_1106 = vector.shape_cast %mul3A_1099 : vector<16xf32> to vector<1x1x16xf32>
        tpu.vector_store %arg6[%swap3A_1101, %swap3A_1102, %swap3A_1103], %swap3A_1106 {strides = array<i32>} : memref<4x16x1024xf32, #tpu.memory_space<vmem>>, vector<1x1x16xf32>,
        %get3A_1107 = arith.constant 0 : i32
        %get3A_1108 = arith.index_cast %get3A_1107 : i32 to index
        %get3A_1109 = arith.index_cast %scan3A_324 : i32 to index
        %get3A_1110 = arith.constant 784 : index
        %get3A_1111 = tpu.vector_load %arg6[%get3A_1108, %get3A_1109, %get3A_1110] {strides = array<i32>} : memref<4x16x1024xf32, #tpu.memory_space<vmem>>, vector<1x1x16xf32>,
        %get3A_1112 = vector.shape_cast %get3A_1111 : vector<1x1x16xf32> to vector<16xf32>
        %mul3A_1113 = arith.constant 3.200000e+01 : f32
        %mul3A_1114 = vector.broadcast %mul3A_1113 : f32 to vector<16xf32>
        %mul3A_1115 = arith.mulf %get3A_1112, %mul3A_1114 : vector<16xf32>
        %swap3A_1116 = arith.constant 0 : i32
        %swap3A_1117 = arith.index_cast %swap3A_1116 : i32 to index
        %swap3A_1118 = arith.index_cast %scan3A_324 : i32 to index
        %swap3A_1119 = arith.constant 784 : index
        %swap3A_1120 = tpu.vector_load %arg6[%swap3A_1117, %swap3A_1118, %swap3A_1119] {strides = array<i32>} : memref<4x16x1024xf32, #tpu.memory_space<vmem>>, vector<1x1x16xf32>,
        %swap3A_1121 = vector.shape_cast %swap3A_1120 : vector<1x1x16xf32> to vector<16xf32>
        %swap3A_1122 = vector.shape_cast %mul3A_1115 : vector<16xf32> to vector<1x1x16xf32>
        tpu.vector_store %arg6[%swap3A_1117, %swap3A_1118, %swap3A_1119], %swap3A_1122 {strides = array<i32>} : memref<4x16x1024xf32, #tpu.memory_space<vmem>>, vector<1x1x16xf32>,
        %get3A_1123 = arith.constant 0 : i32
        %get3A_1124 = arith.index_cast %get3A_1123 : i32 to index
        %get3A_1125 = arith.index_cast %scan3A_324 : i32 to index
        %get3A_1126 = arith.constant 800 : index
        %get3A_1127 = tpu.vector_load %arg6[%get3A_1124, %get3A_1125, %get3A_1126] {strides = array<i32>} : memref<4x16x1024xf32, #tpu.memory_space<vmem>>, vector<1x1x16xf32>,
        %get3A_1128 = vector.shape_cast %get3A_1127 : vector<1x1x16xf32> to vector<16xf32>
        %mul3A_1129 = arith.constant 3.200000e+01 : f32
        %mul3A_1130 = vector.broadcast %mul3A_1129 : f32 to vector<16xf32>
        %mul3A_1131 = arith.mulf %get3A_1128, %mul3A_1130 : vector<16xf32>
        %swap3A_1132 = arith.constant 0 : i32
        %swap3A_1133 = arith.index_cast %swap3A_1132 : i32 to index
        %swap3A_1134 = arith.index_cast %scan3A_324 : i32 to index
        %swap3A_1135 = arith.constant 800 : index
        %swap3A_1136 = tpu.vector_load %arg6[%swap3A_1133, %swap3A_1134, %swap3A_1135] {strides = array<i32>} : memref<4x16x1024xf32, #tpu.memory_space<vmem>>, vector<1x1x16xf32>,
        %swap3A_1137 = vector.shape_cast %swap3A_1136 : vector<1x1x16xf32> to vector<16xf32>
        %swap3A_1138 = vector.shape_cast %mul3A_1131 : vector<16xf32> to vector<1x1x16xf32>
        tpu.vector_store %arg6[%swap3A_1133, %swap3A_1134, %swap3A_1135], %swap3A_1138 {strides = array<i32>} : memref<4x16x1024xf32, #tpu.memory_space<vmem>>, vector<1x1x16xf32>,
        %get3A_1139 = arith.constant 0 : i32
        %get3A_1140 = arith.index_cast %get3A_1139 : i32 to index
        %get3A_1141 = arith.index_cast %scan3A_324 : i32 to index
        %get3A_1142 = arith.constant 816 : index
        %get3A_1143 = tpu.vector_load %arg6[%get3A_1140, %get3A_1141, %get3A_1142] {strides = array<i32>} : memref<4x16x1024xf32, #tpu.memory_space<vmem>>, vector<1x1x16xf32>,
        %get3A_1144 = vector.shape_cast %get3A_1143 : vector<1x1x16xf32> to vector<16xf32>
        %mul3A_1145 = arith.constant 3.200000e+01 : f32
        %mul3A_1146 = vector.broadcast %mul3A_1145 : f32 to vector<16xf32>
        %mul3A_1147 = arith.mulf %get3A_1144, %mul3A_1146 : vector<16xf32>
        %swap3A_1148 = arith.constant 0 : i32
        %swap3A_1149 = arith.index_cast %swap3A_1148 : i32 to index
        %swap3A_1150 = arith.index_cast %scan3A_324 : i32 to index
        %swap3A_1151 = arith.constant 816 : index
        %swap3A_1152 = tpu.vector_load %arg6[%swap3A_1149, %swap3A_1150, %swap3A_1151] {strides = array<i32>} : memref<4x16x1024xf32, #tpu.memory_space<vmem>>, vector<1x1x16xf32>,
        %swap3A_1153 = vector.shape_cast %swap3A_1152 : vector<1x1x16xf32> to vector<16xf32>
        %swap3A_1154 = vector.shape_cast %mul3A_1147 : vector<16xf32> to vector<1x1x16xf32>
        tpu.vector_store %arg6[%swap3A_1149, %swap3A_1150, %swap3A_1151], %swap3A_1154 {strides = array<i32>} : memref<4x16x1024xf32, #tpu.memory_space<vmem>>, vector<1x1x16xf32>,
        %get3A_1155 = arith.constant 0 : i32
        %get3A_1156 = arith.index_cast %get3A_1155 : i32 to index
        %get3A_1157 = arith.index_cast %scan3A_324 : i32 to index
        %get3A_1158 = arith.constant 832 : index
        %get3A_1159 = tpu.vector_load %arg6[%get3A_1156, %get3A_1157, %get3A_1158] {strides = array<i32>} : memref<4x16x1024xf32, #tpu.memory_space<vmem>>, vector<1x1x16xf32>,
        %get3A_1160 = vector.shape_cast %get3A_1159 : vector<1x1x16xf32> to vector<16xf32>
        %mul3A_1161 = arith.constant 3.200000e+01 : f32
        %mul3A_1162 = vector.broadcast %mul3A_1161 : f32 to vector<16xf32>
        %mul3A_1163 = arith.mulf %get3A_1160, %mul3A_1162 : vector<16xf32>
        %swap3A_1164 = arith.constant 0 : i32
        %swap3A_1165 = arith.index_cast %swap3A_1164 : i32 to index
        %swap3A_1166 = arith.index_cast %scan3A_324 : i32 to index
        %swap3A_1167 = arith.constant 832 : index
        %swap3A_1168 = tpu.vector_load %arg6[%swap3A_1165, %swap3A_1166, %swap3A_1167] {strides = array<i32>} : memref<4x16x1024xf32, #tpu.memory_space<vmem>>, vector<1x1x16xf32>,
        %swap3A_1169 = vector.shape_cast %swap3A_1168 : vector<1x1x16xf32> to vector<16xf32>
        %swap3A_1170 = vector.shape_cast %mul3A_1163 : vector<16xf32> to vector<1x1x16xf32>
        tpu.vector_store %arg6[%swap3A_1165, %swap3A_1166, %swap3A_1167], %swap3A_1170 {strides = array<i32>} : memref<4x16x1024xf32, #tpu.memory_space<vmem>>, vector<1x1x16xf32>,
        %get3A_1171 = arith.constant 0 : i32
        %get3A_1172 = arith.index_cast %get3A_1171 : i32 to index
        %get3A_1173 = arith.index_cast %scan3A_324 : i32 to index
        %get3A_1174 = arith.constant 848 : index
        %get3A_1175 = tpu.vector_load %arg6[%get3A_1172, %get3A_1173, %get3A_1174] {strides = array<i32>} : memref<4x16x1024xf32, #tpu.memory_space<vmem>>, vector<1x1x16xf32>,
        %get3A_1176 = vector.shape_cast %get3A_1175 : vector<1x1x16xf32> to vector<16xf32>
        %mul3A_1177 = arith.constant 3.200000e+01 : f32
        %mul3A_1178 = vector.broadcast %mul3A_1177 : f32 to vector<16xf32>
        %mul3A_1179 = arith.mulf %get3A_1176, %mul3A_1178 : vector<16xf32>
        %swap3A_1180 = arith.constant 0 : i32
        %swap3A_1181 = arith.index_cast %swap3A_1180 : i32 to index
        %swap3A_1182 = arith.index_cast %scan3A_324 : i32 to index
        %swap3A_1183 = arith.constant 848 : index
        %swap3A_1184 = tpu.vector_load %arg6[%swap3A_1181, %swap3A_1182, %swap3A_1183] {strides = array<i32>} : memref<4x16x1024xf32, #tpu.memory_space<vmem>>, vector<1x1x16xf32>,
        %swap3A_1185 = vector.shape_cast %swap3A_1184 : vector<1x1x16xf32> to vector<16xf32>
        %swap3A_1186 = vector.shape_cast %mul3A_1179 : vector<16xf32> to vector<1x1x16xf32>
        tpu.vector_store %arg6[%swap3A_1181, %swap3A_1182, %swap3A_1183], %swap3A_1186 {strides = array<i32>} : memref<4x16x1024xf32, #tpu.memory_space<vmem>>, vector<1x1x16xf32>,
        %get3A_1187 = arith.constant 0 : i32
        %get3A_1188 = arith.index_cast %get3A_1187 : i32 to index
        %get3A_1189 = arith.index_cast %scan3A_324 : i32 to index
        %get3A_1190 = arith.constant 864 : index
        %get3A_1191 = tpu.vector_load %arg6[%get3A_1188, %get3A_1189, %get3A_1190] {strides = array<i32>} : memref<4x16x1024xf32, #tpu.memory_space<vmem>>, vector<1x1x16xf32>,
        %get3A_1192 = vector.shape_cast %get3A_1191 : vector<1x1x16xf32> to vector<16xf32>
        %mul3A_1193 = arith.constant 3.200000e+01 : f32
        %mul3A_1194 = vector.broadcast %mul3A_1193 : f32 to vector<16xf32>
        %mul3A_1195 = arith.mulf %get3A_1192, %mul3A_1194 : vector<16xf32>
        %swap3A_1196 = arith.constant 0 : i32
        %swap3A_1197 = arith.index_cast %swap3A_1196 : i32 to index
        %swap3A_1198 = arith.index_cast %scan3A_324 : i32 to index
        %swap3A_1199 = arith.constant 864 : index
        %swap3A_1200 = tpu.vector_load %arg6[%swap3A_1197, %swap3A_1198, %swap3A_1199] {strides = array<i32>} : memref<4x16x1024xf32, #tpu.memory_space<vmem>>, vector<1x1x16xf32>,
        %swap3A_1201 = vector.shape_cast %swap3A_1200 : vector<1x1x16xf32> to vector<16xf32>
        %swap3A_1202 = vector.shape_cast %mul3A_1195 : vector<16xf32> to vector<1x1x16xf32>
        tpu.vector_store %arg6[%swap3A_1197, %swap3A_1198, %swap3A_1199], %swap3A_1202 {strides = array<i32>} : memref<4x16x1024xf32, #tpu.memory_space<vmem>>, vector<1x1x16xf32>,
        %get3A_1203 = arith.constant 0 : i32
        %get3A_1204 = arith.index_cast %get3A_1203 : i32 to index
        %get3A_1205 = arith.index_cast %scan3A_324 : i32 to index
        %get3A_1206 = arith.constant 880 : index
        %get3A_1207 = tpu.vector_load %arg6[%get3A_1204, %get3A_1205, %get3A_1206] {strides = array<i32>} : memref<4x16x1024xf32, #tpu.memory_space<vmem>>, vector<1x1x16xf32>,
        %get3A_1208 = vector.shape_cast %get3A_1207 : vector<1x1x16xf32> to vector<16xf32>
        %mul3A_1209 = arith.constant 3.200000e+01 : f32
        %mul3A_1210 = vector.broadcast %mul3A_1209 : f32 to vector<16xf32>
        %mul3A_1211 = arith.mulf %get3A_1208, %mul3A_1210 : vector<16xf32>
        %swap3A_1212 = arith.constant 0 : i32
        %swap3A_1213 = arith.index_cast %swap3A_1212 : i32 to index
        %swap3A_1214 = arith.index_cast %scan3A_324 : i32 to index
        %swap3A_1215 = arith.constant 880 : index
        %swap3A_1216 = tpu.vector_load %arg6[%swap3A_1213, %swap3A_1214, %swap3A_1215] {strides = array<i32>} : memref<4x16x1024xf32, #tpu.memory_space<vmem>>, vector<1x1x16xf32>,
        %swap3A_1217 = vector.shape_cast %swap3A_1216 : vector<1x1x16xf32> to vector<16xf32>
        %swap3A_1218 = vector.shape_cast %mul3A_1211 : vector<16xf32> to vector<1x1x16xf32>
        tpu.vector_store %arg6[%swap3A_1213, %swap3A_1214, %swap3A_1215], %swap3A_1218 {strides = array<i32>} : memref<4x16x1024xf32, #tpu.memory_space<vmem>>, vector<1x1x16xf32>,
        %get3A_1219 = arith.constant 0 : i32
        %get3A_1220 = arith.index_cast %get3A_1219 : i32 to index
        %get3A_1221 = arith.index_cast %scan3A_324 : i32 to index
        %get3A_1222 = arith.constant 896 : index
        %get3A_1223 = tpu.vector_load %arg6[%get3A_1220, %get3A_1221, %get3A_1222] {strides = array<i32>} : memref<4x16x1024xf32, #tpu.memory_space<vmem>>, vector<1x1x16xf32>,
        %get3A_1224 = vector.shape_cast %get3A_1223 : vector<1x1x16xf32> to vector<16xf32>
        %mul3A_1225 = arith.constant 3.200000e+01 : f32
        %mul3A_1226 = vector.broadcast %mul3A_1225 : f32 to vector<16xf32>
        %mul3A_1227 = arith.mulf %get3A_1224, %mul3A_1226 : vector<16xf32>
        %swap3A_1228 = arith.constant 0 : i32
        %swap3A_1229 = arith.index_cast %swap3A_1228 : i32 to index
        %swap3A_1230 = arith.index_cast %scan3A_324 : i32 to index
        %swap3A_1231 = arith.constant 896 : index
        %swap3A_1232 = tpu.vector_load %arg6[%swap3A_1229, %swap3A_1230, %swap3A_1231] {strides = array<i32>} : memref<4x16x1024xf32, #tpu.memory_space<vmem>>, vector<1x1x16xf32>,
        %swap3A_1233 = vector.shape_cast %swap3A_1232 : vector<1x1x16xf32> to vector<16xf32>
        %swap3A_1234 = vector.shape_cast %mul3A_1227 : vector<16xf32> to vector<1x1x16xf32>
        tpu.vector_store %arg6[%swap3A_1229, %swap3A_1230, %swap3A_1231], %swap3A_1234 {strides = array<i32>} : memref<4x16x1024xf32, #tpu.memory_space<vmem>>, vector<1x1x16xf32>,
        %get3A_1235 = arith.constant 0 : i32
        %get3A_1236 = arith.index_cast %get3A_1235 : i32 to index
        %get3A_1237 = arith.index_cast %scan3A_324 : i32 to index
        %get3A_1238 = arith.constant 912 : index
        %get3A_1239 = tpu.vector_load %arg6[%get3A_1236, %get3A_1237, %get3A_1238] {strides = array<i32>} : memref<4x16x1024xf32, #tpu.memory_space<vmem>>, vector<1x1x16xf32>,
        %get3A_1240 = vector.shape_cast %get3A_1239 : vector<1x1x16xf32> to vector<16xf32>
        %mul3A_1241 = arith.constant 3.200000e+01 : f32
        %mul3A_1242 = vector.broadcast %mul3A_1241 : f32 to vector<16xf32>
        %mul3A_1243 = arith.mulf %get3A_1240, %mul3A_1242 : vector<16xf32>
        %swap3A_1244 = arith.constant 0 : i32
        %swap3A_1245 = arith.index_cast %swap3A_1244 : i32 to index
        %swap3A_1246 = arith.index_cast %scan3A_324 : i32 to index
        %swap3A_1247 = arith.constant 912 : index
        %swap3A_1248 = tpu.vector_load %arg6[%swap3A_1245, %swap3A_1246, %swap3A_1247] {strides = array<i32>} : memref<4x16x1024xf32, #tpu.memory_space<vmem>>, vector<1x1x16xf32>,
        %swap3A_1249 = vector.shape_cast %swap3A_1248 : vector<1x1x16xf32> to vector<16xf32>
        %swap3A_1250 = vector.shape_cast %mul3A_1243 : vector<16xf32> to vector<1x1x16xf32>
        tpu.vector_store %arg6[%swap3A_1245, %swap3A_1246, %swap3A_1247], %swap3A_1250 {strides = array<i32>} : memref<4x16x1024xf32, #tpu.memory_space<vmem>>, vector<1x1x16xf32>,
        %get3A_1251 = arith.constant 0 : i32
        %get3A_1252 = arith.index_cast %get3A_1251 : i32 to index
        %get3A_1253 = arith.index_cast %scan3A_324 : i32 to index
        %get3A_1254 = arith.constant 928 : index
        %get3A_1255 = tpu.vector_load %arg6[%get3A_1252, %get3A_1253, %get3A_1254] {strides = array<i32>} : memref<4x16x1024xf32, #tpu.memory_space<vmem>>, vector<1x1x16xf32>,
        %get3A_1256 = vector.shape_cast %get3A_1255 : vector<1x1x16xf32> to vector<16xf32>
        %mul3A_1257 = arith.constant 3.200000e+01 : f32
        %mul3A_1258 = vector.broadcast %mul3A_1257 : f32 to vector<16xf32>
        %mul3A_1259 = arith.mulf %get3A_1256, %mul3A_1258 : vector<16xf32>
        %swap3A_1260 = arith.constant 0 : i32
        %swap3A_1261 = arith.index_cast %swap3A_1260 : i32 to index
        %swap3A_1262 = arith.index_cast %scan3A_324 : i32 to index
        %swap3A_1263 = arith.constant 928 : index
        %swap3A_1264 = tpu.vector_load %arg6[%swap3A_1261, %swap3A_1262, %swap3A_1263] {strides = array<i32>} : memref<4x16x1024xf32, #tpu.memory_space<vmem>>, vector<1x1x16xf32>,
        %swap3A_1265 = vector.shape_cast %swap3A_1264 : vector<1x1x16xf32> to vector<16xf32>
        %swap3A_1266 = vector.shape_cast %mul3A_1259 : vector<16xf32> to vector<1x1x16xf32>
        tpu.vector_store %arg6[%swap3A_1261, %swap3A_1262, %swap3A_1263], %swap3A_1266 {strides = array<i32>} : memref<4x16x1024xf32, #tpu.memory_space<vmem>>, vector<1x1x16xf32>,
        %get3A_1267 = arith.constant 0 : i32
        %get3A_1268 = arith.index_cast %get3A_1267 : i32 to index
        %get3A_1269 = arith.index_cast %scan3A_324 : i32 to index
        %get3A_1270 = arith.constant 944 : index
        %get3A_1271 = tpu.vector_load %arg6[%get3A_1268, %get3A_1269, %get3A_1270] {strides = array<i32>} : memref<4x16x1024xf32, #tpu.memory_space<vmem>>, vector<1x1x16xf32>,
        %get3A_1272 = vector.shape_cast %get3A_1271 : vector<1x1x16xf32> to vector<16xf32>
        %mul3A_1273 = arith.constant 3.200000e+01 : f32
        %mul3A_1274 = vector.broadcast %mul3A_1273 : f32 to vector<16xf32>
        %mul3A_1275 = arith.mulf %get3A_1272, %mul3A_1274 : vector<16xf32>
        %swap3A_1276 = arith.constant 0 : i32
        %swap3A_1277 = arith.index_cast %swap3A_1276 : i32 to index
        %swap3A_1278 = arith.index_cast %scan3A_324 : i32 to index
        %swap3A_1279 = arith.constant 944 : index
        %swap3A_1280 = tpu.vector_load %arg6[%swap3A_1277, %swap3A_1278, %swap3A_1279] {strides = array<i32>} : memref<4x16x1024xf32, #tpu.memory_space<vmem>>, vector<1x1x16xf32>,
        %swap3A_1281 = vector.shape_cast %swap3A_1280 : vector<1x1x16xf32> to vector<16xf32>
        %swap3A_1282 = vector.shape_cast %mul3A_1275 : vector<16xf32> to vector<1x1x16xf32>
        tpu.vector_store %arg6[%swap3A_1277, %swap3A_1278, %swap3A_1279], %swap3A_1282 {strides = array<i32>} : memref<4x16x1024xf32, #tpu.memory_space<vmem>>, vector<1x1x16xf32>,
        %get3A_1283 = arith.constant 0 : i32
        %get3A_1284 = arith.index_cast %get3A_1283 : i32 to index
        %get3A_1285 = arith.index_cast %scan3A_324 : i32 to index
        %get3A_1286 = arith.constant 960 : index
        %get3A_1287 = tpu.vector_load %arg6[%get3A_1284, %get3A_1285, %get3A_1286] {strides = array<i32>} : memref<4x16x1024xf32, #tpu.memory_space<vmem>>, vector<1x1x16xf32>,
        %get3A_1288 = vector.shape_cast %get3A_1287 : vector<1x1x16xf32> to vector<16xf32>
        %mul3A_1289 = arith.constant 3.200000e+01 : f32
        %mul3A_1290 = vector.broadcast %mul3A_1289 : f32 to vector<16xf32>
        %mul3A_1291 = arith.mulf %get3A_1288, %mul3A_1290 : vector<16xf32>
        %swap3A_1292 = arith.constant 0 : i32
        %swap3A_1293 = arith.index_cast %swap3A_1292 : i32 to index
        %swap3A_1294 = arith.index_cast %scan3A_324 : i32 to index
        %swap3A_1295 = arith.constant 960 : index
        %swap3A_1296 = tpu.vector_load %arg6[%swap3A_1293, %swap3A_1294, %swap3A_1295] {strides = array<i32>} : memref<4x16x1024xf32, #tpu.memory_space<vmem>>, vector<1x1x16xf32>,
        %swap3A_1297 = vector.shape_cast %swap3A_1296 : vector<1x1x16xf32> to vector<16xf32>
        %swap3A_1298 = vector.shape_cast %mul3A_1291 : vector<16xf32> to vector<1x1x16xf32>
        tpu.vector_store %arg6[%swap3A_1293, %swap3A_1294, %swap3A_1295], %swap3A_1298 {strides = array<i32>} : memref<4x16x1024xf32, #tpu.memory_space<vmem>>, vector<1x1x16xf32>,
        %get3A_1299 = arith.constant 0 : i32
        %get3A_1300 = arith.index_cast %get3A_1299 : i32 to index
        %get3A_1301 = arith.index_cast %scan3A_324 : i32 to index
        %get3A_1302 = arith.constant 976 : index
        %get3A_1303 = tpu.vector_load %arg6[%get3A_1300, %get3A_1301, %get3A_1302] {strides = array<i32>} : memref<4x16x1024xf32, #tpu.memory_space<vmem>>, vector<1x1x16xf32>,
        %get3A_1304 = vector.shape_cast %get3A_1303 : vector<1x1x16xf32> to vector<16xf32>
        %mul3A_1305 = arith.constant 3.200000e+01 : f32
        %mul3A_1306 = vector.broadcast %mul3A_1305 : f32 to vector<16xf32>
        %mul3A_1307 = arith.mulf %get3A_1304, %mul3A_1306 : vector<16xf32>
        %swap3A_1308 = arith.constant 0 : i32
        %swap3A_1309 = arith.index_cast %swap3A_1308 : i32 to index
        %swap3A_1310 = arith.index_cast %scan3A_324 : i32 to index
        %swap3A_1311 = arith.constant 976 : index
        %swap3A_1312 = tpu.vector_load %arg6[%swap3A_1309, %swap3A_1310, %swap3A_1311] {strides = array<i32>} : memref<4x16x1024xf32, #tpu.memory_space<vmem>>, vector<1x1x16xf32>,
        %swap3A_1313 = vector.shape_cast %swap3A_1312 : vector<1x1x16xf32> to vector<16xf32>
        %swap3A_1314 = vector.shape_cast %mul3A_1307 : vector<16xf32> to vector<1x1x16xf32>
        tpu.vector_store %arg6[%swap3A_1309, %swap3A_1310, %swap3A_1311], %swap3A_1314 {strides = array<i32>} : memref<4x16x1024xf32, #tpu.memory_space<vmem>>, vector<1x1x16xf32>,
        %get3A_1315 = arith.constant 0 : i32
        %get3A_1316 = arith.index_cast %get3A_1315 : i32 to index
        %get3A_1317 = arith.index_cast %scan3A_324 : i32 to index
        %get3A_1318 = arith.constant 992 : index
        %get3A_1319 = tpu.vector_load %arg6[%get3A_1316, %get3A_1317, %get3A_1318] {strides = array<i32>} : memref<4x16x1024xf32, #tpu.memory_space<vmem>>, vector<1x1x16xf32>,
        %get3A_1320 = vector.shape_cast %get3A_1319 : vector<1x1x16xf32> to vector<16xf32>
        %mul3A_1321 = arith.constant 3.200000e+01 : f32
        %mul3A_1322 = vector.broadcast %mul3A_1321 : f32 to vector<16xf32>
        %mul3A_1323 = arith.mulf %get3A_1320, %mul3A_1322 : vector<16xf32>
        %swap3A_1324 = arith.constant 0 : i32
        %swap3A_1325 = arith.index_cast %swap3A_1324 : i32 to index
        %swap3A_1326 = arith.index_cast %scan3A_324 : i32 to index
        %swap3A_1327 = arith.constant 992 : index
        %swap3A_1328 = tpu.vector_load %arg6[%swap3A_1325, %swap3A_1326, %swap3A_1327] {strides = array<i32>} : memref<4x16x1024xf32, #tpu.memory_space<vmem>>, vector<1x1x16xf32>,
        %swap3A_1329 = vector.shape_cast %swap3A_1328 : vector<1x1x16xf32> to vector<16xf32>
        %swap3A_1330 = vector.shape_cast %mul3A_1323 : vector<16xf32> to vector<1x1x16xf32>
        tpu.vector_store %arg6[%swap3A_1325, %swap3A_1326, %swap3A_1327], %swap3A_1330 {strides = array<i32>} : memref<4x16x1024xf32, #tpu.memory_space<vmem>>, vector<1x1x16xf32>,
        %get3A_1331 = arith.constant 0 : i32
        %get3A_1332 = arith.index_cast %get3A_1331 : i32 to index
        %get3A_1333 = arith.index_cast %scan3A_324 : i32 to index
        %get3A_1334 = arith.constant 1008 : index
        %get3A_1335 = tpu.vector_load %arg6[%get3A_1332, %get3A_1333, %get3A_1334] {strides = array<i32>} : memref<4x16x1024xf32, #tpu.memory_space<vmem>>, vector<1x1x16xf32>,
        %get3A_1336 = vector.shape_cast %get3A_1335 : vector<1x1x16xf32> to vector<16xf32>
        %mul3A_1337 = arith.constant 3.200000e+01 : f32
        %mul3A_1338 = vector.broadcast %mul3A_1337 : f32 to vector<16xf32>
        %mul3A_1339 = arith.mulf %get3A_1336, %mul3A_1338 : vector<16xf32>
        %swap3A_1340 = arith.constant 0 : i32
        %swap3A_1341 = arith.index_cast %swap3A_1340 : i32 to index
        %swap3A_1342 = arith.index_cast %scan3A_324 : i32 to index
        %swap3A_1343 = arith.constant 1008 : index
        %swap3A_1344 = tpu.vector_load %arg6[%swap3A_1341, %swap3A_1342, %swap3A_1343] {strides = array<i32>} : memref<4x16x1024xf32, #tpu.memory_space<vmem>>, vector<1x1x16xf32>,
        %swap3A_1345 = vector.shape_cast %swap3A_1344 : vector<1x1x16xf32> to vector<16xf32>
        %swap3A_1346 = vector.shape_cast %mul3A_1339 : vector<16xf32> to vector<1x1x16xf32>
        tpu.vector_store %arg6[%swap3A_1341, %swap3A_1342, %swap3A_1343], %swap3A_1346 {strides = array<i32>} : memref<4x16x1024xf32, #tpu.memory_space<vmem>>, vector<1x1x16xf32>,
      }
      %scan3A_163 = arith.constant 16 : i32
      %mul3A_164 = arith.constant 16 : i32
      %mul3A_165 = arith.muli %add3A_132, %mul3A_164 : i32
      %add3A_166 = arith.addi %mul3A_32, %mul3A_165 : i32
      %dma_start3A_167 = arith.constant 0 : i32
      %dma_start3A_168 = arith.constant 0 : i32
      %dma_start3A_169 = arith.constant 0 : i32
      %dma_start3A_170 = tpu.memref_slice %arg6[%dma_start3A_167, %dma_start3A_168, %dma_start3A_169] : memref<4x16x1024xf32, #tpu.memory_space<vmem>> -> memref<1x16x1024xf32, #tpu.memory_space<vmem>>
      %dma_start3A_171 = tpu.memref_squeeze %dma_start3A_170 : memref<1x16x1024xf32, #tpu.memory_space<vmem>> -> memref<16x1024xf32, #tpu.memory_space<vmem>>
      %dma_start3A_172 = arith.constant 0 : i32
      %dma_start3A_173 = tpu.memref_slice %arg4[%select_n3A, %add3A_166, %dma_start3A_172] : memref<4x8192x1024xf32, #tpu.memory_space<hbm>> -> memref<1x16x1024xf32, #tpu.memory_space<hbm>>
      %dma_start3A_174 = tpu.memref_squeeze %dma_start3A_173 : memref<1x16x1024xf32, #tpu.memory_space<hbm>> -> memref<16x1024xf32, #tpu.memory_space<hbm>>
      %dma_start3A_175 = arith.constant 0 : i32
      %dma_start3A_176 = tpu.memref_slice %arg4[%select_n3A, %add3A_166, %dma_start3A_175] : memref<4x8192x1024xf32, #tpu.memory_space<hbm>> -> memref<1x16x1024xf32, #tpu.memory_space<hbm>>
      %dma_start3A_177 = tpu.memref_squeeze %dma_start3A_176 : memref<1x16x1024xf32, #tpu.memory_space<hbm>> -> memref<16x1024xf32, #tpu.memory_space<hbm>>
      %dma_start3A_178 = arith.constant 0 : i32
      %dma_start3A_179 = arith.constant 0 : i32
      %dma_start3A_180 = tpu.memref_slice %arg6[%dma_start3A_167, %dma_start3A_178, %dma_start3A_179] : memref<4x16x1024xf32, #tpu.memory_space<vmem>> -> memref<1x16x1024xf32, #tpu.memory_space<vmem>>
      %dma_start3A_181 = tpu.memref_squeeze %dma_start3A_180 : memref<1x16x1024xf32, #tpu.memory_space<vmem>> -> memref<16x1024xf32, #tpu.memory_space<vmem>>
      tpu.enqueue_dma source(%dma_start3A_181 : memref<16x1024xf32, #tpu.memory_space<vmem>>) target(%dma_start3A_177 : memref<16x1024xf32, #tpu.memory_space<hbm>>) target_semaphore(%arg11 : memref<!tpu.dma_semaphore, #tpu.memory_space<semaphore_mem>>)
      %mul3A_182 = arith.constant 4 : i32
      %mul3A_183 = arith.muli %scan3A_128, %mul3A_182 : i32
      %add3A_184 = arith.constant 1 : i32
      %add3A_185 = arith.addi %mul3A_183, %add3A_184 : i32
      %ge3A_186 = arith.constant 1 : i32
      %ge3A_187 = arith.cmpi sge, %scan3A_128, %ge3A_186 : i32
      %convert_element_type3A_188 = arith.extui %ge3A_187 : i1 to i32
      %cond3A_189 = arith.constant 0 : i32
      %cond3A_190 = arith.cmpi ne, %convert_element_type3A_188, %cond3A_189 : i32
      scf.if %cond3A_190 {
        %dma_wait3A_324 = arith.constant 3 : i32
        %dma_wait3A_325 = arith.constant 0 : i32
        %dma_wait3A_326 = arith.constant 0 : i32
        %dma_wait3A_327 = arith.constant 0 : i32
        %dma_wait3A_328 = tpu.memref_slice %arg6[%dma_wait3A_324, %dma_wait3A_326, %dma_wait3A_327] : memref<4x16x1024xf32, #tpu.memory_space<vmem>> -> memref<1x16x1024xf32, #tpu.memory_space<vmem>>
        %dma_wait3A_329 = tpu.memref_squeeze %dma_wait3A_328 : memref<1x16x1024xf32, #tpu.memory_space<vmem>> -> memref<16x1024xf32, #tpu.memory_space<vmem>>
        %dma_wait3A_330 = arith.constant 0 : i32
        %dma_wait3A_331 = arith.constant 0 : i32
        %dma_wait3A_332 = tpu.memref_slice %arg4[%dma_wait3A_325, %dma_wait3A_330, %dma_wait3A_331] : memref<4x8192x1024xf32, #tpu.memory_space<hbm>> -> memref<1x16x1024xf32, #tpu.memory_space<hbm>>
        %dma_wait3A_333 = tpu.memref_squeeze %dma_wait3A_332 : memref<1x16x1024xf32, #tpu.memory_space<hbm>> -> memref<16x1024xf32, #tpu.memory_space<hbm>>
        %dma_wait3A_334 = arith.constant 0 : i32
        %dma_wait3A_335 = arith.constant 0 : i32
        %dma_wait3A_336 = tpu.memref_slice %arg4[%dma_wait3A_325, %dma_wait3A_334, %dma_wait3A_335] : memref<4x8192x1024xf32, #tpu.memory_space<hbm>> -> memref<1x16x1024xf32, #tpu.memory_space<hbm>>
        %dma_wait3A_337 = tpu.memref_squeeze %dma_wait3A_336 : memref<1x16x1024xf32, #tpu.memory_space<hbm>> -> memref<16x1024xf32, #tpu.memory_space<hbm>>
        %dma_wait3A_338 = arith.constant 0 : i32
        %dma_wait3A_339 = arith.constant 0 : i32
        %dma_wait3A_340 = tpu.memref_slice %arg6[%dma_wait3A_324, %dma_wait3A_338, %dma_wait3A_339] : memref<4x16x1024xf32, #tpu.memory_space<vmem>> -> memref<1x16x1024xf32, #tpu.memory_space<vmem>>
        %dma_wait3A_341 = tpu.memref_squeeze %dma_wait3A_340 : memref<1x16x1024xf32, #tpu.memory_space<vmem>> -> memref<16x1024xf32, #tpu.memory_space<vmem>>
        tpu.wait_dma2 semaphore(%arg14 : memref<!tpu.dma_semaphore, #tpu.memory_space<semaphore_mem>>) src(%dma_wait3A_341 : memref<16x1024xf32, #tpu.memory_space<vmem>>) dst(%dma_wait3A_337 : memref<16x1024xf32, #tpu.memory_space<hbm>>)
      } else {
      }
      %add3A_191 = arith.constant 2 : i32
      %add3A_192 = arith.addi %add3A_185, %add3A_191 : i32
      %mul3A_193 = arith.constant 16 : i32
      %mul3A_194 = arith.muli %add3A_192, %mul3A_193 : i32
      %dma_start3A_195 = arith.constant 3 : i32
      %dma_start3A_196 = arith.constant 0 : i32
      %dma_start3A_197 = arith.constant 0 : i32
      %dma_start3A_198 = tpu.memref_slice %arg6[%dma_start3A_195, %dma_start3A_196, %dma_start3A_197] : memref<4x16x1024xf32, #tpu.memory_space<vmem>> -> memref<1x16x1024xf32, #tpu.memory_space<vmem>>
      %dma_start3A_199 = tpu.memref_squeeze %dma_start3A_198 : memref<1x16x1024xf32, #tpu.memory_space<vmem>> -> memref<16x1024xf32, #tpu.memory_space<vmem>>
      %dma_start3A_200 = tpu.memref_slice %arg5[%mul3A_194] : memref<1024xi32, #tpu.memory_space<vmem>> -> memref<16xi32, #tpu.memory_space<vmem>>
      %dma_start3A_201 = arith.constant 0 : i32
      %dma_start3A_202 = arith.constant 0 : i32
      %dma_start3A_203 = tpu.memref_slice %arg3[%dma_start3A_201, %dma_start3A_202] : memref<100000x1024xf32, #tpu.memory_space<hbm>> -> memref<100000x1024xf32, #tpu.memory_space<hbm>>
      tpu.enqueue_indirect_dma source(%dma_start3A_203 : memref<100000x1024xf32, #tpu.memory_space<hbm>>) target(%dma_start3A_199 : memref<16x1024xf32, #tpu.memory_space<vmem>>) offsets(%dma_start3A_200 : memref<16xi32, #tpu.memory_space<vmem>>) semaphore(%arg10 : memref<!tpu.dma_semaphore, #tpu.memory_space<semaphore_mem>>)
      %dma_wait3A_204 = arith.constant 1 : i32
      %dma_wait3A_205 = arith.constant 0 : i32
      %dma_wait3A_206 = arith.constant 0 : i32
      %dma_wait3A_207 = tpu.memref_slice %arg6[%dma_wait3A_204, %dma_wait3A_205, %dma_wait3A_206] : memref<4x16x1024xf32, #tpu.memory_space<vmem>> -> memref<1x16x1024xf32, #tpu.memory_space<vmem>>
      %dma_wait3A_208 = tpu.memref_squeeze %dma_wait3A_207 : memref<1x16x1024xf32, #tpu.memory_space<vmem>> -> memref<16x1024xf32, #tpu.memory_space<vmem>>
      %dma_wait3A_209 = arith.constant 0 : i32
      %dma_wait3A_210 = tpu.memref_slice %arg5[%dma_wait3A_209] : memref<1024xi32, #tpu.memory_space<vmem>> -> memref<16xi32, #tpu.memory_space<vmem>>
      %dma_wait3A_211 = arith.constant 0 : i32
      %dma_wait3A_212 = arith.constant 0 : i32
      %dma_wait3A_213 = tpu.memref_slice %arg3[%dma_wait3A_211, %dma_wait3A_212] : memref<100000x1024xf32, #tpu.memory_space<hbm>> -> memref<100000x1024xf32, #tpu.memory_space<hbm>>
      tpu.wait_indirect_dma semaphore(%arg8 : memref<!tpu.dma_semaphore, #tpu.memory_space<semaphore_mem>>) src(%dma_wait3A_213 : memref<100000x1024xf32, #tpu.memory_space<hbm>>) dst(%dma_wait3A_208 : memref<16x1024xf32, #tpu.memory_space<vmem>>)
      %scan3A_214 = arith.constant 0 : i32
      %scan3A_215 = arith.constant 0 : i32
      %scan3A_216 = arith.constant 16 : i32
      %scan3A_217 = arith.addi %scan3A_215, %scan3A_216 : i32
      %scan3A_218 = arith.constant 1 : i32
      scf.for %scan3A_324 = %scan3A_215 to %scan3A_217 step %scan3A_218  : i32 {
        %get3A = arith.constant 1 : i32
        %get3A_325 = arith.index_cast %get3A : i32 to index
        %get3A_326 = arith.index_cast %scan3A_324 : i32 to index
        %get3A_327 = arith.constant 0 : index
        %get3A_328 = tpu.vector_load %arg6[%get3A_325, %get3A_326, %get3A_327] {strides = array<i32>} : memref<4x16x1024xf32, #tpu.memory_space<vmem>>, vector<1x1x16xf32>,
        %get3A_329 = vector.shape_cast %get3A_328 : vector<1x1x16xf32> to vector<16xf32>
        %mul3A_330 = arith.constant 3.200000e+01 : f32
        %mul3A_331 = vector.broadcast %mul3A_330 : f32 to vector<16xf32>
        %mul3A_332 = arith.mulf %get3A_329, %mul3A_331 : vector<16xf32>
        %swap3A = arith.constant 1 : i32
        %swap3A_333 = arith.index_cast %swap3A : i32 to index
        %swap3A_334 = arith.index_cast %scan3A_324 : i32 to index
        %swap3A_335 = arith.constant 0 : index
        %swap3A_336 = tpu.vector_load %arg6[%swap3A_333, %swap3A_334, %swap3A_335] {strides = array<i32>} : memref<4x16x1024xf32, #tpu.memory_space<vmem>>, vector<1x1x16xf32>,
        %swap3A_337 = vector.shape_cast %swap3A_336 : vector<1x1x16xf32> to vector<16xf32>
        %swap3A_338 = vector.shape_cast %mul3A_332 : vector<16xf32> to vector<1x1x16xf32>
        tpu.vector_store %arg6[%swap3A_333, %swap3A_334, %swap3A_335], %swap3A_338 {strides = array<i32>} : memref<4x16x1024xf32, #tpu.memory_space<vmem>>, vector<1x1x16xf32>,
        %get3A_339 = arith.constant 1 : i32
        %get3A_340 = arith.index_cast %get3A_339 : i32 to index
        %get3A_341 = arith.index_cast %scan3A_324 : i32 to index
        %get3A_342 = arith.constant 16 : index
        %get3A_343 = tpu.vector_load %arg6[%get3A_340, %get3A_341, %get3A_342] {strides = array<i32>} : memref<4x16x1024xf32, #tpu.memory_space<vmem>>, vector<1x1x16xf32>,
        %get3A_344 = vector.shape_cast %get3A_343 : vector<1x1x16xf32> to vector<16xf32>
        %mul3A_345 = arith.constant 3.200000e+01 : f32
        %mul3A_346 = vector.broadcast %mul3A_345 : f32 to vector<16xf32>
        %mul3A_347 = arith.mulf %get3A_344, %mul3A_346 : vector<16xf32>
        %swap3A_348 = arith.constant 1 : i32
        %swap3A_349 = arith.index_cast %swap3A_348 : i32 to index
        %swap3A_350 = arith.index_cast %scan3A_324 : i32 to index
        %swap3A_351 = arith.constant 16 : index
        %swap3A_352 = tpu.vector_load %arg6[%swap3A_349, %swap3A_350, %swap3A_351] {strides = array<i32>} : memref<4x16x1024xf32, #tpu.memory_space<vmem>>, vector<1x1x16xf32>,
        %swap3A_353 = vector.shape_cast %swap3A_352 : vector<1x1x16xf32> to vector<16xf32>
        %swap3A_354 = vector.shape_cast %mul3A_347 : vector<16xf32> to vector<1x1x16xf32>
        tpu.vector_store %arg6[%swap3A_349, %swap3A_350, %swap3A_351], %swap3A_354 {strides = array<i32>} : memref<4x16x1024xf32, #tpu.memory_space<vmem>>, vector<1x1x16xf32>,
        %get3A_355 = arith.constant 1 : i32
        %get3A_356 = arith.index_cast %get3A_355 : i32 to index
        %get3A_357 = arith.index_cast %scan3A_324 : i32 to index
        %get3A_358 = arith.constant 32 : index
        %get3A_359 = tpu.vector_load %arg6[%get3A_356, %get3A_357, %get3A_358] {strides = array<i32>} : memref<4x16x1024xf32, #tpu.memory_space<vmem>>, vector<1x1x16xf32>,
        %get3A_360 = vector.shape_cast %get3A_359 : vector<1x1x16xf32> to vector<16xf32>
        %mul3A_361 = arith.constant 3.200000e+01 : f32
        %mul3A_362 = vector.broadcast %mul3A_361 : f32 to vector<16xf32>
        %mul3A_363 = arith.mulf %get3A_360, %mul3A_362 : vector<16xf32>
        %swap3A_364 = arith.constant 1 : i32
        %swap3A_365 = arith.index_cast %swap3A_364 : i32 to index
        %swap3A_366 = arith.index_cast %scan3A_324 : i32 to index
        %swap3A_367 = arith.constant 32 : index
        %swap3A_368 = tpu.vector_load %arg6[%swap3A_365, %swap3A_366, %swap3A_367] {strides = array<i32>} : memref<4x16x1024xf32, #tpu.memory_space<vmem>>, vector<1x1x16xf32>,
        %swap3A_369 = vector.shape_cast %swap3A_368 : vector<1x1x16xf32> to vector<16xf32>
        %swap3A_370 = vector.shape_cast %mul3A_363 : vector<16xf32> to vector<1x1x16xf32>
        tpu.vector_store %arg6[%swap3A_365, %swap3A_366, %swap3A_367], %swap3A_370 {strides = array<i32>} : memref<4x16x1024xf32, #tpu.memory_space<vmem>>, vector<1x1x16xf32>,
        %get3A_371 = arith.constant 1 : i32
        %get3A_372 = arith.index_cast %get3A_371 : i32 to index
        %get3A_373 = arith.index_cast %scan3A_324 : i32 to index
        %get3A_374 = arith.constant 48 : index
        %get3A_375 = tpu.vector_load %arg6[%get3A_372, %get3A_373, %get3A_374] {strides = array<i32>} : memref<4x16x1024xf32, #tpu.memory_space<vmem>>, vector<1x1x16xf32>,
        %get3A_376 = vector.shape_cast %get3A_375 : vector<1x1x16xf32> to vector<16xf32>
        %mul3A_377 = arith.constant 3.200000e+01 : f32
        %mul3A_378 = vector.broadcast %mul3A_377 : f32 to vector<16xf32>
        %mul3A_379 = arith.mulf %get3A_376, %mul3A_378 : vector<16xf32>
        %swap3A_380 = arith.constant 1 : i32
        %swap3A_381 = arith.index_cast %swap3A_380 : i32 to index
        %swap3A_382 = arith.index_cast %scan3A_324 : i32 to index
        %swap3A_383 = arith.constant 48 : index
        %swap3A_384 = tpu.vector_load %arg6[%swap3A_381, %swap3A_382, %swap3A_383] {strides = array<i32>} : memref<4x16x1024xf32, #tpu.memory_space<vmem>>, vector<1x1x16xf32>,
        %swap3A_385 = vector.shape_cast %swap3A_384 : vector<1x1x16xf32> to vector<16xf32>
        %swap3A_386 = vector.shape_cast %mul3A_379 : vector<16xf32> to vector<1x1x16xf32>
        tpu.vector_store %arg6[%swap3A_381, %swap3A_382, %swap3A_383], %swap3A_386 {strides = array<i32>} : memref<4x16x1024xf32, #tpu.memory_space<vmem>>, vector<1x1x16xf32>,
        %get3A_387 = arith.constant 1 : i32
        %get3A_388 = arith.index_cast %get3A_387 : i32 to index
        %get3A_389 = arith.index_cast %scan3A_324 : i32 to index
        %get3A_390 = arith.constant 64 : index
        %get3A_391 = tpu.vector_load %arg6[%get3A_388, %get3A_389, %get3A_390] {strides = array<i32>} : memref<4x16x1024xf32, #tpu.memory_space<vmem>>, vector<1x1x16xf32>,
        %get3A_392 = vector.shape_cast %get3A_391 : vector<1x1x16xf32> to vector<16xf32>
        %mul3A_393 = arith.constant 3.200000e+01 : f32
        %mul3A_394 = vector.broadcast %mul3A_393 : f32 to vector<16xf32>
        %mul3A_395 = arith.mulf %get3A_392, %mul3A_394 : vector<16xf32>
        %swap3A_396 = arith.constant 1 : i32
        %swap3A_397 = arith.index_cast %swap3A_396 : i32 to index
        %swap3A_398 = arith.index_cast %scan3A_324 : i32 to index
        %swap3A_399 = arith.constant 64 : index
        %swap3A_400 = tpu.vector_load %arg6[%swap3A_397, %swap3A_398, %swap3A_399] {strides = array<i32>} : memref<4x16x1024xf32, #tpu.memory_space<vmem>>, vector<1x1x16xf32>,
        %swap3A_401 = vector.shape_cast %swap3A_400 : vector<1x1x16xf32> to vector<16xf32>
        %swap3A_402 = vector.shape_cast %mul3A_395 : vector<16xf32> to vector<1x1x16xf32>
        tpu.vector_store %arg6[%swap3A_397, %swap3A_398, %swap3A_399], %swap3A_402 {strides = array<i32>} : memref<4x16x1024xf32, #tpu.memory_space<vmem>>, vector<1x1x16xf32>,
        %get3A_403 = arith.constant 1 : i32
        %get3A_404 = arith.index_cast %get3A_403 : i32 to index
        %get3A_405 = arith.index_cast %scan3A_324 : i32 to index
        %get3A_406 = arith.constant 80 : index
        %get3A_407 = tpu.vector_load %arg6[%get3A_404, %get3A_405, %get3A_406] {strides = array<i32>} : memref<4x16x1024xf32, #tpu.memory_space<vmem>>, vector<1x1x16xf32>,
        %get3A_408 = vector.shape_cast %get3A_407 : vector<1x1x16xf32> to vector<16xf32>
        %mul3A_409 = arith.constant 3.200000e+01 : f32
        %mul3A_410 = vector.broadcast %mul3A_409 : f32 to vector<16xf32>
        %mul3A_411 = arith.mulf %get3A_408, %mul3A_410 : vector<16xf32>
        %swap3A_412 = arith.constant 1 : i32
        %swap3A_413 = arith.index_cast %swap3A_412 : i32 to index
        %swap3A_414 = arith.index_cast %scan3A_324 : i32 to index
        %swap3A_415 = arith.constant 80 : index
        %swap3A_416 = tpu.vector_load %arg6[%swap3A_413, %swap3A_414, %swap3A_415] {strides = array<i32>} : memref<4x16x1024xf32, #tpu.memory_space<vmem>>, vector<1x1x16xf32>,
        %swap3A_417 = vector.shape_cast %swap3A_416 : vector<1x1x16xf32> to vector<16xf32>
        %swap3A_418 = vector.shape_cast %mul3A_411 : vector<16xf32> to vector<1x1x16xf32>
        tpu.vector_store %arg6[%swap3A_413, %swap3A_414, %swap3A_415], %swap3A_418 {strides = array<i32>} : memref<4x16x1024xf32, #tpu.memory_space<vmem>>, vector<1x1x16xf32>,
        %get3A_419 = arith.constant 1 : i32
        %get3A_420 = arith.index_cast %get3A_419 : i32 to index
        %get3A_421 = arith.index_cast %scan3A_324 : i32 to index
        %get3A_422 = arith.constant 96 : index
        %get3A_423 = tpu.vector_load %arg6[%get3A_420, %get3A_421, %get3A_422] {strides = array<i32>} : memref<4x16x1024xf32, #tpu.memory_space<vmem>>, vector<1x1x16xf32>,
        %get3A_424 = vector.shape_cast %get3A_423 : vector<1x1x16xf32> to vector<16xf32>
        %mul3A_425 = arith.constant 3.200000e+01 : f32
        %mul3A_426 = vector.broadcast %mul3A_425 : f32 to vector<16xf32>
        %mul3A_427 = arith.mulf %get3A_424, %mul3A_426 : vector<16xf32>
        %swap3A_428 = arith.constant 1 : i32
        %swap3A_429 = arith.index_cast %swap3A_428 : i32 to index
        %swap3A_430 = arith.index_cast %scan3A_324 : i32 to index
        %swap3A_431 = arith.constant 96 : index
        %swap3A_432 = tpu.vector_load %arg6[%swap3A_429, %swap3A_430, %swap3A_431] {strides = array<i32>} : memref<4x16x1024xf32, #tpu.memory_space<vmem>>, vector<1x1x16xf32>,
        %swap3A_433 = vector.shape_cast %swap3A_432 : vector<1x1x16xf32> to vector<16xf32>
        %swap3A_434 = vector.shape_cast %mul3A_427 : vector<16xf32> to vector<1x1x16xf32>
        tpu.vector_store %arg6[%swap3A_429, %swap3A_430, %swap3A_431], %swap3A_434 {strides = array<i32>} : memref<4x16x1024xf32, #tpu.memory_space<vmem>>, vector<1x1x16xf32>,
        %get3A_435 = arith.constant 1 : i32
        %get3A_436 = arith.index_cast %get3A_435 : i32 to index
        %get3A_437 = arith.index_cast %scan3A_324 : i32 to index
        %get3A_438 = arith.constant 112 : index
        %get3A_439 = tpu.vector_load %arg6[%get3A_436, %get3A_437, %get3A_438] {strides = array<i32>} : memref<4x16x1024xf32, #tpu.memory_space<vmem>>, vector<1x1x16xf32>,
        %get3A_440 = vector.shape_cast %get3A_439 : vector<1x1x16xf32> to vector<16xf32>
        %mul3A_441 = arith.constant 3.200000e+01 : f32
        %mul3A_442 = vector.broadcast %mul3A_441 : f32 to vector<16xf32>
        %mul3A_443 = arith.mulf %get3A_440, %mul3A_442 : vector<16xf32>
        %swap3A_444 = arith.constant 1 : i32
        %swap3A_445 = arith.index_cast %swap3A_444 : i32 to index
        %swap3A_446 = arith.index_cast %scan3A_324 : i32 to index
        %swap3A_447 = arith.constant 112 : index
        %swap3A_448 = tpu.vector_load %arg6[%swap3A_445, %swap3A_446, %swap3A_447] {strides = array<i32>} : memref<4x16x1024xf32, #tpu.memory_space<vmem>>, vector<1x1x16xf32>,
        %swap3A_449 = vector.shape_cast %swap3A_448 : vector<1x1x16xf32> to vector<16xf32>
        %swap3A_450 = vector.shape_cast %mul3A_443 : vector<16xf32> to vector<1x1x16xf32>
        tpu.vector_store %arg6[%swap3A_445, %swap3A_446, %swap3A_447], %swap3A_450 {strides = array<i32>} : memref<4x16x1024xf32, #tpu.memory_space<vmem>>, vector<1x1x16xf32>,
        %get3A_451 = arith.constant 1 : i32
        %get3A_452 = arith.index_cast %get3A_451 : i32 to index
        %get3A_453 = arith.index_cast %scan3A_324 : i32 to index
        %get3A_454 = arith.constant 128 : index
        %get3A_455 = tpu.vector_load %arg6[%get3A_452, %get3A_453, %get3A_454] {strides = array<i32>} : memref<4x16x1024xf32, #tpu.memory_space<vmem>>, vector<1x1x16xf32>,
        %get3A_456 = vector.shape_cast %get3A_455 : vector<1x1x16xf32> to vector<16xf32>
        %mul3A_457 = arith.constant 3.200000e+01 : f32
        %mul3A_458 = vector.broadcast %mul3A_457 : f32 to vector<16xf32>
        %mul3A_459 = arith.mulf %get3A_456, %mul3A_458 : vector<16xf32>
        %swap3A_460 = arith.constant 1 : i32
        %swap3A_461 = arith.index_cast %swap3A_460 : i32 to index
        %swap3A_462 = arith.index_cast %scan3A_324 : i32 to index
        %swap3A_463 = arith.constant 128 : index
        %swap3A_464 = tpu.vector_load %arg6[%swap3A_461, %swap3A_462, %swap3A_463] {strides = array<i32>} : memref<4x16x1024xf32, #tpu.memory_space<vmem>>, vector<1x1x16xf32>,
        %swap3A_465 = vector.shape_cast %swap3A_464 : vector<1x1x16xf32> to vector<16xf32>
        %swap3A_466 = vector.shape_cast %mul3A_459 : vector<16xf32> to vector<1x1x16xf32>
        tpu.vector_store %arg6[%swap3A_461, %swap3A_462, %swap3A_463], %swap3A_466 {strides = array<i32>} : memref<4x16x1024xf32, #tpu.memory_space<vmem>>, vector<1x1x16xf32>,
        %get3A_467 = arith.constant 1 : i32
        %get3A_468 = arith.index_cast %get3A_467 : i32 to index
        %get3A_469 = arith.index_cast %scan3A_324 : i32 to index
        %get3A_470 = arith.constant 144 : index
        %get3A_471 = tpu.vector_load %arg6[%get3A_468, %get3A_469, %get3A_470] {strides = array<i32>} : memref<4x16x1024xf32, #tpu.memory_space<vmem>>, vector<1x1x16xf32>,
        %get3A_472 = vector.shape_cast %get3A_471 : vector<1x1x16xf32> to vector<16xf32>
        %mul3A_473 = arith.constant 3.200000e+01 : f32
        %mul3A_474 = vector.broadcast %mul3A_473 : f32 to vector<16xf32>
        %mul3A_475 = arith.mulf %get3A_472, %mul3A_474 : vector<16xf32>
        %swap3A_476 = arith.constant 1 : i32
        %swap3A_477 = arith.index_cast %swap3A_476 : i32 to index
        %swap3A_478 = arith.index_cast %scan3A_324 : i32 to index
        %swap3A_479 = arith.constant 144 : index
        %swap3A_480 = tpu.vector_load %arg6[%swap3A_477, %swap3A_478, %swap3A_479] {strides = array<i32>} : memref<4x16x1024xf32, #tpu.memory_space<vmem>>, vector<1x1x16xf32>,
        %swap3A_481 = vector.shape_cast %swap3A_480 : vector<1x1x16xf32> to vector<16xf32>
        %swap3A_482 = vector.shape_cast %mul3A_475 : vector<16xf32> to vector<1x1x16xf32>
        tpu.vector_store %arg6[%swap3A_477, %swap3A_478, %swap3A_479], %swap3A_482 {strides = array<i32>} : memref<4x16x1024xf32, #tpu.memory_space<vmem>>, vector<1x1x16xf32>,
        %get3A_483 = arith.constant 1 : i32
        %get3A_484 = arith.index_cast %get3A_483 : i32 to index
        %get3A_485 = arith.index_cast %scan3A_324 : i32 to index
        %get3A_486 = arith.constant 160 : index
        %get3A_487 = tpu.vector_load %arg6[%get3A_484, %get3A_485, %get3A_486] {strides = array<i32>} : memref<4x16x1024xf32, #tpu.memory_space<vmem>>, vector<1x1x16xf32>,
        %get3A_488 = vector.shape_cast %get3A_487 : vector<1x1x16xf32> to vector<16xf32>
        %mul3A_489 = arith.constant 3.200000e+01 : f32
        %mul3A_490 = vector.broadcast %mul3A_489 : f32 to vector<16xf32>
        %mul3A_491 = arith.mulf %get3A_488, %mul3A_490 : vector<16xf32>
        %swap3A_492 = arith.constant 1 : i32
        %swap3A_493 = arith.index_cast %swap3A_492 : i32 to index
        %swap3A_494 = arith.index_cast %scan3A_324 : i32 to index
        %swap3A_495 = arith.constant 160 : index
        %swap3A_496 = tpu.vector_load %arg6[%swap3A_493, %swap3A_494, %swap3A_495] {strides = array<i32>} : memref<4x16x1024xf32, #tpu.memory_space<vmem>>, vector<1x1x16xf32>,
        %swap3A_497 = vector.shape_cast %swap3A_496 : vector<1x1x16xf32> to vector<16xf32>
        %swap3A_498 = vector.shape_cast %mul3A_491 : vector<16xf32> to vector<1x1x16xf32>
        tpu.vector_store %arg6[%swap3A_493, %swap3A_494, %swap3A_495], %swap3A_498 {strides = array<i32>} : memref<4x16x1024xf32, #tpu.memory_space<vmem>>, vector<1x1x16xf32>,
        %get3A_499 = arith.constant 1 : i32
        %get3A_500 = arith.index_cast %get3A_499 : i32 to index
        %get3A_501 = arith.index_cast %scan3A_324 : i32 to index
        %get3A_502 = arith.constant 176 : index
        %get3A_503 = tpu.vector_load %arg6[%get3A_500, %get3A_501, %get3A_502] {strides = array<i32>} : memref<4x16x1024xf32, #tpu.memory_space<vmem>>, vector<1x1x16xf32>,
        %get3A_504 = vector.shape_cast %get3A_503 : vector<1x1x16xf32> to vector<16xf32>
        %mul3A_505 = arith.constant 3.200000e+01 : f32
        %mul3A_506 = vector.broadcast %mul3A_505 : f32 to vector<16xf32>
        %mul3A_507 = arith.mulf %get3A_504, %mul3A_506 : vector<16xf32>
        %swap3A_508 = arith.constant 1 : i32
        %swap3A_509 = arith.index_cast %swap3A_508 : i32 to index
        %swap3A_510 = arith.index_cast %scan3A_324 : i32 to index
        %swap3A_511 = arith.constant 176 : index
        %swap3A_512 = tpu.vector_load %arg6[%swap3A_509, %swap3A_510, %swap3A_511] {strides = array<i32>} : memref<4x16x1024xf32, #tpu.memory_space<vmem>>, vector<1x1x16xf32>,
        %swap3A_513 = vector.shape_cast %swap3A_512 : vector<1x1x16xf32> to vector<16xf32>
        %swap3A_514 = vector.shape_cast %mul3A_507 : vector<16xf32> to vector<1x1x16xf32>
        tpu.vector_store %arg6[%swap3A_509, %swap3A_510, %swap3A_511], %swap3A_514 {strides = array<i32>} : memref<4x16x1024xf32, #tpu.memory_space<vmem>>, vector<1x1x16xf32>,
        %get3A_515 = arith.constant 1 : i32
        %get3A_516 = arith.index_cast %get3A_515 : i32 to index
        %get3A_517 = arith.index_cast %scan3A_324 : i32 to index
        %get3A_518 = arith.constant 192 : index
        %get3A_519 = tpu.vector_load %arg6[%get3A_516, %get3A_517, %get3A_518] {strides = array<i32>} : memref<4x16x1024xf32, #tpu.memory_space<vmem>>, vector<1x1x16xf32>,
        %get3A_520 = vector.shape_cast %get3A_519 : vector<1x1x16xf32> to vector<16xf32>
        %mul3A_521 = arith.constant 3.200000e+01 : f32
        %mul3A_522 = vector.broadcast %mul3A_521 : f32 to vector<16xf32>
        %mul3A_523 = arith.mulf %get3A_520, %mul3A_522 : vector<16xf32>
        %swap3A_524 = arith.constant 1 : i32
        %swap3A_525 = arith.index_cast %swap3A_524 : i32 to index
        %swap3A_526 = arith.index_cast %scan3A_324 : i32 to index
        %swap3A_527 = arith.constant 192 : index
        %swap3A_528 = tpu.vector_load %arg6[%swap3A_525, %swap3A_526, %swap3A_527] {strides = array<i32>} : memref<4x16x1024xf32, #tpu.memory_space<vmem>>, vector<1x1x16xf32>,
        %swap3A_529 = vector.shape_cast %swap3A_528 : vector<1x1x16xf32> to vector<16xf32>
        %swap3A_530 = vector.shape_cast %mul3A_523 : vector<16xf32> to vector<1x1x16xf32>
        tpu.vector_store %arg6[%swap3A_525, %swap3A_526, %swap3A_527], %swap3A_530 {strides = array<i32>} : memref<4x16x1024xf32, #tpu.memory_space<vmem>>, vector<1x1x16xf32>,
        %get3A_531 = arith.constant 1 : i32
        %get3A_532 = arith.index_cast %get3A_531 : i32 to index
        %get3A_533 = arith.index_cast %scan3A_324 : i32 to index
        %get3A_534 = arith.constant 208 : index
        %get3A_535 = tpu.vector_load %arg6[%get3A_532, %get3A_533, %get3A_534] {strides = array<i32>} : memref<4x16x1024xf32, #tpu.memory_space<vmem>>, vector<1x1x16xf32>,
        %get3A_536 = vector.shape_cast %get3A_535 : vector<1x1x16xf32> to vector<16xf32>
        %mul3A_537 = arith.constant 3.200000e+01 : f32
        %mul3A_538 = vector.broadcast %mul3A_537 : f32 to vector<16xf32>
        %mul3A_539 = arith.mulf %get3A_536, %mul3A_538 : vector<16xf32>
        %swap3A_540 = arith.constant 1 : i32
        %swap3A_541 = arith.index_cast %swap3A_540 : i32 to index
        %swap3A_542 = arith.index_cast %scan3A_324 : i32 to index
        %swap3A_543 = arith.constant 208 : index
        %swap3A_544 = tpu.vector_load %arg6[%swap3A_541, %swap3A_542, %swap3A_543] {strides = array<i32>} : memref<4x16x1024xf32, #tpu.memory_space<vmem>>, vector<1x1x16xf32>,
        %swap3A_545 = vector.shape_cast %swap3A_544 : vector<1x1x16xf32> to vector<16xf32>
        %swap3A_546 = vector.shape_cast %mul3A_539 : vector<16xf32> to vector<1x1x16xf32>
        tpu.vector_store %arg6[%swap3A_541, %swap3A_542, %swap3A_543], %swap3A_546 {strides = array<i32>} : memref<4x16x1024xf32, #tpu.memory_space<vmem>>, vector<1x1x16xf32>,
        %get3A_547 = arith.constant 1 : i32
        %get3A_548 = arith.index_cast %get3A_547 : i32 to index
        %get3A_549 = arith.index_cast %scan3A_324 : i32 to index
        %get3A_550 = arith.constant 224 : index
        %get3A_551 = tpu.vector_load %arg6[%get3A_548, %get3A_549, %get3A_550] {strides = array<i32>} : memref<4x16x1024xf32, #tpu.memory_space<vmem>>, vector<1x1x16xf32>,
        %get3A_552 = vector.shape_cast %get3A_551 : vector<1x1x16xf32> to vector<16xf32>
        %mul3A_553 = arith.constant 3.200000e+01 : f32
        %mul3A_554 = vector.broadcast %mul3A_553 : f32 to vector<16xf32>
        %mul3A_555 = arith.mulf %get3A_552, %mul3A_554 : vector<16xf32>
        %swap3A_556 = arith.constant 1 : i32
        %swap3A_557 = arith.index_cast %swap3A_556 : i32 to index
        %swap3A_558 = arith.index_cast %scan3A_324 : i32 to index
        %swap3A_559 = arith.constant 224 : index
        %swap3A_560 = tpu.vector_load %arg6[%swap3A_557, %swap3A_558, %swap3A_559] {strides = array<i32>} : memref<4x16x1024xf32, #tpu.memory_space<vmem>>, vector<1x1x16xf32>,
        %swap3A_561 = vector.shape_cast %swap3A_560 : vector<1x1x16xf32> to vector<16xf32>
        %swap3A_562 = vector.shape_cast %mul3A_555 : vector<16xf32> to vector<1x1x16xf32>
        tpu.vector_store %arg6[%swap3A_557, %swap3A_558, %swap3A_559], %swap3A_562 {strides = array<i32>} : memref<4x16x1024xf32, #tpu.memory_space<vmem>>, vector<1x1x16xf32>,
        %get3A_563 = arith.constant 1 : i32
        %get3A_564 = arith.index_cast %get3A_563 : i32 to index
        %get3A_565 = arith.index_cast %scan3A_324 : i32 to index
        %get3A_566 = arith.constant 240 : index
        %get3A_567 = tpu.vector_load %arg6[%get3A_564, %get3A_565, %get3A_566] {strides = array<i32>} : memref<4x16x1024xf32, #tpu.memory_space<vmem>>, vector<1x1x16xf32>,
        %get3A_568 = vector.shape_cast %get3A_567 : vector<1x1x16xf32> to vector<16xf32>
        %mul3A_569 = arith.constant 3.200000e+01 : f32
        %mul3A_570 = vector.broadcast %mul3A_569 : f32 to vector<16xf32>
        %mul3A_571 = arith.mulf %get3A_568, %mul3A_570 : vector<16xf32>
        %swap3A_572 = arith.constant 1 : i32
        %swap3A_573 = arith.index_cast %swap3A_572 : i32 to index
        %swap3A_574 = arith.index_cast %scan3A_324 : i32 to index
        %swap3A_575 = arith.constant 240 : index
        %swap3A_576 = tpu.vector_load %arg6[%swap3A_573, %swap3A_574, %swap3A_575] {strides = array<i32>} : memref<4x16x1024xf32, #tpu.memory_space<vmem>>, vector<1x1x16xf32>,
        %swap3A_577 = vector.shape_cast %swap3A_576 : vector<1x1x16xf32> to vector<16xf32>
        %swap3A_578 = vector.shape_cast %mul3A_571 : vector<16xf32> to vector<1x1x16xf32>
        tpu.vector_store %arg6[%swap3A_573, %swap3A_574, %swap3A_575], %swap3A_578 {strides = array<i32>} : memref<4x16x1024xf32, #tpu.memory_space<vmem>>, vector<1x1x16xf32>,
        %get3A_579 = arith.constant 1 : i32
        %get3A_580 = arith.index_cast %get3A_579 : i32 to index
        %get3A_581 = arith.index_cast %scan3A_324 : i32 to index
        %get3A_582 = arith.constant 256 : index
        %get3A_583 = tpu.vector_load %arg6[%get3A_580, %get3A_581, %get3A_582] {strides = array<i32>} : memref<4x16x1024xf32, #tpu.memory_space<vmem>>, vector<1x1x16xf32>,
        %get3A_584 = vector.shape_cast %get3A_583 : vector<1x1x16xf32> to vector<16xf32>
        %mul3A_585 = arith.constant 3.200000e+01 : f32
        %mul3A_586 = vector.broadcast %mul3A_585 : f32 to vector<16xf32>
        %mul3A_587 = arith.mulf %get3A_584, %mul3A_586 : vector<16xf32>
        %swap3A_588 = arith.constant 1 : i32
        %swap3A_589 = arith.index_cast %swap3A_588 : i32 to index
        %swap3A_590 = arith.index_cast %scan3A_324 : i32 to index
        %swap3A_591 = arith.constant 256 : index
        %swap3A_592 = tpu.vector_load %arg6[%swap3A_589, %swap3A_590, %swap3A_591] {strides = array<i32>} : memref<4x16x1024xf32, #tpu.memory_space<vmem>>, vector<1x1x16xf32>,
        %swap3A_593 = vector.shape_cast %swap3A_592 : vector<1x1x16xf32> to vector<16xf32>
        %swap3A_594 = vector.shape_cast %mul3A_587 : vector<16xf32> to vector<1x1x16xf32>
        tpu.vector_store %arg6[%swap3A_589, %swap3A_590, %swap3A_591], %swap3A_594 {strides = array<i32>} : memref<4x16x1024xf32, #tpu.memory_space<vmem>>, vector<1x1x16xf32>,
        %get3A_595 = arith.constant 1 : i32
        %get3A_596 = arith.index_cast %get3A_595 : i32 to index
        %get3A_597 = arith.index_cast %scan3A_324 : i32 to index
        %get3A_598 = arith.constant 272 : index
        %get3A_599 = tpu.vector_load %arg6[%get3A_596, %get3A_597, %get3A_598] {strides = array<i32>} : memref<4x16x1024xf32, #tpu.memory_space<vmem>>, vector<1x1x16xf32>,
        %get3A_600 = vector.shape_cast %get3A_599 : vector<1x1x16xf32> to vector<16xf32>
        %mul3A_601 = arith.constant 3.200000e+01 : f32
        %mul3A_602 = vector.broadcast %mul3A_601 : f32 to vector<16xf32>
        %mul3A_603 = arith.mulf %get3A_600, %mul3A_602 : vector<16xf32>
        %swap3A_604 = arith.constant 1 : i32
        %swap3A_605 = arith.index_cast %swap3A_604 : i32 to index
        %swap3A_606 = arith.index_cast %scan3A_324 : i32 to index
        %swap3A_607 = arith.constant 272 : index
        %swap3A_608 = tpu.vector_load %arg6[%swap3A_605, %swap3A_606, %swap3A_607] {strides = array<i32>} : memref<4x16x1024xf32, #tpu.memory_space<vmem>>, vector<1x1x16xf32>,
        %swap3A_609 = vector.shape_cast %swap3A_608 : vector<1x1x16xf32> to vector<16xf32>
        %swap3A_610 = vector.shape_cast %mul3A_603 : vector<16xf32> to vector<1x1x16xf32>
        tpu.vector_store %arg6[%swap3A_605, %swap3A_606, %swap3A_607], %swap3A_610 {strides = array<i32>} : memref<4x16x1024xf32, #tpu.memory_space<vmem>>, vector<1x1x16xf32>,
        %get3A_611 = arith.constant 1 : i32
        %get3A_612 = arith.index_cast %get3A_611 : i32 to index
        %get3A_613 = arith.index_cast %scan3A_324 : i32 to index
        %get3A_614 = arith.constant 288 : index
        %get3A_615 = tpu.vector_load %arg6[%get3A_612, %get3A_613, %get3A_614] {strides = array<i32>} : memref<4x16x1024xf32, #tpu.memory_space<vmem>>, vector<1x1x16xf32>,
        %get3A_616 = vector.shape_cast %get3A_615 : vector<1x1x16xf32> to vector<16xf32>
        %mul3A_617 = arith.constant 3.200000e+01 : f32
        %mul3A_618 = vector.broadcast %mul3A_617 : f32 to vector<16xf32>
        %mul3A_619 = arith.mulf %get3A_616, %mul3A_618 : vector<16xf32>
        %swap3A_620 = arith.constant 1 : i32
        %swap3A_621 = arith.index_cast %swap3A_620 : i32 to index
        %swap3A_622 = arith.index_cast %scan3A_324 : i32 to index
        %swap3A_623 = arith.constant 288 : index
        %swap3A_624 = tpu.vector_load %arg6[%swap3A_621, %swap3A_622, %swap3A_623] {strides = array<i32>} : memref<4x16x1024xf32, #tpu.memory_space<vmem>>, vector<1x1x16xf32>,
        %swap3A_625 = vector.shape_cast %swap3A_624 : vector<1x1x16xf32> to vector<16xf32>
        %swap3A_626 = vector.shape_cast %mul3A_619 : vector<16xf32> to vector<1x1x16xf32>
        tpu.vector_store %arg6[%swap3A_621, %swap3A_622, %swap3A_623], %swap3A_626 {strides = array<i32>} : memref<4x16x1024xf32, #tpu.memory_space<vmem>>, vector<1x1x16xf32>,
        %get3A_627 = arith.constant 1 : i32
        %get3A_628 = arith.index_cast %get3A_627 : i32 to index
        %get3A_629 = arith.index_cast %scan3A_324 : i32 to index
        %get3A_630 = arith.constant 304 : index
        %get3A_631 = tpu.vector_load %arg6[%get3A_628, %get3A_629, %get3A_630] {strides = array<i32>} : memref<4x16x1024xf32, #tpu.memory_space<vmem>>, vector<1x1x16xf32>,
        %get3A_632 = vector.shape_cast %get3A_631 : vector<1x1x16xf32> to vector<16xf32>
        %mul3A_633 = arith.constant 3.200000e+01 : f32
        %mul3A_634 = vector.broadcast %mul3A_633 : f32 to vector<16xf32>
        %mul3A_635 = arith.mulf %get3A_632, %mul3A_634 : vector<16xf32>
        %swap3A_636 = arith.constant 1 : i32
        %swap3A_637 = arith.index_cast %swap3A_636 : i32 to index
        %swap3A_638 = arith.index_cast %scan3A_324 : i32 to index
        %swap3A_639 = arith.constant 304 : index
        %swap3A_640 = tpu.vector_load %arg6[%swap3A_637, %swap3A_638, %swap3A_639] {strides = array<i32>} : memref<4x16x1024xf32, #tpu.memory_space<vmem>>, vector<1x1x16xf32>,
        %swap3A_641 = vector.shape_cast %swap3A_640 : vector<1x1x16xf32> to vector<16xf32>
        %swap3A_642 = vector.shape_cast %mul3A_635 : vector<16xf32> to vector<1x1x16xf32>
        tpu.vector_store %arg6[%swap3A_637, %swap3A_638, %swap3A_639], %swap3A_642 {strides = array<i32>} : memref<4x16x1024xf32, #tpu.memory_space<vmem>>, vector<1x1x16xf32>,
        %get3A_643 = arith.constant 1 : i32
        %get3A_644 = arith.index_cast %get3A_643 : i32 to index
        %get3A_645 = arith.index_cast %scan3A_324 : i32 to index
        %get3A_646 = arith.constant 320 : index
        %get3A_647 = tpu.vector_load %arg6[%get3A_644, %get3A_645, %get3A_646] {strides = array<i32>} : memref<4x16x1024xf32, #tpu.memory_space<vmem>>, vector<1x1x16xf32>,
        %get3A_648 = vector.shape_cast %get3A_647 : vector<1x1x16xf32> to vector<16xf32>
        %mul3A_649 = arith.constant 3.200000e+01 : f32
        %mul3A_650 = vector.broadcast %mul3A_649 : f32 to vector<16xf32>
        %mul3A_651 = arith.mulf %get3A_648, %mul3A_650 : vector<16xf32>
        %swap3A_652 = arith.constant 1 : i32
        %swap3A_653 = arith.index_cast %swap3A_652 : i32 to index
        %swap3A_654 = arith.index_cast %scan3A_324 : i32 to index
        %swap3A_655 = arith.constant 320 : index
        %swap3A_656 = tpu.vector_load %arg6[%swap3A_653, %swap3A_654, %swap3A_655] {strides = array<i32>} : memref<4x16x1024xf32, #tpu.memory_space<vmem>>, vector<1x1x16xf32>,
        %swap3A_657 = vector.shape_cast %swap3A_656 : vector<1x1x16xf32> to vector<16xf32>
        %swap3A_658 = vector.shape_cast %mul3A_651 : vector<16xf32> to vector<1x1x16xf32>
        tpu.vector_store %arg6[%swap3A_653, %swap3A_654, %swap3A_655], %swap3A_658 {strides = array<i32>} : memref<4x16x1024xf32, #tpu.memory_space<vmem>>, vector<1x1x16xf32>,
        %get3A_659 = arith.constant 1 : i32
        %get3A_660 = arith.index_cast %get3A_659 : i32 to index
        %get3A_661 = arith.index_cast %scan3A_324 : i32 to index
        %get3A_662 = arith.constant 336 : index
        %get3A_663 = tpu.vector_load %arg6[%get3A_660, %get3A_661, %get3A_662] {strides = array<i32>} : memref<4x16x1024xf32, #tpu.memory_space<vmem>>, vector<1x1x16xf32>,
        %get3A_664 = vector.shape_cast %get3A_663 : vector<1x1x16xf32> to vector<16xf32>
        %mul3A_665 = arith.constant 3.200000e+01 : f32
        %mul3A_666 = vector.broadcast %mul3A_665 : f32 to vector<16xf32>
        %mul3A_667 = arith.mulf %get3A_664, %mul3A_666 : vector<16xf32>
        %swap3A_668 = arith.constant 1 : i32
        %swap3A_669 = arith.index_cast %swap3A_668 : i32 to index
        %swap3A_670 = arith.index_cast %scan3A_324 : i32 to index
        %swap3A_671 = arith.constant 336 : index
        %swap3A_672 = tpu.vector_load %arg6[%swap3A_669, %swap3A_670, %swap3A_671] {strides = array<i32>} : memref<4x16x1024xf32, #tpu.memory_space<vmem>>, vector<1x1x16xf32>,
        %swap3A_673 = vector.shape_cast %swap3A_672 : vector<1x1x16xf32> to vector<16xf32>
        %swap3A_674 = vector.shape_cast %mul3A_667 : vector<16xf32> to vector<1x1x16xf32>
        tpu.vector_store %arg6[%swap3A_669, %swap3A_670, %swap3A_671], %swap3A_674 {strides = array<i32>} : memref<4x16x1024xf32, #tpu.memory_space<vmem>>, vector<1x1x16xf32>,
        %get3A_675 = arith.constant 1 : i32
        %get3A_676 = arith.index_cast %get3A_675 : i32 to index
        %get3A_677 = arith.index_cast %scan3A_324 : i32 to index
        %get3A_678 = arith.constant 352 : index
        %get3A_679 = tpu.vector_load %arg6[%get3A_676, %get3A_677, %get3A_678] {strides = array<i32>} : memref<4x16x1024xf32, #tpu.memory_space<vmem>>, vector<1x1x16xf32>,
        %get3A_680 = vector.shape_cast %get3A_679 : vector<1x1x16xf32> to vector<16xf32>
        %mul3A_681 = arith.constant 3.200000e+01 : f32
        %mul3A_682 = vector.broadcast %mul3A_681 : f32 to vector<16xf32>
        %mul3A_683 = arith.mulf %get3A_680, %mul3A_682 : vector<16xf32>
        %swap3A_684 = arith.constant 1 : i32
        %swap3A_685 = arith.index_cast %swap3A_684 : i32 to index
        %swap3A_686 = arith.index_cast %scan3A_324 : i32 to index
        %swap3A_687 = arith.constant 352 : index
        %swap3A_688 = tpu.vector_load %arg6[%swap3A_685, %swap3A_686, %swap3A_687] {strides = array<i32>} : memref<4x16x1024xf32, #tpu.memory_space<vmem>>, vector<1x1x16xf32>,
        %swap3A_689 = vector.shape_cast %swap3A_688 : vector<1x1x16xf32> to vector<16xf32>
        %swap3A_690 = vector.shape_cast %mul3A_683 : vector<16xf32> to vector<1x1x16xf32>
        tpu.vector_store %arg6[%swap3A_685, %swap3A_686, %swap3A_687], %swap3A_690 {strides = array<i32>} : memref<4x16x1024xf32, #tpu.memory_space<vmem>>, vector<1x1x16xf32>,
        %get3A_691 = arith.constant 1 : i32
        %get3A_692 = arith.index_cast %get3A_691 : i32 to index
        %get3A_693 = arith.index_cast %scan3A_324 : i32 to index
        %get3A_694 = arith.constant 368 : index
        %get3A_695 = tpu.vector_load %arg6[%get3A_692, %get3A_693, %get3A_694] {strides = array<i32>} : memref<4x16x1024xf32, #tpu.memory_space<vmem>>, vector<1x1x16xf32>,
        %get3A_696 = vector.shape_cast %get3A_695 : vector<1x1x16xf32> to vector<16xf32>
        %mul3A_697 = arith.constant 3.200000e+01 : f32
        %mul3A_698 = vector.broadcast %mul3A_697 : f32 to vector<16xf32>
        %mul3A_699 = arith.mulf %get3A_696, %mul3A_698 : vector<16xf32>
        %swap3A_700 = arith.constant 1 : i32
        %swap3A_701 = arith.index_cast %swap3A_700 : i32 to index
        %swap3A_702 = arith.index_cast %scan3A_324 : i32 to index
        %swap3A_703 = arith.constant 368 : index
        %swap3A_704 = tpu.vector_load %arg6[%swap3A_701, %swap3A_702, %swap3A_703] {strides = array<i32>} : memref<4x16x1024xf32, #tpu.memory_space<vmem>>, vector<1x1x16xf32>,
        %swap3A_705 = vector.shape_cast %swap3A_704 : vector<1x1x16xf32> to vector<16xf32>
        %swap3A_706 = vector.shape_cast %mul3A_699 : vector<16xf32> to vector<1x1x16xf32>
        tpu.vector_store %arg6[%swap3A_701, %swap3A_702, %swap3A_703], %swap3A_706 {strides = array<i32>} : memref<4x16x1024xf32, #tpu.memory_space<vmem>>, vector<1x1x16xf32>,
        %get3A_707 = arith.constant 1 : i32
        %get3A_708 = arith.index_cast %get3A_707 : i32 to index
        %get3A_709 = arith.index_cast %scan3A_324 : i32 to index
        %get3A_710 = arith.constant 384 : index
        %get3A_711 = tpu.vector_load %arg6[%get3A_708, %get3A_709, %get3A_710] {strides = array<i32>} : memref<4x16x1024xf32, #tpu.memory_space<vmem>>, vector<1x1x16xf32>,
        %get3A_712 = vector.shape_cast %get3A_711 : vector<1x1x16xf32> to vector<16xf32>
        %mul3A_713 = arith.constant 3.200000e+01 : f32
        %mul3A_714 = vector.broadcast %mul3A_713 : f32 to vector<16xf32>
        %mul3A_715 = arith.mulf %get3A_712, %mul3A_714 : vector<16xf32>
        %swap3A_716 = arith.constant 1 : i32
        %swap3A_717 = arith.index_cast %swap3A_716 : i32 to index
        %swap3A_718 = arith.index_cast %scan3A_324 : i32 to index
        %swap3A_719 = arith.constant 384 : index
        %swap3A_720 = tpu.vector_load %arg6[%swap3A_717, %swap3A_718, %swap3A_719] {strides = array<i32>} : memref<4x16x1024xf32, #tpu.memory_space<vmem>>, vector<1x1x16xf32>,
        %swap3A_721 = vector.shape_cast %swap3A_720 : vector<1x1x16xf32> to vector<16xf32>
        %swap3A_722 = vector.shape_cast %mul3A_715 : vector<16xf32> to vector<1x1x16xf32>
        tpu.vector_store %arg6[%swap3A_717, %swap3A_718, %swap3A_719], %swap3A_722 {strides = array<i32>} : memref<4x16x1024xf32, #tpu.memory_space<vmem>>, vector<1x1x16xf32>,
        %get3A_723 = arith.constant 1 : i32
        %get3A_724 = arith.index_cast %get3A_723 : i32 to index
        %get3A_725 = arith.index_cast %scan3A_324 : i32 to index
        %get3A_726 = arith.constant 400 : index
        %get3A_727 = tpu.vector_load %arg6[%get3A_724, %get3A_725, %get3A_726] {strides = array<i32>} : memref<4x16x1024xf32, #tpu.memory_space<vmem>>, vector<1x1x16xf32>,
        %get3A_728 = vector.shape_cast %get3A_727 : vector<1x1x16xf32> to vector<16xf32>
        %mul3A_729 = arith.constant 3.200000e+01 : f32
        %mul3A_730 = vector.broadcast %mul3A_729 : f32 to vector<16xf32>
        %mul3A_731 = arith.mulf %get3A_728, %mul3A_730 : vector<16xf32>
        %swap3A_732 = arith.constant 1 : i32
        %swap3A_733 = arith.index_cast %swap3A_732 : i32 to index
        %swap3A_734 = arith.index_cast %scan3A_324 : i32 to index
        %swap3A_735 = arith.constant 400 : index
        %swap3A_736 = tpu.vector_load %arg6[%swap3A_733, %swap3A_734, %swap3A_735] {strides = array<i32>} : memref<4x16x1024xf32, #tpu.memory_space<vmem>>, vector<1x1x16xf32>,
        %swap3A_737 = vector.shape_cast %swap3A_736 : vector<1x1x16xf32> to vector<16xf32>
        %swap3A_738 = vector.shape_cast %mul3A_731 : vector<16xf32> to vector<1x1x16xf32>
        tpu.vector_store %arg6[%swap3A_733, %swap3A_734, %swap3A_735], %swap3A_738 {strides = array<i32>} : memref<4x16x1024xf32, #tpu.memory_space<vmem>>, vector<1x1x16xf32>,
        %get3A_739 = arith.constant 1 : i32
        %get3A_740 = arith.index_cast %get3A_739 : i32 to index
        %get3A_741 = arith.index_cast %scan3A_324 : i32 to index
        %get3A_742 = arith.constant 416 : index
        %get3A_743 = tpu.vector_load %arg6[%get3A_740, %get3A_741, %get3A_742] {strides = array<i32>} : memref<4x16x1024xf32, #tpu.memory_space<vmem>>, vector<1x1x16xf32>,
        %get3A_744 = vector.shape_cast %get3A_743 : vector<1x1x16xf32> to vector<16xf32>
        %mul3A_745 = arith.constant 3.200000e+01 : f32
        %mul3A_746 = vector.broadcast %mul3A_745 : f32 to vector<16xf32>
        %mul3A_747 = arith.mulf %get3A_744, %mul3A_746 : vector<16xf32>
        %swap3A_748 = arith.constant 1 : i32
        %swap3A_749 = arith.index_cast %swap3A_748 : i32 to index
        %swap3A_750 = arith.index_cast %scan3A_324 : i32 to index
        %swap3A_751 = arith.constant 416 : index
        %swap3A_752 = tpu.vector_load %arg6[%swap3A_749, %swap3A_750, %swap3A_751] {strides = array<i32>} : memref<4x16x1024xf32, #tpu.memory_space<vmem>>, vector<1x1x16xf32>,
        %swap3A_753 = vector.shape_cast %swap3A_752 : vector<1x1x16xf32> to vector<16xf32>
        %swap3A_754 = vector.shape_cast %mul3A_747 : vector<16xf32> to vector<1x1x16xf32>
        tpu.vector_store %arg6[%swap3A_749, %swap3A_750, %swap3A_751], %swap3A_754 {strides = array<i32>} : memref<4x16x1024xf32, #tpu.memory_space<vmem>>, vector<1x1x16xf32>,
        %get3A_755 = arith.constant 1 : i32
        %get3A_756 = arith.index_cast %get3A_755 : i32 to index
        %get3A_757 = arith.index_cast %scan3A_324 : i32 to index
        %get3A_758 = arith.constant 432 : index
        %get3A_759 = tpu.vector_load %arg6[%get3A_756, %get3A_757, %get3A_758] {strides = array<i32>} : memref<4x16x1024xf32, #tpu.memory_space<vmem>>, vector<1x1x16xf32>,
        %get3A_760 = vector.shape_cast %get3A_759 : vector<1x1x16xf32> to vector<16xf32>
        %mul3A_761 = arith.constant 3.200000e+01 : f32
        %mul3A_762 = vector.broadcast %mul3A_761 : f32 to vector<16xf32>
        %mul3A_763 = arith.mulf %get3A_760, %mul3A_762 : vector<16xf32>
        %swap3A_764 = arith.constant 1 : i32
        %swap3A_765 = arith.index_cast %swap3A_764 : i32 to index
        %swap3A_766 = arith.index_cast %scan3A_324 : i32 to index
        %swap3A_767 = arith.constant 432 : index
        %swap3A_768 = tpu.vector_load %arg6[%swap3A_765, %swap3A_766, %swap3A_767] {strides = array<i32>} : memref<4x16x1024xf32, #tpu.memory_space<vmem>>, vector<1x1x16xf32>,
        %swap3A_769 = vector.shape_cast %swap3A_768 : vector<1x1x16xf32> to vector<16xf32>
        %swap3A_770 = vector.shape_cast %mul3A_763 : vector<16xf32> to vector<1x1x16xf32>
        tpu.vector_store %arg6[%swap3A_765, %swap3A_766, %swap3A_767], %swap3A_770 {strides = array<i32>} : memref<4x16x1024xf32, #tpu.memory_space<vmem>>, vector<1x1x16xf32>,
        %get3A_771 = arith.constant 1 : i32
        %get3A_772 = arith.index_cast %get3A_771 : i32 to index
        %get3A_773 = arith.index_cast %scan3A_324 : i32 to index
        %get3A_774 = arith.constant 448 : index
        %get3A_775 = tpu.vector_load %arg6[%get3A_772, %get3A_773, %get3A_774] {strides = array<i32>} : memref<4x16x1024xf32, #tpu.memory_space<vmem>>, vector<1x1x16xf32>,
        %get3A_776 = vector.shape_cast %get3A_775 : vector<1x1x16xf32> to vector<16xf32>
        %mul3A_777 = arith.constant 3.200000e+01 : f32
        %mul3A_778 = vector.broadcast %mul3A_777 : f32 to vector<16xf32>
        %mul3A_779 = arith.mulf %get3A_776, %mul3A_778 : vector<16xf32>
        %swap3A_780 = arith.constant 1 : i32
        %swap3A_781 = arith.index_cast %swap3A_780 : i32 to index
        %swap3A_782 = arith.index_cast %scan3A_324 : i32 to index
        %swap3A_783 = arith.constant 448 : index
        %swap3A_784 = tpu.vector_load %arg6[%swap3A_781, %swap3A_782, %swap3A_783] {strides = array<i32>} : memref<4x16x1024xf32, #tpu.memory_space<vmem>>, vector<1x1x16xf32>,
        %swap3A_785 = vector.shape_cast %swap3A_784 : vector<1x1x16xf32> to vector<16xf32>
        %swap3A_786 = vector.shape_cast %mul3A_779 : vector<16xf32> to vector<1x1x16xf32>
        tpu.vector_store %arg6[%swap3A_781, %swap3A_782, %swap3A_783], %swap3A_786 {strides = array<i32>} : memref<4x16x1024xf32, #tpu.memory_space<vmem>>, vector<1x1x16xf32>,
        %get3A_787 = arith.constant 1 : i32
        %get3A_788 = arith.index_cast %get3A_787 : i32 to index
        %get3A_789 = arith.index_cast %scan3A_324 : i32 to index
        %get3A_790 = arith.constant 464 : index
        %get3A_791 = tpu.vector_load %arg6[%get3A_788, %get3A_789, %get3A_790] {strides = array<i32>} : memref<4x16x1024xf32, #tpu.memory_space<vmem>>, vector<1x1x16xf32>,
        %get3A_792 = vector.shape_cast %get3A_791 : vector<1x1x16xf32> to vector<16xf32>
        %mul3A_793 = arith.constant 3.200000e+01 : f32
        %mul3A_794 = vector.broadcast %mul3A_793 : f32 to vector<16xf32>
        %mul3A_795 = arith.mulf %get3A_792, %mul3A_794 : vector<16xf32>
        %swap3A_796 = arith.constant 1 : i32
        %swap3A_797 = arith.index_cast %swap3A_796 : i32 to index
        %swap3A_798 = arith.index_cast %scan3A_324 : i32 to index
        %swap3A_799 = arith.constant 464 : index
        %swap3A_800 = tpu.vector_load %arg6[%swap3A_797, %swap3A_798, %swap3A_799] {strides = array<i32>} : memref<4x16x1024xf32, #tpu.memory_space<vmem>>, vector<1x1x16xf32>,
        %swap3A_801 = vector.shape_cast %swap3A_800 : vector<1x1x16xf32> to vector<16xf32>
        %swap3A_802 = vector.shape_cast %mul3A_795 : vector<16xf32> to vector<1x1x16xf32>
        tpu.vector_store %arg6[%swap3A_797, %swap3A_798, %swap3A_799], %swap3A_802 {strides = array<i32>} : memref<4x16x1024xf32, #tpu.memory_space<vmem>>, vector<1x1x16xf32>,
        %get3A_803 = arith.constant 1 : i32
        %get3A_804 = arith.index_cast %get3A_803 : i32 to index
        %get3A_805 = arith.index_cast %scan3A_324 : i32 to index
        %get3A_806 = arith.constant 480 : index
        %get3A_807 = tpu.vector_load %arg6[%get3A_804, %get3A_805, %get3A_806] {strides = array<i32>} : memref<4x16x1024xf32, #tpu.memory_space<vmem>>, vector<1x1x16xf32>,
        %get3A_808 = vector.shape_cast %get3A_807 : vector<1x1x16xf32> to vector<16xf32>
        %mul3A_809 = arith.constant 3.200000e+01 : f32
        %mul3A_810 = vector.broadcast %mul3A_809 : f32 to vector<16xf32>
        %mul3A_811 = arith.mulf %get3A_808, %mul3A_810 : vector<16xf32>
        %swap3A_812 = arith.constant 1 : i32
        %swap3A_813 = arith.index_cast %swap3A_812 : i32 to index
        %swap3A_814 = arith.index_cast %scan3A_324 : i32 to index
        %swap3A_815 = arith.constant 480 : index
        %swap3A_816 = tpu.vector_load %arg6[%swap3A_813, %swap3A_814, %swap3A_815] {strides = array<i32>} : memref<4x16x1024xf32, #tpu.memory_space<vmem>>, vector<1x1x16xf32>,
        %swap3A_817 = vector.shape_cast %swap3A_816 : vector<1x1x16xf32> to vector<16xf32>
        %swap3A_818 = vector.shape_cast %mul3A_811 : vector<16xf32> to vector<1x1x16xf32>
        tpu.vector_store %arg6[%swap3A_813, %swap3A_814, %swap3A_815], %swap3A_818 {strides = array<i32>} : memref<4x16x1024xf32, #tpu.memory_space<vmem>>, vector<1x1x16xf32>,
        %get3A_819 = arith.constant 1 : i32
        %get3A_820 = arith.index_cast %get3A_819 : i32 to index
        %get3A_821 = arith.index_cast %scan3A_324 : i32 to index
        %get3A_822 = arith.constant 496 : index
        %get3A_823 = tpu.vector_load %arg6[%get3A_820, %get3A_821, %get3A_822] {strides = array<i32>} : memref<4x16x1024xf32, #tpu.memory_space<vmem>>, vector<1x1x16xf32>,
        %get3A_824 = vector.shape_cast %get3A_823 : vector<1x1x16xf32> to vector<16xf32>
        %mul3A_825 = arith.constant 3.200000e+01 : f32
        %mul3A_826 = vector.broadcast %mul3A_825 : f32 to vector<16xf32>
        %mul3A_827 = arith.mulf %get3A_824, %mul3A_826 : vector<16xf32>
        %swap3A_828 = arith.constant 1 : i32
        %swap3A_829 = arith.index_cast %swap3A_828 : i32 to index
        %swap3A_830 = arith.index_cast %scan3A_324 : i32 to index
        %swap3A_831 = arith.constant 496 : index
        %swap3A_832 = tpu.vector_load %arg6[%swap3A_829, %swap3A_830, %swap3A_831] {strides = array<i32>} : memref<4x16x1024xf32, #tpu.memory_space<vmem>>, vector<1x1x16xf32>,
        %swap3A_833 = vector.shape_cast %swap3A_832 : vector<1x1x16xf32> to vector<16xf32>
        %swap3A_834 = vector.shape_cast %mul3A_827 : vector<16xf32> to vector<1x1x16xf32>
        tpu.vector_store %arg6[%swap3A_829, %swap3A_830, %swap3A_831], %swap3A_834 {strides = array<i32>} : memref<4x16x1024xf32, #tpu.memory_space<vmem>>, vector<1x1x16xf32>,
        %get3A_835 = arith.constant 1 : i32
        %get3A_836 = arith.index_cast %get3A_835 : i32 to index
        %get3A_837 = arith.index_cast %scan3A_324 : i32 to index
        %get3A_838 = arith.constant 512 : index
        %get3A_839 = tpu.vector_load %arg6[%get3A_836, %get3A_837, %get3A_838] {strides = array<i32>} : memref<4x16x1024xf32, #tpu.memory_space<vmem>>, vector<1x1x16xf32>,
        %get3A_840 = vector.shape_cast %get3A_839 : vector<1x1x16xf32> to vector<16xf32>
        %mul3A_841 = arith.constant 3.200000e+01 : f32
        %mul3A_842 = vector.broadcast %mul3A_841 : f32 to vector<16xf32>
        %mul3A_843 = arith.mulf %get3A_840, %mul3A_842 : vector<16xf32>
        %swap3A_844 = arith.constant 1 : i32
        %swap3A_845 = arith.index_cast %swap3A_844 : i32 to index
        %swap3A_846 = arith.index_cast %scan3A_324 : i32 to index
        %swap3A_847 = arith.constant 512 : index
        %swap3A_848 = tpu.vector_load %arg6[%swap3A_845, %swap3A_846, %swap3A_847] {strides = array<i32>} : memref<4x16x1024xf32, #tpu.memory_space<vmem>>, vector<1x1x16xf32>,
        %swap3A_849 = vector.shape_cast %swap3A_848 : vector<1x1x16xf32> to vector<16xf32>
        %swap3A_850 = vector.shape_cast %mul3A_843 : vector<16xf32> to vector<1x1x16xf32>
        tpu.vector_store %arg6[%swap3A_845, %swap3A_846, %swap3A_847], %swap3A_850 {strides = array<i32>} : memref<4x16x1024xf32, #tpu.memory_space<vmem>>, vector<1x1x16xf32>,
        %get3A_851 = arith.constant 1 : i32
        %get3A_852 = arith.index_cast %get3A_851 : i32 to index
        %get3A_853 = arith.index_cast %scan3A_324 : i32 to index
        %get3A_854 = arith.constant 528 : index
        %get3A_855 = tpu.vector_load %arg6[%get3A_852, %get3A_853, %get3A_854] {strides = array<i32>} : memref<4x16x1024xf32, #tpu.memory_space<vmem>>, vector<1x1x16xf32>,
        %get3A_856 = vector.shape_cast %get3A_855 : vector<1x1x16xf32> to vector<16xf32>
        %mul3A_857 = arith.constant 3.200000e+01 : f32
        %mul3A_858 = vector.broadcast %mul3A_857 : f32 to vector<16xf32>
        %mul3A_859 = arith.mulf %get3A_856, %mul3A_858 : vector<16xf32>
        %swap3A_860 = arith.constant 1 : i32
        %swap3A_861 = arith.index_cast %swap3A_860 : i32 to index
        %swap3A_862 = arith.index_cast %scan3A_324 : i32 to index
        %swap3A_863 = arith.constant 528 : index
        %swap3A_864 = tpu.vector_load %arg6[%swap3A_861, %swap3A_862, %swap3A_863] {strides = array<i32>} : memref<4x16x1024xf32, #tpu.memory_space<vmem>>, vector<1x1x16xf32>,
        %swap3A_865 = vector.shape_cast %swap3A_864 : vector<1x1x16xf32> to vector<16xf32>
        %swap3A_866 = vector.shape_cast %mul3A_859 : vector<16xf32> to vector<1x1x16xf32>
        tpu.vector_store %arg6[%swap3A_861, %swap3A_862, %swap3A_863], %swap3A_866 {strides = array<i32>} : memref<4x16x1024xf32, #tpu.memory_space<vmem>>, vector<1x1x16xf32>,
        %get3A_867 = arith.constant 1 : i32
        %get3A_868 = arith.index_cast %get3A_867 : i32 to index
        %get3A_869 = arith.index_cast %scan3A_324 : i32 to index
        %get3A_870 = arith.constant 544 : index
        %get3A_871 = tpu.vector_load %arg6[%get3A_868, %get3A_869, %get3A_870] {strides = array<i32>} : memref<4x16x1024xf32, #tpu.memory_space<vmem>>, vector<1x1x16xf32>,
        %get3A_872 = vector.shape_cast %get3A_871 : vector<1x1x16xf32> to vector<16xf32>
        %mul3A_873 = arith.constant 3.200000e+01 : f32
        %mul3A_874 = vector.broadcast %mul3A_873 : f32 to vector<16xf32>
        %mul3A_875 = arith.mulf %get3A_872, %mul3A_874 : vector<16xf32>
        %swap3A_876 = arith.constant 1 : i32
        %swap3A_877 = arith.index_cast %swap3A_876 : i32 to index
        %swap3A_878 = arith.index_cast %scan3A_324 : i32 to index
        %swap3A_879 = arith.constant 544 : index
        %swap3A_880 = tpu.vector_load %arg6[%swap3A_877, %swap3A_878, %swap3A_879] {strides = array<i32>} : memref<4x16x1024xf32, #tpu.memory_space<vmem>>, vector<1x1x16xf32>,
        %swap3A_881 = vector.shape_cast %swap3A_880 : vector<1x1x16xf32> to vector<16xf32>
        %swap3A_882 = vector.shape_cast %mul3A_875 : vector<16xf32> to vector<1x1x16xf32>
        tpu.vector_store %arg6[%swap3A_877, %swap3A_878, %swap3A_879], %swap3A_882 {strides = array<i32>} : memref<4x16x1024xf32, #tpu.memory_space<vmem>>, vector<1x1x16xf32>,
        %get3A_883 = arith.constant 1 : i32
        %get3A_884 = arith.index_cast %get3A_883 : i32 to index
        %get3A_885 = arith.index_cast %scan3A_324 : i32 to index
        %get3A_886 = arith.constant 560 : index
        %get3A_887 = tpu.vector_load %arg6[%get3A_884, %get3A_885, %get3A_886] {strides = array<i32>} : memref<4x16x1024xf32, #tpu.memory_space<vmem>>, vector<1x1x16xf32>,
        %get3A_888 = vector.shape_cast %get3A_887 : vector<1x1x16xf32> to vector<16xf32>
        %mul3A_889 = arith.constant 3.200000e+01 : f32
        %mul3A_890 = vector.broadcast %mul3A_889 : f32 to vector<16xf32>
        %mul3A_891 = arith.mulf %get3A_888, %mul3A_890 : vector<16xf32>
        %swap3A_892 = arith.constant 1 : i32
        %swap3A_893 = arith.index_cast %swap3A_892 : i32 to index
        %swap3A_894 = arith.index_cast %scan3A_324 : i32 to index
        %swap3A_895 = arith.constant 560 : index
        %swap3A_896 = tpu.vector_load %arg6[%swap3A_893, %swap3A_894, %swap3A_895] {strides = array<i32>} : memref<4x16x1024xf32, #tpu.memory_space<vmem>>, vector<1x1x16xf32>,
        %swap3A_897 = vector.shape_cast %swap3A_896 : vector<1x1x16xf32> to vector<16xf32>
        %swap3A_898 = vector.shape_cast %mul3A_891 : vector<16xf32> to vector<1x1x16xf32>
        tpu.vector_store %arg6[%swap3A_893, %swap3A_894, %swap3A_895], %swap3A_898 {strides = array<i32>} : memref<4x16x1024xf32, #tpu.memory_space<vmem>>, vector<1x1x16xf32>,
        %get3A_899 = arith.constant 1 : i32
        %get3A_900 = arith.index_cast %get3A_899 : i32 to index
        %get3A_901 = arith.index_cast %scan3A_324 : i32 to index
        %get3A_902 = arith.constant 576 : index
        %get3A_903 = tpu.vector_load %arg6[%get3A_900, %get3A_901, %get3A_902] {strides = array<i32>} : memref<4x16x1024xf32, #tpu.memory_space<vmem>>, vector<1x1x16xf32>,
        %get3A_904 = vector.shape_cast %get3A_903 : vector<1x1x16xf32> to vector<16xf32>
        %mul3A_905 = arith.constant 3.200000e+01 : f32
        %mul3A_906 = vector.broadcast %mul3A_905 : f32 to vector<16xf32>
        %mul3A_907 = arith.mulf %get3A_904, %mul3A_906 : vector<16xf32>
        %swap3A_908 = arith.constant 1 : i32
        %swap3A_909 = arith.index_cast %swap3A_908 : i32 to index
        %swap3A_910 = arith.index_cast %scan3A_324 : i32 to index
        %swap3A_911 = arith.constant 576 : index
        %swap3A_912 = tpu.vector_load %arg6[%swap3A_909, %swap3A_910, %swap3A_911] {strides = array<i32>} : memref<4x16x1024xf32, #tpu.memory_space<vmem>>, vector<1x1x16xf32>,
        %swap3A_913 = vector.shape_cast %swap3A_912 : vector<1x1x16xf32> to vector<16xf32>
        %swap3A_914 = vector.shape_cast %mul3A_907 : vector<16xf32> to vector<1x1x16xf32>
        tpu.vector_store %arg6[%swap3A_909, %swap3A_910, %swap3A_911], %swap3A_914 {strides = array<i32>} : memref<4x16x1024xf32, #tpu.memory_space<vmem>>, vector<1x1x16xf32>,
        %get3A_915 = arith.constant 1 : i32
        %get3A_916 = arith.index_cast %get3A_915 : i32 to index
        %get3A_917 = arith.index_cast %scan3A_324 : i32 to index
        %get3A_918 = arith.constant 592 : index
        %get3A_919 = tpu.vector_load %arg6[%get3A_916, %get3A_917, %get3A_918] {strides = array<i32>} : memref<4x16x1024xf32, #tpu.memory_space<vmem>>, vector<1x1x16xf32>,
        %get3A_920 = vector.shape_cast %get3A_919 : vector<1x1x16xf32> to vector<16xf32>
        %mul3A_921 = arith.constant 3.200000e+01 : f32
        %mul3A_922 = vector.broadcast %mul3A_921 : f32 to vector<16xf32>
        %mul3A_923 = arith.mulf %get3A_920, %mul3A_922 : vector<16xf32>
        %swap3A_924 = arith.constant 1 : i32
        %swap3A_925 = arith.index_cast %swap3A_924 : i32 to index
        %swap3A_926 = arith.index_cast %scan3A_324 : i32 to index
        %swap3A_927 = arith.constant 592 : index
        %swap3A_928 = tpu.vector_load %arg6[%swap3A_925, %swap3A_926, %swap3A_927] {strides = array<i32>} : memref<4x16x1024xf32, #tpu.memory_space<vmem>>, vector<1x1x16xf32>,
        %swap3A_929 = vector.shape_cast %swap3A_928 : vector<1x1x16xf32> to vector<16xf32>
        %swap3A_930 = vector.shape_cast %mul3A_923 : vector<16xf32> to vector<1x1x16xf32>
        tpu.vector_store %arg6[%swap3A_925, %swap3A_926, %swap3A_927], %swap3A_930 {strides = array<i32>} : memref<4x16x1024xf32, #tpu.memory_space<vmem>>, vector<1x1x16xf32>,
        %get3A_931 = arith.constant 1 : i32
        %get3A_932 = arith.index_cast %get3A_931 : i32 to index
        %get3A_933 = arith.index_cast %scan3A_324 : i32 to index
        %get3A_934 = arith.constant 608 : index
        %get3A_935 = tpu.vector_load %arg6[%get3A_932, %get3A_933, %get3A_934] {strides = array<i32>} : memref<4x16x1024xf32, #tpu.memory_space<vmem>>, vector<1x1x16xf32>,
        %get3A_936 = vector.shape_cast %get3A_935 : vector<1x1x16xf32> to vector<16xf32>
        %mul3A_937 = arith.constant 3.200000e+01 : f32
        %mul3A_938 = vector.broadcast %mul3A_937 : f32 to vector<16xf32>
        %mul3A_939 = arith.mulf %get3A_936, %mul3A_938 : vector<16xf32>
        %swap3A_940 = arith.constant 1 : i32
        %swap3A_941 = arith.index_cast %swap3A_940 : i32 to index
        %swap3A_942 = arith.index_cast %scan3A_324 : i32 to index
        %swap3A_943 = arith.constant 608 : index
        %swap3A_944 = tpu.vector_load %arg6[%swap3A_941, %swap3A_942, %swap3A_943] {strides = array<i32>} : memref<4x16x1024xf32, #tpu.memory_space<vmem>>, vector<1x1x16xf32>,
        %swap3A_945 = vector.shape_cast %swap3A_944 : vector<1x1x16xf32> to vector<16xf32>
        %swap3A_946 = vector.shape_cast %mul3A_939 : vector<16xf32> to vector<1x1x16xf32>
        tpu.vector_store %arg6[%swap3A_941, %swap3A_942, %swap3A_943], %swap3A_946 {strides = array<i32>} : memref<4x16x1024xf32, #tpu.memory_space<vmem>>, vector<1x1x16xf32>,
        %get3A_947 = arith.constant 1 : i32
        %get3A_948 = arith.index_cast %get3A_947 : i32 to index
        %get3A_949 = arith.index_cast %scan3A_324 : i32 to index
        %get3A_950 = arith.constant 624 : index
        %get3A_951 = tpu.vector_load %arg6[%get3A_948, %get3A_949, %get3A_950] {strides = array<i32>} : memref<4x16x1024xf32, #tpu.memory_space<vmem>>, vector<1x1x16xf32>,
        %get3A_952 = vector.shape_cast %get3A_951 : vector<1x1x16xf32> to vector<16xf32>
        %mul3A_953 = arith.constant 3.200000e+01 : f32
        %mul3A_954 = vector.broadcast %mul3A_953 : f32 to vector<16xf32>
        %mul3A_955 = arith.mulf %get3A_952, %mul3A_954 : vector<16xf32>
        %swap3A_956 = arith.constant 1 : i32
        %swap3A_957 = arith.index_cast %swap3A_956 : i32 to index
        %swap3A_958 = arith.index_cast %scan3A_324 : i32 to index
        %swap3A_959 = arith.constant 624 : index
        %swap3A_960 = tpu.vector_load %arg6[%swap3A_957, %swap3A_958, %swap3A_959] {strides = array<i32>} : memref<4x16x1024xf32, #tpu.memory_space<vmem>>, vector<1x1x16xf32>,
        %swap3A_961 = vector.shape_cast %swap3A_960 : vector<1x1x16xf32> to vector<16xf32>
        %swap3A_962 = vector.shape_cast %mul3A_955 : vector<16xf32> to vector<1x1x16xf32>
        tpu.vector_store %arg6[%swap3A_957, %swap3A_958, %swap3A_959], %swap3A_962 {strides = array<i32>} : memref<4x16x1024xf32, #tpu.memory_space<vmem>>, vector<1x1x16xf32>,
        %get3A_963 = arith.constant 1 : i32
        %get3A_964 = arith.index_cast %get3A_963 : i32 to index
        %get3A_965 = arith.index_cast %scan3A_324 : i32 to index
        %get3A_966 = arith.constant 640 : index
        %get3A_967 = tpu.vector_load %arg6[%get3A_964, %get3A_965, %get3A_966] {strides = array<i32>} : memref<4x16x1024xf32, #tpu.memory_space<vmem>>, vector<1x1x16xf32>,
        %get3A_968 = vector.shape_cast %get3A_967 : vector<1x1x16xf32> to vector<16xf32>
        %mul3A_969 = arith.constant 3.200000e+01 : f32
        %mul3A_970 = vector.broadcast %mul3A_969 : f32 to vector<16xf32>
        %mul3A_971 = arith.mulf %get3A_968, %mul3A_970 : vector<16xf32>
        %swap3A_972 = arith.constant 1 : i32
        %swap3A_973 = arith.index_cast %swap3A_972 : i32 to index
        %swap3A_974 = arith.index_cast %scan3A_324 : i32 to index
        %swap3A_975 = arith.constant 640 : index
        %swap3A_976 = tpu.vector_load %arg6[%swap3A_973, %swap3A_974, %swap3A_975] {strides = array<i32>} : memref<4x16x1024xf32, #tpu.memory_space<vmem>>, vector<1x1x16xf32>,
        %swap3A_977 = vector.shape_cast %swap3A_976 : vector<1x1x16xf32> to vector<16xf32>
        %swap3A_978 = vector.shape_cast %mul3A_971 : vector<16xf32> to vector<1x1x16xf32>
        tpu.vector_store %arg6[%swap3A_973, %swap3A_974, %swap3A_975], %swap3A_978 {strides = array<i32>} : memref<4x16x1024xf32, #tpu.memory_space<vmem>>, vector<1x1x16xf32>,
        %get3A_979 = arith.constant 1 : i32
        %get3A_980 = arith.index_cast %get3A_979 : i32 to index
        %get3A_981 = arith.index_cast %scan3A_324 : i32 to index
        %get3A_982 = arith.constant 656 : index
        %get3A_983 = tpu.vector_load %arg6[%get3A_980, %get3A_981, %get3A_982] {strides = array<i32>} : memref<4x16x1024xf32, #tpu.memory_space<vmem>>, vector<1x1x16xf32>,
        %get3A_984 = vector.shape_cast %get3A_983 : vector<1x1x16xf32> to vector<16xf32>
        %mul3A_985 = arith.constant 3.200000e+01 : f32
        %mul3A_986 = vector.broadcast %mul3A_985 : f32 to vector<16xf32>
        %mul3A_987 = arith.mulf %get3A_984, %mul3A_986 : vector<16xf32>
        %swap3A_988 = arith.constant 1 : i32
        %swap3A_989 = arith.index_cast %swap3A_988 : i32 to index
        %swap3A_990 = arith.index_cast %scan3A_324 : i32 to index
        %swap3A_991 = arith.constant 656 : index
        %swap3A_992 = tpu.vector_load %arg6[%swap3A_989, %swap3A_990, %swap3A_991] {strides = array<i32>} : memref<4x16x1024xf32, #tpu.memory_space<vmem>>, vector<1x1x16xf32>,
        %swap3A_993 = vector.shape_cast %swap3A_992 : vector<1x1x16xf32> to vector<16xf32>
        %swap3A_994 = vector.shape_cast %mul3A_987 : vector<16xf32> to vector<1x1x16xf32>
        tpu.vector_store %arg6[%swap3A_989, %swap3A_990, %swap3A_991], %swap3A_994 {strides = array<i32>} : memref<4x16x1024xf32, #tpu.memory_space<vmem>>, vector<1x1x16xf32>,
        %get3A_995 = arith.constant 1 : i32
        %get3A_996 = arith.index_cast %get3A_995 : i32 to index
        %get3A_997 = arith.index_cast %scan3A_324 : i32 to index
        %get3A_998 = arith.constant 672 : index
        %get3A_999 = tpu.vector_load %arg6[%get3A_996, %get3A_997, %get3A_998] {strides = array<i32>} : memref<4x16x1024xf32, #tpu.memory_space<vmem>>, vector<1x1x16xf32>,
        %get3A_1000 = vector.shape_cast %get3A_999 : vector<1x1x16xf32> to vector<16xf32>
        %mul3A_1001 = arith.constant 3.200000e+01 : f32
        %mul3A_1002 = vector.broadcast %mul3A_1001 : f32 to vector<16xf32>
        %mul3A_1003 = arith.mulf %get3A_1000, %mul3A_1002 : vector<16xf32>
        %swap3A_1004 = arith.constant 1 : i32
        %swap3A_1005 = arith.index_cast %swap3A_1004 : i32 to index
        %swap3A_1006 = arith.index_cast %scan3A_324 : i32 to index
        %swap3A_1007 = arith.constant 672 : index
        %swap3A_1008 = tpu.vector_load %arg6[%swap3A_1005, %swap3A_1006, %swap3A_1007] {strides = array<i32>} : memref<4x16x1024xf32, #tpu.memory_space<vmem>>, vector<1x1x16xf32>,
        %swap3A_1009 = vector.shape_cast %swap3A_1008 : vector<1x1x16xf32> to vector<16xf32>
        %swap3A_1010 = vector.shape_cast %mul3A_1003 : vector<16xf32> to vector<1x1x16xf32>
        tpu.vector_store %arg6[%swap3A_1005, %swap3A_1006, %swap3A_1007], %swap3A_1010 {strides = array<i32>} : memref<4x16x1024xf32, #tpu.memory_space<vmem>>, vector<1x1x16xf32>,
        %get3A_1011 = arith.constant 1 : i32
        %get3A_1012 = arith.index_cast %get3A_1011 : i32 to index
        %get3A_1013 = arith.index_cast %scan3A_324 : i32 to index
        %get3A_1014 = arith.constant 688 : index
        %get3A_1015 = tpu.vector_load %arg6[%get3A_1012, %get3A_1013, %get3A_1014] {strides = array<i32>} : memref<4x16x1024xf32, #tpu.memory_space<vmem>>, vector<1x1x16xf32>,
        %get3A_1016 = vector.shape_cast %get3A_1015 : vector<1x1x16xf32> to vector<16xf32>
        %mul3A_1017 = arith.constant 3.200000e+01 : f32
        %mul3A_1018 = vector.broadcast %mul3A_1017 : f32 to vector<16xf32>
        %mul3A_1019 = arith.mulf %get3A_1016, %mul3A_1018 : vector<16xf32>
        %swap3A_1020 = arith.constant 1 : i32
        %swap3A_1021 = arith.index_cast %swap3A_1020 : i32 to index
        %swap3A_1022 = arith.index_cast %scan3A_324 : i32 to index
        %swap3A_1023 = arith.constant 688 : index
        %swap3A_1024 = tpu.vector_load %arg6[%swap3A_1021, %swap3A_1022, %swap3A_1023] {strides = array<i32>} : memref<4x16x1024xf32, #tpu.memory_space<vmem>>, vector<1x1x16xf32>,
        %swap3A_1025 = vector.shape_cast %swap3A_1024 : vector<1x1x16xf32> to vector<16xf32>
        %swap3A_1026 = vector.shape_cast %mul3A_1019 : vector<16xf32> to vector<1x1x16xf32>
        tpu.vector_store %arg6[%swap3A_1021, %swap3A_1022, %swap3A_1023], %swap3A_1026 {strides = array<i32>} : memref<4x16x1024xf32, #tpu.memory_space<vmem>>, vector<1x1x16xf32>,
        %get3A_1027 = arith.constant 1 : i32
        %get3A_1028 = arith.index_cast %get3A_1027 : i32 to index
        %get3A_1029 = arith.index_cast %scan3A_324 : i32 to index
        %get3A_1030 = arith.constant 704 : index
        %get3A_1031 = tpu.vector_load %arg6[%get3A_1028, %get3A_1029, %get3A_1030] {strides = array<i32>} : memref<4x16x1024xf32, #tpu.memory_space<vmem>>, vector<1x1x16xf32>,
        %get3A_1032 = vector.shape_cast %get3A_1031 : vector<1x1x16xf32> to vector<16xf32>
        %mul3A_1033 = arith.constant 3.200000e+01 : f32
        %mul3A_1034 = vector.broadcast %mul3A_1033 : f32 to vector<16xf32>
        %mul3A_1035 = arith.mulf %get3A_1032, %mul3A_1034 : vector<16xf32>
        %swap3A_1036 = arith.constant 1 : i32
        %swap3A_1037 = arith.index_cast %swap3A_1036 : i32 to index
        %swap3A_1038 = arith.index_cast %scan3A_324 : i32 to index
        %swap3A_1039 = arith.constant 704 : index
        %swap3A_1040 = tpu.vector_load %arg6[%swap3A_1037, %swap3A_1038, %swap3A_1039] {strides = array<i32>} : memref<4x16x1024xf32, #tpu.memory_space<vmem>>, vector<1x1x16xf32>,
        %swap3A_1041 = vector.shape_cast %swap3A_1040 : vector<1x1x16xf32> to vector<16xf32>
        %swap3A_1042 = vector.shape_cast %mul3A_1035 : vector<16xf32> to vector<1x1x16xf32>
        tpu.vector_store %arg6[%swap3A_1037, %swap3A_1038, %swap3A_1039], %swap3A_1042 {strides = array<i32>} : memref<4x16x1024xf32, #tpu.memory_space<vmem>>, vector<1x1x16xf32>,
        %get3A_1043 = arith.constant 1 : i32
        %get3A_1044 = arith.index_cast %get3A_1043 : i32 to index
        %get3A_1045 = arith.index_cast %scan3A_324 : i32 to index
        %get3A_1046 = arith.constant 720 : index
        %get3A_1047 = tpu.vector_load %arg6[%get3A_1044, %get3A_1045, %get3A_1046] {strides = array<i32>} : memref<4x16x1024xf32, #tpu.memory_space<vmem>>, vector<1x1x16xf32>,
        %get3A_1048 = vector.shape_cast %get3A_1047 : vector<1x1x16xf32> to vector<16xf32>
        %mul3A_1049 = arith.constant 3.200000e+01 : f32
        %mul3A_1050 = vector.broadcast %mul3A_1049 : f32 to vector<16xf32>
        %mul3A_1051 = arith.mulf %get3A_1048, %mul3A_1050 : vector<16xf32>
        %swap3A_1052 = arith.constant 1 : i32
        %swap3A_1053 = arith.index_cast %swap3A_1052 : i32 to index
        %swap3A_1054 = arith.index_cast %scan3A_324 : i32 to index
        %swap3A_1055 = arith.constant 720 : index
        %swap3A_1056 = tpu.vector_load %arg6[%swap3A_1053, %swap3A_1054, %swap3A_1055] {strides = array<i32>} : memref<4x16x1024xf32, #tpu.memory_space<vmem>>, vector<1x1x16xf32>,
        %swap3A_1057 = vector.shape_cast %swap3A_1056 : vector<1x1x16xf32> to vector<16xf32>
        %swap3A_1058 = vector.shape_cast %mul3A_1051 : vector<16xf32> to vector<1x1x16xf32>
        tpu.vector_store %arg6[%swap3A_1053, %swap3A_1054, %swap3A_1055], %swap3A_1058 {strides = array<i32>} : memref<4x16x1024xf32, #tpu.memory_space<vmem>>, vector<1x1x16xf32>,
        %get3A_1059 = arith.constant 1 : i32
        %get3A_1060 = arith.index_cast %get3A_1059 : i32 to index
        %get3A_1061 = arith.index_cast %scan3A_324 : i32 to index
        %get3A_1062 = arith.constant 736 : index
        %get3A_1063 = tpu.vector_load %arg6[%get3A_1060, %get3A_1061, %get3A_1062] {strides = array<i32>} : memref<4x16x1024xf32, #tpu.memory_space<vmem>>, vector<1x1x16xf32>,
        %get3A_1064 = vector.shape_cast %get3A_1063 : vector<1x1x16xf32> to vector<16xf32>
        %mul3A_1065 = arith.constant 3.200000e+01 : f32
        %mul3A_1066 = vector.broadcast %mul3A_1065 : f32 to vector<16xf32>
        %mul3A_1067 = arith.mulf %get3A_1064, %mul3A_1066 : vector<16xf32>
        %swap3A_1068 = arith.constant 1 : i32
        %swap3A_1069 = arith.index_cast %swap3A_1068 : i32 to index
        %swap3A_1070 = arith.index_cast %scan3A_324 : i32 to index
        %swap3A_1071 = arith.constant 736 : index
        %swap3A_1072 = tpu.vector_load %arg6[%swap3A_1069, %swap3A_1070, %swap3A_1071] {strides = array<i32>} : memref<4x16x1024xf32, #tpu.memory_space<vmem>>, vector<1x1x16xf32>,
        %swap3A_1073 = vector.shape_cast %swap3A_1072 : vector<1x1x16xf32> to vector<16xf32>
        %swap3A_1074 = vector.shape_cast %mul3A_1067 : vector<16xf32> to vector<1x1x16xf32>
        tpu.vector_store %arg6[%swap3A_1069, %swap3A_1070, %swap3A_1071], %swap3A_1074 {strides = array<i32>} : memref<4x16x1024xf32, #tpu.memory_space<vmem>>, vector<1x1x16xf32>,
        %get3A_1075 = arith.constant 1 : i32
        %get3A_1076 = arith.index_cast %get3A_1075 : i32 to index
        %get3A_1077 = arith.index_cast %scan3A_324 : i32 to index
        %get3A_1078 = arith.constant 752 : index
        %get3A_1079 = tpu.vector_load %arg6[%get3A_1076, %get3A_1077, %get3A_1078] {strides = array<i32>} : memref<4x16x1024xf32, #tpu.memory_space<vmem>>, vector<1x1x16xf32>,
        %get3A_1080 = vector.shape_cast %get3A_1079 : vector<1x1x16xf32> to vector<16xf32>
        %mul3A_1081 = arith.constant 3.200000e+01 : f32
        %mul3A_1082 = vector.broadcast %mul3A_1081 : f32 to vector<16xf32>
        %mul3A_1083 = arith.mulf %get3A_1080, %mul3A_1082 : vector<16xf32>
        %swap3A_1084 = arith.constant 1 : i32
        %swap3A_1085 = arith.index_cast %swap3A_1084 : i32 to index
        %swap3A_1086 = arith.index_cast %scan3A_324 : i32 to index
        %swap3A_1087 = arith.constant 752 : index
        %swap3A_1088 = tpu.vector_load %arg6[%swap3A_1085, %swap3A_1086, %swap3A_1087] {strides = array<i32>} : memref<4x16x1024xf32, #tpu.memory_space<vmem>>, vector<1x1x16xf32>,
        %swap3A_1089 = vector.shape_cast %swap3A_1088 : vector<1x1x16xf32> to vector<16xf32>
        %swap3A_1090 = vector.shape_cast %mul3A_1083 : vector<16xf32> to vector<1x1x16xf32>
        tpu.vector_store %arg6[%swap3A_1085, %swap3A_1086, %swap3A_1087], %swap3A_1090 {strides = array<i32>} : memref<4x16x1024xf32, #tpu.memory_space<vmem>>, vector<1x1x16xf32>,
        %get3A_1091 = arith.constant 1 : i32
        %get3A_1092 = arith.index_cast %get3A_1091 : i32 to index
        %get3A_1093 = arith.index_cast %scan3A_324 : i32 to index
        %get3A_1094 = arith.constant 768 : index
        %get3A_1095 = tpu.vector_load %arg6[%get3A_1092, %get3A_1093, %get3A_1094] {strides = array<i32>} : memref<4x16x1024xf32, #tpu.memory_space<vmem>>, vector<1x1x16xf32>,
        %get3A_1096 = vector.shape_cast %get3A_1095 : vector<1x1x16xf32> to vector<16xf32>
        %mul3A_1097 = arith.constant 3.200000e+01 : f32
        %mul3A_1098 = vector.broadcast %mul3A_1097 : f32 to vector<16xf32>
        %mul3A_1099 = arith.mulf %get3A_1096, %mul3A_1098 : vector<16xf32>
        %swap3A_1100 = arith.constant 1 : i32
        %swap3A_1101 = arith.index_cast %swap3A_1100 : i32 to index
        %swap3A_1102 = arith.index_cast %scan3A_324 : i32 to index
        %swap3A_1103 = arith.constant 768 : index
        %swap3A_1104 = tpu.vector_load %arg6[%swap3A_1101, %swap3A_1102, %swap3A_1103] {strides = array<i32>} : memref<4x16x1024xf32, #tpu.memory_space<vmem>>, vector<1x1x16xf32>,
        %swap3A_1105 = vector.shape_cast %swap3A_1104 : vector<1x1x16xf32> to vector<16xf32>
        %swap3A_1106 = vector.shape_cast %mul3A_1099 : vector<16xf32> to vector<1x1x16xf32>
        tpu.vector_store %arg6[%swap3A_1101, %swap3A_1102, %swap3A_1103], %swap3A_1106 {strides = array<i32>} : memref<4x16x1024xf32, #tpu.memory_space<vmem>>, vector<1x1x16xf32>,
        %get3A_1107 = arith.constant 1 : i32
        %get3A_1108 = arith.index_cast %get3A_1107 : i32 to index
        %get3A_1109 = arith.index_cast %scan3A_324 : i32 to index
        %get3A_1110 = arith.constant 784 : index
        %get3A_1111 = tpu.vector_load %arg6[%get3A_1108, %get3A_1109, %get3A_1110] {strides = array<i32>} : memref<4x16x1024xf32, #tpu.memory_space<vmem>>, vector<1x1x16xf32>,
        %get3A_1112 = vector.shape_cast %get3A_1111 : vector<1x1x16xf32> to vector<16xf32>
        %mul3A_1113 = arith.constant 3.200000e+01 : f32
        %mul3A_1114 = vector.broadcast %mul3A_1113 : f32 to vector<16xf32>
        %mul3A_1115 = arith.mulf %get3A_1112, %mul3A_1114 : vector<16xf32>
        %swap3A_1116 = arith.constant 1 : i32
        %swap3A_1117 = arith.index_cast %swap3A_1116 : i32 to index
        %swap3A_1118 = arith.index_cast %scan3A_324 : i32 to index
        %swap3A_1119 = arith.constant 784 : index
        %swap3A_1120 = tpu.vector_load %arg6[%swap3A_1117, %swap3A_1118, %swap3A_1119] {strides = array<i32>} : memref<4x16x1024xf32, #tpu.memory_space<vmem>>, vector<1x1x16xf32>,
        %swap3A_1121 = vector.shape_cast %swap3A_1120 : vector<1x1x16xf32> to vector<16xf32>
        %swap3A_1122 = vector.shape_cast %mul3A_1115 : vector<16xf32> to vector<1x1x16xf32>
        tpu.vector_store %arg6[%swap3A_1117, %swap3A_1118, %swap3A_1119], %swap3A_1122 {strides = array<i32>} : memref<4x16x1024xf32, #tpu.memory_space<vmem>>, vector<1x1x16xf32>,
        %get3A_1123 = arith.constant 1 : i32
        %get3A_1124 = arith.index_cast %get3A_1123 : i32 to index
        %get3A_1125 = arith.index_cast %scan3A_324 : i32 to index
        %get3A_1126 = arith.constant 800 : index
        %get3A_1127 = tpu.vector_load %arg6[%get3A_1124, %get3A_1125, %get3A_1126] {strides = array<i32>} : memref<4x16x1024xf32, #tpu.memory_space<vmem>>, vector<1x1x16xf32>,
        %get3A_1128 = vector.shape_cast %get3A_1127 : vector<1x1x16xf32> to vector<16xf32>
        %mul3A_1129 = arith.constant 3.200000e+01 : f32
        %mul3A_1130 = vector.broadcast %mul3A_1129 : f32 to vector<16xf32>
        %mul3A_1131 = arith.mulf %get3A_1128, %mul3A_1130 : vector<16xf32>
        %swap3A_1132 = arith.constant 1 : i32
        %swap3A_1133 = arith.index_cast %swap3A_1132 : i32 to index
        %swap3A_1134 = arith.index_cast %scan3A_324 : i32 to index
        %swap3A_1135 = arith.constant 800 : index
        %swap3A_1136 = tpu.vector_load %arg6[%swap3A_1133, %swap3A_1134, %swap3A_1135] {strides = array<i32>} : memref<4x16x1024xf32, #tpu.memory_space<vmem>>, vector<1x1x16xf32>,
        %swap3A_1137 = vector.shape_cast %swap3A_1136 : vector<1x1x16xf32> to vector<16xf32>
        %swap3A_1138 = vector.shape_cast %mul3A_1131 : vector<16xf32> to vector<1x1x16xf32>
        tpu.vector_store %arg6[%swap3A_1133, %swap3A_1134, %swap3A_1135], %swap3A_1138 {strides = array<i32>} : memref<4x16x1024xf32, #tpu.memory_space<vmem>>, vector<1x1x16xf32>,
        %get3A_1139 = arith.constant 1 : i32
        %get3A_1140 = arith.index_cast %get3A_1139 : i32 to index
        %get3A_1141 = arith.index_cast %scan3A_324 : i32 to index
        %get3A_1142 = arith.constant 816 : index
        %get3A_1143 = tpu.vector_load %arg6[%get3A_1140, %get3A_1141, %get3A_1142] {strides = array<i32>} : memref<4x16x1024xf32, #tpu.memory_space<vmem>>, vector<1x1x16xf32>,
        %get3A_1144 = vector.shape_cast %get3A_1143 : vector<1x1x16xf32> to vector<16xf32>
        %mul3A_1145 = arith.constant 3.200000e+01 : f32
        %mul3A_1146 = vector.broadcast %mul3A_1145 : f32 to vector<16xf32>
        %mul3A_1147 = arith.mulf %get3A_1144, %mul3A_1146 : vector<16xf32>
        %swap3A_1148 = arith.constant 1 : i32
        %swap3A_1149 = arith.index_cast %swap3A_1148 : i32 to index
        %swap3A_1150 = arith.index_cast %scan3A_324 : i32 to index
        %swap3A_1151 = arith.constant 816 : index
        %swap3A_1152 = tpu.vector_load %arg6[%swap3A_1149, %swap3A_1150, %swap3A_1151] {strides = array<i32>} : memref<4x16x1024xf32, #tpu.memory_space<vmem>>, vector<1x1x16xf32>,
        %swap3A_1153 = vector.shape_cast %swap3A_1152 : vector<1x1x16xf32> to vector<16xf32>
        %swap3A_1154 = vector.shape_cast %mul3A_1147 : vector<16xf32> to vector<1x1x16xf32>
        tpu.vector_store %arg6[%swap3A_1149, %swap3A_1150, %swap3A_1151], %swap3A_1154 {strides = array<i32>} : memref<4x16x1024xf32, #tpu.memory_space<vmem>>, vector<1x1x16xf32>,
        %get3A_1155 = arith.constant 1 : i32
        %get3A_1156 = arith.index_cast %get3A_1155 : i32 to index
        %get3A_1157 = arith.index_cast %scan3A_324 : i32 to index
        %get3A_1158 = arith.constant 832 : index
        %get3A_1159 = tpu.vector_load %arg6[%get3A_1156, %get3A_1157, %get3A_1158] {strides = array<i32>} : memref<4x16x1024xf32, #tpu.memory_space<vmem>>, vector<1x1x16xf32>,
        %get3A_1160 = vector.shape_cast %get3A_1159 : vector<1x1x16xf32> to vector<16xf32>
        %mul3A_1161 = arith.constant 3.200000e+01 : f32
        %mul3A_1162 = vector.broadcast %mul3A_1161 : f32 to vector<16xf32>
        %mul3A_1163 = arith.mulf %get3A_1160, %mul3A_1162 : vector<16xf32>
        %swap3A_1164 = arith.constant 1 : i32
        %swap3A_1165 = arith.index_cast %swap3A_1164 : i32 to index
        %swap3A_1166 = arith.index_cast %scan3A_324 : i32 to index
        %swap3A_1167 = arith.constant 832 : index
        %swap3A_1168 = tpu.vector_load %arg6[%swap3A_1165, %swap3A_1166, %swap3A_1167] {strides = array<i32>} : memref<4x16x1024xf32, #tpu.memory_space<vmem>>, vector<1x1x16xf32>,
        %swap3A_1169 = vector.shape_cast %swap3A_1168 : vector<1x1x16xf32> to vector<16xf32>
        %swap3A_1170 = vector.shape_cast %mul3A_1163 : vector<16xf32> to vector<1x1x16xf32>
        tpu.vector_store %arg6[%swap3A_1165, %swap3A_1166, %swap3A_1167], %swap3A_1170 {strides = array<i32>} : memref<4x16x1024xf32, #tpu.memory_space<vmem>>, vector<1x1x16xf32>,
        %get3A_1171 = arith.constant 1 : i32
        %get3A_1172 = arith.index_cast %get3A_1171 : i32 to index
        %get3A_1173 = arith.index_cast %scan3A_324 : i32 to index
        %get3A_1174 = arith.constant 848 : index
        %get3A_1175 = tpu.vector_load %arg6[%get3A_1172, %get3A_1173, %get3A_1174] {strides = array<i32>} : memref<4x16x1024xf32, #tpu.memory_space<vmem>>, vector<1x1x16xf32>,
        %get3A_1176 = vector.shape_cast %get3A_1175 : vector<1x1x16xf32> to vector<16xf32>
        %mul3A_1177 = arith.constant 3.200000e+01 : f32
        %mul3A_1178 = vector.broadcast %mul3A_1177 : f32 to vector<16xf32>
        %mul3A_1179 = arith.mulf %get3A_1176, %mul3A_1178 : vector<16xf32>
        %swap3A_1180 = arith.constant 1 : i32
        %swap3A_1181 = arith.index_cast %swap3A_1180 : i32 to index
        %swap3A_1182 = arith.index_cast %scan3A_324 : i32 to index
        %swap3A_1183 = arith.constant 848 : index
        %swap3A_1184 = tpu.vector_load %arg6[%swap3A_1181, %swap3A_1182, %swap3A_1183] {strides = array<i32>} : memref<4x16x1024xf32, #tpu.memory_space<vmem>>, vector<1x1x16xf32>,
        %swap3A_1185 = vector.shape_cast %swap3A_1184 : vector<1x1x16xf32> to vector<16xf32>
        %swap3A_1186 = vector.shape_cast %mul3A_1179 : vector<16xf32> to vector<1x1x16xf32>
        tpu.vector_store %arg6[%swap3A_1181, %swap3A_1182, %swap3A_1183], %swap3A_1186 {strides = array<i32>} : memref<4x16x1024xf32, #tpu.memory_space<vmem>>, vector<1x1x16xf32>,
        %get3A_1187 = arith.constant 1 : i32
        %get3A_1188 = arith.index_cast %get3A_1187 : i32 to index
        %get3A_1189 = arith.index_cast %scan3A_324 : i32 to index
        %get3A_1190 = arith.constant 864 : index
        %get3A_1191 = tpu.vector_load %arg6[%get3A_1188, %get3A_1189, %get3A_1190] {strides = array<i32>} : memref<4x16x1024xf32, #tpu.memory_space<vmem>>, vector<1x1x16xf32>,
        %get3A_1192 = vector.shape_cast %get3A_1191 : vector<1x1x16xf32> to vector<16xf32>
        %mul3A_1193 = arith.constant 3.200000e+01 : f32
        %mul3A_1194 = vector.broadcast %mul3A_1193 : f32 to vector<16xf32>
        %mul3A_1195 = arith.mulf %get3A_1192, %mul3A_1194 : vector<16xf32>
        %swap3A_1196 = arith.constant 1 : i32
        %swap3A_1197 = arith.index_cast %swap3A_1196 : i32 to index
        %swap3A_1198 = arith.index_cast %scan3A_324 : i32 to index
        %swap3A_1199 = arith.constant 864 : index
        %swap3A_1200 = tpu.vector_load %arg6[%swap3A_1197, %swap3A_1198, %swap3A_1199] {strides = array<i32>} : memref<4x16x1024xf32, #tpu.memory_space<vmem>>, vector<1x1x16xf32>,
        %swap3A_1201 = vector.shape_cast %swap3A_1200 : vector<1x1x16xf32> to vector<16xf32>
        %swap3A_1202 = vector.shape_cast %mul3A_1195 : vector<16xf32> to vector<1x1x16xf32>
        tpu.vector_store %arg6[%swap3A_1197, %swap3A_1198, %swap3A_1199], %swap3A_1202 {strides = array<i32>} : memref<4x16x1024xf32, #tpu.memory_space<vmem>>, vector<1x1x16xf32>,
        %get3A_1203 = arith.constant 1 : i32
        %get3A_1204 = arith.index_cast %get3A_1203 : i32 to index
        %get3A_1205 = arith.index_cast %scan3A_324 : i32 to index
        %get3A_1206 = arith.constant 880 : index
        %get3A_1207 = tpu.vector_load %arg6[%get3A_1204, %get3A_1205, %get3A_1206] {strides = array<i32>} : memref<4x16x1024xf32, #tpu.memory_space<vmem>>, vector<1x1x16xf32>,
        %get3A_1208 = vector.shape_cast %get3A_1207 : vector<1x1x16xf32> to vector<16xf32>
        %mul3A_1209 = arith.constant 3.200000e+01 : f32
        %mul3A_1210 = vector.broadcast %mul3A_1209 : f32 to vector<16xf32>
        %mul3A_1211 = arith.mulf %get3A_1208, %mul3A_1210 : vector<16xf32>
        %swap3A_1212 = arith.constant 1 : i32
        %swap3A_1213 = arith.index_cast %swap3A_1212 : i32 to index
        %swap3A_1214 = arith.index_cast %scan3A_324 : i32 to index
        %swap3A_1215 = arith.constant 880 : index
        %swap3A_1216 = tpu.vector_load %arg6[%swap3A_1213, %swap3A_1214, %swap3A_1215] {strides = array<i32>} : memref<4x16x1024xf32, #tpu.memory_space<vmem>>, vector<1x1x16xf32>,
        %swap3A_1217 = vector.shape_cast %swap3A_1216 : vector<1x1x16xf32> to vector<16xf32>
        %swap3A_1218 = vector.shape_cast %mul3A_1211 : vector<16xf32> to vector<1x1x16xf32>
        tpu.vector_store %arg6[%swap3A_1213, %swap3A_1214, %swap3A_1215], %swap3A_1218 {strides = array<i32>} : memref<4x16x1024xf32, #tpu.memory_space<vmem>>, vector<1x1x16xf32>,
        %get3A_1219 = arith.constant 1 : i32
        %get3A_1220 = arith.index_cast %get3A_1219 : i32 to index
        %get3A_1221 = arith.index_cast %scan3A_324 : i32 to index
        %get3A_1222 = arith.constant 896 : index
        %get3A_1223 = tpu.vector_load %arg6[%get3A_1220, %get3A_1221, %get3A_1222] {strides = array<i32>} : memref<4x16x1024xf32, #tpu.memory_space<vmem>>, vector<1x1x16xf32>,
        %get3A_1224 = vector.shape_cast %get3A_1223 : vector<1x1x16xf32> to vector<16xf32>
        %mul3A_1225 = arith.constant 3.200000e+01 : f32
        %mul3A_1226 = vector.broadcast %mul3A_1225 : f32 to vector<16xf32>
        %mul3A_1227 = arith.mulf %get3A_1224, %mul3A_1226 : vector<16xf32>
        %swap3A_1228 = arith.constant 1 : i32
        %swap3A_1229 = arith.index_cast %swap3A_1228 : i32 to index
        %swap3A_1230 = arith.index_cast %scan3A_324 : i32 to index
        %swap3A_1231 = arith.constant 896 : index
        %swap3A_1232 = tpu.vector_load %arg6[%swap3A_1229, %swap3A_1230, %swap3A_1231] {strides = array<i32>} : memref<4x16x1024xf32, #tpu.memory_space<vmem>>, vector<1x1x16xf32>,
        %swap3A_1233 = vector.shape_cast %swap3A_1232 : vector<1x1x16xf32> to vector<16xf32>
        %swap3A_1234 = vector.shape_cast %mul3A_1227 : vector<16xf32> to vector<1x1x16xf32>
        tpu.vector_store %arg6[%swap3A_1229, %swap3A_1230, %swap3A_1231], %swap3A_1234 {strides = array<i32>} : memref<4x16x1024xf32, #tpu.memory_space<vmem>>, vector<1x1x16xf32>,
        %get3A_1235 = arith.constant 1 : i32
        %get3A_1236 = arith.index_cast %get3A_1235 : i32 to index
        %get3A_1237 = arith.index_cast %scan3A_324 : i32 to index
        %get3A_1238 = arith.constant 912 : index
        %get3A_1239 = tpu.vector_load %arg6[%get3A_1236, %get3A_1237, %get3A_1238] {strides = array<i32>} : memref<4x16x1024xf32, #tpu.memory_space<vmem>>, vector<1x1x16xf32>,
        %get3A_1240 = vector.shape_cast %get3A_1239 : vector<1x1x16xf32> to vector<16xf32>
        %mul3A_1241 = arith.constant 3.200000e+01 : f32
        %mul3A_1242 = vector.broadcast %mul3A_1241 : f32 to vector<16xf32>
        %mul3A_1243 = arith.mulf %get3A_1240, %mul3A_1242 : vector<16xf32>
        %swap3A_1244 = arith.constant 1 : i32
        %swap3A_1245 = arith.index_cast %swap3A_1244 : i32 to index
        %swap3A_1246 = arith.index_cast %scan3A_324 : i32 to index
        %swap3A_1247 = arith.constant 912 : index
        %swap3A_1248 = tpu.vector_load %arg6[%swap3A_1245, %swap3A_1246, %swap3A_1247] {strides = array<i32>} : memref<4x16x1024xf32, #tpu.memory_space<vmem>>, vector<1x1x16xf32>,
        %swap3A_1249 = vector.shape_cast %swap3A_1248 : vector<1x1x16xf32> to vector<16xf32>
        %swap3A_1250 = vector.shape_cast %mul3A_1243 : vector<16xf32> to vector<1x1x16xf32>
        tpu.vector_store %arg6[%swap3A_1245, %swap3A_1246, %swap3A_1247], %swap3A_1250 {strides = array<i32>} : memref<4x16x1024xf32, #tpu.memory_space<vmem>>, vector<1x1x16xf32>,
        %get3A_1251 = arith.constant 1 : i32
        %get3A_1252 = arith.index_cast %get3A_1251 : i32 to index
        %get3A_1253 = arith.index_cast %scan3A_324 : i32 to index
        %get3A_1254 = arith.constant 928 : index
        %get3A_1255 = tpu.vector_load %arg6[%get3A_1252, %get3A_1253, %get3A_1254] {strides = array<i32>} : memref<4x16x1024xf32, #tpu.memory_space<vmem>>, vector<1x1x16xf32>,
        %get3A_1256 = vector.shape_cast %get3A_1255 : vector<1x1x16xf32> to vector<16xf32>
        %mul3A_1257 = arith.constant 3.200000e+01 : f32
        %mul3A_1258 = vector.broadcast %mul3A_1257 : f32 to vector<16xf32>
        %mul3A_1259 = arith.mulf %get3A_1256, %mul3A_1258 : vector<16xf32>
        %swap3A_1260 = arith.constant 1 : i32
        %swap3A_1261 = arith.index_cast %swap3A_1260 : i32 to index
        %swap3A_1262 = arith.index_cast %scan3A_324 : i32 to index
        %swap3A_1263 = arith.constant 928 : index
        %swap3A_1264 = tpu.vector_load %arg6[%swap3A_1261, %swap3A_1262, %swap3A_1263] {strides = array<i32>} : memref<4x16x1024xf32, #tpu.memory_space<vmem>>, vector<1x1x16xf32>,
        %swap3A_1265 = vector.shape_cast %swap3A_1264 : vector<1x1x16xf32> to vector<16xf32>
        %swap3A_1266 = vector.shape_cast %mul3A_1259 : vector<16xf32> to vector<1x1x16xf32>
        tpu.vector_store %arg6[%swap3A_1261, %swap3A_1262, %swap3A_1263], %swap3A_1266 {strides = array<i32>} : memref<4x16x1024xf32, #tpu.memory_space<vmem>>, vector<1x1x16xf32>,
        %get3A_1267 = arith.constant 1 : i32
        %get3A_1268 = arith.index_cast %get3A_1267 : i32 to index
        %get3A_1269 = arith.index_cast %scan3A_324 : i32 to index
        %get3A_1270 = arith.constant 944 : index
        %get3A_1271 = tpu.vector_load %arg6[%get3A_1268, %get3A_1269, %get3A_1270] {strides = array<i32>} : memref<4x16x1024xf32, #tpu.memory_space<vmem>>, vector<1x1x16xf32>,
        %get3A_1272 = vector.shape_cast %get3A_1271 : vector<1x1x16xf32> to vector<16xf32>
        %mul3A_1273 = arith.constant 3.200000e+01 : f32
        %mul3A_1274 = vector.broadcast %mul3A_1273 : f32 to vector<16xf32>
        %mul3A_1275 = arith.mulf %get3A_1272, %mul3A_1274 : vector<16xf32>
        %swap3A_1276 = arith.constant 1 : i32
        %swap3A_1277 = arith.index_cast %swap3A_1276 : i32 to index
        %swap3A_1278 = arith.index_cast %scan3A_324 : i32 to index
        %swap3A_1279 = arith.constant 944 : index
        %swap3A_1280 = tpu.vector_load %arg6[%swap3A_1277, %swap3A_1278, %swap3A_1279] {strides = array<i32>} : memref<4x16x1024xf32, #tpu.memory_space<vmem>>, vector<1x1x16xf32>,
        %swap3A_1281 = vector.shape_cast %swap3A_1280 : vector<1x1x16xf32> to vector<16xf32>
        %swap3A_1282 = vector.shape_cast %mul3A_1275 : vector<16xf32> to vector<1x1x16xf32>
        tpu.vector_store %arg6[%swap3A_1277, %swap3A_1278, %swap3A_1279], %swap3A_1282 {strides = array<i32>} : memref<4x16x1024xf32, #tpu.memory_space<vmem>>, vector<1x1x16xf32>,
        %get3A_1283 = arith.constant 1 : i32
        %get3A_1284 = arith.index_cast %get3A_1283 : i32 to index
        %get3A_1285 = arith.index_cast %scan3A_324 : i32 to index
        %get3A_1286 = arith.constant 960 : index
        %get3A_1287 = tpu.vector_load %arg6[%get3A_1284, %get3A_1285, %get3A_1286] {strides = array<i32>} : memref<4x16x1024xf32, #tpu.memory_space<vmem>>, vector<1x1x16xf32>,
        %get3A_1288 = vector.shape_cast %get3A_1287 : vector<1x1x16xf32> to vector<16xf32>
        %mul3A_1289 = arith.constant 3.200000e+01 : f32
        %mul3A_1290 = vector.broadcast %mul3A_1289 : f32 to vector<16xf32>
        %mul3A_1291 = arith.mulf %get3A_1288, %mul3A_1290 : vector<16xf32>
        %swap3A_1292 = arith.constant 1 : i32
        %swap3A_1293 = arith.index_cast %swap3A_1292 : i32 to index
        %swap3A_1294 = arith.index_cast %scan3A_324 : i32 to index
        %swap3A_1295 = arith.constant 960 : index
        %swap3A_1296 = tpu.vector_load %arg6[%swap3A_1293, %swap3A_1294, %swap3A_1295] {strides = array<i32>} : memref<4x16x1024xf32, #tpu.memory_space<vmem>>, vector<1x1x16xf32>,
        %swap3A_1297 = vector.shape_cast %swap3A_1296 : vector<1x1x16xf32> to vector<16xf32>
        %swap3A_1298 = vector.shape_cast %mul3A_1291 : vector<16xf32> to vector<1x1x16xf32>
        tpu.vector_store %arg6[%swap3A_1293, %swap3A_1294, %swap3A_1295], %swap3A_1298 {strides = array<i32>} : memref<4x16x1024xf32, #tpu.memory_space<vmem>>, vector<1x1x16xf32>,
        %get3A_1299 = arith.constant 1 : i32
        %get3A_1300 = arith.index_cast %get3A_1299 : i32 to index
        %get3A_1301 = arith.index_cast %scan3A_324 : i32 to index
        %get3A_1302 = arith.constant 976 : index
        %get3A_1303 = tpu.vector_load %arg6[%get3A_1300, %get3A_1301, %get3A_1302] {strides = array<i32>} : memref<4x16x1024xf32, #tpu.memory_space<vmem>>, vector<1x1x16xf32>,
        %get3A_1304 = vector.shape_cast %get3A_1303 : vector<1x1x16xf32> to vector<16xf32>
        %mul3A_1305 = arith.constant 3.200000e+01 : f32
        %mul3A_1306 = vector.broadcast %mul3A_1305 : f32 to vector<16xf32>
        %mul3A_1307 = arith.mulf %get3A_1304, %mul3A_1306 : vector<16xf32>
        %swap3A_1308 = arith.constant 1 : i32
        %swap3A_1309 = arith.index_cast %swap3A_1308 : i32 to index
        %swap3A_1310 = arith.index_cast %scan3A_324 : i32 to index
        %swap3A_1311 = arith.constant 976 : index
        %swap3A_1312 = tpu.vector_load %arg6[%swap3A_1309, %swap3A_1310, %swap3A_1311] {strides = array<i32>} : memref<4x16x1024xf32, #tpu.memory_space<vmem>>, vector<1x1x16xf32>,
        %swap3A_1313 = vector.shape_cast %swap3A_1312 : vector<1x1x16xf32> to vector<16xf32>
        %swap3A_1314 = vector.shape_cast %mul3A_1307 : vector<16xf32> to vector<1x1x16xf32>
        tpu.vector_store %arg6[%swap3A_1309, %swap3A_1310, %swap3A_1311], %swap3A_1314 {strides = array<i32>} : memref<4x16x1024xf32, #tpu.memory_space<vmem>>, vector<1x1x16xf32>,
        %get3A_1315 = arith.constant 1 : i32
        %get3A_1316 = arith.index_cast %get3A_1315 : i32 to index
        %get3A_1317 = arith.index_cast %scan3A_324 : i32 to index
        %get3A_1318 = arith.constant 992 : index
        %get3A_1319 = tpu.vector_load %arg6[%get3A_1316, %get3A_1317, %get3A_1318] {strides = array<i32>} : memref<4x16x1024xf32, #tpu.memory_space<vmem>>, vector<1x1x16xf32>,
        %get3A_1320 = vector.shape_cast %get3A_1319 : vector<1x1x16xf32> to vector<16xf32>
        %mul3A_1321 = arith.constant 3.200000e+01 : f32
        %mul3A_1322 = vector.broadcast %mul3A_1321 : f32 to vector<16xf32>
        %mul3A_1323 = arith.mulf %get3A_1320, %mul3A_1322 : vector<16xf32>
        %swap3A_1324 = arith.constant 1 : i32
        %swap3A_1325 = arith.index_cast %swap3A_1324 : i32 to index
        %swap3A_1326 = arith.index_cast %scan3A_324 : i32 to index
        %swap3A_1327 = arith.constant 992 : index
        %swap3A_1328 = tpu.vector_load %arg6[%swap3A_1325, %swap3A_1326, %swap3A_1327] {strides = array<i32>} : memref<4x16x1024xf32, #tpu.memory_space<vmem>>, vector<1x1x16xf32>,
        %swap3A_1329 = vector.shape_cast %swap3A_1328 : vector<1x1x16xf32> to vector<16xf32>
        %swap3A_1330 = vector.shape_cast %mul3A_1323 : vector<16xf32> to vector<1x1x16xf32>
        tpu.vector_store %arg6[%swap3A_1325, %swap3A_1326, %swap3A_1327], %swap3A_1330 {strides = array<i32>} : memref<4x16x1024xf32, #tpu.memory_space<vmem>>, vector<1x1x16xf32>,
        %get3A_1331 = arith.constant 1 : i32
        %get3A_1332 = arith.index_cast %get3A_1331 : i32 to index
        %get3A_1333 = arith.index_cast %scan3A_324 : i32 to index
        %get3A_1334 = arith.constant 1008 : index
        %get3A_1335 = tpu.vector_load %arg6[%get3A_1332, %get3A_1333, %get3A_1334] {strides = array<i32>} : memref<4x16x1024xf32, #tpu.memory_space<vmem>>, vector<1x1x16xf32>,
        %get3A_1336 = vector.shape_cast %get3A_1335 : vector<1x1x16xf32> to vector<16xf32>
        %mul3A_1337 = arith.constant 3.200000e+01 : f32
        %mul3A_1338 = vector.broadcast %mul3A_1337 : f32 to vector<16xf32>
        %mul3A_1339 = arith.mulf %get3A_1336, %mul3A_1338 : vector<16xf32>
        %swap3A_1340 = arith.constant 1 : i32
        %swap3A_1341 = arith.index_cast %swap3A_1340 : i32 to index
        %swap3A_1342 = arith.index_cast %scan3A_324 : i32 to index
        %swap3A_1343 = arith.constant 1008 : index
        %swap3A_1344 = tpu.vector_load %arg6[%swap3A_1341, %swap3A_1342, %swap3A_1343] {strides = array<i32>} : memref<4x16x1024xf32, #tpu.memory_space<vmem>>, vector<1x1x16xf32>,
        %swap3A_1345 = vector.shape_cast %swap3A_1344 : vector<1x1x16xf32> to vector<16xf32>
        %swap3A_1346 = vector.shape_cast %mul3A_1339 : vector<16xf32> to vector<1x1x16xf32>
        tpu.vector_store %arg6[%swap3A_1341, %swap3A_1342, %swap3A_1343], %swap3A_1346 {strides = array<i32>} : memref<4x16x1024xf32, #tpu.memory_space<vmem>>, vector<1x1x16xf32>,
      }
      %scan3A_219 = arith.constant 16 : i32
      %mul3A_220 = arith.constant 16 : i32
      %mul3A_221 = arith.muli %add3A_185, %mul3A_220 : i32
      %add3A_222 = arith.addi %mul3A_32, %mul3A_221 : i32
      %dma_start3A_223 = arith.constant 1 : i32
      %dma_start3A_224 = arith.constant 0 : i32
      %dma_start3A_225 = arith.constant 0 : i32
      %dma_start3A_226 = tpu.memref_slice %arg6[%dma_start3A_223, %dma_start3A_224, %dma_start3A_225] : memref<4x16x1024xf32, #tpu.memory_space<vmem>> -> memref<1x16x1024xf32, #tpu.memory_space<vmem>>
      %dma_start3A_227 = tpu.memref_squeeze %dma_start3A_226 : memref<1x16x1024xf32, #tpu.memory_space<vmem>> -> memref<16x1024xf32, #tpu.memory_space<vmem>>
      %dma_start3A_228 = arith.constant 0 : i32
      %dma_start3A_229 = tpu.memref_slice %arg4[%select_n3A, %add3A_222, %dma_start3A_228] : memref<4x8192x1024xf32, #tpu.memory_space<hbm>> -> memref<1x16x1024xf32, #tpu.memory_space<hbm>>
      %dma_start3A_230 = tpu.memref_squeeze %dma_start3A_229 : memref<1x16x1024xf32, #tpu.memory_space<hbm>> -> memref<16x1024xf32, #tpu.memory_space<hbm>>
      %dma_start3A_231 = arith.constant 0 : i32
      %dma_start3A_232 = tpu.memref_slice %arg4[%select_n3A, %add3A_222, %dma_start3A_231] : memref<4x8192x1024xf32, #tpu.memory_space<hbm>> -> memref<1x16x1024xf32, #tpu.memory_space<hbm>>
      %dma_start3A_233 = tpu.memref_squeeze %dma_start3A_232 : memref<1x16x1024xf32, #tpu.memory_space<hbm>> -> memref<16x1024xf32, #tpu.memory_space<hbm>>
      %dma_start3A_234 = arith.constant 0 : i32
      %dma_start3A_235 = arith.constant 0 : i32
      %dma_start3A_236 = tpu.memref_slice %arg6[%dma_start3A_223, %dma_start3A_234, %dma_start3A_235] : memref<4x16x1024xf32, #tpu.memory_space<vmem>> -> memref<1x16x1024xf32, #tpu.memory_space<vmem>>
      %dma_start3A_237 = tpu.memref_squeeze %dma_start3A_236 : memref<1x16x1024xf32, #tpu.memory_space<vmem>> -> memref<16x1024xf32, #tpu.memory_space<vmem>>
      tpu.enqueue_dma source(%dma_start3A_237 : memref<16x1024xf32, #tpu.memory_space<vmem>>) target(%dma_start3A_233 : memref<16x1024xf32, #tpu.memory_space<hbm>>) target_semaphore(%arg12 : memref<!tpu.dma_semaphore, #tpu.memory_space<semaphore_mem>>)
      %mul3A_238 = arith.constant 4 : i32
      %mul3A_239 = arith.muli %scan3A_128, %mul3A_238 : i32
      %add3A_240 = arith.constant 2 : i32
      %add3A_241 = arith.addi %mul3A_239, %add3A_240 : i32
      %lt3A_242 = arith.constant 15 : i32
      %lt3A_243 = arith.cmpi slt, %scan3A_128, %lt3A_242 : i32
      %convert_element_type3A_244 = arith.extui %lt3A_243 : i1 to i32
      %cond3A_245 = arith.constant 0 : i32
      %cond3A_246 = arith.cmpi ne, %convert_element_type3A_244, %cond3A_245 : i32
      scf.if %cond3A_246 {
        %dma_wait3A_324 = arith.constant 0 : i32
        %dma_wait3A_325 = arith.constant 0 : i32
        %dma_wait3A_326 = arith.constant 0 : i32
        %dma_wait3A_327 = arith.constant 0 : i32
        %dma_wait3A_328 = tpu.memref_slice %arg6[%dma_wait3A_324, %dma_wait3A_326, %dma_wait3A_327] : memref<4x16x1024xf32, #tpu.memory_space<vmem>> -> memref<1x16x1024xf32, #tpu.memory_space<vmem>>
        %dma_wait3A_329 = tpu.memref_squeeze %dma_wait3A_328 : memref<1x16x1024xf32, #tpu.memory_space<vmem>> -> memref<16x1024xf32, #tpu.memory_space<vmem>>
        %dma_wait3A_330 = arith.constant 0 : i32
        %dma_wait3A_331 = arith.constant 0 : i32
        %dma_wait3A_332 = tpu.memref_slice %arg4[%dma_wait3A_325, %dma_wait3A_330, %dma_wait3A_331] : memref<4x8192x1024xf32, #tpu.memory_space<hbm>> -> memref<1x16x1024xf32, #tpu.memory_space<hbm>>
        %dma_wait3A_333 = tpu.memref_squeeze %dma_wait3A_332 : memref<1x16x1024xf32, #tpu.memory_space<hbm>> -> memref<16x1024xf32, #tpu.memory_space<hbm>>
        %dma_wait3A_334 = arith.constant 0 : i32
        %dma_wait3A_335 = arith.constant 0 : i32
        %dma_wait3A_336 = tpu.memref_slice %arg4[%dma_wait3A_325, %dma_wait3A_334, %dma_wait3A_335] : memref<4x8192x1024xf32, #tpu.memory_space<hbm>> -> memref<1x16x1024xf32, #tpu.memory_space<hbm>>
        %dma_wait3A_337 = tpu.memref_squeeze %dma_wait3A_336 : memref<1x16x1024xf32, #tpu.memory_space<hbm>> -> memref<16x1024xf32, #tpu.memory_space<hbm>>
        %dma_wait3A_338 = arith.constant 0 : i32
        %dma_wait3A_339 = arith.constant 0 : i32
        %dma_wait3A_340 = tpu.memref_slice %arg6[%dma_wait3A_324, %dma_wait3A_338, %dma_wait3A_339] : memref<4x16x1024xf32, #tpu.memory_space<vmem>> -> memref<1x16x1024xf32, #tpu.memory_space<vmem>>
        %dma_wait3A_341 = tpu.memref_squeeze %dma_wait3A_340 : memref<1x16x1024xf32, #tpu.memory_space<vmem>> -> memref<16x1024xf32, #tpu.memory_space<vmem>>
        tpu.wait_dma2 semaphore(%arg11 : memref<!tpu.dma_semaphore, #tpu.memory_space<semaphore_mem>>) src(%dma_wait3A_341 : memref<16x1024xf32, #tpu.memory_space<vmem>>) dst(%dma_wait3A_337 : memref<16x1024xf32, #tpu.memory_space<hbm>>)
        %add3A_342 = arith.constant 2 : i32
        %add3A_343 = arith.addi %add3A_241, %add3A_342 : i32
        %mul3A_344 = arith.constant 16 : i32
        %mul3A_345 = arith.muli %add3A_343, %mul3A_344 : i32
        %dma_start3A_346 = arith.constant 0 : i32
        %dma_start3A_347 = arith.constant 0 : i32
        %dma_start3A_348 = arith.constant 0 : i32
        %dma_start3A_349 = tpu.memref_slice %arg6[%dma_start3A_346, %dma_start3A_347, %dma_start3A_348] : memref<4x16x1024xf32, #tpu.memory_space<vmem>> -> memref<1x16x1024xf32, #tpu.memory_space<vmem>>
        %dma_start3A_350 = tpu.memref_squeeze %dma_start3A_349 : memref<1x16x1024xf32, #tpu.memory_space<vmem>> -> memref<16x1024xf32, #tpu.memory_space<vmem>>
        %dma_start3A_351 = tpu.memref_slice %arg5[%mul3A_345] : memref<1024xi32, #tpu.memory_space<vmem>> -> memref<16xi32, #tpu.memory_space<vmem>>
        %dma_start3A_352 = arith.constant 0 : i32
        %dma_start3A_353 = arith.constant 0 : i32
        %dma_start3A_354 = tpu.memref_slice %arg3[%dma_start3A_352, %dma_start3A_353] : memref<100000x1024xf32, #tpu.memory_space<hbm>> -> memref<100000x1024xf32, #tpu.memory_space<hbm>>
        tpu.enqueue_indirect_dma source(%dma_start3A_354 : memref<100000x1024xf32, #tpu.memory_space<hbm>>) target(%dma_start3A_350 : memref<16x1024xf32, #tpu.memory_space<vmem>>) offsets(%dma_start3A_351 : memref<16xi32, #tpu.memory_space<vmem>>) semaphore(%arg7 : memref<!tpu.dma_semaphore, #tpu.memory_space<semaphore_mem>>)
      } else {
      }
      %dma_wait3A_247 = arith.constant 2 : i32
      %dma_wait3A_248 = arith.constant 0 : i32
      %dma_wait3A_249 = arith.constant 0 : i32
      %dma_wait3A_250 = tpu.memref_slice %arg6[%dma_wait3A_247, %dma_wait3A_248, %dma_wait3A_249] : memref<4x16x1024xf32, #tpu.memory_space<vmem>> -> memref<1x16x1024xf32, #tpu.memory_space<vmem>>
      %dma_wait3A_251 = tpu.memref_squeeze %dma_wait3A_250 : memref<1x16x1024xf32, #tpu.memory_space<vmem>> -> memref<16x1024xf32, #tpu.memory_space<vmem>>
      %dma_wait3A_252 = arith.constant 0 : i32
      %dma_wait3A_253 = tpu.memref_slice %arg5[%dma_wait3A_252] : memref<1024xi32, #tpu.memory_space<vmem>> -> memref<16xi32, #tpu.memory_space<vmem>>
      %dma_wait3A_254 = arith.constant 0 : i32
      %dma_wait3A_255 = arith.constant 0 : i32
      %dma_wait3A_256 = tpu.memref_slice %arg3[%dma_wait3A_254, %dma_wait3A_255] : memref<100000x1024xf32, #tpu.memory_space<hbm>> -> memref<100000x1024xf32, #tpu.memory_space<hbm>>
      tpu.wait_indirect_dma semaphore(%arg9 : memref<!tpu.dma_semaphore, #tpu.memory_space<semaphore_mem>>) src(%dma_wait3A_256 : memref<100000x1024xf32, #tpu.memory_space<hbm>>) dst(%dma_wait3A_251 : memref<16x1024xf32, #tpu.memory_space<vmem>>)
      %scan3A_257 = arith.constant 0 : i32
      %scan3A_258 = arith.constant 0 : i32
      %scan3A_259 = arith.constant 16 : i32
      %scan3A_260 = arith.addi %scan3A_258, %scan3A_259 : i32
      %scan3A_261 = arith.constant 1 : i32
      scf.for %scan3A_324 = %scan3A_258 to %scan3A_260 step %scan3A_261  : i32 {
        %get3A = arith.constant 2 : i32
        %get3A_325 = arith.index_cast %get3A : i32 to index
        %get3A_326 = arith.index_cast %scan3A_324 : i32 to index
        %get3A_327 = arith.constant 0 : index
        %get3A_328 = tpu.vector_load %arg6[%get3A_325, %get3A_326, %get3A_327] {strides = array<i32>} : memref<4x16x1024xf32, #tpu.memory_space<vmem>>, vector<1x1x16xf32>,
        %get3A_329 = vector.shape_cast %get3A_328 : vector<1x1x16xf32> to vector<16xf32>
        %mul3A_330 = arith.constant 3.200000e+01 : f32
        %mul3A_331 = vector.broadcast %mul3A_330 : f32 to vector<16xf32>
        %mul3A_332 = arith.mulf %get3A_329, %mul3A_331 : vector<16xf32>
        %swap3A = arith.constant 2 : i32
        %swap3A_333 = arith.index_cast %swap3A : i32 to index
        %swap3A_334 = arith.index_cast %scan3A_324 : i32 to index
        %swap3A_335 = arith.constant 0 : index
        %swap3A_336 = tpu.vector_load %arg6[%swap3A_333, %swap3A_334, %swap3A_335] {strides = array<i32>} : memref<4x16x1024xf32, #tpu.memory_space<vmem>>, vector<1x1x16xf32>,
        %swap3A_337 = vector.shape_cast %swap3A_336 : vector<1x1x16xf32> to vector<16xf32>
        %swap3A_338 = vector.shape_cast %mul3A_332 : vector<16xf32> to vector<1x1x16xf32>
        tpu.vector_store %arg6[%swap3A_333, %swap3A_334, %swap3A_335], %swap3A_338 {strides = array<i32>} : memref<4x16x1024xf32, #tpu.memory_space<vmem>>, vector<1x1x16xf32>,
        %get3A_339 = arith.constant 2 : i32
        %get3A_340 = arith.index_cast %get3A_339 : i32 to index
        %get3A_341 = arith.index_cast %scan3A_324 : i32 to index
        %get3A_342 = arith.constant 16 : index
        %get3A_343 = tpu.vector_load %arg6[%get3A_340, %get3A_341, %get3A_342] {strides = array<i32>} : memref<4x16x1024xf32, #tpu.memory_space<vmem>>, vector<1x1x16xf32>,
        %get3A_344 = vector.shape_cast %get3A_343 : vector<1x1x16xf32> to vector<16xf32>
        %mul3A_345 = arith.constant 3.200000e+01 : f32
        %mul3A_346 = vector.broadcast %mul3A_345 : f32 to vector<16xf32>
        %mul3A_347 = arith.mulf %get3A_344, %mul3A_346 : vector<16xf32>
        %swap3A_348 = arith.constant 2 : i32
        %swap3A_349 = arith.index_cast %swap3A_348 : i32 to index
        %swap3A_350 = arith.index_cast %scan3A_324 : i32 to index
        %swap3A_351 = arith.constant 16 : index
        %swap3A_352 = tpu.vector_load %arg6[%swap3A_349, %swap3A_350, %swap3A_351] {strides = array<i32>} : memref<4x16x1024xf32, #tpu.memory_space<vmem>>, vector<1x1x16xf32>,
        %swap3A_353 = vector.shape_cast %swap3A_352 : vector<1x1x16xf32> to vector<16xf32>
        %swap3A_354 = vector.shape_cast %mul3A_347 : vector<16xf32> to vector<1x1x16xf32>
        tpu.vector_store %arg6[%swap3A_349, %swap3A_350, %swap3A_351], %swap3A_354 {strides = array<i32>} : memref<4x16x1024xf32, #tpu.memory_space<vmem>>, vector<1x1x16xf32>,
        %get3A_355 = arith.constant 2 : i32
        %get3A_356 = arith.index_cast %get3A_355 : i32 to index
        %get3A_357 = arith.index_cast %scan3A_324 : i32 to index
        %get3A_358 = arith.constant 32 : index
        %get3A_359 = tpu.vector_load %arg6[%get3A_356, %get3A_357, %get3A_358] {strides = array<i32>} : memref<4x16x1024xf32, #tpu.memory_space<vmem>>, vector<1x1x16xf32>,
        %get3A_360 = vector.shape_cast %get3A_359 : vector<1x1x16xf32> to vector<16xf32>
        %mul3A_361 = arith.constant 3.200000e+01 : f32
        %mul3A_362 = vector.broadcast %mul3A_361 : f32 to vector<16xf32>
        %mul3A_363 = arith.mulf %get3A_360, %mul3A_362 : vector<16xf32>
        %swap3A_364 = arith.constant 2 : i32
        %swap3A_365 = arith.index_cast %swap3A_364 : i32 to index
        %swap3A_366 = arith.index_cast %scan3A_324 : i32 to index
        %swap3A_367 = arith.constant 32 : index
        %swap3A_368 = tpu.vector_load %arg6[%swap3A_365, %swap3A_366, %swap3A_367] {strides = array<i32>} : memref<4x16x1024xf32, #tpu.memory_space<vmem>>, vector<1x1x16xf32>,
        %swap3A_369 = vector.shape_cast %swap3A_368 : vector<1x1x16xf32> to vector<16xf32>
        %swap3A_370 = vector.shape_cast %mul3A_363 : vector<16xf32> to vector<1x1x16xf32>
        tpu.vector_store %arg6[%swap3A_365, %swap3A_366, %swap3A_367], %swap3A_370 {strides = array<i32>} : memref<4x16x1024xf32, #tpu.memory_space<vmem>>, vector<1x1x16xf32>,
        %get3A_371 = arith.constant 2 : i32
        %get3A_372 = arith.index_cast %get3A_371 : i32 to index
        %get3A_373 = arith.index_cast %scan3A_324 : i32 to index
        %get3A_374 = arith.constant 48 : index
        %get3A_375 = tpu.vector_load %arg6[%get3A_372, %get3A_373, %get3A_374] {strides = array<i32>} : memref<4x16x1024xf32, #tpu.memory_space<vmem>>, vector<1x1x16xf32>,
        %get3A_376 = vector.shape_cast %get3A_375 : vector<1x1x16xf32> to vector<16xf32>
        %mul3A_377 = arith.constant 3.200000e+01 : f32
        %mul3A_378 = vector.broadcast %mul3A_377 : f32 to vector<16xf32>
        %mul3A_379 = arith.mulf %get3A_376, %mul3A_378 : vector<16xf32>
        %swap3A_380 = arith.constant 2 : i32
        %swap3A_381 = arith.index_cast %swap3A_380 : i32 to index
        %swap3A_382 = arith.index_cast %scan3A_324 : i32 to index
        %swap3A_383 = arith.constant 48 : index
        %swap3A_384 = tpu.vector_load %arg6[%swap3A_381, %swap3A_382, %swap3A_383] {strides = array<i32>} : memref<4x16x1024xf32, #tpu.memory_space<vmem>>, vector<1x1x16xf32>,
        %swap3A_385 = vector.shape_cast %swap3A_384 : vector<1x1x16xf32> to vector<16xf32>
        %swap3A_386 = vector.shape_cast %mul3A_379 : vector<16xf32> to vector<1x1x16xf32>
        tpu.vector_store %arg6[%swap3A_381, %swap3A_382, %swap3A_383], %swap3A_386 {strides = array<i32>} : memref<4x16x1024xf32, #tpu.memory_space<vmem>>, vector<1x1x16xf32>,
        %get3A_387 = arith.constant 2 : i32
        %get3A_388 = arith.index_cast %get3A_387 : i32 to index
        %get3A_389 = arith.index_cast %scan3A_324 : i32 to index
        %get3A_390 = arith.constant 64 : index
        %get3A_391 = tpu.vector_load %arg6[%get3A_388, %get3A_389, %get3A_390] {strides = array<i32>} : memref<4x16x1024xf32, #tpu.memory_space<vmem>>, vector<1x1x16xf32>,
        %get3A_392 = vector.shape_cast %get3A_391 : vector<1x1x16xf32> to vector<16xf32>
        %mul3A_393 = arith.constant 3.200000e+01 : f32
        %mul3A_394 = vector.broadcast %mul3A_393 : f32 to vector<16xf32>
        %mul3A_395 = arith.mulf %get3A_392, %mul3A_394 : vector<16xf32>
        %swap3A_396 = arith.constant 2 : i32
        %swap3A_397 = arith.index_cast %swap3A_396 : i32 to index
        %swap3A_398 = arith.index_cast %scan3A_324 : i32 to index
        %swap3A_399 = arith.constant 64 : index
        %swap3A_400 = tpu.vector_load %arg6[%swap3A_397, %swap3A_398, %swap3A_399] {strides = array<i32>} : memref<4x16x1024xf32, #tpu.memory_space<vmem>>, vector<1x1x16xf32>,
        %swap3A_401 = vector.shape_cast %swap3A_400 : vector<1x1x16xf32> to vector<16xf32>
        %swap3A_402 = vector.shape_cast %mul3A_395 : vector<16xf32> to vector<1x1x16xf32>
        tpu.vector_store %arg6[%swap3A_397, %swap3A_398, %swap3A_399], %swap3A_402 {strides = array<i32>} : memref<4x16x1024xf32, #tpu.memory_space<vmem>>, vector<1x1x16xf32>,
        %get3A_403 = arith.constant 2 : i32
        %get3A_404 = arith.index_cast %get3A_403 : i32 to index
        %get3A_405 = arith.index_cast %scan3A_324 : i32 to index
        %get3A_406 = arith.constant 80 : index
        %get3A_407 = tpu.vector_load %arg6[%get3A_404, %get3A_405, %get3A_406] {strides = array<i32>} : memref<4x16x1024xf32, #tpu.memory_space<vmem>>, vector<1x1x16xf32>,
        %get3A_408 = vector.shape_cast %get3A_407 : vector<1x1x16xf32> to vector<16xf32>
        %mul3A_409 = arith.constant 3.200000e+01 : f32
        %mul3A_410 = vector.broadcast %mul3A_409 : f32 to vector<16xf32>
        %mul3A_411 = arith.mulf %get3A_408, %mul3A_410 : vector<16xf32>
        %swap3A_412 = arith.constant 2 : i32
        %swap3A_413 = arith.index_cast %swap3A_412 : i32 to index
        %swap3A_414 = arith.index_cast %scan3A_324 : i32 to index
        %swap3A_415 = arith.constant 80 : index
        %swap3A_416 = tpu.vector_load %arg6[%swap3A_413, %swap3A_414, %swap3A_415] {strides = array<i32>} : memref<4x16x1024xf32, #tpu.memory_space<vmem>>, vector<1x1x16xf32>,
        %swap3A_417 = vector.shape_cast %swap3A_416 : vector<1x1x16xf32> to vector<16xf32>
        %swap3A_418 = vector.shape_cast %mul3A_411 : vector<16xf32> to vector<1x1x16xf32>
        tpu.vector_store %arg6[%swap3A_413, %swap3A_414, %swap3A_415], %swap3A_418 {strides = array<i32>} : memref<4x16x1024xf32, #tpu.memory_space<vmem>>, vector<1x1x16xf32>,
        %get3A_419 = arith.constant 2 : i32
        %get3A_420 = arith.index_cast %get3A_419 : i32 to index
        %get3A_421 = arith.index_cast %scan3A_324 : i32 to index
        %get3A_422 = arith.constant 96 : index
        %get3A_423 = tpu.vector_load %arg6[%get3A_420, %get3A_421, %get3A_422] {strides = array<i32>} : memref<4x16x1024xf32, #tpu.memory_space<vmem>>, vector<1x1x16xf32>,
        %get3A_424 = vector.shape_cast %get3A_423 : vector<1x1x16xf32> to vector<16xf32>
        %mul3A_425 = arith.constant 3.200000e+01 : f32
        %mul3A_426 = vector.broadcast %mul3A_425 : f32 to vector<16xf32>
        %mul3A_427 = arith.mulf %get3A_424, %mul3A_426 : vector<16xf32>
        %swap3A_428 = arith.constant 2 : i32
        %swap3A_429 = arith.index_cast %swap3A_428 : i32 to index
        %swap3A_430 = arith.index_cast %scan3A_324 : i32 to index
        %swap3A_431 = arith.constant 96 : index
        %swap3A_432 = tpu.vector_load %arg6[%swap3A_429, %swap3A_430, %swap3A_431] {strides = array<i32>} : memref<4x16x1024xf32, #tpu.memory_space<vmem>>, vector<1x1x16xf32>,
        %swap3A_433 = vector.shape_cast %swap3A_432 : vector<1x1x16xf32> to vector<16xf32>
        %swap3A_434 = vector.shape_cast %mul3A_427 : vector<16xf32> to vector<1x1x16xf32>
        tpu.vector_store %arg6[%swap3A_429, %swap3A_430, %swap3A_431], %swap3A_434 {strides = array<i32>} : memref<4x16x1024xf32, #tpu.memory_space<vmem>>, vector<1x1x16xf32>,
        %get3A_435 = arith.constant 2 : i32
        %get3A_436 = arith.index_cast %get3A_435 : i32 to index
        %get3A_437 = arith.index_cast %scan3A_324 : i32 to index
        %get3A_438 = arith.constant 112 : index
        %get3A_439 = tpu.vector_load %arg6[%get3A_436, %get3A_437, %get3A_438] {strides = array<i32>} : memref<4x16x1024xf32, #tpu.memory_space<vmem>>, vector<1x1x16xf32>,
        %get3A_440 = vector.shape_cast %get3A_439 : vector<1x1x16xf32> to vector<16xf32>
        %mul3A_441 = arith.constant 3.200000e+01 : f32
        %mul3A_442 = vector.broadcast %mul3A_441 : f32 to vector<16xf32>
        %mul3A_443 = arith.mulf %get3A_440, %mul3A_442 : vector<16xf32>
        %swap3A_444 = arith.constant 2 : i32
        %swap3A_445 = arith.index_cast %swap3A_444 : i32 to index
        %swap3A_446 = arith.index_cast %scan3A_324 : i32 to index
        %swap3A_447 = arith.constant 112 : index
        %swap3A_448 = tpu.vector_load %arg6[%swap3A_445, %swap3A_446, %swap3A_447] {strides = array<i32>} : memref<4x16x1024xf32, #tpu.memory_space<vmem>>, vector<1x1x16xf32>,
        %swap3A_449 = vector.shape_cast %swap3A_448 : vector<1x1x16xf32> to vector<16xf32>
        %swap3A_450 = vector.shape_cast %mul3A_443 : vector<16xf32> to vector<1x1x16xf32>
        tpu.vector_store %arg6[%swap3A_445, %swap3A_446, %swap3A_447], %swap3A_450 {strides = array<i32>} : memref<4x16x1024xf32, #tpu.memory_space<vmem>>, vector<1x1x16xf32>,
        %get3A_451 = arith.constant 2 : i32
        %get3A_452 = arith.index_cast %get3A_451 : i32 to index
        %get3A_453 = arith.index_cast %scan3A_324 : i32 to index
        %get3A_454 = arith.constant 128 : index
        %get3A_455 = tpu.vector_load %arg6[%get3A_452, %get3A_453, %get3A_454] {strides = array<i32>} : memref<4x16x1024xf32, #tpu.memory_space<vmem>>, vector<1x1x16xf32>,
        %get3A_456 = vector.shape_cast %get3A_455 : vector<1x1x16xf32> to vector<16xf32>
        %mul3A_457 = arith.constant 3.200000e+01 : f32
        %mul3A_458 = vector.broadcast %mul3A_457 : f32 to vector<16xf32>
        %mul3A_459 = arith.mulf %get3A_456, %mul3A_458 : vector<16xf32>
        %swap3A_460 = arith.constant 2 : i32
        %swap3A_461 = arith.index_cast %swap3A_460 : i32 to index
        %swap3A_462 = arith.index_cast %scan3A_324 : i32 to index
        %swap3A_463 = arith.constant 128 : index
        %swap3A_464 = tpu.vector_load %arg6[%swap3A_461, %swap3A_462, %swap3A_463] {strides = array<i32>} : memref<4x16x1024xf32, #tpu.memory_space<vmem>>, vector<1x1x16xf32>,
        %swap3A_465 = vector.shape_cast %swap3A_464 : vector<1x1x16xf32> to vector<16xf32>
        %swap3A_466 = vector.shape_cast %mul3A_459 : vector<16xf32> to vector<1x1x16xf32>
        tpu.vector_store %arg6[%swap3A_461, %swap3A_462, %swap3A_463], %swap3A_466 {strides = array<i32>} : memref<4x16x1024xf32, #tpu.memory_space<vmem>>, vector<1x1x16xf32>,
        %get3A_467 = arith.constant 2 : i32
        %get3A_468 = arith.index_cast %get3A_467 : i32 to index
        %get3A_469 = arith.index_cast %scan3A_324 : i32 to index
        %get3A_470 = arith.constant 144 : index
        %get3A_471 = tpu.vector_load %arg6[%get3A_468, %get3A_469, %get3A_470] {strides = array<i32>} : memref<4x16x1024xf32, #tpu.memory_space<vmem>>, vector<1x1x16xf32>,
        %get3A_472 = vector.shape_cast %get3A_471 : vector<1x1x16xf32> to vector<16xf32>
        %mul3A_473 = arith.constant 3.200000e+01 : f32
        %mul3A_474 = vector.broadcast %mul3A_473 : f32 to vector<16xf32>
        %mul3A_475 = arith.mulf %get3A_472, %mul3A_474 : vector<16xf32>
        %swap3A_476 = arith.constant 2 : i32
        %swap3A_477 = arith.index_cast %swap3A_476 : i32 to index
        %swap3A_478 = arith.index_cast %scan3A_324 : i32 to index
        %swap3A_479 = arith.constant 144 : index
        %swap3A_480 = tpu.vector_load %arg6[%swap3A_477, %swap3A_478, %swap3A_479] {strides = array<i32>} : memref<4x16x1024xf32, #tpu.memory_space<vmem>>, vector<1x1x16xf32>,
        %swap3A_481 = vector.shape_cast %swap3A_480 : vector<1x1x16xf32> to vector<16xf32>
        %swap3A_482 = vector.shape_cast %mul3A_475 : vector<16xf32> to vector<1x1x16xf32>
        tpu.vector_store %arg6[%swap3A_477, %swap3A_478, %swap3A_479], %swap3A_482 {strides = array<i32>} : memref<4x16x1024xf32, #tpu.memory_space<vmem>>, vector<1x1x16xf32>,
        %get3A_483 = arith.constant 2 : i32
        %get3A_484 = arith.index_cast %get3A_483 : i32 to index
        %get3A_485 = arith.index_cast %scan3A_324 : i32 to index
        %get3A_486 = arith.constant 160 : index
        %get3A_487 = tpu.vector_load %arg6[%get3A_484, %get3A_485, %get3A_486] {strides = array<i32>} : memref<4x16x1024xf32, #tpu.memory_space<vmem>>, vector<1x1x16xf32>,
        %get3A_488 = vector.shape_cast %get3A_487 : vector<1x1x16xf32> to vector<16xf32>
        %mul3A_489 = arith.constant 3.200000e+01 : f32
        %mul3A_490 = vector.broadcast %mul3A_489 : f32 to vector<16xf32>
        %mul3A_491 = arith.mulf %get3A_488, %mul3A_490 : vector<16xf32>
        %swap3A_492 = arith.constant 2 : i32
        %swap3A_493 = arith.index_cast %swap3A_492 : i32 to index
        %swap3A_494 = arith.index_cast %scan3A_324 : i32 to index
        %swap3A_495 = arith.constant 160 : index
        %swap3A_496 = tpu.vector_load %arg6[%swap3A_493, %swap3A_494, %swap3A_495] {strides = array<i32>} : memref<4x16x1024xf32, #tpu.memory_space<vmem>>, vector<1x1x16xf32>,
        %swap3A_497 = vector.shape_cast %swap3A_496 : vector<1x1x16xf32> to vector<16xf32>
        %swap3A_498 = vector.shape_cast %mul3A_491 : vector<16xf32> to vector<1x1x16xf32>
        tpu.vector_store %arg6[%swap3A_493, %swap3A_494, %swap3A_495], %swap3A_498 {strides = array<i32>} : memref<4x16x1024xf32, #tpu.memory_space<vmem>>, vector<1x1x16xf32>,
        %get3A_499 = arith.constant 2 : i32
        %get3A_500 = arith.index_cast %get3A_499 : i32 to index
        %get3A_501 = arith.index_cast %scan3A_324 : i32 to index
        %get3A_502 = arith.constant 176 : index
        %get3A_503 = tpu.vector_load %arg6[%get3A_500, %get3A_501, %get3A_502] {strides = array<i32>} : memref<4x16x1024xf32, #tpu.memory_space<vmem>>, vector<1x1x16xf32>,
        %get3A_504 = vector.shape_cast %get3A_503 : vector<1x1x16xf32> to vector<16xf32>
        %mul3A_505 = arith.constant 3.200000e+01 : f32
        %mul3A_506 = vector.broadcast %mul3A_505 : f32 to vector<16xf32>
        %mul3A_507 = arith.mulf %get3A_504, %mul3A_506 : vector<16xf32>
        %swap3A_508 = arith.constant 2 : i32
        %swap3A_509 = arith.index_cast %swap3A_508 : i32 to index
        %swap3A_510 = arith.index_cast %scan3A_324 : i32 to index
        %swap3A_511 = arith.constant 176 : index
        %swap3A_512 = tpu.vector_load %arg6[%swap3A_509, %swap3A_510, %swap3A_511] {strides = array<i32>} : memref<4x16x1024xf32, #tpu.memory_space<vmem>>, vector<1x1x16xf32>,
        %swap3A_513 = vector.shape_cast %swap3A_512 : vector<1x1x16xf32> to vector<16xf32>
        %swap3A_514 = vector.shape_cast %mul3A_507 : vector<16xf32> to vector<1x1x16xf32>
        tpu.vector_store %arg6[%swap3A_509, %swap3A_510, %swap3A_511], %swap3A_514 {strides = array<i32>} : memref<4x16x1024xf32, #tpu.memory_space<vmem>>, vector<1x1x16xf32>,
        %get3A_515 = arith.constant 2 : i32
        %get3A_516 = arith.index_cast %get3A_515 : i32 to index
        %get3A_517 = arith.index_cast %scan3A_324 : i32 to index
        %get3A_518 = arith.constant 192 : index
        %get3A_519 = tpu.vector_load %arg6[%get3A_516, %get3A_517, %get3A_518] {strides = array<i32>} : memref<4x16x1024xf32, #tpu.memory_space<vmem>>, vector<1x1x16xf32>,
        %get3A_520 = vector.shape_cast %get3A_519 : vector<1x1x16xf32> to vector<16xf32>
        %mul3A_521 = arith.constant 3.200000e+01 : f32
        %mul3A_522 = vector.broadcast %mul3A_521 : f32 to vector<16xf32>
        %mul3A_523 = arith.mulf %get3A_520, %mul3A_522 : vector<16xf32>
        %swap3A_524 = arith.constant 2 : i32
        %swap3A_525 = arith.index_cast %swap3A_524 : i32 to index
        %swap3A_526 = arith.index_cast %scan3A_324 : i32 to index
        %swap3A_527 = arith.constant 192 : index
        %swap3A_528 = tpu.vector_load %arg6[%swap3A_525, %swap3A_526, %swap3A_527] {strides = array<i32>} : memref<4x16x1024xf32, #tpu.memory_space<vmem>>, vector<1x1x16xf32>,
        %swap3A_529 = vector.shape_cast %swap3A_528 : vector<1x1x16xf32> to vector<16xf32>
        %swap3A_530 = vector.shape_cast %mul3A_523 : vector<16xf32> to vector<1x1x16xf32>
        tpu.vector_store %arg6[%swap3A_525, %swap3A_526, %swap3A_527], %swap3A_530 {strides = array<i32>} : memref<4x16x1024xf32, #tpu.memory_space<vmem>>, vector<1x1x16xf32>,
        %get3A_531 = arith.constant 2 : i32
        %get3A_532 = arith.index_cast %get3A_531 : i32 to index
        %get3A_533 = arith.index_cast %scan3A_324 : i32 to index
        %get3A_534 = arith.constant 208 : index
        %get3A_535 = tpu.vector_load %arg6[%get3A_532, %get3A_533, %get3A_534] {strides = array<i32>} : memref<4x16x1024xf32, #tpu.memory_space<vmem>>, vector<1x1x16xf32>,
        %get3A_536 = vector.shape_cast %get3A_535 : vector<1x1x16xf32> to vector<16xf32>
        %mul3A_537 = arith.constant 3.200000e+01 : f32
        %mul3A_538 = vector.broadcast %mul3A_537 : f32 to vector<16xf32>
        %mul3A_539 = arith.mulf %get3A_536, %mul3A_538 : vector<16xf32>
        %swap3A_540 = arith.constant 2 : i32
        %swap3A_541 = arith.index_cast %swap3A_540 : i32 to index
        %swap3A_542 = arith.index_cast %scan3A_324 : i32 to index
        %swap3A_543 = arith.constant 208 : index
        %swap3A_544 = tpu.vector_load %arg6[%swap3A_541, %swap3A_542, %swap3A_543] {strides = array<i32>} : memref<4x16x1024xf32, #tpu.memory_space<vmem>>, vector<1x1x16xf32>,
        %swap3A_545 = vector.shape_cast %swap3A_544 : vector<1x1x16xf32> to vector<16xf32>
        %swap3A_546 = vector.shape_cast %mul3A_539 : vector<16xf32> to vector<1x1x16xf32>
        tpu.vector_store %arg6[%swap3A_541, %swap3A_542, %swap3A_543], %swap3A_546 {strides = array<i32>} : memref<4x16x1024xf32, #tpu.memory_space<vmem>>, vector<1x1x16xf32>,
        %get3A_547 = arith.constant 2 : i32
        %get3A_548 = arith.index_cast %get3A_547 : i32 to index
        %get3A_549 = arith.index_cast %scan3A_324 : i32 to index
        %get3A_550 = arith.constant 224 : index
        %get3A_551 = tpu.vector_load %arg6[%get3A_548, %get3A_549, %get3A_550] {strides = array<i32>} : memref<4x16x1024xf32, #tpu.memory_space<vmem>>, vector<1x1x16xf32>,
        %get3A_552 = vector.shape_cast %get3A_551 : vector<1x1x16xf32> to vector<16xf32>
        %mul3A_553 = arith.constant 3.200000e+01 : f32
        %mul3A_554 = vector.broadcast %mul3A_553 : f32 to vector<16xf32>
        %mul3A_555 = arith.mulf %get3A_552, %mul3A_554 : vector<16xf32>
        %swap3A_556 = arith.constant 2 : i32
        %swap3A_557 = arith.index_cast %swap3A_556 : i32 to index
        %swap3A_558 = arith.index_cast %scan3A_324 : i32 to index
        %swap3A_559 = arith.constant 224 : index
        %swap3A_560 = tpu.vector_load %arg6[%swap3A_557, %swap3A_558, %swap3A_559] {strides = array<i32>} : memref<4x16x1024xf32, #tpu.memory_space<vmem>>, vector<1x1x16xf32>,
        %swap3A_561 = vector.shape_cast %swap3A_560 : vector<1x1x16xf32> to vector<16xf32>
        %swap3A_562 = vector.shape_cast %mul3A_555 : vector<16xf32> to vector<1x1x16xf32>
        tpu.vector_store %arg6[%swap3A_557, %swap3A_558, %swap3A_559], %swap3A_562 {strides = array<i32>} : memref<4x16x1024xf32, #tpu.memory_space<vmem>>, vector<1x1x16xf32>,
        %get3A_563 = arith.constant 2 : i32
        %get3A_564 = arith.index_cast %get3A_563 : i32 to index
        %get3A_565 = arith.index_cast %scan3A_324 : i32 to index
        %get3A_566 = arith.constant 240 : index
        %get3A_567 = tpu.vector_load %arg6[%get3A_564, %get3A_565, %get3A_566] {strides = array<i32>} : memref<4x16x1024xf32, #tpu.memory_space<vmem>>, vector<1x1x16xf32>,
        %get3A_568 = vector.shape_cast %get3A_567 : vector<1x1x16xf32> to vector<16xf32>
        %mul3A_569 = arith.constant 3.200000e+01 : f32
        %mul3A_570 = vector.broadcast %mul3A_569 : f32 to vector<16xf32>
        %mul3A_571 = arith.mulf %get3A_568, %mul3A_570 : vector<16xf32>
        %swap3A_572 = arith.constant 2 : i32
        %swap3A_573 = arith.index_cast %swap3A_572 : i32 to index
        %swap3A_574 = arith.index_cast %scan3A_324 : i32 to index
        %swap3A_575 = arith.constant 240 : index
        %swap3A_576 = tpu.vector_load %arg6[%swap3A_573, %swap3A_574, %swap3A_575] {strides = array<i32>} : memref<4x16x1024xf32, #tpu.memory_space<vmem>>, vector<1x1x16xf32>,
        %swap3A_577 = vector.shape_cast %swap3A_576 : vector<1x1x16xf32> to vector<16xf32>
        %swap3A_578 = vector.shape_cast %mul3A_571 : vector<16xf32> to vector<1x1x16xf32>
        tpu.vector_store %arg6[%swap3A_573, %swap3A_574, %swap3A_575], %swap3A_578 {strides = array<i32>} : memref<4x16x1024xf32, #tpu.memory_space<vmem>>, vector<1x1x16xf32>,
        %get3A_579 = arith.constant 2 : i32
        %get3A_580 = arith.index_cast %get3A_579 : i32 to index
        %get3A_581 = arith.index_cast %scan3A_324 : i32 to index
        %get3A_582 = arith.constant 256 : index
        %get3A_583 = tpu.vector_load %arg6[%get3A_580, %get3A_581, %get3A_582] {strides = array<i32>} : memref<4x16x1024xf32, #tpu.memory_space<vmem>>, vector<1x1x16xf32>,
        %get3A_584 = vector.shape_cast %get3A_583 : vector<1x1x16xf32> to vector<16xf32>
        %mul3A_585 = arith.constant 3.200000e+01 : f32
        %mul3A_586 = vector.broadcast %mul3A_585 : f32 to vector<16xf32>
        %mul3A_587 = arith.mulf %get3A_584, %mul3A_586 : vector<16xf32>
        %swap3A_588 = arith.constant 2 : i32
        %swap3A_589 = arith.index_cast %swap3A_588 : i32 to index
        %swap3A_590 = arith.index_cast %scan3A_324 : i32 to index
        %swap3A_591 = arith.constant 256 : index
        %swap3A_592 = tpu.vector_load %arg6[%swap3A_589, %swap3A_590, %swap3A_591] {strides = array<i32>} : memref<4x16x1024xf32, #tpu.memory_space<vmem>>, vector<1x1x16xf32>,
        %swap3A_593 = vector.shape_cast %swap3A_592 : vector<1x1x16xf32> to vector<16xf32>
        %swap3A_594 = vector.shape_cast %mul3A_587 : vector<16xf32> to vector<1x1x16xf32>
        tpu.vector_store %arg6[%swap3A_589, %swap3A_590, %swap3A_591], %swap3A_594 {strides = array<i32>} : memref<4x16x1024xf32, #tpu.memory_space<vmem>>, vector<1x1x16xf32>,
        %get3A_595 = arith.constant 2 : i32
        %get3A_596 = arith.index_cast %get3A_595 : i32 to index
        %get3A_597 = arith.index_cast %scan3A_324 : i32 to index
        %get3A_598 = arith.constant 272 : index
        %get3A_599 = tpu.vector_load %arg6[%get3A_596, %get3A_597, %get3A_598] {strides = array<i32>} : memref<4x16x1024xf32, #tpu.memory_space<vmem>>, vector<1x1x16xf32>,
        %get3A_600 = vector.shape_cast %get3A_599 : vector<1x1x16xf32> to vector<16xf32>
        %mul3A_601 = arith.constant 3.200000e+01 : f32
        %mul3A_602 = vector.broadcast %mul3A_601 : f32 to vector<16xf32>
        %mul3A_603 = arith.mulf %get3A_600, %mul3A_602 : vector<16xf32>
        %swap3A_604 = arith.constant 2 : i32
        %swap3A_605 = arith.index_cast %swap3A_604 : i32 to index
        %swap3A_606 = arith.index_cast %scan3A_324 : i32 to index
        %swap3A_607 = arith.constant 272 : index
        %swap3A_608 = tpu.vector_load %arg6[%swap3A_605, %swap3A_606, %swap3A_607] {strides = array<i32>} : memref<4x16x1024xf32, #tpu.memory_space<vmem>>, vector<1x1x16xf32>,
        %swap3A_609 = vector.shape_cast %swap3A_608 : vector<1x1x16xf32> to vector<16xf32>
        %swap3A_610 = vector.shape_cast %mul3A_603 : vector<16xf32> to vector<1x1x16xf32>
        tpu.vector_store %arg6[%swap3A_605, %swap3A_606, %swap3A_607], %swap3A_610 {strides = array<i32>} : memref<4x16x1024xf32, #tpu.memory_space<vmem>>, vector<1x1x16xf32>,
        %get3A_611 = arith.constant 2 : i32
        %get3A_612 = arith.index_cast %get3A_611 : i32 to index
        %get3A_613 = arith.index_cast %scan3A_324 : i32 to index
        %get3A_614 = arith.constant 288 : index
        %get3A_615 = tpu.vector_load %arg6[%get3A_612, %get3A_613, %get3A_614] {strides = array<i32>} : memref<4x16x1024xf32, #tpu.memory_space<vmem>>, vector<1x1x16xf32>,
        %get3A_616 = vector.shape_cast %get3A_615 : vector<1x1x16xf32> to vector<16xf32>
        %mul3A_617 = arith.constant 3.200000e+01 : f32
        %mul3A_618 = vector.broadcast %mul3A_617 : f32 to vector<16xf32>
        %mul3A_619 = arith.mulf %get3A_616, %mul3A_618 : vector<16xf32>
        %swap3A_620 = arith.constant 2 : i32
        %swap3A_621 = arith.index_cast %swap3A_620 : i32 to index
        %swap3A_622 = arith.index_cast %scan3A_324 : i32 to index
        %swap3A_623 = arith.constant 288 : index
        %swap3A_624 = tpu.vector_load %arg6[%swap3A_621, %swap3A_622, %swap3A_623] {strides = array<i32>} : memref<4x16x1024xf32, #tpu.memory_space<vmem>>, vector<1x1x16xf32>,
        %swap3A_625 = vector.shape_cast %swap3A_624 : vector<1x1x16xf32> to vector<16xf32>
        %swap3A_626 = vector.shape_cast %mul3A_619 : vector<16xf32> to vector<1x1x16xf32>
        tpu.vector_store %arg6[%swap3A_621, %swap3A_622, %swap3A_623], %swap3A_626 {strides = array<i32>} : memref<4x16x1024xf32, #tpu.memory_space<vmem>>, vector<1x1x16xf32>,
        %get3A_627 = arith.constant 2 : i32
        %get3A_628 = arith.index_cast %get3A_627 : i32 to index
        %get3A_629 = arith.index_cast %scan3A_324 : i32 to index
        %get3A_630 = arith.constant 304 : index
        %get3A_631 = tpu.vector_load %arg6[%get3A_628, %get3A_629, %get3A_630] {strides = array<i32>} : memref<4x16x1024xf32, #tpu.memory_space<vmem>>, vector<1x1x16xf32>,
        %get3A_632 = vector.shape_cast %get3A_631 : vector<1x1x16xf32> to vector<16xf32>
        %mul3A_633 = arith.constant 3.200000e+01 : f32
        %mul3A_634 = vector.broadcast %mul3A_633 : f32 to vector<16xf32>
        %mul3A_635 = arith.mulf %get3A_632, %mul3A_634 : vector<16xf32>
        %swap3A_636 = arith.constant 2 : i32
        %swap3A_637 = arith.index_cast %swap3A_636 : i32 to index
        %swap3A_638 = arith.index_cast %scan3A_324 : i32 to index
        %swap3A_639 = arith.constant 304 : index
        %swap3A_640 = tpu.vector_load %arg6[%swap3A_637, %swap3A_638, %swap3A_639] {strides = array<i32>} : memref<4x16x1024xf32, #tpu.memory_space<vmem>>, vector<1x1x16xf32>,
        %swap3A_641 = vector.shape_cast %swap3A_640 : vector<1x1x16xf32> to vector<16xf32>
        %swap3A_642 = vector.shape_cast %mul3A_635 : vector<16xf32> to vector<1x1x16xf32>
        tpu.vector_store %arg6[%swap3A_637, %swap3A_638, %swap3A_639], %swap3A_642 {strides = array<i32>} : memref<4x16x1024xf32, #tpu.memory_space<vmem>>, vector<1x1x16xf32>,
        %get3A_643 = arith.constant 2 : i32
        %get3A_644 = arith.index_cast %get3A_643 : i32 to index
        %get3A_645 = arith.index_cast %scan3A_324 : i32 to index
        %get3A_646 = arith.constant 320 : index
        %get3A_647 = tpu.vector_load %arg6[%get3A_644, %get3A_645, %get3A_646] {strides = array<i32>} : memref<4x16x1024xf32, #tpu.memory_space<vmem>>, vector<1x1x16xf32>,
        %get3A_648 = vector.shape_cast %get3A_647 : vector<1x1x16xf32> to vector<16xf32>
        %mul3A_649 = arith.constant 3.200000e+01 : f32
        %mul3A_650 = vector.broadcast %mul3A_649 : f32 to vector<16xf32>
        %mul3A_651 = arith.mulf %get3A_648, %mul3A_650 : vector<16xf32>
        %swap3A_652 = arith.constant 2 : i32
        %swap3A_653 = arith.index_cast %swap3A_652 : i32 to index
        %swap3A_654 = arith.index_cast %scan3A_324 : i32 to index
        %swap3A_655 = arith.constant 320 : index
        %swap3A_656 = tpu.vector_load %arg6[%swap3A_653, %swap3A_654, %swap3A_655] {strides = array<i32>} : memref<4x16x1024xf32, #tpu.memory_space<vmem>>, vector<1x1x16xf32>,
        %swap3A_657 = vector.shape_cast %swap3A_656 : vector<1x1x16xf32> to vector<16xf32>
        %swap3A_658 = vector.shape_cast %mul3A_651 : vector<16xf32> to vector<1x1x16xf32>
        tpu.vector_store %arg6[%swap3A_653, %swap3A_654, %swap3A_655], %swap3A_658 {strides = array<i32>} : memref<4x16x1024xf32, #tpu.memory_space<vmem>>, vector<1x1x16xf32>,
        %get3A_659 = arith.constant 2 : i32
        %get3A_660 = arith.index_cast %get3A_659 : i32 to index
        %get3A_661 = arith.index_cast %scan3A_324 : i32 to index
        %get3A_662 = arith.constant 336 : index
        %get3A_663 = tpu.vector_load %arg6[%get3A_660, %get3A_661, %get3A_662] {strides = array<i32>} : memref<4x16x1024xf32, #tpu.memory_space<vmem>>, vector<1x1x16xf32>,
        %get3A_664 = vector.shape_cast %get3A_663 : vector<1x1x16xf32> to vector<16xf32>
        %mul3A_665 = arith.constant 3.200000e+01 : f32
        %mul3A_666 = vector.broadcast %mul3A_665 : f32 to vector<16xf32>
        %mul3A_667 = arith.mulf %get3A_664, %mul3A_666 : vector<16xf32>
        %swap3A_668 = arith.constant 2 : i32
        %swap3A_669 = arith.index_cast %swap3A_668 : i32 to index
        %swap3A_670 = arith.index_cast %scan3A_324 : i32 to index
        %swap3A_671 = arith.constant 336 : index
        %swap3A_672 = tpu.vector_load %arg6[%swap3A_669, %swap3A_670, %swap3A_671] {strides = array<i32>} : memref<4x16x1024xf32, #tpu.memory_space<vmem>>, vector<1x1x16xf32>,
        %swap3A_673 = vector.shape_cast %swap3A_672 : vector<1x1x16xf32> to vector<16xf32>
        %swap3A_674 = vector.shape_cast %mul3A_667 : vector<16xf32> to vector<1x1x16xf32>
        tpu.vector_store %arg6[%swap3A_669, %swap3A_670, %swap3A_671], %swap3A_674 {strides = array<i32>} : memref<4x16x1024xf32, #tpu.memory_space<vmem>>, vector<1x1x16xf32>,
        %get3A_675 = arith.constant 2 : i32
        %get3A_676 = arith.index_cast %get3A_675 : i32 to index
        %get3A_677 = arith.index_cast %scan3A_324 : i32 to index
        %get3A_678 = arith.constant 352 : index
        %get3A_679 = tpu.vector_load %arg6[%get3A_676, %get3A_677, %get3A_678] {strides = array<i32>} : memref<4x16x1024xf32, #tpu.memory_space<vmem>>, vector<1x1x16xf32>,
        %get3A_680 = vector.shape_cast %get3A_679 : vector<1x1x16xf32> to vector<16xf32>
        %mul3A_681 = arith.constant 3.200000e+01 : f32
        %mul3A_682 = vector.broadcast %mul3A_681 : f32 to vector<16xf32>
        %mul3A_683 = arith.mulf %get3A_680, %mul3A_682 : vector<16xf32>
        %swap3A_684 = arith.constant 2 : i32
        %swap3A_685 = arith.index_cast %swap3A_684 : i32 to index
        %swap3A_686 = arith.index_cast %scan3A_324 : i32 to index
        %swap3A_687 = arith.constant 352 : index
        %swap3A_688 = tpu.vector_load %arg6[%swap3A_685, %swap3A_686, %swap3A_687] {strides = array<i32>} : memref<4x16x1024xf32, #tpu.memory_space<vmem>>, vector<1x1x16xf32>,
        %swap3A_689 = vector.shape_cast %swap3A_688 : vector<1x1x16xf32> to vector<16xf32>
        %swap3A_690 = vector.shape_cast %mul3A_683 : vector<16xf32> to vector<1x1x16xf32>
        tpu.vector_store %arg6[%swap3A_685, %swap3A_686, %swap3A_687], %swap3A_690 {strides = array<i32>} : memref<4x16x1024xf32, #tpu.memory_space<vmem>>, vector<1x1x16xf32>,
        %get3A_691 = arith.constant 2 : i32
        %get3A_692 = arith.index_cast %get3A_691 : i32 to index
        %get3A_693 = arith.index_cast %scan3A_324 : i32 to index
        %get3A_694 = arith.constant 368 : index
        %get3A_695 = tpu.vector_load %arg6[%get3A_692, %get3A_693, %get3A_694] {strides = array<i32>} : memref<4x16x1024xf32, #tpu.memory_space<vmem>>, vector<1x1x16xf32>,
        %get3A_696 = vector.shape_cast %get3A_695 : vector<1x1x16xf32> to vector<16xf32>
        %mul3A_697 = arith.constant 3.200000e+01 : f32
        %mul3A_698 = vector.broadcast %mul3A_697 : f32 to vector<16xf32>
        %mul3A_699 = arith.mulf %get3A_696, %mul3A_698 : vector<16xf32>
        %swap3A_700 = arith.constant 2 : i32
        %swap3A_701 = arith.index_cast %swap3A_700 : i32 to index
        %swap3A_702 = arith.index_cast %scan3A_324 : i32 to index
        %swap3A_703 = arith.constant 368 : index
        %swap3A_704 = tpu.vector_load %arg6[%swap3A_701, %swap3A_702, %swap3A_703] {strides = array<i32>} : memref<4x16x1024xf32, #tpu.memory_space<vmem>>, vector<1x1x16xf32>,
        %swap3A_705 = vector.shape_cast %swap3A_704 : vector<1x1x16xf32> to vector<16xf32>
        %swap3A_706 = vector.shape_cast %mul3A_699 : vector<16xf32> to vector<1x1x16xf32>
        tpu.vector_store %arg6[%swap3A_701, %swap3A_702, %swap3A_703], %swap3A_706 {strides = array<i32>} : memref<4x16x1024xf32, #tpu.memory_space<vmem>>, vector<1x1x16xf32>,
        %get3A_707 = arith.constant 2 : i32
        %get3A_708 = arith.index_cast %get3A_707 : i32 to index
        %get3A_709 = arith.index_cast %scan3A_324 : i32 to index
        %get3A_710 = arith.constant 384 : index
        %get3A_711 = tpu.vector_load %arg6[%get3A_708, %get3A_709, %get3A_710] {strides = array<i32>} : memref<4x16x1024xf32, #tpu.memory_space<vmem>>, vector<1x1x16xf32>,
        %get3A_712 = vector.shape_cast %get3A_711 : vector<1x1x16xf32> to vector<16xf32>
        %mul3A_713 = arith.constant 3.200000e+01 : f32
        %mul3A_714 = vector.broadcast %mul3A_713 : f32 to vector<16xf32>
        %mul3A_715 = arith.mulf %get3A_712, %mul3A_714 : vector<16xf32>
        %swap3A_716 = arith.constant 2 : i32
        %swap3A_717 = arith.index_cast %swap3A_716 : i32 to index
        %swap3A_718 = arith.index_cast %scan3A_324 : i32 to index
        %swap3A_719 = arith.constant 384 : index
        %swap3A_720 = tpu.vector_load %arg6[%swap3A_717, %swap3A_718, %swap3A_719] {strides = array<i32>} : memref<4x16x1024xf32, #tpu.memory_space<vmem>>, vector<1x1x16xf32>,
        %swap3A_721 = vector.shape_cast %swap3A_720 : vector<1x1x16xf32> to vector<16xf32>
        %swap3A_722 = vector.shape_cast %mul3A_715 : vector<16xf32> to vector<1x1x16xf32>
        tpu.vector_store %arg6[%swap3A_717, %swap3A_718, %swap3A_719], %swap3A_722 {strides = array<i32>} : memref<4x16x1024xf32, #tpu.memory_space<vmem>>, vector<1x1x16xf32>,
        %get3A_723 = arith.constant 2 : i32
        %get3A_724 = arith.index_cast %get3A_723 : i32 to index
        %get3A_725 = arith.index_cast %scan3A_324 : i32 to index
        %get3A_726 = arith.constant 400 : index
        %get3A_727 = tpu.vector_load %arg6[%get3A_724, %get3A_725, %get3A_726] {strides = array<i32>} : memref<4x16x1024xf32, #tpu.memory_space<vmem>>, vector<1x1x16xf32>,
        %get3A_728 = vector.shape_cast %get3A_727 : vector<1x1x16xf32> to vector<16xf32>
        %mul3A_729 = arith.constant 3.200000e+01 : f32
        %mul3A_730 = vector.broadcast %mul3A_729 : f32 to vector<16xf32>
        %mul3A_731 = arith.mulf %get3A_728, %mul3A_730 : vector<16xf32>
        %swap3A_732 = arith.constant 2 : i32
        %swap3A_733 = arith.index_cast %swap3A_732 : i32 to index
        %swap3A_734 = arith.index_cast %scan3A_324 : i32 to index
        %swap3A_735 = arith.constant 400 : index
        %swap3A_736 = tpu.vector_load %arg6[%swap3A_733, %swap3A_734, %swap3A_735] {strides = array<i32>} : memref<4x16x1024xf32, #tpu.memory_space<vmem>>, vector<1x1x16xf32>,
        %swap3A_737 = vector.shape_cast %swap3A_736 : vector<1x1x16xf32> to vector<16xf32>
        %swap3A_738 = vector.shape_cast %mul3A_731 : vector<16xf32> to vector<1x1x16xf32>
        tpu.vector_store %arg6[%swap3A_733, %swap3A_734, %swap3A_735], %swap3A_738 {strides = array<i32>} : memref<4x16x1024xf32, #tpu.memory_space<vmem>>, vector<1x1x16xf32>,
        %get3A_739 = arith.constant 2 : i32
        %get3A_740 = arith.index_cast %get3A_739 : i32 to index
        %get3A_741 = arith.index_cast %scan3A_324 : i32 to index
        %get3A_742 = arith.constant 416 : index
        %get3A_743 = tpu.vector_load %arg6[%get3A_740, %get3A_741, %get3A_742] {strides = array<i32>} : memref<4x16x1024xf32, #tpu.memory_space<vmem>>, vector<1x1x16xf32>,
        %get3A_744 = vector.shape_cast %get3A_743 : vector<1x1x16xf32> to vector<16xf32>
        %mul3A_745 = arith.constant 3.200000e+01 : f32
        %mul3A_746 = vector.broadcast %mul3A_745 : f32 to vector<16xf32>
        %mul3A_747 = arith.mulf %get3A_744, %mul3A_746 : vector<16xf32>
        %swap3A_748 = arith.constant 2 : i32
        %swap3A_749 = arith.index_cast %swap3A_748 : i32 to index
        %swap3A_750 = arith.index_cast %scan3A_324 : i32 to index
        %swap3A_751 = arith.constant 416 : index
        %swap3A_752 = tpu.vector_load %arg6[%swap3A_749, %swap3A_750, %swap3A_751] {strides = array<i32>} : memref<4x16x1024xf32, #tpu.memory_space<vmem>>, vector<1x1x16xf32>,
        %swap3A_753 = vector.shape_cast %swap3A_752 : vector<1x1x16xf32> to vector<16xf32>
        %swap3A_754 = vector.shape_cast %mul3A_747 : vector<16xf32> to vector<1x1x16xf32>
        tpu.vector_store %arg6[%swap3A_749, %swap3A_750, %swap3A_751], %swap3A_754 {strides = array<i32>} : memref<4x16x1024xf32, #tpu.memory_space<vmem>>, vector<1x1x16xf32>,
        %get3A_755 = arith.constant 2 : i32
        %get3A_756 = arith.index_cast %get3A_755 : i32 to index
        %get3A_757 = arith.index_cast %scan3A_324 : i32 to index
        %get3A_758 = arith.constant 432 : index
        %get3A_759 = tpu.vector_load %arg6[%get3A_756, %get3A_757, %get3A_758] {strides = array<i32>} : memref<4x16x1024xf32, #tpu.memory_space<vmem>>, vector<1x1x16xf32>,
        %get3A_760 = vector.shape_cast %get3A_759 : vector<1x1x16xf32> to vector<16xf32>
        %mul3A_761 = arith.constant 3.200000e+01 : f32
        %mul3A_762 = vector.broadcast %mul3A_761 : f32 to vector<16xf32>
        %mul3A_763 = arith.mulf %get3A_760, %mul3A_762 : vector<16xf32>
        %swap3A_764 = arith.constant 2 : i32
        %swap3A_765 = arith.index_cast %swap3A_764 : i32 to index
        %swap3A_766 = arith.index_cast %scan3A_324 : i32 to index
        %swap3A_767 = arith.constant 432 : index
        %swap3A_768 = tpu.vector_load %arg6[%swap3A_765, %swap3A_766, %swap3A_767] {strides = array<i32>} : memref<4x16x1024xf32, #tpu.memory_space<vmem>>, vector<1x1x16xf32>,
        %swap3A_769 = vector.shape_cast %swap3A_768 : vector<1x1x16xf32> to vector<16xf32>
        %swap3A_770 = vector.shape_cast %mul3A_763 : vector<16xf32> to vector<1x1x16xf32>
        tpu.vector_store %arg6[%swap3A_765, %swap3A_766, %swap3A_767], %swap3A_770 {strides = array<i32>} : memref<4x16x1024xf32, #tpu.memory_space<vmem>>, vector<1x1x16xf32>,
        %get3A_771 = arith.constant 2 : i32
        %get3A_772 = arith.index_cast %get3A_771 : i32 to index
        %get3A_773 = arith.index_cast %scan3A_324 : i32 to index
        %get3A_774 = arith.constant 448 : index
        %get3A_775 = tpu.vector_load %arg6[%get3A_772, %get3A_773, %get3A_774] {strides = array<i32>} : memref<4x16x1024xf32, #tpu.memory_space<vmem>>, vector<1x1x16xf32>,
        %get3A_776 = vector.shape_cast %get3A_775 : vector<1x1x16xf32> to vector<16xf32>
        %mul3A_777 = arith.constant 3.200000e+01 : f32
        %mul3A_778 = vector.broadcast %mul3A_777 : f32 to vector<16xf32>
        %mul3A_779 = arith.mulf %get3A_776, %mul3A_778 : vector<16xf32>
        %swap3A_780 = arith.constant 2 : i32
        %swap3A_781 = arith.index_cast %swap3A_780 : i32 to index
        %swap3A_782 = arith.index_cast %scan3A_324 : i32 to index
        %swap3A_783 = arith.constant 448 : index
        %swap3A_784 = tpu.vector_load %arg6[%swap3A_781, %swap3A_782, %swap3A_783] {strides = array<i32>} : memref<4x16x1024xf32, #tpu.memory_space<vmem>>, vector<1x1x16xf32>,
        %swap3A_785 = vector.shape_cast %swap3A_784 : vector<1x1x16xf32> to vector<16xf32>
        %swap3A_786 = vector.shape_cast %mul3A_779 : vector<16xf32> to vector<1x1x16xf32>
        tpu.vector_store %arg6[%swap3A_781, %swap3A_782, %swap3A_783], %swap3A_786 {strides = array<i32>} : memref<4x16x1024xf32, #tpu.memory_space<vmem>>, vector<1x1x16xf32>,
        %get3A_787 = arith.constant 2 : i32
        %get3A_788 = arith.index_cast %get3A_787 : i32 to index
        %get3A_789 = arith.index_cast %scan3A_324 : i32 to index
        %get3A_790 = arith.constant 464 : index
        %get3A_791 = tpu.vector_load %arg6[%get3A_788, %get3A_789, %get3A_790] {strides = array<i32>} : memref<4x16x1024xf32, #tpu.memory_space<vmem>>, vector<1x1x16xf32>,
        %get3A_792 = vector.shape_cast %get3A_791 : vector<1x1x16xf32> to vector<16xf32>
        %mul3A_793 = arith.constant 3.200000e+01 : f32
        %mul3A_794 = vector.broadcast %mul3A_793 : f32 to vector<16xf32>
        %mul3A_795 = arith.mulf %get3A_792, %mul3A_794 : vector<16xf32>
        %swap3A_796 = arith.constant 2 : i32
        %swap3A_797 = arith.index_cast %swap3A_796 : i32 to index
        %swap3A_798 = arith.index_cast %scan3A_324 : i32 to index
        %swap3A_799 = arith.constant 464 : index
        %swap3A_800 = tpu.vector_load %arg6[%swap3A_797, %swap3A_798, %swap3A_799] {strides = array<i32>} : memref<4x16x1024xf32, #tpu.memory_space<vmem>>, vector<1x1x16xf32>,
        %swap3A_801 = vector.shape_cast %swap3A_800 : vector<1x1x16xf32> to vector<16xf32>
        %swap3A_802 = vector.shape_cast %mul3A_795 : vector<16xf32> to vector<1x1x16xf32>
        tpu.vector_store %arg6[%swap3A_797, %swap3A_798, %swap3A_799], %swap3A_802 {strides = array<i32>} : memref<4x16x1024xf32, #tpu.memory_space<vmem>>, vector<1x1x16xf32>,
        %get3A_803 = arith.constant 2 : i32
        %get3A_804 = arith.index_cast %get3A_803 : i32 to index
        %get3A_805 = arith.index_cast %scan3A_324 : i32 to index
        %get3A_806 = arith.constant 480 : index
        %get3A_807 = tpu.vector_load %arg6[%get3A_804, %get3A_805, %get3A_806] {strides = array<i32>} : memref<4x16x1024xf32, #tpu.memory_space<vmem>>, vector<1x1x16xf32>,
        %get3A_808 = vector.shape_cast %get3A_807 : vector<1x1x16xf32> to vector<16xf32>
        %mul3A_809 = arith.constant 3.200000e+01 : f32
        %mul3A_810 = vector.broadcast %mul3A_809 : f32 to vector<16xf32>
        %mul3A_811 = arith.mulf %get3A_808, %mul3A_810 : vector<16xf32>
        %swap3A_812 = arith.constant 2 : i32
        %swap3A_813 = arith.index_cast %swap3A_812 : i32 to index
        %swap3A_814 = arith.index_cast %scan3A_324 : i32 to index
        %swap3A_815 = arith.constant 480 : index
        %swap3A_816 = tpu.vector_load %arg6[%swap3A_813, %swap3A_814, %swap3A_815] {strides = array<i32>} : memref<4x16x1024xf32, #tpu.memory_space<vmem>>, vector<1x1x16xf32>,
        %swap3A_817 = vector.shape_cast %swap3A_816 : vector<1x1x16xf32> to vector<16xf32>
        %swap3A_818 = vector.shape_cast %mul3A_811 : vector<16xf32> to vector<1x1x16xf32>
        tpu.vector_store %arg6[%swap3A_813, %swap3A_814, %swap3A_815], %swap3A_818 {strides = array<i32>} : memref<4x16x1024xf32, #tpu.memory_space<vmem>>, vector<1x1x16xf32>,
        %get3A_819 = arith.constant 2 : i32
        %get3A_820 = arith.index_cast %get3A_819 : i32 to index
        %get3A_821 = arith.index_cast %scan3A_324 : i32 to index
        %get3A_822 = arith.constant 496 : index
        %get3A_823 = tpu.vector_load %arg6[%get3A_820, %get3A_821, %get3A_822] {strides = array<i32>} : memref<4x16x1024xf32, #tpu.memory_space<vmem>>, vector<1x1x16xf32>,
        %get3A_824 = vector.shape_cast %get3A_823 : vector<1x1x16xf32> to vector<16xf32>
        %mul3A_825 = arith.constant 3.200000e+01 : f32
        %mul3A_826 = vector.broadcast %mul3A_825 : f32 to vector<16xf32>
        %mul3A_827 = arith.mulf %get3A_824, %mul3A_826 : vector<16xf32>
        %swap3A_828 = arith.constant 2 : i32
        %swap3A_829 = arith.index_cast %swap3A_828 : i32 to index
        %swap3A_830 = arith.index_cast %scan3A_324 : i32 to index
        %swap3A_831 = arith.constant 496 : index
        %swap3A_832 = tpu.vector_load %arg6[%swap3A_829, %swap3A_830, %swap3A_831] {strides = array<i32>} : memref<4x16x1024xf32, #tpu.memory_space<vmem>>, vector<1x1x16xf32>,
        %swap3A_833 = vector.shape_cast %swap3A_832 : vector<1x1x16xf32> to vector<16xf32>
        %swap3A_834 = vector.shape_cast %mul3A_827 : vector<16xf32> to vector<1x1x16xf32>
        tpu.vector_store %arg6[%swap3A_829, %swap3A_830, %swap3A_831], %swap3A_834 {strides = array<i32>} : memref<4x16x1024xf32, #tpu.memory_space<vmem>>, vector<1x1x16xf32>,
        %get3A_835 = arith.constant 2 : i32
        %get3A_836 = arith.index_cast %get3A_835 : i32 to index
        %get3A_837 = arith.index_cast %scan3A_324 : i32 to index
        %get3A_838 = arith.constant 512 : index
        %get3A_839 = tpu.vector_load %arg6[%get3A_836, %get3A_837, %get3A_838] {strides = array<i32>} : memref<4x16x1024xf32, #tpu.memory_space<vmem>>, vector<1x1x16xf32>,
        %get3A_840 = vector.shape_cast %get3A_839 : vector<1x1x16xf32> to vector<16xf32>
        %mul3A_841 = arith.constant 3.200000e+01 : f32
        %mul3A_842 = vector.broadcast %mul3A_841 : f32 to vector<16xf32>
        %mul3A_843 = arith.mulf %get3A_840, %mul3A_842 : vector<16xf32>
        %swap3A_844 = arith.constant 2 : i32
        %swap3A_845 = arith.index_cast %swap3A_844 : i32 to index
        %swap3A_846 = arith.index_cast %scan3A_324 : i32 to index
        %swap3A_847 = arith.constant 512 : index
        %swap3A_848 = tpu.vector_load %arg6[%swap3A_845, %swap3A_846, %swap3A_847] {strides = array<i32>} : memref<4x16x1024xf32, #tpu.memory_space<vmem>>, vector<1x1x16xf32>,
        %swap3A_849 = vector.shape_cast %swap3A_848 : vector<1x1x16xf32> to vector<16xf32>
        %swap3A_850 = vector.shape_cast %mul3A_843 : vector<16xf32> to vector<1x1x16xf32>
        tpu.vector_store %arg6[%swap3A_845, %swap3A_846, %swap3A_847], %swap3A_850 {strides = array<i32>} : memref<4x16x1024xf32, #tpu.memory_space<vmem>>, vector<1x1x16xf32>,
        %get3A_851 = arith.constant 2 : i32
        %get3A_852 = arith.index_cast %get3A_851 : i32 to index
        %get3A_853 = arith.index_cast %scan3A_324 : i32 to index
        %get3A_854 = arith.constant 528 : index
        %get3A_855 = tpu.vector_load %arg6[%get3A_852, %get3A_853, %get3A_854] {strides = array<i32>} : memref<4x16x1024xf32, #tpu.memory_space<vmem>>, vector<1x1x16xf32>,
        %get3A_856 = vector.shape_cast %get3A_855 : vector<1x1x16xf32> to vector<16xf32>
        %mul3A_857 = arith.constant 3.200000e+01 : f32
        %mul3A_858 = vector.broadcast %mul3A_857 : f32 to vector<16xf32>
        %mul3A_859 = arith.mulf %get3A_856, %mul3A_858 : vector<16xf32>
        %swap3A_860 = arith.constant 2 : i32
        %swap3A_861 = arith.index_cast %swap3A_860 : i32 to index
        %swap3A_862 = arith.index_cast %scan3A_324 : i32 to index
        %swap3A_863 = arith.constant 528 : index
        %swap3A_864 = tpu.vector_load %arg6[%swap3A_861, %swap3A_862, %swap3A_863] {strides = array<i32>} : memref<4x16x1024xf32, #tpu.memory_space<vmem>>, vector<1x1x16xf32>,
        %swap3A_865 = vector.shape_cast %swap3A_864 : vector<1x1x16xf32> to vector<16xf32>
        %swap3A_866 = vector.shape_cast %mul3A_859 : vector<16xf32> to vector<1x1x16xf32>
        tpu.vector_store %arg6[%swap3A_861, %swap3A_862, %swap3A_863], %swap3A_866 {strides = array<i32>} : memref<4x16x1024xf32, #tpu.memory_space<vmem>>, vector<1x1x16xf32>,
        %get3A_867 = arith.constant 2 : i32
        %get3A_868 = arith.index_cast %get3A_867 : i32 to index
        %get3A_869 = arith.index_cast %scan3A_324 : i32 to index
        %get3A_870 = arith.constant 544 : index
        %get3A_871 = tpu.vector_load %arg6[%get3A_868, %get3A_869, %get3A_870] {strides = array<i32>} : memref<4x16x1024xf32, #tpu.memory_space<vmem>>, vector<1x1x16xf32>,
        %get3A_872 = vector.shape_cast %get3A_871 : vector<1x1x16xf32> to vector<16xf32>
        %mul3A_873 = arith.constant 3.200000e+01 : f32
        %mul3A_874 = vector.broadcast %mul3A_873 : f32 to vector<16xf32>
        %mul3A_875 = arith.mulf %get3A_872, %mul3A_874 : vector<16xf32>
        %swap3A_876 = arith.constant 2 : i32
        %swap3A_877 = arith.index_cast %swap3A_876 : i32 to index
        %swap3A_878 = arith.index_cast %scan3A_324 : i32 to index
        %swap3A_879 = arith.constant 544 : index
        %swap3A_880 = tpu.vector_load %arg6[%swap3A_877, %swap3A_878, %swap3A_879] {strides = array<i32>} : memref<4x16x1024xf32, #tpu.memory_space<vmem>>, vector<1x1x16xf32>,
        %swap3A_881 = vector.shape_cast %swap3A_880 : vector<1x1x16xf32> to vector<16xf32>
        %swap3A_882 = vector.shape_cast %mul3A_875 : vector<16xf32> to vector<1x1x16xf32>
        tpu.vector_store %arg6[%swap3A_877, %swap3A_878, %swap3A_879], %swap3A_882 {strides = array<i32>} : memref<4x16x1024xf32, #tpu.memory_space<vmem>>, vector<1x1x16xf32>,
        %get3A_883 = arith.constant 2 : i32
        %get3A_884 = arith.index_cast %get3A_883 : i32 to index
        %get3A_885 = arith.index_cast %scan3A_324 : i32 to index
        %get3A_886 = arith.constant 560 : index
        %get3A_887 = tpu.vector_load %arg6[%get3A_884, %get3A_885, %get3A_886] {strides = array<i32>} : memref<4x16x1024xf32, #tpu.memory_space<vmem>>, vector<1x1x16xf32>,
        %get3A_888 = vector.shape_cast %get3A_887 : vector<1x1x16xf32> to vector<16xf32>
        %mul3A_889 = arith.constant 3.200000e+01 : f32
        %mul3A_890 = vector.broadcast %mul3A_889 : f32 to vector<16xf32>
        %mul3A_891 = arith.mulf %get3A_888, %mul3A_890 : vector<16xf32>
        %swap3A_892 = arith.constant 2 : i32
        %swap3A_893 = arith.index_cast %swap3A_892 : i32 to index
        %swap3A_894 = arith.index_cast %scan3A_324 : i32 to index
        %swap3A_895 = arith.constant 560 : index
        %swap3A_896 = tpu.vector_load %arg6[%swap3A_893, %swap3A_894, %swap3A_895] {strides = array<i32>} : memref<4x16x1024xf32, #tpu.memory_space<vmem>>, vector<1x1x16xf32>,
        %swap3A_897 = vector.shape_cast %swap3A_896 : vector<1x1x16xf32> to vector<16xf32>
        %swap3A_898 = vector.shape_cast %mul3A_891 : vector<16xf32> to vector<1x1x16xf32>
        tpu.vector_store %arg6[%swap3A_893, %swap3A_894, %swap3A_895], %swap3A_898 {strides = array<i32>} : memref<4x16x1024xf32, #tpu.memory_space<vmem>>, vector<1x1x16xf32>,
        %get3A_899 = arith.constant 2 : i32
        %get3A_900 = arith.index_cast %get3A_899 : i32 to index
        %get3A_901 = arith.index_cast %scan3A_324 : i32 to index
        %get3A_902 = arith.constant 576 : index
        %get3A_903 = tpu.vector_load %arg6[%get3A_900, %get3A_901, %get3A_902] {strides = array<i32>} : memref<4x16x1024xf32, #tpu.memory_space<vmem>>, vector<1x1x16xf32>,
        %get3A_904 = vector.shape_cast %get3A_903 : vector<1x1x16xf32> to vector<16xf32>
        %mul3A_905 = arith.constant 3.200000e+01 : f32
        %mul3A_906 = vector.broadcast %mul3A_905 : f32 to vector<16xf32>
        %mul3A_907 = arith.mulf %get3A_904, %mul3A_906 : vector<16xf32>
        %swap3A_908 = arith.constant 2 : i32
        %swap3A_909 = arith.index_cast %swap3A_908 : i32 to index
        %swap3A_910 = arith.index_cast %scan3A_324 : i32 to index
        %swap3A_911 = arith.constant 576 : index
        %swap3A_912 = tpu.vector_load %arg6[%swap3A_909, %swap3A_910, %swap3A_911] {strides = array<i32>} : memref<4x16x1024xf32, #tpu.memory_space<vmem>>, vector<1x1x16xf32>,
        %swap3A_913 = vector.shape_cast %swap3A_912 : vector<1x1x16xf32> to vector<16xf32>
        %swap3A_914 = vector.shape_cast %mul3A_907 : vector<16xf32> to vector<1x1x16xf32>
        tpu.vector_store %arg6[%swap3A_909, %swap3A_910, %swap3A_911], %swap3A_914 {strides = array<i32>} : memref<4x16x1024xf32, #tpu.memory_space<vmem>>, vector<1x1x16xf32>,
        %get3A_915 = arith.constant 2 : i32
        %get3A_916 = arith.index_cast %get3A_915 : i32 to index
        %get3A_917 = arith.index_cast %scan3A_324 : i32 to index
        %get3A_918 = arith.constant 592 : index
        %get3A_919 = tpu.vector_load %arg6[%get3A_916, %get3A_917, %get3A_918] {strides = array<i32>} : memref<4x16x1024xf32, #tpu.memory_space<vmem>>, vector<1x1x16xf32>,
        %get3A_920 = vector.shape_cast %get3A_919 : vector<1x1x16xf32> to vector<16xf32>
        %mul3A_921 = arith.constant 3.200000e+01 : f32
        %mul3A_922 = vector.broadcast %mul3A_921 : f32 to vector<16xf32>
        %mul3A_923 = arith.mulf %get3A_920, %mul3A_922 : vector<16xf32>
        %swap3A_924 = arith.constant 2 : i32
        %swap3A_925 = arith.index_cast %swap3A_924 : i32 to index
        %swap3A_926 = arith.index_cast %scan3A_324 : i32 to index
        %swap3A_927 = arith.constant 592 : index
        %swap3A_928 = tpu.vector_load %arg6[%swap3A_925, %swap3A_926, %swap3A_927] {strides = array<i32>} : memref<4x16x1024xf32, #tpu.memory_space<vmem>>, vector<1x1x16xf32>,
        %swap3A_929 = vector.shape_cast %swap3A_928 : vector<1x1x16xf32> to vector<16xf32>
        %swap3A_930 = vector.shape_cast %mul3A_923 : vector<16xf32> to vector<1x1x16xf32>
        tpu.vector_store %arg6[%swap3A_925, %swap3A_926, %swap3A_927], %swap3A_930 {strides = array<i32>} : memref<4x16x1024xf32, #tpu.memory_space<vmem>>, vector<1x1x16xf32>,
        %get3A_931 = arith.constant 2 : i32
        %get3A_932 = arith.index_cast %get3A_931 : i32 to index
        %get3A_933 = arith.index_cast %scan3A_324 : i32 to index
        %get3A_934 = arith.constant 608 : index
        %get3A_935 = tpu.vector_load %arg6[%get3A_932, %get3A_933, %get3A_934] {strides = array<i32>} : memref<4x16x1024xf32, #tpu.memory_space<vmem>>, vector<1x1x16xf32>,
        %get3A_936 = vector.shape_cast %get3A_935 : vector<1x1x16xf32> to vector<16xf32>
        %mul3A_937 = arith.constant 3.200000e+01 : f32
        %mul3A_938 = vector.broadcast %mul3A_937 : f32 to vector<16xf32>
        %mul3A_939 = arith.mulf %get3A_936, %mul3A_938 : vector<16xf32>
        %swap3A_940 = arith.constant 2 : i32
        %swap3A_941 = arith.index_cast %swap3A_940 : i32 to index
        %swap3A_942 = arith.index_cast %scan3A_324 : i32 to index
        %swap3A_943 = arith.constant 608 : index
        %swap3A_944 = tpu.vector_load %arg6[%swap3A_941, %swap3A_942, %swap3A_943] {strides = array<i32>} : memref<4x16x1024xf32, #tpu.memory_space<vmem>>, vector<1x1x16xf32>,
        %swap3A_945 = vector.shape_cast %swap3A_944 : vector<1x1x16xf32> to vector<16xf32>
        %swap3A_946 = vector.shape_cast %mul3A_939 : vector<16xf32> to vector<1x1x16xf32>
        tpu.vector_store %arg6[%swap3A_941, %swap3A_942, %swap3A_943], %swap3A_946 {strides = array<i32>} : memref<4x16x1024xf32, #tpu.memory_space<vmem>>, vector<1x1x16xf32>,
        %get3A_947 = arith.constant 2 : i32
        %get3A_948 = arith.index_cast %get3A_947 : i32 to index
        %get3A_949 = arith.index_cast %scan3A_324 : i32 to index
        %get3A_950 = arith.constant 624 : index
        %get3A_951 = tpu.vector_load %arg6[%get3A_948, %get3A_949, %get3A_950] {strides = array<i32>} : memref<4x16x1024xf32, #tpu.memory_space<vmem>>, vector<1x1x16xf32>,
        %get3A_952 = vector.shape_cast %get3A_951 : vector<1x1x16xf32> to vector<16xf32>
        %mul3A_953 = arith.constant 3.200000e+01 : f32
        %mul3A_954 = vector.broadcast %mul3A_953 : f32 to vector<16xf32>
        %mul3A_955 = arith.mulf %get3A_952, %mul3A_954 : vector<16xf32>
        %swap3A_956 = arith.constant 2 : i32
        %swap3A_957 = arith.index_cast %swap3A_956 : i32 to index
        %swap3A_958 = arith.index_cast %scan3A_324 : i32 to index
        %swap3A_959 = arith.constant 624 : index
        %swap3A_960 = tpu.vector_load %arg6[%swap3A_957, %swap3A_958, %swap3A_959] {strides = array<i32>} : memref<4x16x1024xf32, #tpu.memory_space<vmem>>, vector<1x1x16xf32>,
        %swap3A_961 = vector.shape_cast %swap3A_960 : vector<1x1x16xf32> to vector<16xf32>
        %swap3A_962 = vector.shape_cast %mul3A_955 : vector<16xf32> to vector<1x1x16xf32>
        tpu.vector_store %arg6[%swap3A_957, %swap3A_958, %swap3A_959], %swap3A_962 {strides = array<i32>} : memref<4x16x1024xf32, #tpu.memory_space<vmem>>, vector<1x1x16xf32>,
        %get3A_963 = arith.constant 2 : i32
        %get3A_964 = arith.index_cast %get3A_963 : i32 to index
        %get3A_965 = arith.index_cast %scan3A_324 : i32 to index
        %get3A_966 = arith.constant 640 : index
        %get3A_967 = tpu.vector_load %arg6[%get3A_964, %get3A_965, %get3A_966] {strides = array<i32>} : memref<4x16x1024xf32, #tpu.memory_space<vmem>>, vector<1x1x16xf32>,
        %get3A_968 = vector.shape_cast %get3A_967 : vector<1x1x16xf32> to vector<16xf32>
        %mul3A_969 = arith.constant 3.200000e+01 : f32
        %mul3A_970 = vector.broadcast %mul3A_969 : f32 to vector<16xf32>
        %mul3A_971 = arith.mulf %get3A_968, %mul3A_970 : vector<16xf32>
        %swap3A_972 = arith.constant 2 : i32
        %swap3A_973 = arith.index_cast %swap3A_972 : i32 to index
        %swap3A_974 = arith.index_cast %scan3A_324 : i32 to index
        %swap3A_975 = arith.constant 640 : index
        %swap3A_976 = tpu.vector_load %arg6[%swap3A_973, %swap3A_974, %swap3A_975] {strides = array<i32>} : memref<4x16x1024xf32, #tpu.memory_space<vmem>>, vector<1x1x16xf32>,
        %swap3A_977 = vector.shape_cast %swap3A_976 : vector<1x1x16xf32> to vector<16xf32>
        %swap3A_978 = vector.shape_cast %mul3A_971 : vector<16xf32> to vector<1x1x16xf32>
        tpu.vector_store %arg6[%swap3A_973, %swap3A_974, %swap3A_975], %swap3A_978 {strides = array<i32>} : memref<4x16x1024xf32, #tpu.memory_space<vmem>>, vector<1x1x16xf32>,
        %get3A_979 = arith.constant 2 : i32
        %get3A_980 = arith.index_cast %get3A_979 : i32 to index
        %get3A_981 = arith.index_cast %scan3A_324 : i32 to index
        %get3A_982 = arith.constant 656 : index
        %get3A_983 = tpu.vector_load %arg6[%get3A_980, %get3A_981, %get3A_982] {strides = array<i32>} : memref<4x16x1024xf32, #tpu.memory_space<vmem>>, vector<1x1x16xf32>,
        %get3A_984 = vector.shape_cast %get3A_983 : vector<1x1x16xf32> to vector<16xf32>
        %mul3A_985 = arith.constant 3.200000e+01 : f32
        %mul3A_986 = vector.broadcast %mul3A_985 : f32 to vector<16xf32>
        %mul3A_987 = arith.mulf %get3A_984, %mul3A_986 : vector<16xf32>
        %swap3A_988 = arith.constant 2 : i32
        %swap3A_989 = arith.index_cast %swap3A_988 : i32 to index
        %swap3A_990 = arith.index_cast %scan3A_324 : i32 to index
        %swap3A_991 = arith.constant 656 : index
        %swap3A_992 = tpu.vector_load %arg6[%swap3A_989, %swap3A_990, %swap3A_991] {strides = array<i32>} : memref<4x16x1024xf32, #tpu.memory_space<vmem>>, vector<1x1x16xf32>,
        %swap3A_993 = vector.shape_cast %swap3A_992 : vector<1x1x16xf32> to vector<16xf32>
        %swap3A_994 = vector.shape_cast %mul3A_987 : vector<16xf32> to vector<1x1x16xf32>
        tpu.vector_store %arg6[%swap3A_989, %swap3A_990, %swap3A_991], %swap3A_994 {strides = array<i32>} : memref<4x16x1024xf32, #tpu.memory_space<vmem>>, vector<1x1x16xf32>,
        %get3A_995 = arith.constant 2 : i32
        %get3A_996 = arith.index_cast %get3A_995 : i32 to index
        %get3A_997 = arith.index_cast %scan3A_324 : i32 to index
        %get3A_998 = arith.constant 672 : index
        %get3A_999 = tpu.vector_load %arg6[%get3A_996, %get3A_997, %get3A_998] {strides = array<i32>} : memref<4x16x1024xf32, #tpu.memory_space<vmem>>, vector<1x1x16xf32>,
        %get3A_1000 = vector.shape_cast %get3A_999 : vector<1x1x16xf32> to vector<16xf32>
        %mul3A_1001 = arith.constant 3.200000e+01 : f32
        %mul3A_1002 = vector.broadcast %mul3A_1001 : f32 to vector<16xf32>
        %mul3A_1003 = arith.mulf %get3A_1000, %mul3A_1002 : vector<16xf32>
        %swap3A_1004 = arith.constant 2 : i32
        %swap3A_1005 = arith.index_cast %swap3A_1004 : i32 to index
        %swap3A_1006 = arith.index_cast %scan3A_324 : i32 to index
        %swap3A_1007 = arith.constant 672 : index
        %swap3A_1008 = tpu.vector_load %arg6[%swap3A_1005, %swap3A_1006, %swap3A_1007] {strides = array<i32>} : memref<4x16x1024xf32, #tpu.memory_space<vmem>>, vector<1x1x16xf32>,
        %swap3A_1009 = vector.shape_cast %swap3A_1008 : vector<1x1x16xf32> to vector<16xf32>
        %swap3A_1010 = vector.shape_cast %mul3A_1003 : vector<16xf32> to vector<1x1x16xf32>
        tpu.vector_store %arg6[%swap3A_1005, %swap3A_1006, %swap3A_1007], %swap3A_1010 {strides = array<i32>} : memref<4x16x1024xf32, #tpu.memory_space<vmem>>, vector<1x1x16xf32>,
        %get3A_1011 = arith.constant 2 : i32
        %get3A_1012 = arith.index_cast %get3A_1011 : i32 to index
        %get3A_1013 = arith.index_cast %scan3A_324 : i32 to index
        %get3A_1014 = arith.constant 688 : index
        %get3A_1015 = tpu.vector_load %arg6[%get3A_1012, %get3A_1013, %get3A_1014] {strides = array<i32>} : memref<4x16x1024xf32, #tpu.memory_space<vmem>>, vector<1x1x16xf32>,
        %get3A_1016 = vector.shape_cast %get3A_1015 : vector<1x1x16xf32> to vector<16xf32>
        %mul3A_1017 = arith.constant 3.200000e+01 : f32
        %mul3A_1018 = vector.broadcast %mul3A_1017 : f32 to vector<16xf32>
        %mul3A_1019 = arith.mulf %get3A_1016, %mul3A_1018 : vector<16xf32>
        %swap3A_1020 = arith.constant 2 : i32
        %swap3A_1021 = arith.index_cast %swap3A_1020 : i32 to index
        %swap3A_1022 = arith.index_cast %scan3A_324 : i32 to index
        %swap3A_1023 = arith.constant 688 : index
        %swap3A_1024 = tpu.vector_load %arg6[%swap3A_1021, %swap3A_1022, %swap3A_1023] {strides = array<i32>} : memref<4x16x1024xf32, #tpu.memory_space<vmem>>, vector<1x1x16xf32>,
        %swap3A_1025 = vector.shape_cast %swap3A_1024 : vector<1x1x16xf32> to vector<16xf32>
        %swap3A_1026 = vector.shape_cast %mul3A_1019 : vector<16xf32> to vector<1x1x16xf32>
        tpu.vector_store %arg6[%swap3A_1021, %swap3A_1022, %swap3A_1023], %swap3A_1026 {strides = array<i32>} : memref<4x16x1024xf32, #tpu.memory_space<vmem>>, vector<1x1x16xf32>,
        %get3A_1027 = arith.constant 2 : i32
        %get3A_1028 = arith.index_cast %get3A_1027 : i32 to index
        %get3A_1029 = arith.index_cast %scan3A_324 : i32 to index
        %get3A_1030 = arith.constant 704 : index
        %get3A_1031 = tpu.vector_load %arg6[%get3A_1028, %get3A_1029, %get3A_1030] {strides = array<i32>} : memref<4x16x1024xf32, #tpu.memory_space<vmem>>, vector<1x1x16xf32>,
        %get3A_1032 = vector.shape_cast %get3A_1031 : vector<1x1x16xf32> to vector<16xf32>
        %mul3A_1033 = arith.constant 3.200000e+01 : f32
        %mul3A_1034 = vector.broadcast %mul3A_1033 : f32 to vector<16xf32>
        %mul3A_1035 = arith.mulf %get3A_1032, %mul3A_1034 : vector<16xf32>
        %swap3A_1036 = arith.constant 2 : i32
        %swap3A_1037 = arith.index_cast %swap3A_1036 : i32 to index
        %swap3A_1038 = arith.index_cast %scan3A_324 : i32 to index
        %swap3A_1039 = arith.constant 704 : index
        %swap3A_1040 = tpu.vector_load %arg6[%swap3A_1037, %swap3A_1038, %swap3A_1039] {strides = array<i32>} : memref<4x16x1024xf32, #tpu.memory_space<vmem>>, vector<1x1x16xf32>,
        %swap3A_1041 = vector.shape_cast %swap3A_1040 : vector<1x1x16xf32> to vector<16xf32>
        %swap3A_1042 = vector.shape_cast %mul3A_1035 : vector<16xf32> to vector<1x1x16xf32>
        tpu.vector_store %arg6[%swap3A_1037, %swap3A_1038, %swap3A_1039], %swap3A_1042 {strides = array<i32>} : memref<4x16x1024xf32, #tpu.memory_space<vmem>>, vector<1x1x16xf32>,
        %get3A_1043 = arith.constant 2 : i32
        %get3A_1044 = arith.index_cast %get3A_1043 : i32 to index
        %get3A_1045 = arith.index_cast %scan3A_324 : i32 to index
        %get3A_1046 = arith.constant 720 : index
        %get3A_1047 = tpu.vector_load %arg6[%get3A_1044, %get3A_1045, %get3A_1046] {strides = array<i32>} : memref<4x16x1024xf32, #tpu.memory_space<vmem>>, vector<1x1x16xf32>,
        %get3A_1048 = vector.shape_cast %get3A_1047 : vector<1x1x16xf32> to vector<16xf32>
        %mul3A_1049 = arith.constant 3.200000e+01 : f32
        %mul3A_1050 = vector.broadcast %mul3A_1049 : f32 to vector<16xf32>
        %mul3A_1051 = arith.mulf %get3A_1048, %mul3A_1050 : vector<16xf32>
        %swap3A_1052 = arith.constant 2 : i32
        %swap3A_1053 = arith.index_cast %swap3A_1052 : i32 to index
        %swap3A_1054 = arith.index_cast %scan3A_324 : i32 to index
        %swap3A_1055 = arith.constant 720 : index
        %swap3A_1056 = tpu.vector_load %arg6[%swap3A_1053, %swap3A_1054, %swap3A_1055] {strides = array<i32>} : memref<4x16x1024xf32, #tpu.memory_space<vmem>>, vector<1x1x16xf32>,
        %swap3A_1057 = vector.shape_cast %swap3A_1056 : vector<1x1x16xf32> to vector<16xf32>
        %swap3A_1058 = vector.shape_cast %mul3A_1051 : vector<16xf32> to vector<1x1x16xf32>
        tpu.vector_store %arg6[%swap3A_1053, %swap3A_1054, %swap3A_1055], %swap3A_1058 {strides = array<i32>} : memref<4x16x1024xf32, #tpu.memory_space<vmem>>, vector<1x1x16xf32>,
        %get3A_1059 = arith.constant 2 : i32
        %get3A_1060 = arith.index_cast %get3A_1059 : i32 to index
        %get3A_1061 = arith.index_cast %scan3A_324 : i32 to index
        %get3A_1062 = arith.constant 736 : index
        %get3A_1063 = tpu.vector_load %arg6[%get3A_1060, %get3A_1061, %get3A_1062] {strides = array<i32>} : memref<4x16x1024xf32, #tpu.memory_space<vmem>>, vector<1x1x16xf32>,
        %get3A_1064 = vector.shape_cast %get3A_1063 : vector<1x1x16xf32> to vector<16xf32>
        %mul3A_1065 = arith.constant 3.200000e+01 : f32
        %mul3A_1066 = vector.broadcast %mul3A_1065 : f32 to vector<16xf32>
        %mul3A_1067 = arith.mulf %get3A_1064, %mul3A_1066 : vector<16xf32>
        %swap3A_1068 = arith.constant 2 : i32
        %swap3A_1069 = arith.index_cast %swap3A_1068 : i32 to index
        %swap3A_1070 = arith.index_cast %scan3A_324 : i32 to index
        %swap3A_1071 = arith.constant 736 : index
        %swap3A_1072 = tpu.vector_load %arg6[%swap3A_1069, %swap3A_1070, %swap3A_1071] {strides = array<i32>} : memref<4x16x1024xf32, #tpu.memory_space<vmem>>, vector<1x1x16xf32>,
        %swap3A_1073 = vector.shape_cast %swap3A_1072 : vector<1x1x16xf32> to vector<16xf32>
        %swap3A_1074 = vector.shape_cast %mul3A_1067 : vector<16xf32> to vector<1x1x16xf32>
        tpu.vector_store %arg6[%swap3A_1069, %swap3A_1070, %swap3A_1071], %swap3A_1074 {strides = array<i32>} : memref<4x16x1024xf32, #tpu.memory_space<vmem>>, vector<1x1x16xf32>,
        %get3A_1075 = arith.constant 2 : i32
        %get3A_1076 = arith.index_cast %get3A_1075 : i32 to index
        %get3A_1077 = arith.index_cast %scan3A_324 : i32 to index
        %get3A_1078 = arith.constant 752 : index
        %get3A_1079 = tpu.vector_load %arg6[%get3A_1076, %get3A_1077, %get3A_1078] {strides = array<i32>} : memref<4x16x1024xf32, #tpu.memory_space<vmem>>, vector<1x1x16xf32>,
        %get3A_1080 = vector.shape_cast %get3A_1079 : vector<1x1x16xf32> to vector<16xf32>
        %mul3A_1081 = arith.constant 3.200000e+01 : f32
        %mul3A_1082 = vector.broadcast %mul3A_1081 : f32 to vector<16xf32>
        %mul3A_1083 = arith.mulf %get3A_1080, %mul3A_1082 : vector<16xf32>
        %swap3A_1084 = arith.constant 2 : i32
        %swap3A_1085 = arith.index_cast %swap3A_1084 : i32 to index
        %swap3A_1086 = arith.index_cast %scan3A_324 : i32 to index
        %swap3A_1087 = arith.constant 752 : index
        %swap3A_1088 = tpu.vector_load %arg6[%swap3A_1085, %swap3A_1086, %swap3A_1087] {strides = array<i32>} : memref<4x16x1024xf32, #tpu.memory_space<vmem>>, vector<1x1x16xf32>,
        %swap3A_1089 = vector.shape_cast %swap3A_1088 : vector<1x1x16xf32> to vector<16xf32>
        %swap3A_1090 = vector.shape_cast %mul3A_1083 : vector<16xf32> to vector<1x1x16xf32>
        tpu.vector_store %arg6[%swap3A_1085, %swap3A_1086, %swap3A_1087], %swap3A_1090 {strides = array<i32>} : memref<4x16x1024xf32, #tpu.memory_space<vmem>>, vector<1x1x16xf32>,
        %get3A_1091 = arith.constant 2 : i32
        %get3A_1092 = arith.index_cast %get3A_1091 : i32 to index
        %get3A_1093 = arith.index_cast %scan3A_324 : i32 to index
        %get3A_1094 = arith.constant 768 : index
        %get3A_1095 = tpu.vector_load %arg6[%get3A_1092, %get3A_1093, %get3A_1094] {strides = array<i32>} : memref<4x16x1024xf32, #tpu.memory_space<vmem>>, vector<1x1x16xf32>,
        %get3A_1096 = vector.shape_cast %get3A_1095 : vector<1x1x16xf32> to vector<16xf32>
        %mul3A_1097 = arith.constant 3.200000e+01 : f32
        %mul3A_1098 = vector.broadcast %mul3A_1097 : f32 to vector<16xf32>
        %mul3A_1099 = arith.mulf %get3A_1096, %mul3A_1098 : vector<16xf32>
        %swap3A_1100 = arith.constant 2 : i32
        %swap3A_1101 = arith.index_cast %swap3A_1100 : i32 to index
        %swap3A_1102 = arith.index_cast %scan3A_324 : i32 to index
        %swap3A_1103 = arith.constant 768 : index
        %swap3A_1104 = tpu.vector_load %arg6[%swap3A_1101, %swap3A_1102, %swap3A_1103] {strides = array<i32>} : memref<4x16x1024xf32, #tpu.memory_space<vmem>>, vector<1x1x16xf32>,
        %swap3A_1105 = vector.shape_cast %swap3A_1104 : vector<1x1x16xf32> to vector<16xf32>
        %swap3A_1106 = vector.shape_cast %mul3A_1099 : vector<16xf32> to vector<1x1x16xf32>
        tpu.vector_store %arg6[%swap3A_1101, %swap3A_1102, %swap3A_1103], %swap3A_1106 {strides = array<i32>} : memref<4x16x1024xf32, #tpu.memory_space<vmem>>, vector<1x1x16xf32>,
        %get3A_1107 = arith.constant 2 : i32
        %get3A_1108 = arith.index_cast %get3A_1107 : i32 to index
        %get3A_1109 = arith.index_cast %scan3A_324 : i32 to index
        %get3A_1110 = arith.constant 784 : index
        %get3A_1111 = tpu.vector_load %arg6[%get3A_1108, %get3A_1109, %get3A_1110] {strides = array<i32>} : memref<4x16x1024xf32, #tpu.memory_space<vmem>>, vector<1x1x16xf32>,
        %get3A_1112 = vector.shape_cast %get3A_1111 : vector<1x1x16xf32> to vector<16xf32>
        %mul3A_1113 = arith.constant 3.200000e+01 : f32
        %mul3A_1114 = vector.broadcast %mul3A_1113 : f32 to vector<16xf32>
        %mul3A_1115 = arith.mulf %get3A_1112, %mul3A_1114 : vector<16xf32>
        %swap3A_1116 = arith.constant 2 : i32
        %swap3A_1117 = arith.index_cast %swap3A_1116 : i32 to index
        %swap3A_1118 = arith.index_cast %scan3A_324 : i32 to index
        %swap3A_1119 = arith.constant 784 : index
        %swap3A_1120 = tpu.vector_load %arg6[%swap3A_1117, %swap3A_1118, %swap3A_1119] {strides = array<i32>} : memref<4x16x1024xf32, #tpu.memory_space<vmem>>, vector<1x1x16xf32>,
        %swap3A_1121 = vector.shape_cast %swap3A_1120 : vector<1x1x16xf32> to vector<16xf32>
        %swap3A_1122 = vector.shape_cast %mul3A_1115 : vector<16xf32> to vector<1x1x16xf32>
        tpu.vector_store %arg6[%swap3A_1117, %swap3A_1118, %swap3A_1119], %swap3A_1122 {strides = array<i32>} : memref<4x16x1024xf32, #tpu.memory_space<vmem>>, vector<1x1x16xf32>,
        %get3A_1123 = arith.constant 2 : i32
        %get3A_1124 = arith.index_cast %get3A_1123 : i32 to index
        %get3A_1125 = arith.index_cast %scan3A_324 : i32 to index
        %get3A_1126 = arith.constant 800 : index
        %get3A_1127 = tpu.vector_load %arg6[%get3A_1124, %get3A_1125, %get3A_1126] {strides = array<i32>} : memref<4x16x1024xf32, #tpu.memory_space<vmem>>, vector<1x1x16xf32>,
        %get3A_1128 = vector.shape_cast %get3A_1127 : vector<1x1x16xf32> to vector<16xf32>
        %mul3A_1129 = arith.constant 3.200000e+01 : f32
        %mul3A_1130 = vector.broadcast %mul3A_1129 : f32 to vector<16xf32>
        %mul3A_1131 = arith.mulf %get3A_1128, %mul3A_1130 : vector<16xf32>
        %swap3A_1132 = arith.constant 2 : i32
        %swap3A_1133 = arith.index_cast %swap3A_1132 : i32 to index
        %swap3A_1134 = arith.index_cast %scan3A_324 : i32 to index
        %swap3A_1135 = arith.constant 800 : index
        %swap3A_1136 = tpu.vector_load %arg6[%swap3A_1133, %swap3A_1134, %swap3A_1135] {strides = array<i32>} : memref<4x16x1024xf32, #tpu.memory_space<vmem>>, vector<1x1x16xf32>,
        %swap3A_1137 = vector.shape_cast %swap3A_1136 : vector<1x1x16xf32> to vector<16xf32>
        %swap3A_1138 = vector.shape_cast %mul3A_1131 : vector<16xf32> to vector<1x1x16xf32>
        tpu.vector_store %arg6[%swap3A_1133, %swap3A_1134, %swap3A_1135], %swap3A_1138 {strides = array<i32>} : memref<4x16x1024xf32, #tpu.memory_space<vmem>>, vector<1x1x16xf32>,
        %get3A_1139 = arith.constant 2 : i32
        %get3A_1140 = arith.index_cast %get3A_1139 : i32 to index
        %get3A_1141 = arith.index_cast %scan3A_324 : i32 to index
        %get3A_1142 = arith.constant 816 : index
        %get3A_1143 = tpu.vector_load %arg6[%get3A_1140, %get3A_1141, %get3A_1142] {strides = array<i32>} : memref<4x16x1024xf32, #tpu.memory_space<vmem>>, vector<1x1x16xf32>,
        %get3A_1144 = vector.shape_cast %get3A_1143 : vector<1x1x16xf32> to vector<16xf32>
        %mul3A_1145 = arith.constant 3.200000e+01 : f32
        %mul3A_1146 = vector.broadcast %mul3A_1145 : f32 to vector<16xf32>
        %mul3A_1147 = arith.mulf %get3A_1144, %mul3A_1146 : vector<16xf32>
        %swap3A_1148 = arith.constant 2 : i32
        %swap3A_1149 = arith.index_cast %swap3A_1148 : i32 to index
        %swap3A_1150 = arith.index_cast %scan3A_324 : i32 to index
        %swap3A_1151 = arith.constant 816 : index
        %swap3A_1152 = tpu.vector_load %arg6[%swap3A_1149, %swap3A_1150, %swap3A_1151] {strides = array<i32>} : memref<4x16x1024xf32, #tpu.memory_space<vmem>>, vector<1x1x16xf32>,
        %swap3A_1153 = vector.shape_cast %swap3A_1152 : vector<1x1x16xf32> to vector<16xf32>
        %swap3A_1154 = vector.shape_cast %mul3A_1147 : vector<16xf32> to vector<1x1x16xf32>
        tpu.vector_store %arg6[%swap3A_1149, %swap3A_1150, %swap3A_1151], %swap3A_1154 {strides = array<i32>} : memref<4x16x1024xf32, #tpu.memory_space<vmem>>, vector<1x1x16xf32>,
        %get3A_1155 = arith.constant 2 : i32
        %get3A_1156 = arith.index_cast %get3A_1155 : i32 to index
        %get3A_1157 = arith.index_cast %scan3A_324 : i32 to index
        %get3A_1158 = arith.constant 832 : index
        %get3A_1159 = tpu.vector_load %arg6[%get3A_1156, %get3A_1157, %get3A_1158] {strides = array<i32>} : memref<4x16x1024xf32, #tpu.memory_space<vmem>>, vector<1x1x16xf32>,
        %get3A_1160 = vector.shape_cast %get3A_1159 : vector<1x1x16xf32> to vector<16xf32>
        %mul3A_1161 = arith.constant 3.200000e+01 : f32
        %mul3A_1162 = vector.broadcast %mul3A_1161 : f32 to vector<16xf32>
        %mul3A_1163 = arith.mulf %get3A_1160, %mul3A_1162 : vector<16xf32>
        %swap3A_1164 = arith.constant 2 : i32
        %swap3A_1165 = arith.index_cast %swap3A_1164 : i32 to index
        %swap3A_1166 = arith.index_cast %scan3A_324 : i32 to index
        %swap3A_1167 = arith.constant 832 : index
        %swap3A_1168 = tpu.vector_load %arg6[%swap3A_1165, %swap3A_1166, %swap3A_1167] {strides = array<i32>} : memref<4x16x1024xf32, #tpu.memory_space<vmem>>, vector<1x1x16xf32>,
        %swap3A_1169 = vector.shape_cast %swap3A_1168 : vector<1x1x16xf32> to vector<16xf32>
        %swap3A_1170 = vector.shape_cast %mul3A_1163 : vector<16xf32> to vector<1x1x16xf32>
        tpu.vector_store %arg6[%swap3A_1165, %swap3A_1166, %swap3A_1167], %swap3A_1170 {strides = array<i32>} : memref<4x16x1024xf32, #tpu.memory_space<vmem>>, vector<1x1x16xf32>,
        %get3A_1171 = arith.constant 2 : i32
        %get3A_1172 = arith.index_cast %get3A_1171 : i32 to index
        %get3A_1173 = arith.index_cast %scan3A_324 : i32 to index
        %get3A_1174 = arith.constant 848 : index
        %get3A_1175 = tpu.vector_load %arg6[%get3A_1172, %get3A_1173, %get3A_1174] {strides = array<i32>} : memref<4x16x1024xf32, #tpu.memory_space<vmem>>, vector<1x1x16xf32>,
        %get3A_1176 = vector.shape_cast %get3A_1175 : vector<1x1x16xf32> to vector<16xf32>
        %mul3A_1177 = arith.constant 3.200000e+01 : f32
        %mul3A_1178 = vector.broadcast %mul3A_1177 : f32 to vector<16xf32>
        %mul3A_1179 = arith.mulf %get3A_1176, %mul3A_1178 : vector<16xf32>
        %swap3A_1180 = arith.constant 2 : i32
        %swap3A_1181 = arith.index_cast %swap3A_1180 : i32 to index
        %swap3A_1182 = arith.index_cast %scan3A_324 : i32 to index
        %swap3A_1183 = arith.constant 848 : index
        %swap3A_1184 = tpu.vector_load %arg6[%swap3A_1181, %swap3A_1182, %swap3A_1183] {strides = array<i32>} : memref<4x16x1024xf32, #tpu.memory_space<vmem>>, vector<1x1x16xf32>,
        %swap3A_1185 = vector.shape_cast %swap3A_1184 : vector<1x1x16xf32> to vector<16xf32>
        %swap3A_1186 = vector.shape_cast %mul3A_1179 : vector<16xf32> to vector<1x1x16xf32>
        tpu.vector_store %arg6[%swap3A_1181, %swap3A_1182, %swap3A_1183], %swap3A_1186 {strides = array<i32>} : memref<4x16x1024xf32, #tpu.memory_space<vmem>>, vector<1x1x16xf32>,
        %get3A_1187 = arith.constant 2 : i32
        %get3A_1188 = arith.index_cast %get3A_1187 : i32 to index
        %get3A_1189 = arith.index_cast %scan3A_324 : i32 to index
        %get3A_1190 = arith.constant 864 : index
        %get3A_1191 = tpu.vector_load %arg6[%get3A_1188, %get3A_1189, %get3A_1190] {strides = array<i32>} : memref<4x16x1024xf32, #tpu.memory_space<vmem>>, vector<1x1x16xf32>,
        %get3A_1192 = vector.shape_cast %get3A_1191 : vector<1x1x16xf32> to vector<16xf32>
        %mul3A_1193 = arith.constant 3.200000e+01 : f32
        %mul3A_1194 = vector.broadcast %mul3A_1193 : f32 to vector<16xf32>
        %mul3A_1195 = arith.mulf %get3A_1192, %mul3A_1194 : vector<16xf32>
        %swap3A_1196 = arith.constant 2 : i32
        %swap3A_1197 = arith.index_cast %swap3A_1196 : i32 to index
        %swap3A_1198 = arith.index_cast %scan3A_324 : i32 to index
        %swap3A_1199 = arith.constant 864 : index
        %swap3A_1200 = tpu.vector_load %arg6[%swap3A_1197, %swap3A_1198, %swap3A_1199] {strides = array<i32>} : memref<4x16x1024xf32, #tpu.memory_space<vmem>>, vector<1x1x16xf32>,
        %swap3A_1201 = vector.shape_cast %swap3A_1200 : vector<1x1x16xf32> to vector<16xf32>
        %swap3A_1202 = vector.shape_cast %mul3A_1195 : vector<16xf32> to vector<1x1x16xf32>
        tpu.vector_store %arg6[%swap3A_1197, %swap3A_1198, %swap3A_1199], %swap3A_1202 {strides = array<i32>} : memref<4x16x1024xf32, #tpu.memory_space<vmem>>, vector<1x1x16xf32>,
        %get3A_1203 = arith.constant 2 : i32
        %get3A_1204 = arith.index_cast %get3A_1203 : i32 to index
        %get3A_1205 = arith.index_cast %scan3A_324 : i32 to index
        %get3A_1206 = arith.constant 880 : index
        %get3A_1207 = tpu.vector_load %arg6[%get3A_1204, %get3A_1205, %get3A_1206] {strides = array<i32>} : memref<4x16x1024xf32, #tpu.memory_space<vmem>>, vector<1x1x16xf32>,
        %get3A_1208 = vector.shape_cast %get3A_1207 : vector<1x1x16xf32> to vector<16xf32>
        %mul3A_1209 = arith.constant 3.200000e+01 : f32
        %mul3A_1210 = vector.broadcast %mul3A_1209 : f32 to vector<16xf32>
        %mul3A_1211 = arith.mulf %get3A_1208, %mul3A_1210 : vector<16xf32>
        %swap3A_1212 = arith.constant 2 : i32
        %swap3A_1213 = arith.index_cast %swap3A_1212 : i32 to index
        %swap3A_1214 = arith.index_cast %scan3A_324 : i32 to index
        %swap3A_1215 = arith.constant 880 : index
        %swap3A_1216 = tpu.vector_load %arg6[%swap3A_1213, %swap3A_1214, %swap3A_1215] {strides = array<i32>} : memref<4x16x1024xf32, #tpu.memory_space<vmem>>, vector<1x1x16xf32>,
        %swap3A_1217 = vector.shape_cast %swap3A_1216 : vector<1x1x16xf32> to vector<16xf32>
        %swap3A_1218 = vector.shape_cast %mul3A_1211 : vector<16xf32> to vector<1x1x16xf32>
        tpu.vector_store %arg6[%swap3A_1213, %swap3A_1214, %swap3A_1215], %swap3A_1218 {strides = array<i32>} : memref<4x16x1024xf32, #tpu.memory_space<vmem>>, vector<1x1x16xf32>,
        %get3A_1219 = arith.constant 2 : i32
        %get3A_1220 = arith.index_cast %get3A_1219 : i32 to index
        %get3A_1221 = arith.index_cast %scan3A_324 : i32 to index
        %get3A_1222 = arith.constant 896 : index
        %get3A_1223 = tpu.vector_load %arg6[%get3A_1220, %get3A_1221, %get3A_1222] {strides = array<i32>} : memref<4x16x1024xf32, #tpu.memory_space<vmem>>, vector<1x1x16xf32>,
        %get3A_1224 = vector.shape_cast %get3A_1223 : vector<1x1x16xf32> to vector<16xf32>
        %mul3A_1225 = arith.constant 3.200000e+01 : f32
        %mul3A_1226 = vector.broadcast %mul3A_1225 : f32 to vector<16xf32>
        %mul3A_1227 = arith.mulf %get3A_1224, %mul3A_1226 : vector<16xf32>
        %swap3A_1228 = arith.constant 2 : i32
        %swap3A_1229 = arith.index_cast %swap3A_1228 : i32 to index
        %swap3A_1230 = arith.index_cast %scan3A_324 : i32 to index
        %swap3A_1231 = arith.constant 896 : index
        %swap3A_1232 = tpu.vector_load %arg6[%swap3A_1229, %swap3A_1230, %swap3A_1231] {strides = array<i32>} : memref<4x16x1024xf32, #tpu.memory_space<vmem>>, vector<1x1x16xf32>,
        %swap3A_1233 = vector.shape_cast %swap3A_1232 : vector<1x1x16xf32> to vector<16xf32>
        %swap3A_1234 = vector.shape_cast %mul3A_1227 : vector<16xf32> to vector<1x1x16xf32>
        tpu.vector_store %arg6[%swap3A_1229, %swap3A_1230, %swap3A_1231], %swap3A_1234 {strides = array<i32>} : memref<4x16x1024xf32, #tpu.memory_space<vmem>>, vector<1x1x16xf32>,
        %get3A_1235 = arith.constant 2 : i32
        %get3A_1236 = arith.index_cast %get3A_1235 : i32 to index
        %get3A_1237 = arith.index_cast %scan3A_324 : i32 to index
        %get3A_1238 = arith.constant 912 : index
        %get3A_1239 = tpu.vector_load %arg6[%get3A_1236, %get3A_1237, %get3A_1238] {strides = array<i32>} : memref<4x16x1024xf32, #tpu.memory_space<vmem>>, vector<1x1x16xf32>,
        %get3A_1240 = vector.shape_cast %get3A_1239 : vector<1x1x16xf32> to vector<16xf32>
        %mul3A_1241 = arith.constant 3.200000e+01 : f32
        %mul3A_1242 = vector.broadcast %mul3A_1241 : f32 to vector<16xf32>
        %mul3A_1243 = arith.mulf %get3A_1240, %mul3A_1242 : vector<16xf32>
        %swap3A_1244 = arith.constant 2 : i32
        %swap3A_1245 = arith.index_cast %swap3A_1244 : i32 to index
        %swap3A_1246 = arith.index_cast %scan3A_324 : i32 to index
        %swap3A_1247 = arith.constant 912 : index
        %swap3A_1248 = tpu.vector_load %arg6[%swap3A_1245, %swap3A_1246, %swap3A_1247] {strides = array<i32>} : memref<4x16x1024xf32, #tpu.memory_space<vmem>>, vector<1x1x16xf32>,
        %swap3A_1249 = vector.shape_cast %swap3A_1248 : vector<1x1x16xf32> to vector<16xf32>
        %swap3A_1250 = vector.shape_cast %mul3A_1243 : vector<16xf32> to vector<1x1x16xf32>
        tpu.vector_store %arg6[%swap3A_1245, %swap3A_1246, %swap3A_1247], %swap3A_1250 {strides = array<i32>} : memref<4x16x1024xf32, #tpu.memory_space<vmem>>, vector<1x1x16xf32>,
        %get3A_1251 = arith.constant 2 : i32
        %get3A_1252 = arith.index_cast %get3A_1251 : i32 to index
        %get3A_1253 = arith.index_cast %scan3A_324 : i32 to index
        %get3A_1254 = arith.constant 928 : index
        %get3A_1255 = tpu.vector_load %arg6[%get3A_1252, %get3A_1253, %get3A_1254] {strides = array<i32>} : memref<4x16x1024xf32, #tpu.memory_space<vmem>>, vector<1x1x16xf32>,
        %get3A_1256 = vector.shape_cast %get3A_1255 : vector<1x1x16xf32> to vector<16xf32>
        %mul3A_1257 = arith.constant 3.200000e+01 : f32
        %mul3A_1258 = vector.broadcast %mul3A_1257 : f32 to vector<16xf32>
        %mul3A_1259 = arith.mulf %get3A_1256, %mul3A_1258 : vector<16xf32>
        %swap3A_1260 = arith.constant 2 : i32
        %swap3A_1261 = arith.index_cast %swap3A_1260 : i32 to index
        %swap3A_1262 = arith.index_cast %scan3A_324 : i32 to index
        %swap3A_1263 = arith.constant 928 : index
        %swap3A_1264 = tpu.vector_load %arg6[%swap3A_1261, %swap3A_1262, %swap3A_1263] {strides = array<i32>} : memref<4x16x1024xf32, #tpu.memory_space<vmem>>, vector<1x1x16xf32>,
        %swap3A_1265 = vector.shape_cast %swap3A_1264 : vector<1x1x16xf32> to vector<16xf32>
        %swap3A_1266 = vector.shape_cast %mul3A_1259 : vector<16xf32> to vector<1x1x16xf32>
        tpu.vector_store %arg6[%swap3A_1261, %swap3A_1262, %swap3A_1263], %swap3A_1266 {strides = array<i32>} : memref<4x16x1024xf32, #tpu.memory_space<vmem>>, vector<1x1x16xf32>,
        %get3A_1267 = arith.constant 2 : i32
        %get3A_1268 = arith.index_cast %get3A_1267 : i32 to index
        %get3A_1269 = arith.index_cast %scan3A_324 : i32 to index
        %get3A_1270 = arith.constant 944 : index
        %get3A_1271 = tpu.vector_load %arg6[%get3A_1268, %get3A_1269, %get3A_1270] {strides = array<i32>} : memref<4x16x1024xf32, #tpu.memory_space<vmem>>, vector<1x1x16xf32>,
        %get3A_1272 = vector.shape_cast %get3A_1271 : vector<1x1x16xf32> to vector<16xf32>
        %mul3A_1273 = arith.constant 3.200000e+01 : f32
        %mul3A_1274 = vector.broadcast %mul3A_1273 : f32 to vector<16xf32>
        %mul3A_1275 = arith.mulf %get3A_1272, %mul3A_1274 : vector<16xf32>
        %swap3A_1276 = arith.constant 2 : i32
        %swap3A_1277 = arith.index_cast %swap3A_1276 : i32 to index
        %swap3A_1278 = arith.index_cast %scan3A_324 : i32 to index
        %swap3A_1279 = arith.constant 944 : index
        %swap3A_1280 = tpu.vector_load %arg6[%swap3A_1277, %swap3A_1278, %swap3A_1279] {strides = array<i32>} : memref<4x16x1024xf32, #tpu.memory_space<vmem>>, vector<1x1x16xf32>,
        %swap3A_1281 = vector.shape_cast %swap3A_1280 : vector<1x1x16xf32> to vector<16xf32>
        %swap3A_1282 = vector.shape_cast %mul3A_1275 : vector<16xf32> to vector<1x1x16xf32>
        tpu.vector_store %arg6[%swap3A_1277, %swap3A_1278, %swap3A_1279], %swap3A_1282 {strides = array<i32>} : memref<4x16x1024xf32, #tpu.memory_space<vmem>>, vector<1x1x16xf32>,
        %get3A_1283 = arith.constant 2 : i32
        %get3A_1284 = arith.index_cast %get3A_1283 : i32 to index
        %get3A_1285 = arith.index_cast %scan3A_324 : i32 to index
        %get3A_1286 = arith.constant 960 : index
        %get3A_1287 = tpu.vector_load %arg6[%get3A_1284, %get3A_1285, %get3A_1286] {strides = array<i32>} : memref<4x16x1024xf32, #tpu.memory_space<vmem>>, vector<1x1x16xf32>,
        %get3A_1288 = vector.shape_cast %get3A_1287 : vector<1x1x16xf32> to vector<16xf32>
        %mul3A_1289 = arith.constant 3.200000e+01 : f32
        %mul3A_1290 = vector.broadcast %mul3A_1289 : f32 to vector<16xf32>
        %mul3A_1291 = arith.mulf %get3A_1288, %mul3A_1290 : vector<16xf32>
        %swap3A_1292 = arith.constant 2 : i32
        %swap3A_1293 = arith.index_cast %swap3A_1292 : i32 to index
        %swap3A_1294 = arith.index_cast %scan3A_324 : i32 to index
        %swap3A_1295 = arith.constant 960 : index
        %swap3A_1296 = tpu.vector_load %arg6[%swap3A_1293, %swap3A_1294, %swap3A_1295] {strides = array<i32>} : memref<4x16x1024xf32, #tpu.memory_space<vmem>>, vector<1x1x16xf32>,
        %swap3A_1297 = vector.shape_cast %swap3A_1296 : vector<1x1x16xf32> to vector<16xf32>
        %swap3A_1298 = vector.shape_cast %mul3A_1291 : vector<16xf32> to vector<1x1x16xf32>
        tpu.vector_store %arg6[%swap3A_1293, %swap3A_1294, %swap3A_1295], %swap3A_1298 {strides = array<i32>} : memref<4x16x1024xf32, #tpu.memory_space<vmem>>, vector<1x1x16xf32>,
        %get3A_1299 = arith.constant 2 : i32
        %get3A_1300 = arith.index_cast %get3A_1299 : i32 to index
        %get3A_1301 = arith.index_cast %scan3A_324 : i32 to index
        %get3A_1302 = arith.constant 976 : index
        %get3A_1303 = tpu.vector_load %arg6[%get3A_1300, %get3A_1301, %get3A_1302] {strides = array<i32>} : memref<4x16x1024xf32, #tpu.memory_space<vmem>>, vector<1x1x16xf32>,
        %get3A_1304 = vector.shape_cast %get3A_1303 : vector<1x1x16xf32> to vector<16xf32>
        %mul3A_1305 = arith.constant 3.200000e+01 : f32
        %mul3A_1306 = vector.broadcast %mul3A_1305 : f32 to vector<16xf32>
        %mul3A_1307 = arith.mulf %get3A_1304, %mul3A_1306 : vector<16xf32>
        %swap3A_1308 = arith.constant 2 : i32
        %swap3A_1309 = arith.index_cast %swap3A_1308 : i32 to index
        %swap3A_1310 = arith.index_cast %scan3A_324 : i32 to index
        %swap3A_1311 = arith.constant 976 : index
        %swap3A_1312 = tpu.vector_load %arg6[%swap3A_1309, %swap3A_1310, %swap3A_1311] {strides = array<i32>} : memref<4x16x1024xf32, #tpu.memory_space<vmem>>, vector<1x1x16xf32>,
        %swap3A_1313 = vector.shape_cast %swap3A_1312 : vector<1x1x16xf32> to vector<16xf32>
        %swap3A_1314 = vector.shape_cast %mul3A_1307 : vector<16xf32> to vector<1x1x16xf32>
        tpu.vector_store %arg6[%swap3A_1309, %swap3A_1310, %swap3A_1311], %swap3A_1314 {strides = array<i32>} : memref<4x16x1024xf32, #tpu.memory_space<vmem>>, vector<1x1x16xf32>,
        %get3A_1315 = arith.constant 2 : i32
        %get3A_1316 = arith.index_cast %get3A_1315 : i32 to index
        %get3A_1317 = arith.index_cast %scan3A_324 : i32 to index
        %get3A_1318 = arith.constant 992 : index
        %get3A_1319 = tpu.vector_load %arg6[%get3A_1316, %get3A_1317, %get3A_1318] {strides = array<i32>} : memref<4x16x1024xf32, #tpu.memory_space<vmem>>, vector<1x1x16xf32>,
        %get3A_1320 = vector.shape_cast %get3A_1319 : vector<1x1x16xf32> to vector<16xf32>
        %mul3A_1321 = arith.constant 3.200000e+01 : f32
        %mul3A_1322 = vector.broadcast %mul3A_1321 : f32 to vector<16xf32>
        %mul3A_1323 = arith.mulf %get3A_1320, %mul3A_1322 : vector<16xf32>
        %swap3A_1324 = arith.constant 2 : i32
        %swap3A_1325 = arith.index_cast %swap3A_1324 : i32 to index
        %swap3A_1326 = arith.index_cast %scan3A_324 : i32 to index
        %swap3A_1327 = arith.constant 992 : index
        %swap3A_1328 = tpu.vector_load %arg6[%swap3A_1325, %swap3A_1326, %swap3A_1327] {strides = array<i32>} : memref<4x16x1024xf32, #tpu.memory_space<vmem>>, vector<1x1x16xf32>,
        %swap3A_1329 = vector.shape_cast %swap3A_1328 : vector<1x1x16xf32> to vector<16xf32>
        %swap3A_1330 = vector.shape_cast %mul3A_1323 : vector<16xf32> to vector<1x1x16xf32>
        tpu.vector_store %arg6[%swap3A_1325, %swap3A_1326, %swap3A_1327], %swap3A_1330 {strides = array<i32>} : memref<4x16x1024xf32, #tpu.memory_space<vmem>>, vector<1x1x16xf32>,
        %get3A_1331 = arith.constant 2 : i32
        %get3A_1332 = arith.index_cast %get3A_1331 : i32 to index
        %get3A_1333 = arith.index_cast %scan3A_324 : i32 to index
        %get3A_1334 = arith.constant 1008 : index
        %get3A_1335 = tpu.vector_load %arg6[%get3A_1332, %get3A_1333, %get3A_1334] {strides = array<i32>} : memref<4x16x1024xf32, #tpu.memory_space<vmem>>, vector<1x1x16xf32>,
        %get3A_1336 = vector.shape_cast %get3A_1335 : vector<1x1x16xf32> to vector<16xf32>
        %mul3A_1337 = arith.constant 3.200000e+01 : f32
        %mul3A_1338 = vector.broadcast %mul3A_1337 : f32 to vector<16xf32>
        %mul3A_1339 = arith.mulf %get3A_1336, %mul3A_1338 : vector<16xf32>
        %swap3A_1340 = arith.constant 2 : i32
        %swap3A_1341 = arith.index_cast %swap3A_1340 : i32 to index
        %swap3A_1342 = arith.index_cast %scan3A_324 : i32 to index
        %swap3A_1343 = arith.constant 1008 : index
        %swap3A_1344 = tpu.vector_load %arg6[%swap3A_1341, %swap3A_1342, %swap3A_1343] {strides = array<i32>} : memref<4x16x1024xf32, #tpu.memory_space<vmem>>, vector<1x1x16xf32>,
        %swap3A_1345 = vector.shape_cast %swap3A_1344 : vector<1x1x16xf32> to vector<16xf32>
        %swap3A_1346 = vector.shape_cast %mul3A_1339 : vector<16xf32> to vector<1x1x16xf32>
        tpu.vector_store %arg6[%swap3A_1341, %swap3A_1342, %swap3A_1343], %swap3A_1346 {strides = array<i32>} : memref<4x16x1024xf32, #tpu.memory_space<vmem>>, vector<1x1x16xf32>,
      }
      %scan3A_262 = arith.constant 16 : i32
      %mul3A_263 = arith.constant 16 : i32
      %mul3A_264 = arith.muli %add3A_241, %mul3A_263 : i32
      %add3A_265 = arith.addi %mul3A_32, %mul3A_264 : i32
      %dma_start3A_266 = arith.constant 2 : i32
      %dma_start3A_267 = arith.constant 0 : i32
      %dma_start3A_268 = arith.constant 0 : i32
      %dma_start3A_269 = tpu.memref_slice %arg6[%dma_start3A_266, %dma_start3A_267, %dma_start3A_268] : memref<4x16x1024xf32, #tpu.memory_space<vmem>> -> memref<1x16x1024xf32, #tpu.memory_space<vmem>>
      %dma_start3A_270 = tpu.memref_squeeze %dma_start3A_269 : memref<1x16x1024xf32, #tpu.memory_space<vmem>> -> memref<16x1024xf32, #tpu.memory_space<vmem>>
      %dma_start3A_271 = arith.constant 0 : i32
      %dma_start3A_272 = tpu.memref_slice %arg4[%select_n3A, %add3A_265, %dma_start3A_271] : memref<4x8192x1024xf32, #tpu.memory_space<hbm>> -> memref<1x16x1024xf32, #tpu.memory_space<hbm>>
      %dma_start3A_273 = tpu.memref_squeeze %dma_start3A_272 : memref<1x16x1024xf32, #tpu.memory_space<hbm>> -> memref<16x1024xf32, #tpu.memory_space<hbm>>
      %dma_start3A_274 = arith.constant 0 : i32
      %dma_start3A_275 = tpu.memref_slice %arg4[%select_n3A, %add3A_265, %dma_start3A_274] : memref<4x8192x1024xf32, #tpu.memory_space<hbm>> -> memref<1x16x1024xf32, #tpu.memory_space<hbm>>
      %dma_start3A_276 = tpu.memref_squeeze %dma_start3A_275 : memref<1x16x1024xf32, #tpu.memory_space<hbm>> -> memref<16x1024xf32, #tpu.memory_space<hbm>>
      %dma_start3A_277 = arith.constant 0 : i32
      %dma_start3A_278 = arith.constant 0 : i32
      %dma_start3A_279 = tpu.memref_slice %arg6[%dma_start3A_266, %dma_start3A_277, %dma_start3A_278] : memref<4x16x1024xf32, #tpu.memory_space<vmem>> -> memref<1x16x1024xf32, #tpu.memory_space<vmem>>
      %dma_start3A_280 = tpu.memref_squeeze %dma_start3A_279 : memref<1x16x1024xf32, #tpu.memory_space<vmem>> -> memref<16x1024xf32, #tpu.memory_space<vmem>>
      tpu.enqueue_dma source(%dma_start3A_280 : memref<16x1024xf32, #tpu.memory_space<vmem>>) target(%dma_start3A_276 : memref<16x1024xf32, #tpu.memory_space<hbm>>) target_semaphore(%arg13 : memref<!tpu.dma_semaphore, #tpu.memory_space<semaphore_mem>>)
      %mul3A_281 = arith.constant 4 : i32
      %mul3A_282 = arith.muli %scan3A_128, %mul3A_281 : i32
      %add3A_283 = arith.constant 3 : i32
      %add3A_284 = arith.addi %mul3A_282, %add3A_283 : i32
      %lt3A_285 = arith.constant 15 : i32
      %lt3A_286 = arith.cmpi slt, %scan3A_128, %lt3A_285 : i32
      %convert_element_type3A_287 = arith.extui %lt3A_286 : i1 to i32
      %cond3A_288 = arith.constant 0 : i32
      %cond3A_289 = arith.cmpi ne, %convert_element_type3A_287, %cond3A_288 : i32
      scf.if %cond3A_289 {
        %dma_wait3A_324 = arith.constant 1 : i32
        %dma_wait3A_325 = arith.constant 0 : i32
        %dma_wait3A_326 = arith.constant 0 : i32
        %dma_wait3A_327 = arith.constant 0 : i32
        %dma_wait3A_328 = tpu.memref_slice %arg6[%dma_wait3A_324, %dma_wait3A_326, %dma_wait3A_327] : memref<4x16x1024xf32, #tpu.memory_space<vmem>> -> memref<1x16x1024xf32, #tpu.memory_space<vmem>>
        %dma_wait3A_329 = tpu.memref_squeeze %dma_wait3A_328 : memref<1x16x1024xf32, #tpu.memory_space<vmem>> -> memref<16x1024xf32, #tpu.memory_space<vmem>>
        %dma_wait3A_330 = arith.constant 0 : i32
        %dma_wait3A_331 = arith.constant 0 : i32
        %dma_wait3A_332 = tpu.memref_slice %arg4[%dma_wait3A_325, %dma_wait3A_330, %dma_wait3A_331] : memref<4x8192x1024xf32, #tpu.memory_space<hbm>> -> memref<1x16x1024xf32, #tpu.memory_space<hbm>>
        %dma_wait3A_333 = tpu.memref_squeeze %dma_wait3A_332 : memref<1x16x1024xf32, #tpu.memory_space<hbm>> -> memref<16x1024xf32, #tpu.memory_space<hbm>>
        %dma_wait3A_334 = arith.constant 0 : i32
        %dma_wait3A_335 = arith.constant 0 : i32
        %dma_wait3A_336 = tpu.memref_slice %arg4[%dma_wait3A_325, %dma_wait3A_334, %dma_wait3A_335] : memref<4x8192x1024xf32, #tpu.memory_space<hbm>> -> memref<1x16x1024xf32, #tpu.memory_space<hbm>>
        %dma_wait3A_337 = tpu.memref_squeeze %dma_wait3A_336 : memref<1x16x1024xf32, #tpu.memory_space<hbm>> -> memref<16x1024xf32, #tpu.memory_space<hbm>>
        %dma_wait3A_338 = arith.constant 0 : i32
        %dma_wait3A_339 = arith.constant 0 : i32
        %dma_wait3A_340 = tpu.memref_slice %arg6[%dma_wait3A_324, %dma_wait3A_338, %dma_wait3A_339] : memref<4x16x1024xf32, #tpu.memory_space<vmem>> -> memref<1x16x1024xf32, #tpu.memory_space<vmem>>
        %dma_wait3A_341 = tpu.memref_squeeze %dma_wait3A_340 : memref<1x16x1024xf32, #tpu.memory_space<vmem>> -> memref<16x1024xf32, #tpu.memory_space<vmem>>
        tpu.wait_dma2 semaphore(%arg12 : memref<!tpu.dma_semaphore, #tpu.memory_space<semaphore_mem>>) src(%dma_wait3A_341 : memref<16x1024xf32, #tpu.memory_space<vmem>>) dst(%dma_wait3A_337 : memref<16x1024xf32, #tpu.memory_space<hbm>>)
        %add3A_342 = arith.constant 2 : i32
        %add3A_343 = arith.addi %add3A_284, %add3A_342 : i32
        %mul3A_344 = arith.constant 16 : i32
        %mul3A_345 = arith.muli %add3A_343, %mul3A_344 : i32
        %dma_start3A_346 = arith.constant 1 : i32
        %dma_start3A_347 = arith.constant 0 : i32
        %dma_start3A_348 = arith.constant 0 : i32
        %dma_start3A_349 = tpu.memref_slice %arg6[%dma_start3A_346, %dma_start3A_347, %dma_start3A_348] : memref<4x16x1024xf32, #tpu.memory_space<vmem>> -> memref<1x16x1024xf32, #tpu.memory_space<vmem>>
        %dma_start3A_350 = tpu.memref_squeeze %dma_start3A_349 : memref<1x16x1024xf32, #tpu.memory_space<vmem>> -> memref<16x1024xf32, #tpu.memory_space<vmem>>
        %dma_start3A_351 = tpu.memref_slice %arg5[%mul3A_345] : memref<1024xi32, #tpu.memory_space<vmem>> -> memref<16xi32, #tpu.memory_space<vmem>>
        %dma_start3A_352 = arith.constant 0 : i32
        %dma_start3A_353 = arith.constant 0 : i32
        %dma_start3A_354 = tpu.memref_slice %arg3[%dma_start3A_352, %dma_start3A_353] : memref<100000x1024xf32, #tpu.memory_space<hbm>> -> memref<100000x1024xf32, #tpu.memory_space<hbm>>
        tpu.enqueue_indirect_dma source(%dma_start3A_354 : memref<100000x1024xf32, #tpu.memory_space<hbm>>) target(%dma_start3A_350 : memref<16x1024xf32, #tpu.memory_space<vmem>>) offsets(%dma_start3A_351 : memref<16xi32, #tpu.memory_space<vmem>>) semaphore(%arg8 : memref<!tpu.dma_semaphore, #tpu.memory_space<semaphore_mem>>)
      } else {
      }
      %dma_wait3A_290 = arith.constant 3 : i32
      %dma_wait3A_291 = arith.constant 0 : i32
      %dma_wait3A_292 = arith.constant 0 : i32
      %dma_wait3A_293 = tpu.memref_slice %arg6[%dma_wait3A_290, %dma_wait3A_291, %dma_wait3A_292] : memref<4x16x1024xf32, #tpu.memory_space<vmem>> -> memref<1x16x1024xf32, #tpu.memory_space<vmem>>
      %dma_wait3A_294 = tpu.memref_squeeze %dma_wait3A_293 : memref<1x16x1024xf32, #tpu.memory_space<vmem>> -> memref<16x1024xf32, #tpu.memory_space<vmem>>
      %dma_wait3A_295 = arith.constant 0 : i32
      %dma_wait3A_296 = tpu.memref_slice %arg5[%dma_wait3A_295] : memref<1024xi32, #tpu.memory_space<vmem>> -> memref<16xi32, #tpu.memory_space<vmem>>
      %dma_wait3A_297 = arith.constant 0 : i32
      %dma_wait3A_298 = arith.constant 0 : i32
      %dma_wait3A_299 = tpu.memref_slice %arg3[%dma_wait3A_297, %dma_wait3A_298] : memref<100000x1024xf32, #tpu.memory_space<hbm>> -> memref<100000x1024xf32, #tpu.memory_space<hbm>>
      tpu.wait_indirect_dma semaphore(%arg10 : memref<!tpu.dma_semaphore, #tpu.memory_space<semaphore_mem>>) src(%dma_wait3A_299 : memref<100000x1024xf32, #tpu.memory_space<hbm>>) dst(%dma_wait3A_294 : memref<16x1024xf32, #tpu.memory_space<vmem>>)
      %scan3A_300 = arith.constant 0 : i32
      %scan3A_301 = arith.constant 0 : i32
      %scan3A_302 = arith.constant 16 : i32
      %scan3A_303 = arith.addi %scan3A_301, %scan3A_302 : i32
      %scan3A_304 = arith.constant 1 : i32
      scf.for %scan3A_324 = %scan3A_301 to %scan3A_303 step %scan3A_304  : i32 {
        %get3A = arith.constant 3 : i32
        %get3A_325 = arith.index_cast %get3A : i32 to index
        %get3A_326 = arith.index_cast %scan3A_324 : i32 to index
        %get3A_327 = arith.constant 0 : index
        %get3A_328 = tpu.vector_load %arg6[%get3A_325, %get3A_326, %get3A_327] {strides = array<i32>} : memref<4x16x1024xf32, #tpu.memory_space<vmem>>, vector<1x1x16xf32>,
        %get3A_329 = vector.shape_cast %get3A_328 : vector<1x1x16xf32> to vector<16xf32>
        %mul3A_330 = arith.constant 3.200000e+01 : f32
        %mul3A_331 = vector.broadcast %mul3A_330 : f32 to vector<16xf32>
        %mul3A_332 = arith.mulf %get3A_329, %mul3A_331 : vector<16xf32>
        %swap3A = arith.constant 3 : i32
        %swap3A_333 = arith.index_cast %swap3A : i32 to index
        %swap3A_334 = arith.index_cast %scan3A_324 : i32 to index
        %swap3A_335 = arith.constant 0 : index
        %swap3A_336 = tpu.vector_load %arg6[%swap3A_333, %swap3A_334, %swap3A_335] {strides = array<i32>} : memref<4x16x1024xf32, #tpu.memory_space<vmem>>, vector<1x1x16xf32>,
        %swap3A_337 = vector.shape_cast %swap3A_336 : vector<1x1x16xf32> to vector<16xf32>
        %swap3A_338 = vector.shape_cast %mul3A_332 : vector<16xf32> to vector<1x1x16xf32>
        tpu.vector_store %arg6[%swap3A_333, %swap3A_334, %swap3A_335], %swap3A_338 {strides = array<i32>} : memref<4x16x1024xf32, #tpu.memory_space<vmem>>, vector<1x1x16xf32>,
        %get3A_339 = arith.constant 3 : i32
        %get3A_340 = arith.index_cast %get3A_339 : i32 to index
        %get3A_341 = arith.index_cast %scan3A_324 : i32 to index
        %get3A_342 = arith.constant 16 : index
        %get3A_343 = tpu.vector_load %arg6[%get3A_340, %get3A_341, %get3A_342] {strides = array<i32>} : memref<4x16x1024xf32, #tpu.memory_space<vmem>>, vector<1x1x16xf32>,
        %get3A_344 = vector.shape_cast %get3A_343 : vector<1x1x16xf32> to vector<16xf32>
        %mul3A_345 = arith.constant 3.200000e+01 : f32
        %mul3A_346 = vector.broadcast %mul3A_345 : f32 to vector<16xf32>
        %mul3A_347 = arith.mulf %get3A_344, %mul3A_346 : vector<16xf32>
        %swap3A_348 = arith.constant 3 : i32
        %swap3A_349 = arith.index_cast %swap3A_348 : i32 to index
        %swap3A_350 = arith.index_cast %scan3A_324 : i32 to index
        %swap3A_351 = arith.constant 16 : index
        %swap3A_352 = tpu.vector_load %arg6[%swap3A_349, %swap3A_350, %swap3A_351] {strides = array<i32>} : memref<4x16x1024xf32, #tpu.memory_space<vmem>>, vector<1x1x16xf32>,
        %swap3A_353 = vector.shape_cast %swap3A_352 : vector<1x1x16xf32> to vector<16xf32>
        %swap3A_354 = vector.shape_cast %mul3A_347 : vector<16xf32> to vector<1x1x16xf32>
        tpu.vector_store %arg6[%swap3A_349, %swap3A_350, %swap3A_351], %swap3A_354 {strides = array<i32>} : memref<4x16x1024xf32, #tpu.memory_space<vmem>>, vector<1x1x16xf32>,
        %get3A_355 = arith.constant 3 : i32
        %get3A_356 = arith.index_cast %get3A_355 : i32 to index
        %get3A_357 = arith.index_cast %scan3A_324 : i32 to index
        %get3A_358 = arith.constant 32 : index
        %get3A_359 = tpu.vector_load %arg6[%get3A_356, %get3A_357, %get3A_358] {strides = array<i32>} : memref<4x16x1024xf32, #tpu.memory_space<vmem>>, vector<1x1x16xf32>,
        %get3A_360 = vector.shape_cast %get3A_359 : vector<1x1x16xf32> to vector<16xf32>
        %mul3A_361 = arith.constant 3.200000e+01 : f32
        %mul3A_362 = vector.broadcast %mul3A_361 : f32 to vector<16xf32>
        %mul3A_363 = arith.mulf %get3A_360, %mul3A_362 : vector<16xf32>
        %swap3A_364 = arith.constant 3 : i32
        %swap3A_365 = arith.index_cast %swap3A_364 : i32 to index
        %swap3A_366 = arith.index_cast %scan3A_324 : i32 to index
        %swap3A_367 = arith.constant 32 : index
        %swap3A_368 = tpu.vector_load %arg6[%swap3A_365, %swap3A_366, %swap3A_367] {strides = array<i32>} : memref<4x16x1024xf32, #tpu.memory_space<vmem>>, vector<1x1x16xf32>,
        %swap3A_369 = vector.shape_cast %swap3A_368 : vector<1x1x16xf32> to vector<16xf32>
        %swap3A_370 = vector.shape_cast %mul3A_363 : vector<16xf32> to vector<1x1x16xf32>
        tpu.vector_store %arg6[%swap3A_365, %swap3A_366, %swap3A_367], %swap3A_370 {strides = array<i32>} : memref<4x16x1024xf32, #tpu.memory_space<vmem>>, vector<1x1x16xf32>,
        %get3A_371 = arith.constant 3 : i32
        %get3A_372 = arith.index_cast %get3A_371 : i32 to index
        %get3A_373 = arith.index_cast %scan3A_324 : i32 to index
        %get3A_374 = arith.constant 48 : index
        %get3A_375 = tpu.vector_load %arg6[%get3A_372, %get3A_373, %get3A_374] {strides = array<i32>} : memref<4x16x1024xf32, #tpu.memory_space<vmem>>, vector<1x1x16xf32>,
        %get3A_376 = vector.shape_cast %get3A_375 : vector<1x1x16xf32> to vector<16xf32>
        %mul3A_377 = arith.constant 3.200000e+01 : f32
        %mul3A_378 = vector.broadcast %mul3A_377 : f32 to vector<16xf32>
        %mul3A_379 = arith.mulf %get3A_376, %mul3A_378 : vector<16xf32>
        %swap3A_380 = arith.constant 3 : i32
        %swap3A_381 = arith.index_cast %swap3A_380 : i32 to index
        %swap3A_382 = arith.index_cast %scan3A_324 : i32 to index
        %swap3A_383 = arith.constant 48 : index
        %swap3A_384 = tpu.vector_load %arg6[%swap3A_381, %swap3A_382, %swap3A_383] {strides = array<i32>} : memref<4x16x1024xf32, #tpu.memory_space<vmem>>, vector<1x1x16xf32>,
        %swap3A_385 = vector.shape_cast %swap3A_384 : vector<1x1x16xf32> to vector<16xf32>
        %swap3A_386 = vector.shape_cast %mul3A_379 : vector<16xf32> to vector<1x1x16xf32>
        tpu.vector_store %arg6[%swap3A_381, %swap3A_382, %swap3A_383], %swap3A_386 {strides = array<i32>} : memref<4x16x1024xf32, #tpu.memory_space<vmem>>, vector<1x1x16xf32>,
        %get3A_387 = arith.constant 3 : i32
        %get3A_388 = arith.index_cast %get3A_387 : i32 to index
        %get3A_389 = arith.index_cast %scan3A_324 : i32 to index
        %get3A_390 = arith.constant 64 : index
        %get3A_391 = tpu.vector_load %arg6[%get3A_388, %get3A_389, %get3A_390] {strides = array<i32>} : memref<4x16x1024xf32, #tpu.memory_space<vmem>>, vector<1x1x16xf32>,
        %get3A_392 = vector.shape_cast %get3A_391 : vector<1x1x16xf32> to vector<16xf32>
        %mul3A_393 = arith.constant 3.200000e+01 : f32
        %mul3A_394 = vector.broadcast %mul3A_393 : f32 to vector<16xf32>
        %mul3A_395 = arith.mulf %get3A_392, %mul3A_394 : vector<16xf32>
        %swap3A_396 = arith.constant 3 : i32
        %swap3A_397 = arith.index_cast %swap3A_396 : i32 to index
        %swap3A_398 = arith.index_cast %scan3A_324 : i32 to index
        %swap3A_399 = arith.constant 64 : index
        %swap3A_400 = tpu.vector_load %arg6[%swap3A_397, %swap3A_398, %swap3A_399] {strides = array<i32>} : memref<4x16x1024xf32, #tpu.memory_space<vmem>>, vector<1x1x16xf32>,
        %swap3A_401 = vector.shape_cast %swap3A_400 : vector<1x1x16xf32> to vector<16xf32>
        %swap3A_402 = vector.shape_cast %mul3A_395 : vector<16xf32> to vector<1x1x16xf32>
        tpu.vector_store %arg6[%swap3A_397, %swap3A_398, %swap3A_399], %swap3A_402 {strides = array<i32>} : memref<4x16x1024xf32, #tpu.memory_space<vmem>>, vector<1x1x16xf32>,
        %get3A_403 = arith.constant 3 : i32
        %get3A_404 = arith.index_cast %get3A_403 : i32 to index
        %get3A_405 = arith.index_cast %scan3A_324 : i32 to index
        %get3A_406 = arith.constant 80 : index
        %get3A_407 = tpu.vector_load %arg6[%get3A_404, %get3A_405, %get3A_406] {strides = array<i32>} : memref<4x16x1024xf32, #tpu.memory_space<vmem>>, vector<1x1x16xf32>,
        %get3A_408 = vector.shape_cast %get3A_407 : vector<1x1x16xf32> to vector<16xf32>
        %mul3A_409 = arith.constant 3.200000e+01 : f32
        %mul3A_410 = vector.broadcast %mul3A_409 : f32 to vector<16xf32>
        %mul3A_411 = arith.mulf %get3A_408, %mul3A_410 : vector<16xf32>
        %swap3A_412 = arith.constant 3 : i32
        %swap3A_413 = arith.index_cast %swap3A_412 : i32 to index
        %swap3A_414 = arith.index_cast %scan3A_324 : i32 to index
        %swap3A_415 = arith.constant 80 : index
        %swap3A_416 = tpu.vector_load %arg6[%swap3A_413, %swap3A_414, %swap3A_415] {strides = array<i32>} : memref<4x16x1024xf32, #tpu.memory_space<vmem>>, vector<1x1x16xf32>,
        %swap3A_417 = vector.shape_cast %swap3A_416 : vector<1x1x16xf32> to vector<16xf32>
        %swap3A_418 = vector.shape_cast %mul3A_411 : vector<16xf32> to vector<1x1x16xf32>
        tpu.vector_store %arg6[%swap3A_413, %swap3A_414, %swap3A_415], %swap3A_418 {strides = array<i32>} : memref<4x16x1024xf32, #tpu.memory_space<vmem>>, vector<1x1x16xf32>,
        %get3A_419 = arith.constant 3 : i32
        %get3A_420 = arith.index_cast %get3A_419 : i32 to index
        %get3A_421 = arith.index_cast %scan3A_324 : i32 to index
        %get3A_422 = arith.constant 96 : index
        %get3A_423 = tpu.vector_load %arg6[%get3A_420, %get3A_421, %get3A_422] {strides = array<i32>} : memref<4x16x1024xf32, #tpu.memory_space<vmem>>, vector<1x1x16xf32>,
        %get3A_424 = vector.shape_cast %get3A_423 : vector<1x1x16xf32> to vector<16xf32>
        %mul3A_425 = arith.constant 3.200000e+01 : f32
        %mul3A_426 = vector.broadcast %mul3A_425 : f32 to vector<16xf32>
        %mul3A_427 = arith.mulf %get3A_424, %mul3A_426 : vector<16xf32>
        %swap3A_428 = arith.constant 3 : i32
        %swap3A_429 = arith.index_cast %swap3A_428 : i32 to index
        %swap3A_430 = arith.index_cast %scan3A_324 : i32 to index
        %swap3A_431 = arith.constant 96 : index
        %swap3A_432 = tpu.vector_load %arg6[%swap3A_429, %swap3A_430, %swap3A_431] {strides = array<i32>} : memref<4x16x1024xf32, #tpu.memory_space<vmem>>, vector<1x1x16xf32>,
        %swap3A_433 = vector.shape_cast %swap3A_432 : vector<1x1x16xf32> to vector<16xf32>
        %swap3A_434 = vector.shape_cast %mul3A_427 : vector<16xf32> to vector<1x1x16xf32>
        tpu.vector_store %arg6[%swap3A_429, %swap3A_430, %swap3A_431], %swap3A_434 {strides = array<i32>} : memref<4x16x1024xf32, #tpu.memory_space<vmem>>, vector<1x1x16xf32>,
        %get3A_435 = arith.constant 3 : i32
        %get3A_436 = arith.index_cast %get3A_435 : i32 to index
        %get3A_437 = arith.index_cast %scan3A_324 : i32 to index
        %get3A_438 = arith.constant 112 : index
        %get3A_439 = tpu.vector_load %arg6[%get3A_436, %get3A_437, %get3A_438] {strides = array<i32>} : memref<4x16x1024xf32, #tpu.memory_space<vmem>>, vector<1x1x16xf32>,
        %get3A_440 = vector.shape_cast %get3A_439 : vector<1x1x16xf32> to vector<16xf32>
        %mul3A_441 = arith.constant 3.200000e+01 : f32
        %mul3A_442 = vector.broadcast %mul3A_441 : f32 to vector<16xf32>
        %mul3A_443 = arith.mulf %get3A_440, %mul3A_442 : vector<16xf32>
        %swap3A_444 = arith.constant 3 : i32
        %swap3A_445 = arith.index_cast %swap3A_444 : i32 to index
        %swap3A_446 = arith.index_cast %scan3A_324 : i32 to index
        %swap3A_447 = arith.constant 112 : index
        %swap3A_448 = tpu.vector_load %arg6[%swap3A_445, %swap3A_446, %swap3A_447] {strides = array<i32>} : memref<4x16x1024xf32, #tpu.memory_space<vmem>>, vector<1x1x16xf32>,
        %swap3A_449 = vector.shape_cast %swap3A_448 : vector<1x1x16xf32> to vector<16xf32>
        %swap3A_450 = vector.shape_cast %mul3A_443 : vector<16xf32> to vector<1x1x16xf32>
        tpu.vector_store %arg6[%swap3A_445, %swap3A_446, %swap3A_447], %swap3A_450 {strides = array<i32>} : memref<4x16x1024xf32, #tpu.memory_space<vmem>>, vector<1x1x16xf32>,
        %get3A_451 = arith.constant 3 : i32
        %get3A_452 = arith.index_cast %get3A_451 : i32 to index
        %get3A_453 = arith.index_cast %scan3A_324 : i32 to index
        %get3A_454 = arith.constant 128 : index
        %get3A_455 = tpu.vector_load %arg6[%get3A_452, %get3A_453, %get3A_454] {strides = array<i32>} : memref<4x16x1024xf32, #tpu.memory_space<vmem>>, vector<1x1x16xf32>,
        %get3A_456 = vector.shape_cast %get3A_455 : vector<1x1x16xf32> to vector<16xf32>
        %mul3A_457 = arith.constant 3.200000e+01 : f32
        %mul3A_458 = vector.broadcast %mul3A_457 : f32 to vector<16xf32>
        %mul3A_459 = arith.mulf %get3A_456, %mul3A_458 : vector<16xf32>
        %swap3A_460 = arith.constant 3 : i32
        %swap3A_461 = arith.index_cast %swap3A_460 : i32 to index
        %swap3A_462 = arith.index_cast %scan3A_324 : i32 to index
        %swap3A_463 = arith.constant 128 : index
        %swap3A_464 = tpu.vector_load %arg6[%swap3A_461, %swap3A_462, %swap3A_463] {strides = array<i32>} : memref<4x16x1024xf32, #tpu.memory_space<vmem>>, vector<1x1x16xf32>,
        %swap3A_465 = vector.shape_cast %swap3A_464 : vector<1x1x16xf32> to vector<16xf32>
        %swap3A_466 = vector.shape_cast %mul3A_459 : vector<16xf32> to vector<1x1x16xf32>
        tpu.vector_store %arg6[%swap3A_461, %swap3A_462, %swap3A_463], %swap3A_466 {strides = array<i32>} : memref<4x16x1024xf32, #tpu.memory_space<vmem>>, vector<1x1x16xf32>,
        %get3A_467 = arith.constant 3 : i32
        %get3A_468 = arith.index_cast %get3A_467 : i32 to index
        %get3A_469 = arith.index_cast %scan3A_324 : i32 to index
        %get3A_470 = arith.constant 144 : index
        %get3A_471 = tpu.vector_load %arg6[%get3A_468, %get3A_469, %get3A_470] {strides = array<i32>} : memref<4x16x1024xf32, #tpu.memory_space<vmem>>, vector<1x1x16xf32>,
        %get3A_472 = vector.shape_cast %get3A_471 : vector<1x1x16xf32> to vector<16xf32>
        %mul3A_473 = arith.constant 3.200000e+01 : f32
        %mul3A_474 = vector.broadcast %mul3A_473 : f32 to vector<16xf32>
        %mul3A_475 = arith.mulf %get3A_472, %mul3A_474 : vector<16xf32>
        %swap3A_476 = arith.constant 3 : i32
        %swap3A_477 = arith.index_cast %swap3A_476 : i32 to index
        %swap3A_478 = arith.index_cast %scan3A_324 : i32 to index
        %swap3A_479 = arith.constant 144 : index
        %swap3A_480 = tpu.vector_load %arg6[%swap3A_477, %swap3A_478, %swap3A_479] {strides = array<i32>} : memref<4x16x1024xf32, #tpu.memory_space<vmem>>, vector<1x1x16xf32>,
        %swap3A_481 = vector.shape_cast %swap3A_480 : vector<1x1x16xf32> to vector<16xf32>
        %swap3A_482 = vector.shape_cast %mul3A_475 : vector<16xf32> to vector<1x1x16xf32>
        tpu.vector_store %arg6[%swap3A_477, %swap3A_478, %swap3A_479], %swap3A_482 {strides = array<i32>} : memref<4x16x1024xf32, #tpu.memory_space<vmem>>, vector<1x1x16xf32>,
        %get3A_483 = arith.constant 3 : i32
        %get3A_484 = arith.index_cast %get3A_483 : i32 to index
        %get3A_485 = arith.index_cast %scan3A_324 : i32 to index
        %get3A_486 = arith.constant 160 : index
        %get3A_487 = tpu.vector_load %arg6[%get3A_484, %get3A_485, %get3A_486] {strides = array<i32>} : memref<4x16x1024xf32, #tpu.memory_space<vmem>>, vector<1x1x16xf32>,
        %get3A_488 = vector.shape_cast %get3A_487 : vector<1x1x16xf32> to vector<16xf32>
        %mul3A_489 = arith.constant 3.200000e+01 : f32
        %mul3A_490 = vector.broadcast %mul3A_489 : f32 to vector<16xf32>
        %mul3A_491 = arith.mulf %get3A_488, %mul3A_490 : vector<16xf32>
        %swap3A_492 = arith.constant 3 : i32
        %swap3A_493 = arith.index_cast %swap3A_492 : i32 to index
        %swap3A_494 = arith.index_cast %scan3A_324 : i32 to index
        %swap3A_495 = arith.constant 160 : index
        %swap3A_496 = tpu.vector_load %arg6[%swap3A_493, %swap3A_494, %swap3A_495] {strides = array<i32>} : memref<4x16x1024xf32, #tpu.memory_space<vmem>>, vector<1x1x16xf32>,
        %swap3A_497 = vector.shape_cast %swap3A_496 : vector<1x1x16xf32> to vector<16xf32>
        %swap3A_498 = vector.shape_cast %mul3A_491 : vector<16xf32> to vector<1x1x16xf32>
        tpu.vector_store %arg6[%swap3A_493, %swap3A_494, %swap3A_495], %swap3A_498 {strides = array<i32>} : memref<4x16x1024xf32, #tpu.memory_space<vmem>>, vector<1x1x16xf32>,
        %get3A_499 = arith.constant 3 : i32
        %get3A_500 = arith.index_cast %get3A_499 : i32 to index
        %get3A_501 = arith.index_cast %scan3A_324 : i32 to index
        %get3A_502 = arith.constant 176 : index
        %get3A_503 = tpu.vector_load %arg6[%get3A_500, %get3A_501, %get3A_502] {strides = array<i32>} : memref<4x16x1024xf32, #tpu.memory_space<vmem>>, vector<1x1x16xf32>,
        %get3A_504 = vector.shape_cast %get3A_503 : vector<1x1x16xf32> to vector<16xf32>
        %mul3A_505 = arith.constant 3.200000e+01 : f32
        %mul3A_506 = vector.broadcast %mul3A_505 : f32 to vector<16xf32>
        %mul3A_507 = arith.mulf %get3A_504, %mul3A_506 : vector<16xf32>
        %swap3A_508 = arith.constant 3 : i32
        %swap3A_509 = arith.index_cast %swap3A_508 : i32 to index
        %swap3A_510 = arith.index_cast %scan3A_324 : i32 to index
        %swap3A_511 = arith.constant 176 : index
        %swap3A_512 = tpu.vector_load %arg6[%swap3A_509, %swap3A_510, %swap3A_511] {strides = array<i32>} : memref<4x16x1024xf32, #tpu.memory_space<vmem>>, vector<1x1x16xf32>,
        %swap3A_513 = vector.shape_cast %swap3A_512 : vector<1x1x16xf32> to vector<16xf32>
        %swap3A_514 = vector.shape_cast %mul3A_507 : vector<16xf32> to vector<1x1x16xf32>
        tpu.vector_store %arg6[%swap3A_509, %swap3A_510, %swap3A_511], %swap3A_514 {strides = array<i32>} : memref<4x16x1024xf32, #tpu.memory_space<vmem>>, vector<1x1x16xf32>,
        %get3A_515 = arith.constant 3 : i32
        %get3A_516 = arith.index_cast %get3A_515 : i32 to index
        %get3A_517 = arith.index_cast %scan3A_324 : i32 to index
        %get3A_518 = arith.constant 192 : index
        %get3A_519 = tpu.vector_load %arg6[%get3A_516, %get3A_517, %get3A_518] {strides = array<i32>} : memref<4x16x1024xf32, #tpu.memory_space<vmem>>, vector<1x1x16xf32>,
        %get3A_520 = vector.shape_cast %get3A_519 : vector<1x1x16xf32> to vector<16xf32>
        %mul3A_521 = arith.constant 3.200000e+01 : f32
        %mul3A_522 = vector.broadcast %mul3A_521 : f32 to vector<16xf32>
        %mul3A_523 = arith.mulf %get3A_520, %mul3A_522 : vector<16xf32>
        %swap3A_524 = arith.constant 3 : i32
        %swap3A_525 = arith.index_cast %swap3A_524 : i32 to index
        %swap3A_526 = arith.index_cast %scan3A_324 : i32 to index
        %swap3A_527 = arith.constant 192 : index
        %swap3A_528 = tpu.vector_load %arg6[%swap3A_525, %swap3A_526, %swap3A_527] {strides = array<i32>} : memref<4x16x1024xf32, #tpu.memory_space<vmem>>, vector<1x1x16xf32>,
        %swap3A_529 = vector.shape_cast %swap3A_528 : vector<1x1x16xf32> to vector<16xf32>
        %swap3A_530 = vector.shape_cast %mul3A_523 : vector<16xf32> to vector<1x1x16xf32>
        tpu.vector_store %arg6[%swap3A_525, %swap3A_526, %swap3A_527], %swap3A_530 {strides = array<i32>} : memref<4x16x1024xf32, #tpu.memory_space<vmem>>, vector<1x1x16xf32>,
        %get3A_531 = arith.constant 3 : i32
        %get3A_532 = arith.index_cast %get3A_531 : i32 to index
        %get3A_533 = arith.index_cast %scan3A_324 : i32 to index
        %get3A_534 = arith.constant 208 : index
        %get3A_535 = tpu.vector_load %arg6[%get3A_532, %get3A_533, %get3A_534] {strides = array<i32>} : memref<4x16x1024xf32, #tpu.memory_space<vmem>>, vector<1x1x16xf32>,
        %get3A_536 = vector.shape_cast %get3A_535 : vector<1x1x16xf32> to vector<16xf32>
        %mul3A_537 = arith.constant 3.200000e+01 : f32
        %mul3A_538 = vector.broadcast %mul3A_537 : f32 to vector<16xf32>
        %mul3A_539 = arith.mulf %get3A_536, %mul3A_538 : vector<16xf32>
        %swap3A_540 = arith.constant 3 : i32
        %swap3A_541 = arith.index_cast %swap3A_540 : i32 to index
        %swap3A_542 = arith.index_cast %scan3A_324 : i32 to index
        %swap3A_543 = arith.constant 208 : index
        %swap3A_544 = tpu.vector_load %arg6[%swap3A_541, %swap3A_542, %swap3A_543] {strides = array<i32>} : memref<4x16x1024xf32, #tpu.memory_space<vmem>>, vector<1x1x16xf32>,
        %swap3A_545 = vector.shape_cast %swap3A_544 : vector<1x1x16xf32> to vector<16xf32>
        %swap3A_546 = vector.shape_cast %mul3A_539 : vector<16xf32> to vector<1x1x16xf32>
        tpu.vector_store %arg6[%swap3A_541, %swap3A_542, %swap3A_543], %swap3A_546 {strides = array<i32>} : memref<4x16x1024xf32, #tpu.memory_space<vmem>>, vector<1x1x16xf32>,
        %get3A_547 = arith.constant 3 : i32
        %get3A_548 = arith.index_cast %get3A_547 : i32 to index
        %get3A_549 = arith.index_cast %scan3A_324 : i32 to index
        %get3A_550 = arith.constant 224 : index
        %get3A_551 = tpu.vector_load %arg6[%get3A_548, %get3A_549, %get3A_550] {strides = array<i32>} : memref<4x16x1024xf32, #tpu.memory_space<vmem>>, vector<1x1x16xf32>,
        %get3A_552 = vector.shape_cast %get3A_551 : vector<1x1x16xf32> to vector<16xf32>
        %mul3A_553 = arith.constant 3.200000e+01 : f32
        %mul3A_554 = vector.broadcast %mul3A_553 : f32 to vector<16xf32>
        %mul3A_555 = arith.mulf %get3A_552, %mul3A_554 : vector<16xf32>
        %swap3A_556 = arith.constant 3 : i32
        %swap3A_557 = arith.index_cast %swap3A_556 : i32 to index
        %swap3A_558 = arith.index_cast %scan3A_324 : i32 to index
        %swap3A_559 = arith.constant 224 : index
        %swap3A_560 = tpu.vector_load %arg6[%swap3A_557, %swap3A_558, %swap3A_559] {strides = array<i32>} : memref<4x16x1024xf32, #tpu.memory_space<vmem>>, vector<1x1x16xf32>,
        %swap3A_561 = vector.shape_cast %swap3A_560 : vector<1x1x16xf32> to vector<16xf32>
        %swap3A_562 = vector.shape_cast %mul3A_555 : vector<16xf32> to vector<1x1x16xf32>
        tpu.vector_store %arg6[%swap3A_557, %swap3A_558, %swap3A_559], %swap3A_562 {strides = array<i32>} : memref<4x16x1024xf32, #tpu.memory_space<vmem>>, vector<1x1x16xf32>,
        %get3A_563 = arith.constant 3 : i32
        %get3A_564 = arith.index_cast %get3A_563 : i32 to index
        %get3A_565 = arith.index_cast %scan3A_324 : i32 to index
        %get3A_566 = arith.constant 240 : index
        %get3A_567 = tpu.vector_load %arg6[%get3A_564, %get3A_565, %get3A_566] {strides = array<i32>} : memref<4x16x1024xf32, #tpu.memory_space<vmem>>, vector<1x1x16xf32>,
        %get3A_568 = vector.shape_cast %get3A_567 : vector<1x1x16xf32> to vector<16xf32>
        %mul3A_569 = arith.constant 3.200000e+01 : f32
        %mul3A_570 = vector.broadcast %mul3A_569 : f32 to vector<16xf32>
        %mul3A_571 = arith.mulf %get3A_568, %mul3A_570 : vector<16xf32>
        %swap3A_572 = arith.constant 3 : i32
        %swap3A_573 = arith.index_cast %swap3A_572 : i32 to index
        %swap3A_574 = arith.index_cast %scan3A_324 : i32 to index
        %swap3A_575 = arith.constant 240 : index
        %swap3A_576 = tpu.vector_load %arg6[%swap3A_573, %swap3A_574, %swap3A_575] {strides = array<i32>} : memref<4x16x1024xf32, #tpu.memory_space<vmem>>, vector<1x1x16xf32>,
        %swap3A_577 = vector.shape_cast %swap3A_576 : vector<1x1x16xf32> to vector<16xf32>
        %swap3A_578 = vector.shape_cast %mul3A_571 : vector<16xf32> to vector<1x1x16xf32>
        tpu.vector_store %arg6[%swap3A_573, %swap3A_574, %swap3A_575], %swap3A_578 {strides = array<i32>} : memref<4x16x1024xf32, #tpu.memory_space<vmem>>, vector<1x1x16xf32>,
        %get3A_579 = arith.constant 3 : i32
        %get3A_580 = arith.index_cast %get3A_579 : i32 to index
        %get3A_581 = arith.index_cast %scan3A_324 : i32 to index
        %get3A_582 = arith.constant 256 : index
        %get3A_583 = tpu.vector_load %arg6[%get3A_580, %get3A_581, %get3A_582] {strides = array<i32>} : memref<4x16x1024xf32, #tpu.memory_space<vmem>>, vector<1x1x16xf32>,
        %get3A_584 = vector.shape_cast %get3A_583 : vector<1x1x16xf32> to vector<16xf32>
        %mul3A_585 = arith.constant 3.200000e+01 : f32
        %mul3A_586 = vector.broadcast %mul3A_585 : f32 to vector<16xf32>
        %mul3A_587 = arith.mulf %get3A_584, %mul3A_586 : vector<16xf32>
        %swap3A_588 = arith.constant 3 : i32
        %swap3A_589 = arith.index_cast %swap3A_588 : i32 to index
        %swap3A_590 = arith.index_cast %scan3A_324 : i32 to index
        %swap3A_591 = arith.constant 256 : index
        %swap3A_592 = tpu.vector_load %arg6[%swap3A_589, %swap3A_590, %swap3A_591] {strides = array<i32>} : memref<4x16x1024xf32, #tpu.memory_space<vmem>>, vector<1x1x16xf32>,
        %swap3A_593 = vector.shape_cast %swap3A_592 : vector<1x1x16xf32> to vector<16xf32>
        %swap3A_594 = vector.shape_cast %mul3A_587 : vector<16xf32> to vector<1x1x16xf32>
        tpu.vector_store %arg6[%swap3A_589, %swap3A_590, %swap3A_591], %swap3A_594 {strides = array<i32>} : memref<4x16x1024xf32, #tpu.memory_space<vmem>>, vector<1x1x16xf32>,
        %get3A_595 = arith.constant 3 : i32
        %get3A_596 = arith.index_cast %get3A_595 : i32 to index
        %get3A_597 = arith.index_cast %scan3A_324 : i32 to index
        %get3A_598 = arith.constant 272 : index
        %get3A_599 = tpu.vector_load %arg6[%get3A_596, %get3A_597, %get3A_598] {strides = array<i32>} : memref<4x16x1024xf32, #tpu.memory_space<vmem>>, vector<1x1x16xf32>,
        %get3A_600 = vector.shape_cast %get3A_599 : vector<1x1x16xf32> to vector<16xf32>
        %mul3A_601 = arith.constant 3.200000e+01 : f32
        %mul3A_602 = vector.broadcast %mul3A_601 : f32 to vector<16xf32>
        %mul3A_603 = arith.mulf %get3A_600, %mul3A_602 : vector<16xf32>
        %swap3A_604 = arith.constant 3 : i32
        %swap3A_605 = arith.index_cast %swap3A_604 : i32 to index
        %swap3A_606 = arith.index_cast %scan3A_324 : i32 to index
        %swap3A_607 = arith.constant 272 : index
        %swap3A_608 = tpu.vector_load %arg6[%swap3A_605, %swap3A_606, %swap3A_607] {strides = array<i32>} : memref<4x16x1024xf32, #tpu.memory_space<vmem>>, vector<1x1x16xf32>,
        %swap3A_609 = vector.shape_cast %swap3A_608 : vector<1x1x16xf32> to vector<16xf32>
        %swap3A_610 = vector.shape_cast %mul3A_603 : vector<16xf32> to vector<1x1x16xf32>
        tpu.vector_store %arg6[%swap3A_605, %swap3A_606, %swap3A_607], %swap3A_610 {strides = array<i32>} : memref<4x16x1024xf32, #tpu.memory_space<vmem>>, vector<1x1x16xf32>,
        %get3A_611 = arith.constant 3 : i32
        %get3A_612 = arith.index_cast %get3A_611 : i32 to index
        %get3A_613 = arith.index_cast %scan3A_324 : i32 to index
        %get3A_614 = arith.constant 288 : index
        %get3A_615 = tpu.vector_load %arg6[%get3A_612, %get3A_613, %get3A_614] {strides = array<i32>} : memref<4x16x1024xf32, #tpu.memory_space<vmem>>, vector<1x1x16xf32>,
        %get3A_616 = vector.shape_cast %get3A_615 : vector<1x1x16xf32> to vector<16xf32>
        %mul3A_617 = arith.constant 3.200000e+01 : f32
        %mul3A_618 = vector.broadcast %mul3A_617 : f32 to vector<16xf32>
        %mul3A_619 = arith.mulf %get3A_616, %mul3A_618 : vector<16xf32>
        %swap3A_620 = arith.constant 3 : i32
        %swap3A_621 = arith.index_cast %swap3A_620 : i32 to index
        %swap3A_622 = arith.index_cast %scan3A_324 : i32 to index
        %swap3A_623 = arith.constant 288 : index
        %swap3A_624 = tpu.vector_load %arg6[%swap3A_621, %swap3A_622, %swap3A_623] {strides = array<i32>} : memref<4x16x1024xf32, #tpu.memory_space<vmem>>, vector<1x1x16xf32>,
        %swap3A_625 = vector.shape_cast %swap3A_624 : vector<1x1x16xf32> to vector<16xf32>
        %swap3A_626 = vector.shape_cast %mul3A_619 : vector<16xf32> to vector<1x1x16xf32>
        tpu.vector_store %arg6[%swap3A_621, %swap3A_622, %swap3A_623], %swap3A_626 {strides = array<i32>} : memref<4x16x1024xf32, #tpu.memory_space<vmem>>, vector<1x1x16xf32>,
        %get3A_627 = arith.constant 3 : i32
        %get3A_628 = arith.index_cast %get3A_627 : i32 to index
        %get3A_629 = arith.index_cast %scan3A_324 : i32 to index
        %get3A_630 = arith.constant 304 : index
        %get3A_631 = tpu.vector_load %arg6[%get3A_628, %get3A_629, %get3A_630] {strides = array<i32>} : memref<4x16x1024xf32, #tpu.memory_space<vmem>>, vector<1x1x16xf32>,
        %get3A_632 = vector.shape_cast %get3A_631 : vector<1x1x16xf32> to vector<16xf32>
        %mul3A_633 = arith.constant 3.200000e+01 : f32
        %mul3A_634 = vector.broadcast %mul3A_633 : f32 to vector<16xf32>
        %mul3A_635 = arith.mulf %get3A_632, %mul3A_634 : vector<16xf32>
        %swap3A_636 = arith.constant 3 : i32
        %swap3A_637 = arith.index_cast %swap3A_636 : i32 to index
        %swap3A_638 = arith.index_cast %scan3A_324 : i32 to index
        %swap3A_639 = arith.constant 304 : index
        %swap3A_640 = tpu.vector_load %arg6[%swap3A_637, %swap3A_638, %swap3A_639] {strides = array<i32>} : memref<4x16x1024xf32, #tpu.memory_space<vmem>>, vector<1x1x16xf32>,
        %swap3A_641 = vector.shape_cast %swap3A_640 : vector<1x1x16xf32> to vector<16xf32>
        %swap3A_642 = vector.shape_cast %mul3A_635 : vector<16xf32> to vector<1x1x16xf32>
        tpu.vector_store %arg6[%swap3A_637, %swap3A_638, %swap3A_639], %swap3A_642 {strides = array<i32>} : memref<4x16x1024xf32, #tpu.memory_space<vmem>>, vector<1x1x16xf32>,
        %get3A_643 = arith.constant 3 : i32
        %get3A_644 = arith.index_cast %get3A_643 : i32 to index
        %get3A_645 = arith.index_cast %scan3A_324 : i32 to index
        %get3A_646 = arith.constant 320 : index
        %get3A_647 = tpu.vector_load %arg6[%get3A_644, %get3A_645, %get3A_646] {strides = array<i32>} : memref<4x16x1024xf32, #tpu.memory_space<vmem>>, vector<1x1x16xf32>,
        %get3A_648 = vector.shape_cast %get3A_647 : vector<1x1x16xf32> to vector<16xf32>
        %mul3A_649 = arith.constant 3.200000e+01 : f32
        %mul3A_650 = vector.broadcast %mul3A_649 : f32 to vector<16xf32>
        %mul3A_651 = arith.mulf %get3A_648, %mul3A_650 : vector<16xf32>
        %swap3A_652 = arith.constant 3 : i32
        %swap3A_653 = arith.index_cast %swap3A_652 : i32 to index
        %swap3A_654 = arith.index_cast %scan3A_324 : i32 to index
        %swap3A_655 = arith.constant 320 : index
        %swap3A_656 = tpu.vector_load %arg6[%swap3A_653, %swap3A_654, %swap3A_655] {strides = array<i32>} : memref<4x16x1024xf32, #tpu.memory_space<vmem>>, vector<1x1x16xf32>,
        %swap3A_657 = vector.shape_cast %swap3A_656 : vector<1x1x16xf32> to vector<16xf32>
        %swap3A_658 = vector.shape_cast %mul3A_651 : vector<16xf32> to vector<1x1x16xf32>
        tpu.vector_store %arg6[%swap3A_653, %swap3A_654, %swap3A_655], %swap3A_658 {strides = array<i32>} : memref<4x16x1024xf32, #tpu.memory_space<vmem>>, vector<1x1x16xf32>,
        %get3A_659 = arith.constant 3 : i32
        %get3A_660 = arith.index_cast %get3A_659 : i32 to index
        %get3A_661 = arith.index_cast %scan3A_324 : i32 to index
        %get3A_662 = arith.constant 336 : index
        %get3A_663 = tpu.vector_load %arg6[%get3A_660, %get3A_661, %get3A_662] {strides = array<i32>} : memref<4x16x1024xf32, #tpu.memory_space<vmem>>, vector<1x1x16xf32>,
        %get3A_664 = vector.shape_cast %get3A_663 : vector<1x1x16xf32> to vector<16xf32>
        %mul3A_665 = arith.constant 3.200000e+01 : f32
        %mul3A_666 = vector.broadcast %mul3A_665 : f32 to vector<16xf32>
        %mul3A_667 = arith.mulf %get3A_664, %mul3A_666 : vector<16xf32>
        %swap3A_668 = arith.constant 3 : i32
        %swap3A_669 = arith.index_cast %swap3A_668 : i32 to index
        %swap3A_670 = arith.index_cast %scan3A_324 : i32 to index
        %swap3A_671 = arith.constant 336 : index
        %swap3A_672 = tpu.vector_load %arg6[%swap3A_669, %swap3A_670, %swap3A_671] {strides = array<i32>} : memref<4x16x1024xf32, #tpu.memory_space<vmem>>, vector<1x1x16xf32>,
        %swap3A_673 = vector.shape_cast %swap3A_672 : vector<1x1x16xf32> to vector<16xf32>
        %swap3A_674 = vector.shape_cast %mul3A_667 : vector<16xf32> to vector<1x1x16xf32>
        tpu.vector_store %arg6[%swap3A_669, %swap3A_670, %swap3A_671], %swap3A_674 {strides = array<i32>} : memref<4x16x1024xf32, #tpu.memory_space<vmem>>, vector<1x1x16xf32>,
        %get3A_675 = arith.constant 3 : i32
        %get3A_676 = arith.index_cast %get3A_675 : i32 to index
        %get3A_677 = arith.index_cast %scan3A_324 : i32 to index
        %get3A_678 = arith.constant 352 : index
        %get3A_679 = tpu.vector_load %arg6[%get3A_676, %get3A_677, %get3A_678] {strides = array<i32>} : memref<4x16x1024xf32, #tpu.memory_space<vmem>>, vector<1x1x16xf32>,
        %get3A_680 = vector.shape_cast %get3A_679 : vector<1x1x16xf32> to vector<16xf32>
        %mul3A_681 = arith.constant 3.200000e+01 : f32
        %mul3A_682 = vector.broadcast %mul3A_681 : f32 to vector<16xf32>
        %mul3A_683 = arith.mulf %get3A_680, %mul3A_682 : vector<16xf32>
        %swap3A_684 = arith.constant 3 : i32
        %swap3A_685 = arith.index_cast %swap3A_684 : i32 to index
        %swap3A_686 = arith.index_cast %scan3A_324 : i32 to index
        %swap3A_687 = arith.constant 352 : index
        %swap3A_688 = tpu.vector_load %arg6[%swap3A_685, %swap3A_686, %swap3A_687] {strides = array<i32>} : memref<4x16x1024xf32, #tpu.memory_space<vmem>>, vector<1x1x16xf32>,
        %swap3A_689 = vector.shape_cast %swap3A_688 : vector<1x1x16xf32> to vector<16xf32>
        %swap3A_690 = vector.shape_cast %mul3A_683 : vector<16xf32> to vector<1x1x16xf32>
        tpu.vector_store %arg6[%swap3A_685, %swap3A_686, %swap3A_687], %swap3A_690 {strides = array<i32>} : memref<4x16x1024xf32, #tpu.memory_space<vmem>>, vector<1x1x16xf32>,
        %get3A_691 = arith.constant 3 : i32
        %get3A_692 = arith.index_cast %get3A_691 : i32 to index
        %get3A_693 = arith.index_cast %scan3A_324 : i32 to index
        %get3A_694 = arith.constant 368 : index
        %get3A_695 = tpu.vector_load %arg6[%get3A_692, %get3A_693, %get3A_694] {strides = array<i32>} : memref<4x16x1024xf32, #tpu.memory_space<vmem>>, vector<1x1x16xf32>,
        %get3A_696 = vector.shape_cast %get3A_695 : vector<1x1x16xf32> to vector<16xf32>
        %mul3A_697 = arith.constant 3.200000e+01 : f32
        %mul3A_698 = vector.broadcast %mul3A_697 : f32 to vector<16xf32>
        %mul3A_699 = arith.mulf %get3A_696, %mul3A_698 : vector<16xf32>
        %swap3A_700 = arith.constant 3 : i32
        %swap3A_701 = arith.index_cast %swap3A_700 : i32 to index
        %swap3A_702 = arith.index_cast %scan3A_324 : i32 to index
        %swap3A_703 = arith.constant 368 : index
        %swap3A_704 = tpu.vector_load %arg6[%swap3A_701, %swap3A_702, %swap3A_703] {strides = array<i32>} : memref<4x16x1024xf32, #tpu.memory_space<vmem>>, vector<1x1x16xf32>,
        %swap3A_705 = vector.shape_cast %swap3A_704 : vector<1x1x16xf32> to vector<16xf32>
        %swap3A_706 = vector.shape_cast %mul3A_699 : vector<16xf32> to vector<1x1x16xf32>
        tpu.vector_store %arg6[%swap3A_701, %swap3A_702, %swap3A_703], %swap3A_706 {strides = array<i32>} : memref<4x16x1024xf32, #tpu.memory_space<vmem>>, vector<1x1x16xf32>,
        %get3A_707 = arith.constant 3 : i32
        %get3A_708 = arith.index_cast %get3A_707 : i32 to index
        %get3A_709 = arith.index_cast %scan3A_324 : i32 to index
        %get3A_710 = arith.constant 384 : index
        %get3A_711 = tpu.vector_load %arg6[%get3A_708, %get3A_709, %get3A_710] {strides = array<i32>} : memref<4x16x1024xf32, #tpu.memory_space<vmem>>, vector<1x1x16xf32>,
        %get3A_712 = vector.shape_cast %get3A_711 : vector<1x1x16xf32> to vector<16xf32>
        %mul3A_713 = arith.constant 3.200000e+01 : f32
        %mul3A_714 = vector.broadcast %mul3A_713 : f32 to vector<16xf32>
        %mul3A_715 = arith.mulf %get3A_712, %mul3A_714 : vector<16xf32>
        %swap3A_716 = arith.constant 3 : i32
        %swap3A_717 = arith.index_cast %swap3A_716 : i32 to index
        %swap3A_718 = arith.index_cast %scan3A_324 : i32 to index
        %swap3A_719 = arith.constant 384 : index
        %swap3A_720 = tpu.vector_load %arg6[%swap3A_717, %swap3A_718, %swap3A_719] {strides = array<i32>} : memref<4x16x1024xf32, #tpu.memory_space<vmem>>, vector<1x1x16xf32>,
        %swap3A_721 = vector.shape_cast %swap3A_720 : vector<1x1x16xf32> to vector<16xf32>
        %swap3A_722 = vector.shape_cast %mul3A_715 : vector<16xf32> to vector<1x1x16xf32>
        tpu.vector_store %arg6[%swap3A_717, %swap3A_718, %swap3A_719], %swap3A_722 {strides = array<i32>} : memref<4x16x1024xf32, #tpu.memory_space<vmem>>, vector<1x1x16xf32>,
        %get3A_723 = arith.constant 3 : i32
        %get3A_724 = arith.index_cast %get3A_723 : i32 to index
        %get3A_725 = arith.index_cast %scan3A_324 : i32 to index
        %get3A_726 = arith.constant 400 : index
        %get3A_727 = tpu.vector_load %arg6[%get3A_724, %get3A_725, %get3A_726] {strides = array<i32>} : memref<4x16x1024xf32, #tpu.memory_space<vmem>>, vector<1x1x16xf32>,
        %get3A_728 = vector.shape_cast %get3A_727 : vector<1x1x16xf32> to vector<16xf32>
        %mul3A_729 = arith.constant 3.200000e+01 : f32
        %mul3A_730 = vector.broadcast %mul3A_729 : f32 to vector<16xf32>
        %mul3A_731 = arith.mulf %get3A_728, %mul3A_730 : vector<16xf32>
        %swap3A_732 = arith.constant 3 : i32
        %swap3A_733 = arith.index_cast %swap3A_732 : i32 to index
        %swap3A_734 = arith.index_cast %scan3A_324 : i32 to index
        %swap3A_735 = arith.constant 400 : index
        %swap3A_736 = tpu.vector_load %arg6[%swap3A_733, %swap3A_734, %swap3A_735] {strides = array<i32>} : memref<4x16x1024xf32, #tpu.memory_space<vmem>>, vector<1x1x16xf32>,
        %swap3A_737 = vector.shape_cast %swap3A_736 : vector<1x1x16xf32> to vector<16xf32>
        %swap3A_738 = vector.shape_cast %mul3A_731 : vector<16xf32> to vector<1x1x16xf32>
        tpu.vector_store %arg6[%swap3A_733, %swap3A_734, %swap3A_735], %swap3A_738 {strides = array<i32>} : memref<4x16x1024xf32, #tpu.memory_space<vmem>>, vector<1x1x16xf32>,
        %get3A_739 = arith.constant 3 : i32
        %get3A_740 = arith.index_cast %get3A_739 : i32 to index
        %get3A_741 = arith.index_cast %scan3A_324 : i32 to index
        %get3A_742 = arith.constant 416 : index
        %get3A_743 = tpu.vector_load %arg6[%get3A_740, %get3A_741, %get3A_742] {strides = array<i32>} : memref<4x16x1024xf32, #tpu.memory_space<vmem>>, vector<1x1x16xf32>,
        %get3A_744 = vector.shape_cast %get3A_743 : vector<1x1x16xf32> to vector<16xf32>
        %mul3A_745 = arith.constant 3.200000e+01 : f32
        %mul3A_746 = vector.broadcast %mul3A_745 : f32 to vector<16xf32>
        %mul3A_747 = arith.mulf %get3A_744, %mul3A_746 : vector<16xf32>
        %swap3A_748 = arith.constant 3 : i32
        %swap3A_749 = arith.index_cast %swap3A_748 : i32 to index
        %swap3A_750 = arith.index_cast %scan3A_324 : i32 to index
        %swap3A_751 = arith.constant 416 : index
        %swap3A_752 = tpu.vector_load %arg6[%swap3A_749, %swap3A_750, %swap3A_751] {strides = array<i32>} : memref<4x16x1024xf32, #tpu.memory_space<vmem>>, vector<1x1x16xf32>,
        %swap3A_753 = vector.shape_cast %swap3A_752 : vector<1x1x16xf32> to vector<16xf32>
        %swap3A_754 = vector.shape_cast %mul3A_747 : vector<16xf32> to vector<1x1x16xf32>
        tpu.vector_store %arg6[%swap3A_749, %swap3A_750, %swap3A_751], %swap3A_754 {strides = array<i32>} : memref<4x16x1024xf32, #tpu.memory_space<vmem>>, vector<1x1x16xf32>,
        %get3A_755 = arith.constant 3 : i32
        %get3A_756 = arith.index_cast %get3A_755 : i32 to index
        %get3A_757 = arith.index_cast %scan3A_324 : i32 to index
        %get3A_758 = arith.constant 432 : index
        %get3A_759 = tpu.vector_load %arg6[%get3A_756, %get3A_757, %get3A_758] {strides = array<i32>} : memref<4x16x1024xf32, #tpu.memory_space<vmem>>, vector<1x1x16xf32>,
        %get3A_760 = vector.shape_cast %get3A_759 : vector<1x1x16xf32> to vector<16xf32>
        %mul3A_761 = arith.constant 3.200000e+01 : f32
        %mul3A_762 = vector.broadcast %mul3A_761 : f32 to vector<16xf32>
        %mul3A_763 = arith.mulf %get3A_760, %mul3A_762 : vector<16xf32>
        %swap3A_764 = arith.constant 3 : i32
        %swap3A_765 = arith.index_cast %swap3A_764 : i32 to index
        %swap3A_766 = arith.index_cast %scan3A_324 : i32 to index
        %swap3A_767 = arith.constant 432 : index
        %swap3A_768 = tpu.vector_load %arg6[%swap3A_765, %swap3A_766, %swap3A_767] {strides = array<i32>} : memref<4x16x1024xf32, #tpu.memory_space<vmem>>, vector<1x1x16xf32>,
        %swap3A_769 = vector.shape_cast %swap3A_768 : vector<1x1x16xf32> to vector<16xf32>
        %swap3A_770 = vector.shape_cast %mul3A_763 : vector<16xf32> to vector<1x1x16xf32>
        tpu.vector_store %arg6[%swap3A_765, %swap3A_766, %swap3A_767], %swap3A_770 {strides = array<i32>} : memref<4x16x1024xf32, #tpu.memory_space<vmem>>, vector<1x1x16xf32>,
        %get3A_771 = arith.constant 3 : i32
        %get3A_772 = arith.index_cast %get3A_771 : i32 to index
        %get3A_773 = arith.index_cast %scan3A_324 : i32 to index
        %get3A_774 = arith.constant 448 : index
        %get3A_775 = tpu.vector_load %arg6[%get3A_772, %get3A_773, %get3A_774] {strides = array<i32>} : memref<4x16x1024xf32, #tpu.memory_space<vmem>>, vector<1x1x16xf32>,
        %get3A_776 = vector.shape_cast %get3A_775 : vector<1x1x16xf32> to vector<16xf32>
        %mul3A_777 = arith.constant 3.200000e+01 : f32
        %mul3A_778 = vector.broadcast %mul3A_777 : f32 to vector<16xf32>
        %mul3A_779 = arith.mulf %get3A_776, %mul3A_778 : vector<16xf32>
        %swap3A_780 = arith.constant 3 : i32
        %swap3A_781 = arith.index_cast %swap3A_780 : i32 to index
        %swap3A_782 = arith.index_cast %scan3A_324 : i32 to index
        %swap3A_783 = arith.constant 448 : index
        %swap3A_784 = tpu.vector_load %arg6[%swap3A_781, %swap3A_782, %swap3A_783] {strides = array<i32>} : memref<4x16x1024xf32, #tpu.memory_space<vmem>>, vector<1x1x16xf32>,
        %swap3A_785 = vector.shape_cast %swap3A_784 : vector<1x1x16xf32> to vector<16xf32>
        %swap3A_786 = vector.shape_cast %mul3A_779 : vector<16xf32> to vector<1x1x16xf32>
        tpu.vector_store %arg6[%swap3A_781, %swap3A_782, %swap3A_783], %swap3A_786 {strides = array<i32>} : memref<4x16x1024xf32, #tpu.memory_space<vmem>>, vector<1x1x16xf32>,
        %get3A_787 = arith.constant 3 : i32
        %get3A_788 = arith.index_cast %get3A_787 : i32 to index
        %get3A_789 = arith.index_cast %scan3A_324 : i32 to index
        %get3A_790 = arith.constant 464 : index
        %get3A_791 = tpu.vector_load %arg6[%get3A_788, %get3A_789, %get3A_790] {strides = array<i32>} : memref<4x16x1024xf32, #tpu.memory_space<vmem>>, vector<1x1x16xf32>,
        %get3A_792 = vector.shape_cast %get3A_791 : vector<1x1x16xf32> to vector<16xf32>
        %mul3A_793 = arith.constant 3.200000e+01 : f32
        %mul3A_794 = vector.broadcast %mul3A_793 : f32 to vector<16xf32>
        %mul3A_795 = arith.mulf %get3A_792, %mul3A_794 : vector<16xf32>
        %swap3A_796 = arith.constant 3 : i32
        %swap3A_797 = arith.index_cast %swap3A_796 : i32 to index
        %swap3A_798 = arith.index_cast %scan3A_324 : i32 to index
        %swap3A_799 = arith.constant 464 : index
        %swap3A_800 = tpu.vector_load %arg6[%swap3A_797, %swap3A_798, %swap3A_799] {strides = array<i32>} : memref<4x16x1024xf32, #tpu.memory_space<vmem>>, vector<1x1x16xf32>,
        %swap3A_801 = vector.shape_cast %swap3A_800 : vector<1x1x16xf32> to vector<16xf32>
        %swap3A_802 = vector.shape_cast %mul3A_795 : vector<16xf32> to vector<1x1x16xf32>
        tpu.vector_store %arg6[%swap3A_797, %swap3A_798, %swap3A_799], %swap3A_802 {strides = array<i32>} : memref<4x16x1024xf32, #tpu.memory_space<vmem>>, vector<1x1x16xf32>,
        %get3A_803 = arith.constant 3 : i32
        %get3A_804 = arith.index_cast %get3A_803 : i32 to index
        %get3A_805 = arith.index_cast %scan3A_324 : i32 to index
        %get3A_806 = arith.constant 480 : index
        %get3A_807 = tpu.vector_load %arg6[%get3A_804, %get3A_805, %get3A_806] {strides = array<i32>} : memref<4x16x1024xf32, #tpu.memory_space<vmem>>, vector<1x1x16xf32>,
        %get3A_808 = vector.shape_cast %get3A_807 : vector<1x1x16xf32> to vector<16xf32>
        %mul3A_809 = arith.constant 3.200000e+01 : f32
        %mul3A_810 = vector.broadcast %mul3A_809 : f32 to vector<16xf32>
        %mul3A_811 = arith.mulf %get3A_808, %mul3A_810 : vector<16xf32>
        %swap3A_812 = arith.constant 3 : i32
        %swap3A_813 = arith.index_cast %swap3A_812 : i32 to index
        %swap3A_814 = arith.index_cast %scan3A_324 : i32 to index
        %swap3A_815 = arith.constant 480 : index
        %swap3A_816 = tpu.vector_load %arg6[%swap3A_813, %swap3A_814, %swap3A_815] {strides = array<i32>} : memref<4x16x1024xf32, #tpu.memory_space<vmem>>, vector<1x1x16xf32>,
        %swap3A_817 = vector.shape_cast %swap3A_816 : vector<1x1x16xf32> to vector<16xf32>
        %swap3A_818 = vector.shape_cast %mul3A_811 : vector<16xf32> to vector<1x1x16xf32>
        tpu.vector_store %arg6[%swap3A_813, %swap3A_814, %swap3A_815], %swap3A_818 {strides = array<i32>} : memref<4x16x1024xf32, #tpu.memory_space<vmem>>, vector<1x1x16xf32>,
        %get3A_819 = arith.constant 3 : i32
        %get3A_820 = arith.index_cast %get3A_819 : i32 to index
        %get3A_821 = arith.index_cast %scan3A_324 : i32 to index
        %get3A_822 = arith.constant 496 : index
        %get3A_823 = tpu.vector_load %arg6[%get3A_820, %get3A_821, %get3A_822] {strides = array<i32>} : memref<4x16x1024xf32, #tpu.memory_space<vmem>>, vector<1x1x16xf32>,
        %get3A_824 = vector.shape_cast %get3A_823 : vector<1x1x16xf32> to vector<16xf32>
        %mul3A_825 = arith.constant 3.200000e+01 : f32
        %mul3A_826 = vector.broadcast %mul3A_825 : f32 to vector<16xf32>
        %mul3A_827 = arith.mulf %get3A_824, %mul3A_826 : vector<16xf32>
        %swap3A_828 = arith.constant 3 : i32
        %swap3A_829 = arith.index_cast %swap3A_828 : i32 to index
        %swap3A_830 = arith.index_cast %scan3A_324 : i32 to index
        %swap3A_831 = arith.constant 496 : index
        %swap3A_832 = tpu.vector_load %arg6[%swap3A_829, %swap3A_830, %swap3A_831] {strides = array<i32>} : memref<4x16x1024xf32, #tpu.memory_space<vmem>>, vector<1x1x16xf32>,
        %swap3A_833 = vector.shape_cast %swap3A_832 : vector<1x1x16xf32> to vector<16xf32>
        %swap3A_834 = vector.shape_cast %mul3A_827 : vector<16xf32> to vector<1x1x16xf32>
        tpu.vector_store %arg6[%swap3A_829, %swap3A_830, %swap3A_831], %swap3A_834 {strides = array<i32>} : memref<4x16x1024xf32, #tpu.memory_space<vmem>>, vector<1x1x16xf32>,
        %get3A_835 = arith.constant 3 : i32
        %get3A_836 = arith.index_cast %get3A_835 : i32 to index
        %get3A_837 = arith.index_cast %scan3A_324 : i32 to index
        %get3A_838 = arith.constant 512 : index
        %get3A_839 = tpu.vector_load %arg6[%get3A_836, %get3A_837, %get3A_838] {strides = array<i32>} : memref<4x16x1024xf32, #tpu.memory_space<vmem>>, vector<1x1x16xf32>,
        %get3A_840 = vector.shape_cast %get3A_839 : vector<1x1x16xf32> to vector<16xf32>
        %mul3A_841 = arith.constant 3.200000e+01 : f32
        %mul3A_842 = vector.broadcast %mul3A_841 : f32 to vector<16xf32>
        %mul3A_843 = arith.mulf %get3A_840, %mul3A_842 : vector<16xf32>
        %swap3A_844 = arith.constant 3 : i32
        %swap3A_845 = arith.index_cast %swap3A_844 : i32 to index
        %swap3A_846 = arith.index_cast %scan3A_324 : i32 to index
        %swap3A_847 = arith.constant 512 : index
        %swap3A_848 = tpu.vector_load %arg6[%swap3A_845, %swap3A_846, %swap3A_847] {strides = array<i32>} : memref<4x16x1024xf32, #tpu.memory_space<vmem>>, vector<1x1x16xf32>,
        %swap3A_849 = vector.shape_cast %swap3A_848 : vector<1x1x16xf32> to vector<16xf32>
        %swap3A_850 = vector.shape_cast %mul3A_843 : vector<16xf32> to vector<1x1x16xf32>
        tpu.vector_store %arg6[%swap3A_845, %swap3A_846, %swap3A_847], %swap3A_850 {strides = array<i32>} : memref<4x16x1024xf32, #tpu.memory_space<vmem>>, vector<1x1x16xf32>,
        %get3A_851 = arith.constant 3 : i32
        %get3A_852 = arith.index_cast %get3A_851 : i32 to index
        %get3A_853 = arith.index_cast %scan3A_324 : i32 to index
        %get3A_854 = arith.constant 528 : index
        %get3A_855 = tpu.vector_load %arg6[%get3A_852, %get3A_853, %get3A_854] {strides = array<i32>} : memref<4x16x1024xf32, #tpu.memory_space<vmem>>, vector<1x1x16xf32>,
        %get3A_856 = vector.shape_cast %get3A_855 : vector<1x1x16xf32> to vector<16xf32>
        %mul3A_857 = arith.constant 3.200000e+01 : f32
        %mul3A_858 = vector.broadcast %mul3A_857 : f32 to vector<16xf32>
        %mul3A_859 = arith.mulf %get3A_856, %mul3A_858 : vector<16xf32>
        %swap3A_860 = arith.constant 3 : i32
        %swap3A_861 = arith.index_cast %swap3A_860 : i32 to index
        %swap3A_862 = arith.index_cast %scan3A_324 : i32 to index
        %swap3A_863 = arith.constant 528 : index
        %swap3A_864 = tpu.vector_load %arg6[%swap3A_861, %swap3A_862, %swap3A_863] {strides = array<i32>} : memref<4x16x1024xf32, #tpu.memory_space<vmem>>, vector<1x1x16xf32>,
        %swap3A_865 = vector.shape_cast %swap3A_864 : vector<1x1x16xf32> to vector<16xf32>
        %swap3A_866 = vector.shape_cast %mul3A_859 : vector<16xf32> to vector<1x1x16xf32>
        tpu.vector_store %arg6[%swap3A_861, %swap3A_862, %swap3A_863], %swap3A_866 {strides = array<i32>} : memref<4x16x1024xf32, #tpu.memory_space<vmem>>, vector<1x1x16xf32>,
        %get3A_867 = arith.constant 3 : i32
        %get3A_868 = arith.index_cast %get3A_867 : i32 to index
        %get3A_869 = arith.index_cast %scan3A_324 : i32 to index
        %get3A_870 = arith.constant 544 : index
        %get3A_871 = tpu.vector_load %arg6[%get3A_868, %get3A_869, %get3A_870] {strides = array<i32>} : memref<4x16x1024xf32, #tpu.memory_space<vmem>>, vector<1x1x16xf32>,
        %get3A_872 = vector.shape_cast %get3A_871 : vector<1x1x16xf32> to vector<16xf32>
        %mul3A_873 = arith.constant 3.200000e+01 : f32
        %mul3A_874 = vector.broadcast %mul3A_873 : f32 to vector<16xf32>
        %mul3A_875 = arith.mulf %get3A_872, %mul3A_874 : vector<16xf32>
        %swap3A_876 = arith.constant 3 : i32
        %swap3A_877 = arith.index_cast %swap3A_876 : i32 to index
        %swap3A_878 = arith.index_cast %scan3A_324 : i32 to index
        %swap3A_879 = arith.constant 544 : index
        %swap3A_880 = tpu.vector_load %arg6[%swap3A_877, %swap3A_878, %swap3A_879] {strides = array<i32>} : memref<4x16x1024xf32, #tpu.memory_space<vmem>>, vector<1x1x16xf32>,
        %swap3A_881 = vector.shape_cast %swap3A_880 : vector<1x1x16xf32> to vector<16xf32>
        %swap3A_882 = vector.shape_cast %mul3A_875 : vector<16xf32> to vector<1x1x16xf32>
        tpu.vector_store %arg6[%swap3A_877, %swap3A_878, %swap3A_879], %swap3A_882 {strides = array<i32>} : memref<4x16x1024xf32, #tpu.memory_space<vmem>>, vector<1x1x16xf32>,
        %get3A_883 = arith.constant 3 : i32
        %get3A_884 = arith.index_cast %get3A_883 : i32 to index
        %get3A_885 = arith.index_cast %scan3A_324 : i32 to index
        %get3A_886 = arith.constant 560 : index
        %get3A_887 = tpu.vector_load %arg6[%get3A_884, %get3A_885, %get3A_886] {strides = array<i32>} : memref<4x16x1024xf32, #tpu.memory_space<vmem>>, vector<1x1x16xf32>,
        %get3A_888 = vector.shape_cast %get3A_887 : vector<1x1x16xf32> to vector<16xf32>
        %mul3A_889 = arith.constant 3.200000e+01 : f32
        %mul3A_890 = vector.broadcast %mul3A_889 : f32 to vector<16xf32>
        %mul3A_891 = arith.mulf %get3A_888, %mul3A_890 : vector<16xf32>
        %swap3A_892 = arith.constant 3 : i32
        %swap3A_893 = arith.index_cast %swap3A_892 : i32 to index
        %swap3A_894 = arith.index_cast %scan3A_324 : i32 to index
        %swap3A_895 = arith.constant 560 : index
        %swap3A_896 = tpu.vector_load %arg6[%swap3A_893, %swap3A_894, %swap3A_895] {strides = array<i32>} : memref<4x16x1024xf32, #tpu.memory_space<vmem>>, vector<1x1x16xf32>,
        %swap3A_897 = vector.shape_cast %swap3A_896 : vector<1x1x16xf32> to vector<16xf32>
        %swap3A_898 = vector.shape_cast %mul3A_891 : vector<16xf32> to vector<1x1x16xf32>
        tpu.vector_store %arg6[%swap3A_893, %swap3A_894, %swap3A_895], %swap3A_898 {strides = array<i32>} : memref<4x16x1024xf32, #tpu.memory_space<vmem>>, vector<1x1x16xf32>,
        %get3A_899 = arith.constant 3 : i32
        %get3A_900 = arith.index_cast %get3A_899 : i32 to index
        %get3A_901 = arith.index_cast %scan3A_324 : i32 to index
        %get3A_902 = arith.constant 576 : index
        %get3A_903 = tpu.vector_load %arg6[%get3A_900, %get3A_901, %get3A_902] {strides = array<i32>} : memref<4x16x1024xf32, #tpu.memory_space<vmem>>, vector<1x1x16xf32>,
        %get3A_904 = vector.shape_cast %get3A_903 : vector<1x1x16xf32> to vector<16xf32>
        %mul3A_905 = arith.constant 3.200000e+01 : f32
        %mul3A_906 = vector.broadcast %mul3A_905 : f32 to vector<16xf32>
        %mul3A_907 = arith.mulf %get3A_904, %mul3A_906 : vector<16xf32>
        %swap3A_908 = arith.constant 3 : i32
        %swap3A_909 = arith.index_cast %swap3A_908 : i32 to index
        %swap3A_910 = arith.index_cast %scan3A_324 : i32 to index
        %swap3A_911 = arith.constant 576 : index
        %swap3A_912 = tpu.vector_load %arg6[%swap3A_909, %swap3A_910, %swap3A_911] {strides = array<i32>} : memref<4x16x1024xf32, #tpu.memory_space<vmem>>, vector<1x1x16xf32>,
        %swap3A_913 = vector.shape_cast %swap3A_912 : vector<1x1x16xf32> to vector<16xf32>
        %swap3A_914 = vector.shape_cast %mul3A_907 : vector<16xf32> to vector<1x1x16xf32>
        tpu.vector_store %arg6[%swap3A_909, %swap3A_910, %swap3A_911], %swap3A_914 {strides = array<i32>} : memref<4x16x1024xf32, #tpu.memory_space<vmem>>, vector<1x1x16xf32>,
        %get3A_915 = arith.constant 3 : i32
        %get3A_916 = arith.index_cast %get3A_915 : i32 to index
        %get3A_917 = arith.index_cast %scan3A_324 : i32 to index
        %get3A_918 = arith.constant 592 : index
        %get3A_919 = tpu.vector_load %arg6[%get3A_916, %get3A_917, %get3A_918] {strides = array<i32>} : memref<4x16x1024xf32, #tpu.memory_space<vmem>>, vector<1x1x16xf32>,
        %get3A_920 = vector.shape_cast %get3A_919 : vector<1x1x16xf32> to vector<16xf32>
        %mul3A_921 = arith.constant 3.200000e+01 : f32
        %mul3A_922 = vector.broadcast %mul3A_921 : f32 to vector<16xf32>
        %mul3A_923 = arith.mulf %get3A_920, %mul3A_922 : vector<16xf32>
        %swap3A_924 = arith.constant 3 : i32
        %swap3A_925 = arith.index_cast %swap3A_924 : i32 to index
        %swap3A_926 = arith.index_cast %scan3A_324 : i32 to index
        %swap3A_927 = arith.constant 592 : index
        %swap3A_928 = tpu.vector_load %arg6[%swap3A_925, %swap3A_926, %swap3A_927] {strides = array<i32>} : memref<4x16x1024xf32, #tpu.memory_space<vmem>>, vector<1x1x16xf32>,
        %swap3A_929 = vector.shape_cast %swap3A_928 : vector<1x1x16xf32> to vector<16xf32>
        %swap3A_930 = vector.shape_cast %mul3A_923 : vector<16xf32> to vector<1x1x16xf32>
        tpu.vector_store %arg6[%swap3A_925, %swap3A_926, %swap3A_927], %swap3A_930 {strides = array<i32>} : memref<4x16x1024xf32, #tpu.memory_space<vmem>>, vector<1x1x16xf32>,
        %get3A_931 = arith.constant 3 : i32
        %get3A_932 = arith.index_cast %get3A_931 : i32 to index
        %get3A_933 = arith.index_cast %scan3A_324 : i32 to index
        %get3A_934 = arith.constant 608 : index
        %get3A_935 = tpu.vector_load %arg6[%get3A_932, %get3A_933, %get3A_934] {strides = array<i32>} : memref<4x16x1024xf32, #tpu.memory_space<vmem>>, vector<1x1x16xf32>,
        %get3A_936 = vector.shape_cast %get3A_935 : vector<1x1x16xf32> to vector<16xf32>
        %mul3A_937 = arith.constant 3.200000e+01 : f32
        %mul3A_938 = vector.broadcast %mul3A_937 : f32 to vector<16xf32>
        %mul3A_939 = arith.mulf %get3A_936, %mul3A_938 : vector<16xf32>
        %swap3A_940 = arith.constant 3 : i32
        %swap3A_941 = arith.index_cast %swap3A_940 : i32 to index
        %swap3A_942 = arith.index_cast %scan3A_324 : i32 to index
        %swap3A_943 = arith.constant 608 : index
        %swap3A_944 = tpu.vector_load %arg6[%swap3A_941, %swap3A_942, %swap3A_943] {strides = array<i32>} : memref<4x16x1024xf32, #tpu.memory_space<vmem>>, vector<1x1x16xf32>,
        %swap3A_945 = vector.shape_cast %swap3A_944 : vector<1x1x16xf32> to vector<16xf32>
        %swap3A_946 = vector.shape_cast %mul3A_939 : vector<16xf32> to vector<1x1x16xf32>
        tpu.vector_store %arg6[%swap3A_941, %swap3A_942, %swap3A_943], %swap3A_946 {strides = array<i32>} : memref<4x16x1024xf32, #tpu.memory_space<vmem>>, vector<1x1x16xf32>,
        %get3A_947 = arith.constant 3 : i32
        %get3A_948 = arith.index_cast %get3A_947 : i32 to index
        %get3A_949 = arith.index_cast %scan3A_324 : i32 to index
        %get3A_950 = arith.constant 624 : index
        %get3A_951 = tpu.vector_load %arg6[%get3A_948, %get3A_949, %get3A_950] {strides = array<i32>} : memref<4x16x1024xf32, #tpu.memory_space<vmem>>, vector<1x1x16xf32>,
        %get3A_952 = vector.shape_cast %get3A_951 : vector<1x1x16xf32> to vector<16xf32>
        %mul3A_953 = arith.constant 3.200000e+01 : f32
        %mul3A_954 = vector.broadcast %mul3A_953 : f32 to vector<16xf32>
        %mul3A_955 = arith.mulf %get3A_952, %mul3A_954 : vector<16xf32>
        %swap3A_956 = arith.constant 3 : i32
        %swap3A_957 = arith.index_cast %swap3A_956 : i32 to index
        %swap3A_958 = arith.index_cast %scan3A_324 : i32 to index
        %swap3A_959 = arith.constant 624 : index
        %swap3A_960 = tpu.vector_load %arg6[%swap3A_957, %swap3A_958, %swap3A_959] {strides = array<i32>} : memref<4x16x1024xf32, #tpu.memory_space<vmem>>, vector<1x1x16xf32>,
        %swap3A_961 = vector.shape_cast %swap3A_960 : vector<1x1x16xf32> to vector<16xf32>
        %swap3A_962 = vector.shape_cast %mul3A_955 : vector<16xf32> to vector<1x1x16xf32>
        tpu.vector_store %arg6[%swap3A_957, %swap3A_958, %swap3A_959], %swap3A_962 {strides = array<i32>} : memref<4x16x1024xf32, #tpu.memory_space<vmem>>, vector<1x1x16xf32>,
        %get3A_963 = arith.constant 3 : i32
        %get3A_964 = arith.index_cast %get3A_963 : i32 to index
        %get3A_965 = arith.index_cast %scan3A_324 : i32 to index
        %get3A_966 = arith.constant 640 : index
        %get3A_967 = tpu.vector_load %arg6[%get3A_964, %get3A_965, %get3A_966] {strides = array<i32>} : memref<4x16x1024xf32, #tpu.memory_space<vmem>>, vector<1x1x16xf32>,
        %get3A_968 = vector.shape_cast %get3A_967 : vector<1x1x16xf32> to vector<16xf32>
        %mul3A_969 = arith.constant 3.200000e+01 : f32
        %mul3A_970 = vector.broadcast %mul3A_969 : f32 to vector<16xf32>
        %mul3A_971 = arith.mulf %get3A_968, %mul3A_970 : vector<16xf32>
        %swap3A_972 = arith.constant 3 : i32
        %swap3A_973 = arith.index_cast %swap3A_972 : i32 to index
        %swap3A_974 = arith.index_cast %scan3A_324 : i32 to index
        %swap3A_975 = arith.constant 640 : index
        %swap3A_976 = tpu.vector_load %arg6[%swap3A_973, %swap3A_974, %swap3A_975] {strides = array<i32>} : memref<4x16x1024xf32, #tpu.memory_space<vmem>>, vector<1x1x16xf32>,
        %swap3A_977 = vector.shape_cast %swap3A_976 : vector<1x1x16xf32> to vector<16xf32>
        %swap3A_978 = vector.shape_cast %mul3A_971 : vector<16xf32> to vector<1x1x16xf32>
        tpu.vector_store %arg6[%swap3A_973, %swap3A_974, %swap3A_975], %swap3A_978 {strides = array<i32>} : memref<4x16x1024xf32, #tpu.memory_space<vmem>>, vector<1x1x16xf32>,
        %get3A_979 = arith.constant 3 : i32
        %get3A_980 = arith.index_cast %get3A_979 : i32 to index
        %get3A_981 = arith.index_cast %scan3A_324 : i32 to index
        %get3A_982 = arith.constant 656 : index
        %get3A_983 = tpu.vector_load %arg6[%get3A_980, %get3A_981, %get3A_982] {strides = array<i32>} : memref<4x16x1024xf32, #tpu.memory_space<vmem>>, vector<1x1x16xf32>,
        %get3A_984 = vector.shape_cast %get3A_983 : vector<1x1x16xf32> to vector<16xf32>
        %mul3A_985 = arith.constant 3.200000e+01 : f32
        %mul3A_986 = vector.broadcast %mul3A_985 : f32 to vector<16xf32>
        %mul3A_987 = arith.mulf %get3A_984, %mul3A_986 : vector<16xf32>
        %swap3A_988 = arith.constant 3 : i32
        %swap3A_989 = arith.index_cast %swap3A_988 : i32 to index
        %swap3A_990 = arith.index_cast %scan3A_324 : i32 to index
        %swap3A_991 = arith.constant 656 : index
        %swap3A_992 = tpu.vector_load %arg6[%swap3A_989, %swap3A_990, %swap3A_991] {strides = array<i32>} : memref<4x16x1024xf32, #tpu.memory_space<vmem>>, vector<1x1x16xf32>,
        %swap3A_993 = vector.shape_cast %swap3A_992 : vector<1x1x16xf32> to vector<16xf32>
        %swap3A_994 = vector.shape_cast %mul3A_987 : vector<16xf32> to vector<1x1x16xf32>
        tpu.vector_store %arg6[%swap3A_989, %swap3A_990, %swap3A_991], %swap3A_994 {strides = array<i32>} : memref<4x16x1024xf32, #tpu.memory_space<vmem>>, vector<1x1x16xf32>,
        %get3A_995 = arith.constant 3 : i32
        %get3A_996 = arith.index_cast %get3A_995 : i32 to index
        %get3A_997 = arith.index_cast %scan3A_324 : i32 to index
        %get3A_998 = arith.constant 672 : index
        %get3A_999 = tpu.vector_load %arg6[%get3A_996, %get3A_997, %get3A_998] {strides = array<i32>} : memref<4x16x1024xf32, #tpu.memory_space<vmem>>, vector<1x1x16xf32>,
        %get3A_1000 = vector.shape_cast %get3A_999 : vector<1x1x16xf32> to vector<16xf32>
        %mul3A_1001 = arith.constant 3.200000e+01 : f32
        %mul3A_1002 = vector.broadcast %mul3A_1001 : f32 to vector<16xf32>
        %mul3A_1003 = arith.mulf %get3A_1000, %mul3A_1002 : vector<16xf32>
        %swap3A_1004 = arith.constant 3 : i32
        %swap3A_1005 = arith.index_cast %swap3A_1004 : i32 to index
        %swap3A_1006 = arith.index_cast %scan3A_324 : i32 to index
        %swap3A_1007 = arith.constant 672 : index
        %swap3A_1008 = tpu.vector_load %arg6[%swap3A_1005, %swap3A_1006, %swap3A_1007] {strides = array<i32>} : memref<4x16x1024xf32, #tpu.memory_space<vmem>>, vector<1x1x16xf32>,
        %swap3A_1009 = vector.shape_cast %swap3A_1008 : vector<1x1x16xf32> to vector<16xf32>
        %swap3A_1010 = vector.shape_cast %mul3A_1003 : vector<16xf32> to vector<1x1x16xf32>
        tpu.vector_store %arg6[%swap3A_1005, %swap3A_1006, %swap3A_1007], %swap3A_1010 {strides = array<i32>} : memref<4x16x1024xf32, #tpu.memory_space<vmem>>, vector<1x1x16xf32>,
        %get3A_1011 = arith.constant 3 : i32
        %get3A_1012 = arith.index_cast %get3A_1011 : i32 to index
        %get3A_1013 = arith.index_cast %scan3A_324 : i32 to index
        %get3A_1014 = arith.constant 688 : index
        %get3A_1015 = tpu.vector_load %arg6[%get3A_1012, %get3A_1013, %get3A_1014] {strides = array<i32>} : memref<4x16x1024xf32, #tpu.memory_space<vmem>>, vector<1x1x16xf32>,
        %get3A_1016 = vector.shape_cast %get3A_1015 : vector<1x1x16xf32> to vector<16xf32>
        %mul3A_1017 = arith.constant 3.200000e+01 : f32
        %mul3A_1018 = vector.broadcast %mul3A_1017 : f32 to vector<16xf32>
        %mul3A_1019 = arith.mulf %get3A_1016, %mul3A_1018 : vector<16xf32>
        %swap3A_1020 = arith.constant 3 : i32
        %swap3A_1021 = arith.index_cast %swap3A_1020 : i32 to index
        %swap3A_1022 = arith.index_cast %scan3A_324 : i32 to index
        %swap3A_1023 = arith.constant 688 : index
        %swap3A_1024 = tpu.vector_load %arg6[%swap3A_1021, %swap3A_1022, %swap3A_1023] {strides = array<i32>} : memref<4x16x1024xf32, #tpu.memory_space<vmem>>, vector<1x1x16xf32>,
        %swap3A_1025 = vector.shape_cast %swap3A_1024 : vector<1x1x16xf32> to vector<16xf32>
        %swap3A_1026 = vector.shape_cast %mul3A_1019 : vector<16xf32> to vector<1x1x16xf32>
        tpu.vector_store %arg6[%swap3A_1021, %swap3A_1022, %swap3A_1023], %swap3A_1026 {strides = array<i32>} : memref<4x16x1024xf32, #tpu.memory_space<vmem>>, vector<1x1x16xf32>,
        %get3A_1027 = arith.constant 3 : i32
        %get3A_1028 = arith.index_cast %get3A_1027 : i32 to index
        %get3A_1029 = arith.index_cast %scan3A_324 : i32 to index
        %get3A_1030 = arith.constant 704 : index
        %get3A_1031 = tpu.vector_load %arg6[%get3A_1028, %get3A_1029, %get3A_1030] {strides = array<i32>} : memref<4x16x1024xf32, #tpu.memory_space<vmem>>, vector<1x1x16xf32>,
        %get3A_1032 = vector.shape_cast %get3A_1031 : vector<1x1x16xf32> to vector<16xf32>
        %mul3A_1033 = arith.constant 3.200000e+01 : f32
        %mul3A_1034 = vector.broadcast %mul3A_1033 : f32 to vector<16xf32>
        %mul3A_1035 = arith.mulf %get3A_1032, %mul3A_1034 : vector<16xf32>
        %swap3A_1036 = arith.constant 3 : i32
        %swap3A_1037 = arith.index_cast %swap3A_1036 : i32 to index
        %swap3A_1038 = arith.index_cast %scan3A_324 : i32 to index
        %swap3A_1039 = arith.constant 704 : index
        %swap3A_1040 = tpu.vector_load %arg6[%swap3A_1037, %swap3A_1038, %swap3A_1039] {strides = array<i32>} : memref<4x16x1024xf32, #tpu.memory_space<vmem>>, vector<1x1x16xf32>,
        %swap3A_1041 = vector.shape_cast %swap3A_1040 : vector<1x1x16xf32> to vector<16xf32>
        %swap3A_1042 = vector.shape_cast %mul3A_1035 : vector<16xf32> to vector<1x1x16xf32>
        tpu.vector_store %arg6[%swap3A_1037, %swap3A_1038, %swap3A_1039], %swap3A_1042 {strides = array<i32>} : memref<4x16x1024xf32, #tpu.memory_space<vmem>>, vector<1x1x16xf32>,
        %get3A_1043 = arith.constant 3 : i32
        %get3A_1044 = arith.index_cast %get3A_1043 : i32 to index
        %get3A_1045 = arith.index_cast %scan3A_324 : i32 to index
        %get3A_1046 = arith.constant 720 : index
        %get3A_1047 = tpu.vector_load %arg6[%get3A_1044, %get3A_1045, %get3A_1046] {strides = array<i32>} : memref<4x16x1024xf32, #tpu.memory_space<vmem>>, vector<1x1x16xf32>,
        %get3A_1048 = vector.shape_cast %get3A_1047 : vector<1x1x16xf32> to vector<16xf32>
        %mul3A_1049 = arith.constant 3.200000e+01 : f32
        %mul3A_1050 = vector.broadcast %mul3A_1049 : f32 to vector<16xf32>
        %mul3A_1051 = arith.mulf %get3A_1048, %mul3A_1050 : vector<16xf32>
        %swap3A_1052 = arith.constant 3 : i32
        %swap3A_1053 = arith.index_cast %swap3A_1052 : i32 to index
        %swap3A_1054 = arith.index_cast %scan3A_324 : i32 to index
        %swap3A_1055 = arith.constant 720 : index
        %swap3A_1056 = tpu.vector_load %arg6[%swap3A_1053, %swap3A_1054, %swap3A_1055] {strides = array<i32>} : memref<4x16x1024xf32, #tpu.memory_space<vmem>>, vector<1x1x16xf32>,
        %swap3A_1057 = vector.shape_cast %swap3A_1056 : vector<1x1x16xf32> to vector<16xf32>
        %swap3A_1058 = vector.shape_cast %mul3A_1051 : vector<16xf32> to vector<1x1x16xf32>
        tpu.vector_store %arg6[%swap3A_1053, %swap3A_1054, %swap3A_1055], %swap3A_1058 {strides = array<i32>} : memref<4x16x1024xf32, #tpu.memory_space<vmem>>, vector<1x1x16xf32>,
        %get3A_1059 = arith.constant 3 : i32
        %get3A_1060 = arith.index_cast %get3A_1059 : i32 to index
        %get3A_1061 = arith.index_cast %scan3A_324 : i32 to index
        %get3A_1062 = arith.constant 736 : index
        %get3A_1063 = tpu.vector_load %arg6[%get3A_1060, %get3A_1061, %get3A_1062] {strides = array<i32>} : memref<4x16x1024xf32, #tpu.memory_space<vmem>>, vector<1x1x16xf32>,
        %get3A_1064 = vector.shape_cast %get3A_1063 : vector<1x1x16xf32> to vector<16xf32>
        %mul3A_1065 = arith.constant 3.200000e+01 : f32
        %mul3A_1066 = vector.broadcast %mul3A_1065 : f32 to vector<16xf32>
        %mul3A_1067 = arith.mulf %get3A_1064, %mul3A_1066 : vector<16xf32>
        %swap3A_1068 = arith.constant 3 : i32
        %swap3A_1069 = arith.index_cast %swap3A_1068 : i32 to index
        %swap3A_1070 = arith.index_cast %scan3A_324 : i32 to index
        %swap3A_1071 = arith.constant 736 : index
        %swap3A_1072 = tpu.vector_load %arg6[%swap3A_1069, %swap3A_1070, %swap3A_1071] {strides = array<i32>} : memref<4x16x1024xf32, #tpu.memory_space<vmem>>, vector<1x1x16xf32>,
        %swap3A_1073 = vector.shape_cast %swap3A_1072 : vector<1x1x16xf32> to vector<16xf32>
        %swap3A_1074 = vector.shape_cast %mul3A_1067 : vector<16xf32> to vector<1x1x16xf32>
        tpu.vector_store %arg6[%swap3A_1069, %swap3A_1070, %swap3A_1071], %swap3A_1074 {strides = array<i32>} : memref<4x16x1024xf32, #tpu.memory_space<vmem>>, vector<1x1x16xf32>,
        %get3A_1075 = arith.constant 3 : i32
        %get3A_1076 = arith.index_cast %get3A_1075 : i32 to index
        %get3A_1077 = arith.index_cast %scan3A_324 : i32 to index
        %get3A_1078 = arith.constant 752 : index
        %get3A_1079 = tpu.vector_load %arg6[%get3A_1076, %get3A_1077, %get3A_1078] {strides = array<i32>} : memref<4x16x1024xf32, #tpu.memory_space<vmem>>, vector<1x1x16xf32>,
        %get3A_1080 = vector.shape_cast %get3A_1079 : vector<1x1x16xf32> to vector<16xf32>
        %mul3A_1081 = arith.constant 3.200000e+01 : f32
        %mul3A_1082 = vector.broadcast %mul3A_1081 : f32 to vector<16xf32>
        %mul3A_1083 = arith.mulf %get3A_1080, %mul3A_1082 : vector<16xf32>
        %swap3A_1084 = arith.constant 3 : i32
        %swap3A_1085 = arith.index_cast %swap3A_1084 : i32 to index
        %swap3A_1086 = arith.index_cast %scan3A_324 : i32 to index
        %swap3A_1087 = arith.constant 752 : index
        %swap3A_1088 = tpu.vector_load %arg6[%swap3A_1085, %swap3A_1086, %swap3A_1087] {strides = array<i32>} : memref<4x16x1024xf32, #tpu.memory_space<vmem>>, vector<1x1x16xf32>,
        %swap3A_1089 = vector.shape_cast %swap3A_1088 : vector<1x1x16xf32> to vector<16xf32>
        %swap3A_1090 = vector.shape_cast %mul3A_1083 : vector<16xf32> to vector<1x1x16xf32>
        tpu.vector_store %arg6[%swap3A_1085, %swap3A_1086, %swap3A_1087], %swap3A_1090 {strides = array<i32>} : memref<4x16x1024xf32, #tpu.memory_space<vmem>>, vector<1x1x16xf32>,
        %get3A_1091 = arith.constant 3 : i32
        %get3A_1092 = arith.index_cast %get3A_1091 : i32 to index
        %get3A_1093 = arith.index_cast %scan3A_324 : i32 to index
        %get3A_1094 = arith.constant 768 : index
        %get3A_1095 = tpu.vector_load %arg6[%get3A_1092, %get3A_1093, %get3A_1094] {strides = array<i32>} : memref<4x16x1024xf32, #tpu.memory_space<vmem>>, vector<1x1x16xf32>,
        %get3A_1096 = vector.shape_cast %get3A_1095 : vector<1x1x16xf32> to vector<16xf32>
        %mul3A_1097 = arith.constant 3.200000e+01 : f32
        %mul3A_1098 = vector.broadcast %mul3A_1097 : f32 to vector<16xf32>
        %mul3A_1099 = arith.mulf %get3A_1096, %mul3A_1098 : vector<16xf32>
        %swap3A_1100 = arith.constant 3 : i32
        %swap3A_1101 = arith.index_cast %swap3A_1100 : i32 to index
        %swap3A_1102 = arith.index_cast %scan3A_324 : i32 to index
        %swap3A_1103 = arith.constant 768 : index
        %swap3A_1104 = tpu.vector_load %arg6[%swap3A_1101, %swap3A_1102, %swap3A_1103] {strides = array<i32>} : memref<4x16x1024xf32, #tpu.memory_space<vmem>>, vector<1x1x16xf32>,
        %swap3A_1105 = vector.shape_cast %swap3A_1104 : vector<1x1x16xf32> to vector<16xf32>
        %swap3A_1106 = vector.shape_cast %mul3A_1099 : vector<16xf32> to vector<1x1x16xf32>
        tpu.vector_store %arg6[%swap3A_1101, %swap3A_1102, %swap3A_1103], %swap3A_1106 {strides = array<i32>} : memref<4x16x1024xf32, #tpu.memory_space<vmem>>, vector<1x1x16xf32>,
        %get3A_1107 = arith.constant 3 : i32
        %get3A_1108 = arith.index_cast %get3A_1107 : i32 to index
        %get3A_1109 = arith.index_cast %scan3A_324 : i32 to index
        %get3A_1110 = arith.constant 784 : index
        %get3A_1111 = tpu.vector_load %arg6[%get3A_1108, %get3A_1109, %get3A_1110] {strides = array<i32>} : memref<4x16x1024xf32, #tpu.memory_space<vmem>>, vector<1x1x16xf32>,
        %get3A_1112 = vector.shape_cast %get3A_1111 : vector<1x1x16xf32> to vector<16xf32>
        %mul3A_1113 = arith.constant 3.200000e+01 : f32
        %mul3A_1114 = vector.broadcast %mul3A_1113 : f32 to vector<16xf32>
        %mul3A_1115 = arith.mulf %get3A_1112, %mul3A_1114 : vector<16xf32>
        %swap3A_1116 = arith.constant 3 : i32
        %swap3A_1117 = arith.index_cast %swap3A_1116 : i32 to index
        %swap3A_1118 = arith.index_cast %scan3A_324 : i32 to index
        %swap3A_1119 = arith.constant 784 : index
        %swap3A_1120 = tpu.vector_load %arg6[%swap3A_1117, %swap3A_1118, %swap3A_1119] {strides = array<i32>} : memref<4x16x1024xf32, #tpu.memory_space<vmem>>, vector<1x1x16xf32>,
        %swap3A_1121 = vector.shape_cast %swap3A_1120 : vector<1x1x16xf32> to vector<16xf32>
        %swap3A_1122 = vector.shape_cast %mul3A_1115 : vector<16xf32> to vector<1x1x16xf32>
        tpu.vector_store %arg6[%swap3A_1117, %swap3A_1118, %swap3A_1119], %swap3A_1122 {strides = array<i32>} : memref<4x16x1024xf32, #tpu.memory_space<vmem>>, vector<1x1x16xf32>,
        %get3A_1123 = arith.constant 3 : i32
        %get3A_1124 = arith.index_cast %get3A_1123 : i32 to index
        %get3A_1125 = arith.index_cast %scan3A_324 : i32 to index
        %get3A_1126 = arith.constant 800 : index
        %get3A_1127 = tpu.vector_load %arg6[%get3A_1124, %get3A_1125, %get3A_1126] {strides = array<i32>} : memref<4x16x1024xf32, #tpu.memory_space<vmem>>, vector<1x1x16xf32>,
        %get3A_1128 = vector.shape_cast %get3A_1127 : vector<1x1x16xf32> to vector<16xf32>
        %mul3A_1129 = arith.constant 3.200000e+01 : f32
        %mul3A_1130 = vector.broadcast %mul3A_1129 : f32 to vector<16xf32>
        %mul3A_1131 = arith.mulf %get3A_1128, %mul3A_1130 : vector<16xf32>
        %swap3A_1132 = arith.constant 3 : i32
        %swap3A_1133 = arith.index_cast %swap3A_1132 : i32 to index
        %swap3A_1134 = arith.index_cast %scan3A_324 : i32 to index
        %swap3A_1135 = arith.constant 800 : index
        %swap3A_1136 = tpu.vector_load %arg6[%swap3A_1133, %swap3A_1134, %swap3A_1135] {strides = array<i32>} : memref<4x16x1024xf32, #tpu.memory_space<vmem>>, vector<1x1x16xf32>,
        %swap3A_1137 = vector.shape_cast %swap3A_1136 : vector<1x1x16xf32> to vector<16xf32>
        %swap3A_1138 = vector.shape_cast %mul3A_1131 : vector<16xf32> to vector<1x1x16xf32>
        tpu.vector_store %arg6[%swap3A_1133, %swap3A_1134, %swap3A_1135], %swap3A_1138 {strides = array<i32>} : memref<4x16x1024xf32, #tpu.memory_space<vmem>>, vector<1x1x16xf32>,
        %get3A_1139 = arith.constant 3 : i32
        %get3A_1140 = arith.index_cast %get3A_1139 : i32 to index
        %get3A_1141 = arith.index_cast %scan3A_324 : i32 to index
        %get3A_1142 = arith.constant 816 : index
        %get3A_1143 = tpu.vector_load %arg6[%get3A_1140, %get3A_1141, %get3A_1142] {strides = array<i32>} : memref<4x16x1024xf32, #tpu.memory_space<vmem>>, vector<1x1x16xf32>,
        %get3A_1144 = vector.shape_cast %get3A_1143 : vector<1x1x16xf32> to vector<16xf32>
        %mul3A_1145 = arith.constant 3.200000e+01 : f32
        %mul3A_1146 = vector.broadcast %mul3A_1145 : f32 to vector<16xf32>
        %mul3A_1147 = arith.mulf %get3A_1144, %mul3A_1146 : vector<16xf32>
        %swap3A_1148 = arith.constant 3 : i32
        %swap3A_1149 = arith.index_cast %swap3A_1148 : i32 to index
        %swap3A_1150 = arith.index_cast %scan3A_324 : i32 to index
        %swap3A_1151 = arith.constant 816 : index
        %swap3A_1152 = tpu.vector_load %arg6[%swap3A_1149, %swap3A_1150, %swap3A_1151] {strides = array<i32>} : memref<4x16x1024xf32, #tpu.memory_space<vmem>>, vector<1x1x16xf32>,
        %swap3A_1153 = vector.shape_cast %swap3A_1152 : vector<1x1x16xf32> to vector<16xf32>
        %swap3A_1154 = vector.shape_cast %mul3A_1147 : vector<16xf32> to vector<1x1x16xf32>
        tpu.vector_store %arg6[%swap3A_1149, %swap3A_1150, %swap3A_1151], %swap3A_1154 {strides = array<i32>} : memref<4x16x1024xf32, #tpu.memory_space<vmem>>, vector<1x1x16xf32>,
        %get3A_1155 = arith.constant 3 : i32
        %get3A_1156 = arith.index_cast %get3A_1155 : i32 to index
        %get3A_1157 = arith.index_cast %scan3A_324 : i32 to index
        %get3A_1158 = arith.constant 832 : index
        %get3A_1159 = tpu.vector_load %arg6[%get3A_1156, %get3A_1157, %get3A_1158] {strides = array<i32>} : memref<4x16x1024xf32, #tpu.memory_space<vmem>>, vector<1x1x16xf32>,
        %get3A_1160 = vector.shape_cast %get3A_1159 : vector<1x1x16xf32> to vector<16xf32>
        %mul3A_1161 = arith.constant 3.200000e+01 : f32
        %mul3A_1162 = vector.broadcast %mul3A_1161 : f32 to vector<16xf32>
        %mul3A_1163 = arith.mulf %get3A_1160, %mul3A_1162 : vector<16xf32>
        %swap3A_1164 = arith.constant 3 : i32
        %swap3A_1165 = arith.index_cast %swap3A_1164 : i32 to index
        %swap3A_1166 = arith.index_cast %scan3A_324 : i32 to index
        %swap3A_1167 = arith.constant 832 : index
        %swap3A_1168 = tpu.vector_load %arg6[%swap3A_1165, %swap3A_1166, %swap3A_1167] {strides = array<i32>} : memref<4x16x1024xf32, #tpu.memory_space<vmem>>, vector<1x1x16xf32>,
        %swap3A_1169 = vector.shape_cast %swap3A_1168 : vector<1x1x16xf32> to vector<16xf32>
        %swap3A_1170 = vector.shape_cast %mul3A_1163 : vector<16xf32> to vector<1x1x16xf32>
        tpu.vector_store %arg6[%swap3A_1165, %swap3A_1166, %swap3A_1167], %swap3A_1170 {strides = array<i32>} : memref<4x16x1024xf32, #tpu.memory_space<vmem>>, vector<1x1x16xf32>,
        %get3A_1171 = arith.constant 3 : i32
        %get3A_1172 = arith.index_cast %get3A_1171 : i32 to index
        %get3A_1173 = arith.index_cast %scan3A_324 : i32 to index
        %get3A_1174 = arith.constant 848 : index
        %get3A_1175 = tpu.vector_load %arg6[%get3A_1172, %get3A_1173, %get3A_1174] {strides = array<i32>} : memref<4x16x1024xf32, #tpu.memory_space<vmem>>, vector<1x1x16xf32>,
        %get3A_1176 = vector.shape_cast %get3A_1175 : vector<1x1x16xf32> to vector<16xf32>
        %mul3A_1177 = arith.constant 3.200000e+01 : f32
        %mul3A_1178 = vector.broadcast %mul3A_1177 : f32 to vector<16xf32>
        %mul3A_1179 = arith.mulf %get3A_1176, %mul3A_1178 : vector<16xf32>
        %swap3A_1180 = arith.constant 3 : i32
        %swap3A_1181 = arith.index_cast %swap3A_1180 : i32 to index
        %swap3A_1182 = arith.index_cast %scan3A_324 : i32 to index
        %swap3A_1183 = arith.constant 848 : index
        %swap3A_1184 = tpu.vector_load %arg6[%swap3A_1181, %swap3A_1182, %swap3A_1183] {strides = array<i32>} : memref<4x16x1024xf32, #tpu.memory_space<vmem>>, vector<1x1x16xf32>,
        %swap3A_1185 = vector.shape_cast %swap3A_1184 : vector<1x1x16xf32> to vector<16xf32>
        %swap3A_1186 = vector.shape_cast %mul3A_1179 : vector<16xf32> to vector<1x1x16xf32>
        tpu.vector_store %arg6[%swap3A_1181, %swap3A_1182, %swap3A_1183], %swap3A_1186 {strides = array<i32>} : memref<4x16x1024xf32, #tpu.memory_space<vmem>>, vector<1x1x16xf32>,
        %get3A_1187 = arith.constant 3 : i32
        %get3A_1188 = arith.index_cast %get3A_1187 : i32 to index
        %get3A_1189 = arith.index_cast %scan3A_324 : i32 to index
        %get3A_1190 = arith.constant 864 : index
        %get3A_1191 = tpu.vector_load %arg6[%get3A_1188, %get3A_1189, %get3A_1190] {strides = array<i32>} : memref<4x16x1024xf32, #tpu.memory_space<vmem>>, vector<1x1x16xf32>,
        %get3A_1192 = vector.shape_cast %get3A_1191 : vector<1x1x16xf32> to vector<16xf32>
        %mul3A_1193 = arith.constant 3.200000e+01 : f32
        %mul3A_1194 = vector.broadcast %mul3A_1193 : f32 to vector<16xf32>
        %mul3A_1195 = arith.mulf %get3A_1192, %mul3A_1194 : vector<16xf32>
        %swap3A_1196 = arith.constant 3 : i32
        %swap3A_1197 = arith.index_cast %swap3A_1196 : i32 to index
        %swap3A_1198 = arith.index_cast %scan3A_324 : i32 to index
        %swap3A_1199 = arith.constant 864 : index
        %swap3A_1200 = tpu.vector_load %arg6[%swap3A_1197, %swap3A_1198, %swap3A_1199] {strides = array<i32>} : memref<4x16x1024xf32, #tpu.memory_space<vmem>>, vector<1x1x16xf32>,
        %swap3A_1201 = vector.shape_cast %swap3A_1200 : vector<1x1x16xf32> to vector<16xf32>
        %swap3A_1202 = vector.shape_cast %mul3A_1195 : vector<16xf32> to vector<1x1x16xf32>
        tpu.vector_store %arg6[%swap3A_1197, %swap3A_1198, %swap3A_1199], %swap3A_1202 {strides = array<i32>} : memref<4x16x1024xf32, #tpu.memory_space<vmem>>, vector<1x1x16xf32>,
        %get3A_1203 = arith.constant 3 : i32
        %get3A_1204 = arith.index_cast %get3A_1203 : i32 to index
        %get3A_1205 = arith.index_cast %scan3A_324 : i32 to index
        %get3A_1206 = arith.constant 880 : index
        %get3A_1207 = tpu.vector_load %arg6[%get3A_1204, %get3A_1205, %get3A_1206] {strides = array<i32>} : memref<4x16x1024xf32, #tpu.memory_space<vmem>>, vector<1x1x16xf32>,
        %get3A_1208 = vector.shape_cast %get3A_1207 : vector<1x1x16xf32> to vector<16xf32>
        %mul3A_1209 = arith.constant 3.200000e+01 : f32
        %mul3A_1210 = vector.broadcast %mul3A_1209 : f32 to vector<16xf32>
        %mul3A_1211 = arith.mulf %get3A_1208, %mul3A_1210 : vector<16xf32>
        %swap3A_1212 = arith.constant 3 : i32
        %swap3A_1213 = arith.index_cast %swap3A_1212 : i32 to index
        %swap3A_1214 = arith.index_cast %scan3A_324 : i32 to index
        %swap3A_1215 = arith.constant 880 : index
        %swap3A_1216 = tpu.vector_load %arg6[%swap3A_1213, %swap3A_1214, %swap3A_1215] {strides = array<i32>} : memref<4x16x1024xf32, #tpu.memory_space<vmem>>, vector<1x1x16xf32>,
        %swap3A_1217 = vector.shape_cast %swap3A_1216 : vector<1x1x16xf32> to vector<16xf32>
        %swap3A_1218 = vector.shape_cast %mul3A_1211 : vector<16xf32> to vector<1x1x16xf32>
        tpu.vector_store %arg6[%swap3A_1213, %swap3A_1214, %swap3A_1215], %swap3A_1218 {strides = array<i32>} : memref<4x16x1024xf32, #tpu.memory_space<vmem>>, vector<1x1x16xf32>,
        %get3A_1219 = arith.constant 3 : i32
        %get3A_1220 = arith.index_cast %get3A_1219 : i32 to index
        %get3A_1221 = arith.index_cast %scan3A_324 : i32 to index
        %get3A_1222 = arith.constant 896 : index
        %get3A_1223 = tpu.vector_load %arg6[%get3A_1220, %get3A_1221, %get3A_1222] {strides = array<i32>} : memref<4x16x1024xf32, #tpu.memory_space<vmem>>, vector<1x1x16xf32>,
        %get3A_1224 = vector.shape_cast %get3A_1223 : vector<1x1x16xf32> to vector<16xf32>
        %mul3A_1225 = arith.constant 3.200000e+01 : f32
        %mul3A_1226 = vector.broadcast %mul3A_1225 : f32 to vector<16xf32>
        %mul3A_1227 = arith.mulf %get3A_1224, %mul3A_1226 : vector<16xf32>
        %swap3A_1228 = arith.constant 3 : i32
        %swap3A_1229 = arith.index_cast %swap3A_1228 : i32 to index
        %swap3A_1230 = arith.index_cast %scan3A_324 : i32 to index
        %swap3A_1231 = arith.constant 896 : index
        %swap3A_1232 = tpu.vector_load %arg6[%swap3A_1229, %swap3A_1230, %swap3A_1231] {strides = array<i32>} : memref<4x16x1024xf32, #tpu.memory_space<vmem>>, vector<1x1x16xf32>,
        %swap3A_1233 = vector.shape_cast %swap3A_1232 : vector<1x1x16xf32> to vector<16xf32>
        %swap3A_1234 = vector.shape_cast %mul3A_1227 : vector<16xf32> to vector<1x1x16xf32>
        tpu.vector_store %arg6[%swap3A_1229, %swap3A_1230, %swap3A_1231], %swap3A_1234 {strides = array<i32>} : memref<4x16x1024xf32, #tpu.memory_space<vmem>>, vector<1x1x16xf32>,
        %get3A_1235 = arith.constant 3 : i32
        %get3A_1236 = arith.index_cast %get3A_1235 : i32 to index
        %get3A_1237 = arith.index_cast %scan3A_324 : i32 to index
        %get3A_1238 = arith.constant 912 : index
        %get3A_1239 = tpu.vector_load %arg6[%get3A_1236, %get3A_1237, %get3A_1238] {strides = array<i32>} : memref<4x16x1024xf32, #tpu.memory_space<vmem>>, vector<1x1x16xf32>,
        %get3A_1240 = vector.shape_cast %get3A_1239 : vector<1x1x16xf32> to vector<16xf32>
        %mul3A_1241 = arith.constant 3.200000e+01 : f32
        %mul3A_1242 = vector.broadcast %mul3A_1241 : f32 to vector<16xf32>
        %mul3A_1243 = arith.mulf %get3A_1240, %mul3A_1242 : vector<16xf32>
        %swap3A_1244 = arith.constant 3 : i32
        %swap3A_1245 = arith.index_cast %swap3A_1244 : i32 to index
        %swap3A_1246 = arith.index_cast %scan3A_324 : i32 to index
        %swap3A_1247 = arith.constant 912 : index
        %swap3A_1248 = tpu.vector_load %arg6[%swap3A_1245, %swap3A_1246, %swap3A_1247] {strides = array<i32>} : memref<4x16x1024xf32, #tpu.memory_space<vmem>>, vector<1x1x16xf32>,
        %swap3A_1249 = vector.shape_cast %swap3A_1248 : vector<1x1x16xf32> to vector<16xf32>
        %swap3A_1250 = vector.shape_cast %mul3A_1243 : vector<16xf32> to vector<1x1x16xf32>
        tpu.vector_store %arg6[%swap3A_1245, %swap3A_1246, %swap3A_1247], %swap3A_1250 {strides = array<i32>} : memref<4x16x1024xf32, #tpu.memory_space<vmem>>, vector<1x1x16xf32>,
        %get3A_1251 = arith.constant 3 : i32
        %get3A_1252 = arith.index_cast %get3A_1251 : i32 to index
        %get3A_1253 = arith.index_cast %scan3A_324 : i32 to index
        %get3A_1254 = arith.constant 928 : index
        %get3A_1255 = tpu.vector_load %arg6[%get3A_1252, %get3A_1253, %get3A_1254] {strides = array<i32>} : memref<4x16x1024xf32, #tpu.memory_space<vmem>>, vector<1x1x16xf32>,
        %get3A_1256 = vector.shape_cast %get3A_1255 : vector<1x1x16xf32> to vector<16xf32>
        %mul3A_1257 = arith.constant 3.200000e+01 : f32
        %mul3A_1258 = vector.broadcast %mul3A_1257 : f32 to vector<16xf32>
        %mul3A_1259 = arith.mulf %get3A_1256, %mul3A_1258 : vector<16xf32>
        %swap3A_1260 = arith.constant 3 : i32
        %swap3A_1261 = arith.index_cast %swap3A_1260 : i32 to index
        %swap3A_1262 = arith.index_cast %scan3A_324 : i32 to index
        %swap3A_1263 = arith.constant 928 : index
        %swap3A_1264 = tpu.vector_load %arg6[%swap3A_1261, %swap3A_1262, %swap3A_1263] {strides = array<i32>} : memref<4x16x1024xf32, #tpu.memory_space<vmem>>, vector<1x1x16xf32>,
        %swap3A_1265 = vector.shape_cast %swap3A_1264 : vector<1x1x16xf32> to vector<16xf32>
        %swap3A_1266 = vector.shape_cast %mul3A_1259 : vector<16xf32> to vector<1x1x16xf32>
        tpu.vector_store %arg6[%swap3A_1261, %swap3A_1262, %swap3A_1263], %swap3A_1266 {strides = array<i32>} : memref<4x16x1024xf32, #tpu.memory_space<vmem>>, vector<1x1x16xf32>,
        %get3A_1267 = arith.constant 3 : i32
        %get3A_1268 = arith.index_cast %get3A_1267 : i32 to index
        %get3A_1269 = arith.index_cast %scan3A_324 : i32 to index
        %get3A_1270 = arith.constant 944 : index
        %get3A_1271 = tpu.vector_load %arg6[%get3A_1268, %get3A_1269, %get3A_1270] {strides = array<i32>} : memref<4x16x1024xf32, #tpu.memory_space<vmem>>, vector<1x1x16xf32>,
        %get3A_1272 = vector.shape_cast %get3A_1271 : vector<1x1x16xf32> to vector<16xf32>
        %mul3A_1273 = arith.constant 3.200000e+01 : f32
        %mul3A_1274 = vector.broadcast %mul3A_1273 : f32 to vector<16xf32>
        %mul3A_1275 = arith.mulf %get3A_1272, %mul3A_1274 : vector<16xf32>
        %swap3A_1276 = arith.constant 3 : i32
        %swap3A_1277 = arith.index_cast %swap3A_1276 : i32 to index
        %swap3A_1278 = arith.index_cast %scan3A_324 : i32 to index
        %swap3A_1279 = arith.constant 944 : index
        %swap3A_1280 = tpu.vector_load %arg6[%swap3A_1277, %swap3A_1278, %swap3A_1279] {strides = array<i32>} : memref<4x16x1024xf32, #tpu.memory_space<vmem>>, vector<1x1x16xf32>,
        %swap3A_1281 = vector.shape_cast %swap3A_1280 : vector<1x1x16xf32> to vector<16xf32>
        %swap3A_1282 = vector.shape_cast %mul3A_1275 : vector<16xf32> to vector<1x1x16xf32>
        tpu.vector_store %arg6[%swap3A_1277, %swap3A_1278, %swap3A_1279], %swap3A_1282 {strides = array<i32>} : memref<4x16x1024xf32, #tpu.memory_space<vmem>>, vector<1x1x16xf32>,
        %get3A_1283 = arith.constant 3 : i32
        %get3A_1284 = arith.index_cast %get3A_1283 : i32 to index
        %get3A_1285 = arith.index_cast %scan3A_324 : i32 to index
        %get3A_1286 = arith.constant 960 : index
        %get3A_1287 = tpu.vector_load %arg6[%get3A_1284, %get3A_1285, %get3A_1286] {strides = array<i32>} : memref<4x16x1024xf32, #tpu.memory_space<vmem>>, vector<1x1x16xf32>,
        %get3A_1288 = vector.shape_cast %get3A_1287 : vector<1x1x16xf32> to vector<16xf32>
        %mul3A_1289 = arith.constant 3.200000e+01 : f32
        %mul3A_1290 = vector.broadcast %mul3A_1289 : f32 to vector<16xf32>
        %mul3A_1291 = arith.mulf %get3A_1288, %mul3A_1290 : vector<16xf32>
        %swap3A_1292 = arith.constant 3 : i32
        %swap3A_1293 = arith.index_cast %swap3A_1292 : i32 to index
        %swap3A_1294 = arith.index_cast %scan3A_324 : i32 to index
        %swap3A_1295 = arith.constant 960 : index
        %swap3A_1296 = tpu.vector_load %arg6[%swap3A_1293, %swap3A_1294, %swap3A_1295] {strides = array<i32>} : memref<4x16x1024xf32, #tpu.memory_space<vmem>>, vector<1x1x16xf32>,
        %swap3A_1297 = vector.shape_cast %swap3A_1296 : vector<1x1x16xf32> to vector<16xf32>
        %swap3A_1298 = vector.shape_cast %mul3A_1291 : vector<16xf32> to vector<1x1x16xf32>
        tpu.vector_store %arg6[%swap3A_1293, %swap3A_1294, %swap3A_1295], %swap3A_1298 {strides = array<i32>} : memref<4x16x1024xf32, #tpu.memory_space<vmem>>, vector<1x1x16xf32>,
        %get3A_1299 = arith.constant 3 : i32
        %get3A_1300 = arith.index_cast %get3A_1299 : i32 to index
        %get3A_1301 = arith.index_cast %scan3A_324 : i32 to index
        %get3A_1302 = arith.constant 976 : index
        %get3A_1303 = tpu.vector_load %arg6[%get3A_1300, %get3A_1301, %get3A_1302] {strides = array<i32>} : memref<4x16x1024xf32, #tpu.memory_space<vmem>>, vector<1x1x16xf32>,
        %get3A_1304 = vector.shape_cast %get3A_1303 : vector<1x1x16xf32> to vector<16xf32>
        %mul3A_1305 = arith.constant 3.200000e+01 : f32
        %mul3A_1306 = vector.broadcast %mul3A_1305 : f32 to vector<16xf32>
        %mul3A_1307 = arith.mulf %get3A_1304, %mul3A_1306 : vector<16xf32>
        %swap3A_1308 = arith.constant 3 : i32
        %swap3A_1309 = arith.index_cast %swap3A_1308 : i32 to index
        %swap3A_1310 = arith.index_cast %scan3A_324 : i32 to index
        %swap3A_1311 = arith.constant 976 : index
        %swap3A_1312 = tpu.vector_load %arg6[%swap3A_1309, %swap3A_1310, %swap3A_1311] {strides = array<i32>} : memref<4x16x1024xf32, #tpu.memory_space<vmem>>, vector<1x1x16xf32>,
        %swap3A_1313 = vector.shape_cast %swap3A_1312 : vector<1x1x16xf32> to vector<16xf32>
        %swap3A_1314 = vector.shape_cast %mul3A_1307 : vector<16xf32> to vector<1x1x16xf32>
        tpu.vector_store %arg6[%swap3A_1309, %swap3A_1310, %swap3A_1311], %swap3A_1314 {strides = array<i32>} : memref<4x16x1024xf32, #tpu.memory_space<vmem>>, vector<1x1x16xf32>,
        %get3A_1315 = arith.constant 3 : i32
        %get3A_1316 = arith.index_cast %get3A_1315 : i32 to index
        %get3A_1317 = arith.index_cast %scan3A_324 : i32 to index
        %get3A_1318 = arith.constant 992 : index
        %get3A_1319 = tpu.vector_load %arg6[%get3A_1316, %get3A_1317, %get3A_1318] {strides = array<i32>} : memref<4x16x1024xf32, #tpu.memory_space<vmem>>, vector<1x1x16xf32>,
        %get3A_1320 = vector.shape_cast %get3A_1319 : vector<1x1x16xf32> to vector<16xf32>
        %mul3A_1321 = arith.constant 3.200000e+01 : f32
        %mul3A_1322 = vector.broadcast %mul3A_1321 : f32 to vector<16xf32>
        %mul3A_1323 = arith.mulf %get3A_1320, %mul3A_1322 : vector<16xf32>
        %swap3A_1324 = arith.constant 3 : i32
        %swap3A_1325 = arith.index_cast %swap3A_1324 : i32 to index
        %swap3A_1326 = arith.index_cast %scan3A_324 : i32 to index
        %swap3A_1327 = arith.constant 992 : index
        %swap3A_1328 = tpu.vector_load %arg6[%swap3A_1325, %swap3A_1326, %swap3A_1327] {strides = array<i32>} : memref<4x16x1024xf32, #tpu.memory_space<vmem>>, vector<1x1x16xf32>,
        %swap3A_1329 = vector.shape_cast %swap3A_1328 : vector<1x1x16xf32> to vector<16xf32>
        %swap3A_1330 = vector.shape_cast %mul3A_1323 : vector<16xf32> to vector<1x1x16xf32>
        tpu.vector_store %arg6[%swap3A_1325, %swap3A_1326, %swap3A_1327], %swap3A_1330 {strides = array<i32>} : memref<4x16x1024xf32, #tpu.memory_space<vmem>>, vector<1x1x16xf32>,
        %get3A_1331 = arith.constant 3 : i32
        %get3A_1332 = arith.index_cast %get3A_1331 : i32 to index
        %get3A_1333 = arith.index_cast %scan3A_324 : i32 to index
        %get3A_1334 = arith.constant 1008 : index
        %get3A_1335 = tpu.vector_load %arg6[%get3A_1332, %get3A_1333, %get3A_1334] {strides = array<i32>} : memref<4x16x1024xf32, #tpu.memory_space<vmem>>, vector<1x1x16xf32>,
        %get3A_1336 = vector.shape_cast %get3A_1335 : vector<1x1x16xf32> to vector<16xf32>
        %mul3A_1337 = arith.constant 3.200000e+01 : f32
        %mul3A_1338 = vector.broadcast %mul3A_1337 : f32 to vector<16xf32>
        %mul3A_1339 = arith.mulf %get3A_1336, %mul3A_1338 : vector<16xf32>
        %swap3A_1340 = arith.constant 3 : i32
        %swap3A_1341 = arith.index_cast %swap3A_1340 : i32 to index
        %swap3A_1342 = arith.index_cast %scan3A_324 : i32 to index
        %swap3A_1343 = arith.constant 1008 : index
        %swap3A_1344 = tpu.vector_load %arg6[%swap3A_1341, %swap3A_1342, %swap3A_1343] {strides = array<i32>} : memref<4x16x1024xf32, #tpu.memory_space<vmem>>, vector<1x1x16xf32>,
        %swap3A_1345 = vector.shape_cast %swap3A_1344 : vector<1x1x16xf32> to vector<16xf32>
        %swap3A_1346 = vector.shape_cast %mul3A_1339 : vector<16xf32> to vector<1x1x16xf32>
        tpu.vector_store %arg6[%swap3A_1341, %swap3A_1342, %swap3A_1343], %swap3A_1346 {strides = array<i32>} : memref<4x16x1024xf32, #tpu.memory_space<vmem>>, vector<1x1x16xf32>,
      }
      %scan3A_305 = arith.constant 16 : i32
      %mul3A_306 = arith.constant 16 : i32
      %mul3A_307 = arith.muli %add3A_284, %mul3A_306 : i32
      %add3A_308 = arith.addi %mul3A_32, %mul3A_307 : i32
      %dma_start3A_309 = arith.constant 3 : i32
      %dma_start3A_310 = arith.constant 0 : i32
      %dma_start3A_311 = arith.constant 0 : i32
      %dma_start3A_312 = tpu.memref_slice %arg6[%dma_start3A_309, %dma_start3A_310, %dma_start3A_311] : memref<4x16x1024xf32, #tpu.memory_space<vmem>> -> memref<1x16x1024xf32, #tpu.memory_space<vmem>>
      %dma_start3A_313 = tpu.memref_squeeze %dma_start3A_312 : memref<1x16x1024xf32, #tpu.memory_space<vmem>> -> memref<16x1024xf32, #tpu.memory_space<vmem>>
      %dma_start3A_314 = arith.constant 0 : i32
      %dma_start3A_315 = tpu.memref_slice %arg4[%select_n3A, %add3A_308, %dma_start3A_314] : memref<4x8192x1024xf32, #tpu.memory_space<hbm>> -> memref<1x16x1024xf32, #tpu.memory_space<hbm>>
      %dma_start3A_316 = tpu.memref_squeeze %dma_start3A_315 : memref<1x16x1024xf32, #tpu.memory_space<hbm>> -> memref<16x1024xf32, #tpu.memory_space<hbm>>
      %dma_start3A_317 = arith.constant 0 : i32
      %dma_start3A_318 = tpu.memref_slice %arg4[%select_n3A, %add3A_308, %dma_start3A_317] : memref<4x8192x1024xf32, #tpu.memory_space<hbm>> -> memref<1x16x1024xf32, #tpu.memory_space<hbm>>
      %dma_start3A_319 = tpu.memref_squeeze %dma_start3A_318 : memref<1x16x1024xf32, #tpu.memory_space<hbm>> -> memref<16x1024xf32, #tpu.memory_space<hbm>>
      %dma_start3A_320 = arith.constant 0 : i32
      %dma_start3A_321 = arith.constant 0 : i32
      %dma_start3A_322 = tpu.memref_slice %arg6[%dma_start3A_309, %dma_start3A_320, %dma_start3A_321] : memref<4x16x1024xf32, #tpu.memory_space<vmem>> -> memref<1x16x1024xf32, #tpu.memory_space<vmem>>
      %dma_start3A_323 = tpu.memref_squeeze %dma_start3A_322 : memref<1x16x1024xf32, #tpu.memory_space<vmem>> -> memref<16x1024xf32, #tpu.memory_space<vmem>>
      tpu.enqueue_dma source(%dma_start3A_323 : memref<16x1024xf32, #tpu.memory_space<vmem>>) target(%dma_start3A_319 : memref<16x1024xf32, #tpu.memory_space<hbm>>) target_semaphore(%arg14 : memref<!tpu.dma_semaphore, #tpu.memory_space<semaphore_mem>>)
    }
    %scan3A_56 = arith.constant 16 : i32
    %dma_wait3A = arith.constant 0 : i32
    %dma_wait3A_57 = arith.constant 0 : i32
    %dma_wait3A_58 = arith.constant 0 : i32
    %dma_wait3A_59 = arith.constant 0 : i32
    %dma_wait3A_60 = tpu.memref_slice %arg6[%dma_wait3A, %dma_wait3A_58, %dma_wait3A_59] : memref<4x16x1024xf32, #tpu.memory_space<vmem>> -> memref<1x16x1024xf32, #tpu.memory_space<vmem>>
    %dma_wait3A_61 = tpu.memref_squeeze %dma_wait3A_60 : memref<1x16x1024xf32, #tpu.memory_space<vmem>> -> memref<16x1024xf32, #tpu.memory_space<vmem>>
    %dma_wait3A_62 = arith.constant 0 : i32
    %dma_wait3A_63 = arith.constant 0 : i32
    %dma_wait3A_64 = tpu.memref_slice %arg4[%dma_wait3A_57, %dma_wait3A_62, %dma_wait3A_63] : memref<4x8192x1024xf32, #tpu.memory_space<hbm>> -> memref<1x16x1024xf32, #tpu.memory_space<hbm>>
    %dma_wait3A_65 = tpu.memref_squeeze %dma_wait3A_64 : memref<1x16x1024xf32, #tpu.memory_space<hbm>> -> memref<16x1024xf32, #tpu.memory_space<hbm>>
    %dma_wait3A_66 = arith.constant 0 : i32
    %dma_wait3A_67 = arith.constant 0 : i32
    %dma_wait3A_68 = tpu.memref_slice %arg4[%dma_wait3A_57, %dma_wait3A_66, %dma_wait3A_67] : memref<4x8192x1024xf32, #tpu.memory_space<hbm>> -> memref<1x16x1024xf32, #tpu.memory_space<hbm>>
    %dma_wait3A_69 = tpu.memref_squeeze %dma_wait3A_68 : memref<1x16x1024xf32, #tpu.memory_space<hbm>> -> memref<16x1024xf32, #tpu.memory_space<hbm>>
    %dma_wait3A_70 = arith.constant 0 : i32
    %dma_wait3A_71 = arith.constant 0 : i32
    %dma_wait3A_72 = tpu.memref_slice %arg6[%dma_wait3A, %dma_wait3A_70, %dma_wait3A_71] : memref<4x16x1024xf32, #tpu.memory_space<vmem>> -> memref<1x16x1024xf32, #tpu.memory_space<vmem>>
    %dma_wait3A_73 = tpu.memref_squeeze %dma_wait3A_72 : memref<1x16x1024xf32, #tpu.memory_space<vmem>> -> memref<16x1024xf32, #tpu.memory_space<vmem>>
    tpu.wait_dma2 semaphore(%arg11 : memref<!tpu.dma_semaphore, #tpu.memory_space<semaphore_mem>>) src(%dma_wait3A_73 : memref<16x1024xf32, #tpu.memory_space<vmem>>) dst(%dma_wait3A_69 : memref<16x1024xf32, #tpu.memory_space<hbm>>)
    %dma_wait3A_74 = arith.constant 1 : i32
    %dma_wait3A_75 = arith.constant 0 : i32
    %dma_wait3A_76 = arith.constant 0 : i32
    %dma_wait3A_77 = arith.constant 0 : i32
    %dma_wait3A_78 = tpu.memref_slice %arg6[%dma_wait3A_74, %dma_wait3A_76, %dma_wait3A_77] : memref<4x16x1024xf32, #tpu.memory_space<vmem>> -> memref<1x16x1024xf32, #tpu.memory_space<vmem>>
    %dma_wait3A_79 = tpu.memref_squeeze %dma_wait3A_78 : memref<1x16x1024xf32, #tpu.memory_space<vmem>> -> memref<16x1024xf32, #tpu.memory_space<vmem>>
    %dma_wait3A_80 = arith.constant 0 : i32
    %dma_wait3A_81 = arith.constant 0 : i32
    %dma_wait3A_82 = tpu.memref_slice %arg4[%dma_wait3A_75, %dma_wait3A_80, %dma_wait3A_81] : memref<4x8192x1024xf32, #tpu.memory_space<hbm>> -> memref<1x16x1024xf32, #tpu.memory_space<hbm>>
    %dma_wait3A_83 = tpu.memref_squeeze %dma_wait3A_82 : memref<1x16x1024xf32, #tpu.memory_space<hbm>> -> memref<16x1024xf32, #tpu.memory_space<hbm>>
    %dma_wait3A_84 = arith.constant 0 : i32
    %dma_wait3A_85 = arith.constant 0 : i32
    %dma_wait3A_86 = tpu.memref_slice %arg4[%dma_wait3A_75, %dma_wait3A_84, %dma_wait3A_85] : memref<4x8192x1024xf32, #tpu.memory_space<hbm>> -> memref<1x16x1024xf32, #tpu.memory_space<hbm>>
    %dma_wait3A_87 = tpu.memref_squeeze %dma_wait3A_86 : memref<1x16x1024xf32, #tpu.memory_space<hbm>> -> memref<16x1024xf32, #tpu.memory_space<hbm>>
    %dma_wait3A_88 = arith.constant 0 : i32
    %dma_wait3A_89 = arith.constant 0 : i32
    %dma_wait3A_90 = tpu.memref_slice %arg6[%dma_wait3A_74, %dma_wait3A_88, %dma_wait3A_89] : memref<4x16x1024xf32, #tpu.memory_space<vmem>> -> memref<1x16x1024xf32, #tpu.memory_space<vmem>>
    %dma_wait3A_91 = tpu.memref_squeeze %dma_wait3A_90 : memref<1x16x1024xf32, #tpu.memory_space<vmem>> -> memref<16x1024xf32, #tpu.memory_space<vmem>>
    tpu.wait_dma2 semaphore(%arg12 : memref<!tpu.dma_semaphore, #tpu.memory_space<semaphore_mem>>) src(%dma_wait3A_91 : memref<16x1024xf32, #tpu.memory_space<vmem>>) dst(%dma_wait3A_87 : memref<16x1024xf32, #tpu.memory_space<hbm>>)
    %dma_wait3A_92 = arith.constant 2 : i32
    %dma_wait3A_93 = arith.constant 0 : i32
    %dma_wait3A_94 = arith.constant 0 : i32
    %dma_wait3A_95 = arith.constant 0 : i32
    %dma_wait3A_96 = tpu.memref_slice %arg6[%dma_wait3A_92, %dma_wait3A_94, %dma_wait3A_95] : memref<4x16x1024xf32, #tpu.memory_space<vmem>> -> memref<1x16x1024xf32, #tpu.memory_space<vmem>>
    %dma_wait3A_97 = tpu.memref_squeeze %dma_wait3A_96 : memref<1x16x1024xf32, #tpu.memory_space<vmem>> -> memref<16x1024xf32, #tpu.memory_space<vmem>>
    %dma_wait3A_98 = arith.constant 0 : i32
    %dma_wait3A_99 = arith.constant 0 : i32
    %dma_wait3A_100 = tpu.memref_slice %arg4[%dma_wait3A_93, %dma_wait3A_98, %dma_wait3A_99] : memref<4x8192x1024xf32, #tpu.memory_space<hbm>> -> memref<1x16x1024xf32, #tpu.memory_space<hbm>>
    %dma_wait3A_101 = tpu.memref_squeeze %dma_wait3A_100 : memref<1x16x1024xf32, #tpu.memory_space<hbm>> -> memref<16x1024xf32, #tpu.memory_space<hbm>>
    %dma_wait3A_102 = arith.constant 0 : i32
    %dma_wait3A_103 = arith.constant 0 : i32
    %dma_wait3A_104 = tpu.memref_slice %arg4[%dma_wait3A_93, %dma_wait3A_102, %dma_wait3A_103] : memref<4x8192x1024xf32, #tpu.memory_space<hbm>> -> memref<1x16x1024xf32, #tpu.memory_space<hbm>>
    %dma_wait3A_105 = tpu.memref_squeeze %dma_wait3A_104 : memref<1x16x1024xf32, #tpu.memory_space<hbm>> -> memref<16x1024xf32, #tpu.memory_space<hbm>>
    %dma_wait3A_106 = arith.constant 0 : i32
    %dma_wait3A_107 = arith.constant 0 : i32
    %dma_wait3A_108 = tpu.memref_slice %arg6[%dma_wait3A_92, %dma_wait3A_106, %dma_wait3A_107] : memref<4x16x1024xf32, #tpu.memory_space<vmem>> -> memref<1x16x1024xf32, #tpu.memory_space<vmem>>
    %dma_wait3A_109 = tpu.memref_squeeze %dma_wait3A_108 : memref<1x16x1024xf32, #tpu.memory_space<vmem>> -> memref<16x1024xf32, #tpu.memory_space<vmem>>
    tpu.wait_dma2 semaphore(%arg13 : memref<!tpu.dma_semaphore, #tpu.memory_space<semaphore_mem>>) src(%dma_wait3A_109 : memref<16x1024xf32, #tpu.memory_space<vmem>>) dst(%dma_wait3A_105 : memref<16x1024xf32, #tpu.memory_space<hbm>>)
    %dma_wait3A_110 = arith.constant 3 : i32
    %dma_wait3A_111 = arith.constant 0 : i32
    %dma_wait3A_112 = arith.constant 0 : i32
    %dma_wait3A_113 = arith.constant 0 : i32
    %dma_wait3A_114 = tpu.memref_slice %arg6[%dma_wait3A_110, %dma_wait3A_112, %dma_wait3A_113] : memref<4x16x1024xf32, #tpu.memory_space<vmem>> -> memref<1x16x1024xf32, #tpu.memory_space<vmem>>
    %dma_wait3A_115 = tpu.memref_squeeze %dma_wait3A_114 : memref<1x16x1024xf32, #tpu.memory_space<vmem>> -> memref<16x1024xf32, #tpu.memory_space<vmem>>
    %dma_wait3A_116 = arith.constant 0 : i32
    %dma_wait3A_117 = arith.constant 0 : i32
    %dma_wait3A_118 = tpu.memref_slice %arg4[%dma_wait3A_111, %dma_wait3A_116, %dma_wait3A_117] : memref<4x8192x1024xf32, #tpu.memory_space<hbm>> -> memref<1x16x1024xf32, #tpu.memory_space<hbm>>
    %dma_wait3A_119 = tpu.memref_squeeze %dma_wait3A_118 : memref<1x16x1024xf32, #tpu.memory_space<hbm>> -> memref<16x1024xf32, #tpu.memory_space<hbm>>
    %dma_wait3A_120 = arith.constant 0 : i32
    %dma_wait3A_121 = arith.constant 0 : i32
    %dma_wait3A_122 = tpu.memref_slice %arg4[%dma_wait3A_111, %dma_wait3A_120, %dma_wait3A_121] : memref<4x8192x1024xf32, #tpu.memory_space<hbm>> -> memref<1x16x1024xf32, #tpu.memory_space<hbm>>
    %dma_wait3A_123 = tpu.memref_squeeze %dma_wait3A_122 : memref<1x16x1024xf32, #tpu.memory_space<hbm>> -> memref<16x1024xf32, #tpu.memory_space<hbm>>
    %dma_wait3A_124 = arith.constant 0 : i32
    %dma_wait3A_125 = arith.constant 0 : i32
    %dma_wait3A_126 = tpu.memref_slice %arg6[%dma_wait3A_110, %dma_wait3A_124, %dma_wait3A_125] : memref<4x16x1024xf32, #tpu.memory_space<vmem>> -> memref<1x16x1024xf32, #tpu.memory_space<vmem>>
    %dma_wait3A_127 = tpu.memref_squeeze %dma_wait3A_126 : memref<1x16x1024xf32, #tpu.memory_space<vmem>> -> memref<16x1024xf32, #tpu.memory_space<vmem>>
    tpu.wait_dma2 semaphore(%arg14 : memref<!tpu.dma_semaphore, #tpu.memory_space<semaphore_mem>>) src(%dma_wait3A_127 : memref<16x1024xf32, #tpu.memory_space<vmem>>) dst(%dma_wait3A_123 : memref<16x1024xf32, #tpu.memory_space<hbm>>)
    return
  }
}

</mosaic_0001>

<sc_bundles>
// kernel: kernel.3.cloned.1.call-start
scs
__scs_entry_jumppad:
0x0: {  	(pc) =	sbr.rel $0x88, $3  }
0x1: {  	(tag) =	ssettag $0x0;
	lr =	simm.s32 $0x1  }
0x2: {  	[smem:$0x3F9F] =	sst lr;
	_ =	strace $0xD0000000  }
0x3: {  	_ = 	snop  }
0x4: {  	_ = 	snop  }
0x5: {  	_ = 	snop  }
0x6: {  	_ = 	snop  }
0x7: {  	_ = 	snop  }
__scs_overlays_trampoline_lowered:
0x8: {  	[smem:$0x3FAE] =	sst s0  }
0x9: {  	[smem:$0x3FAF] =	sst s1  }
0xa: {  	[smem:$0x3FB0] =	sst s2  }
0xb: {  	[smem:$0x3FB1] =	sst s3  }
0xc: {  	[smem:$0x3FB2] =	sst s4  }
0xd: {  	[smem:$0x3FB3] =	sst s5  }
0xe: {  	[smem:$0x3FB4] =	sst s6  }
0xf: {  	[smem:$0x3FB5] =	sst s7  }
0x10: {  	[smem:$0x3FB6] =	sst s8  }
0x11: {  	[smem:$0x3FB7] =	sst s9;
	s0 =	simm.s32 @!p0 $0x0  }
0x12: {  	s1 =	sld [smem:$0x3F9D];
	s0 =	simm.s32 @p0 $0x1  }
0x13: {  	[smem:$0x3FB8] =	sst s0;
	s0 =	simm.s32 @!p1 $0x0  }
0x14: {  	s2 =	sld [smem:$0x3F9C];
	s0 =	simm.s32 @p1 $0x1  }
0x15: {  	[smem:$0x3FB9] =	sst s0;
	s0 =	simm.s32 @!p2 $0x0  }
0x16: {  	s3 =	sld [smem:$0x3FDB];
	s0 =	simm.s32 @p2 $0x1  }
0x17: {  	s4 =	simm.s32 $0x1BF5;
	[smem:$0x3FBB] =	sst s0  }
0x18: {  	s0 =	sld [smem:$0x3F9E];
	_ =	swait.ge [sflag:s4], $0x0  }
0x19: {  	s7 =	sld [smem:$0x3F9F]  }
0x1a: {  	s8 =	sadd.s32 $0xFFFFE003, lr  }
0x1b: {  	s9 =	sadd.s32 $0xFFFFFEF7, lr;
	s5 =	simm.s32 $0xFFFFFFFF;
	p2 =	slt.u32 s8, $0xFFFFF086  }
0x1c: {  	p1 =	slt.u32 s9, $0xF7A;
	s5 =	simm.s32 @!p2 $0x0  }
0x1d: {  	s5 =	simm.s32 @p1 $0x1;
	p0 =	seq.s32 s7, s2  }
0x1e: {  	s7 =	smul.u32 @!p0 $0xF7A, s2;
	p2 =	seq.s32 @!p0 s5, $0x0  }
0x1f: {  	s9 =	smul.u32 $0xF7A, s1;
	s8 =	simm.s32 @!p0 $0x1BF5;
	p2 =	por !p2, p0  }
0x20: {  	[sflag:s8] =	ssyncset.s32 @!p0 $0xFFFFF086;
	s6 =	sadd.s32 @!p0 s3, s7;
	s7 =	simm.s32 @!p0 $0x108  }
0x21: {  	s3 =	sadd.s32 s3, s9;
	s6 =	sadd.s32 @!p0 $0x88, s6;
	s7 =	simm.s32 @p2 $0x1082  }
0x22: {  	[simem:s7], [sflag:s8] =	dma.local @!p0 [hbm:s6], $0xF7A  }
0x23: {  	s9 =	sor.u32 $0xD0000000, s2;
	s6 =	simm.s32 $0x108;
	_ =	swait.ge @!p0 [sflag:s8], $0x0  }
0x24: {  	s3 =	sadd.s32 $0x88, s3;
	s6 =	simm.s32 @!p1 $0x1082;
	[sflag:s4] =	ssyncset.s32 $0xFFFFF086  }
0x25: {  	[simem:s6], [sflag:s4] =	dma.local [hbm:s3], $0xF7A  }
0x26: {  	[smem:$0x3F9F] =	sst s1;
	(tag) =	ssettag s2;
	_ =	strace s9  }
0x27: {  	s1 =	sld [smem:$0x3FAF]  }
0x28: {  	s2 =	sld [smem:$0x3FB0]  }
0x29: {  	s4 =	sld [smem:$0x3FB2]  }
0x2a: {  	p0 =	seq.s32 s5, $0x0;
	s5 =	sld [smem:$0x3FB3]  }
0x2b: {  	s6 =	sld [smem:$0x3FB4]  }
0x2c: {  	s7 =	sld [smem:$0x3FB5]  }
0x2d: {  	s3 =	simm.s32 $0x108;
	s8 =	sld [smem:$0x3FB6]  }
0x2e: {  	s3 =	simm.s32 @!p0 $0x1082;
	s9 =	sld [smem:$0x3FB7]  }
0x2f: {  	lr =	sadd.s32 s0, s3;
	s0 =	sld [smem:$0x3FAE]  }
0x30: {  	s3 =	sld [smem:$0x3FB1]  }
0x31: {  	[smem:$0x3FBA] =	sst s10  }
0x32: {  	s10 =	sld [smem:$0x3FB8];
	_ =	sdelay $0x3  }
0x33: {  	p0 =	seq.s32 s10, $0x1;
	s10 =	sld [smem:$0x3FBA];
	_ =	sdelay $0x3  }
0x34: {  	[smem:$0x3FBA] =	sst s10  }
0x35: {  	s10 =	sld [smem:$0x3FB9];
	_ =	sdelay $0x3  }
0x36: {  	p1 =	seq.s32 s10, $0x1;
	s10 =	sld [smem:$0x3FBA];
	_ =	sdelay $0x3  }
0x37: {  	[smem:$0x3FBA] =	sst s10  }
0x38: {  	s10 =	sld [smem:$0x3FBB]  }
0x39: {  	_ = 	snop;
	(pc) =	sbr.ind lr, $3  }
0x3a: {  	_ = 	snop  }
0x3b: {  	_ = 	snop  }
0x3c: {  	p2 =	seq.s32 s10, $0x1;
	s10 =	sld [smem:$0x3FBA]  }
0x3d: {  	_ =	shalt  }
0x3e: {  	_ =	shalt  }
0x3f: {  	_ =	shalt  }
0x40: {  	_ =	shalt  }
0x41: {  	_ =	shalt  }
0x42: {  	_ =	shalt  }
0x43: {  	_ =	shalt  }
0x44: {  	_ =	shalt  }
0x45: {  	_ =	shalt  }
0x46: {  	_ =	shalt  }
0x47: {  	_ =	shalt  }
0x48: {  	_ =	shalt  }
0x49: {  	_ =	shalt  }
0x4a: {  	_ =	shalt  }
0x4b: {  	_ =	shalt  }
0x4c: {  	_ =	shalt  }
0x4d: {  	_ =	shalt  }
0x4e: {  	_ =	shalt  }
0x4f: {  	_ =	shalt  }
0x50: {  	_ =	shalt  }
0x51: {  	_ =	shalt  }
0x52: {  	_ =	shalt  }
0x53: {  	_ =	shalt  }
0x54: {  	_ =	shalt  }
0x55: {  	_ =	shalt  }
0x56: {  	_ =	shalt  }
0x57: {  	_ =	shalt  }
0x58: {  	_ =	shalt  }
0x59: {  	_ =	shalt  }
0x5a: {  	_ =	shalt  }
0x5b: {  	_ =	shalt  }
0x5c: {  	_ =	shalt  }
0x5d: {  	_ =	shalt  }
0x5e: {  	_ =	shalt  }
0x5f: {  	_ =	shalt  }
0x60: {  	_ =	shalt  }
0x61: {  	_ =	shalt  }
0x62: {  	_ =	shalt  }
0x63: {  	_ =	shalt  }
0x64: {  	_ =	shalt  }
0x65: {  	_ =	shalt  }
0x66: {  	_ =	shalt  }
0x67: {  	_ =	shalt  }
0x68: {  	_ =	shalt  }
0x69: {  	_ =	shalt  }
0x6a: {  	_ =	shalt  }
0x6b: {  	_ =	shalt  }
0x6c: {  	_ =	shalt  }
0x6d: {  	_ =	shalt  }
0x6e: {  	_ =	shalt  }
0x6f: {  	_ =	shalt  }
0x70: {  	_ =	shalt  }
0x71: {  	_ =	shalt  }
0x72: {  	_ =	shalt  }
0x73: {  	_ =	shalt  }
0x74: {  	_ =	shalt  }
0x75: {  	_ =	shalt  }
0x76: {  	_ =	shalt  }
0x77: {  	_ =	shalt  }
0x78: {  	_ =	shalt  }
0x79: {  	_ =	shalt  }
0x7a: {  	_ =	shalt  }
0x7b: {  	_ =	shalt  }
0x7c: {  	_ =	shalt  }
0x7d: {  	_ =	shalt  }
0x7e: {  	_ =	shalt  }
0x7f: {  	_ =	shalt  }
0x80: {  	_ =	shalt  }
0x81: {  	_ =	shalt  }
0x82: {  	_ =	shalt  }
0x83: {  	_ =	shalt  }
0x84: {  	_ =	shalt  }
0x85: {  	_ =	shalt  }
0x86: {  	_ =	shalt  }
0x87: {  	_ =	shalt  }
.Lfunc_end0:
.L_simem_size_0:
called_computation_lowered:
.L_overlay_start_0:
0x88: {  	s2 =	sld [smem:$0x3FD9]  }
0x89: {  	s3 =	sld [smem:$0x3FFE];
	_ =	sdelay $0x1  }
0x8a: {  	s1 =	srdreg.scid  }
0x8b: {  	s0 =	sand.u32 $0x1, s1  }
0x8c: {  	s18 =	sshll.u32 s0, $0xA;
	s2 =	sadd.s32 s3, s2  }
0x8d: {  	s2 =	sadd.s32 s2, s18  }
0x8e: {  	[smem:$0x3FC6] =	sst s2  }
0x8f: {  	_ = 	snop  }
0x90: {  	s2 =	sld [smem:$0x3FC9]  }
0x91: {  	s19 =	sld [smem:$0x3FC8]  }
0x92: {  	s4 =	sld [smem:$0x3FD0];
	(tm) =	ssettm $0x1  }
0x93: {  	s5 =	sld [smem:$0x3FFB];
	_ =	sdelay $0x3  }
0x94: {  	_ =	strace s5  }
0x95: {  	s5 =	sld [smem:$0x3FFC];
	_ =	sdelay $0x3  }
0x96: {  	_ =	strace s5  }
0x97: {  	s5 =	sld [smem:$0x3FFD];
	_ =	sdelay $0x3  }
0x98: {  	_ =	strace s5  }
0x99: {  	_ =	strace $0x8FFFFFFF  }
0x9a: {  	s20 =	sld [smem:$0x3FDB];
	_ =	sdelay $0x1  }
0x9b: {  	s6 =	simm.s32 $_scs_section_size  }
0x9c: {  	s7 =	simm.s32 $_size__tile_overlayer_lowered;
	s8 =	simm.s32 $_tile_overlayer_lowered  }
0x9d: {  	s23 =	simm.s32 $0x1BFF;
	s22 =	sshll.u32 s8, $0x1;
	s5 =	sadd.s32 s6, s20  }
0x9e: {  	s9 =	simm.s32 $0x0;
	s21 =	sshll.u32 s7, $0x1;
	s7 =	sadd.s32 s22, s5  }
0x9f: {  	[timem:s9], [sflag:s23] =	dma.local [hbm:s7], s21  }
0xa0: {  	_ =	swait.ge [sflag:s23], s21  }
0xa1: {  	s6 =	ssub.s32 $0x0, s21;
	[sflag:s23] =	ssyncset.done $0x0  }
0xa2: {  	[sflag:s23] =	ssyncadd.s32 s6;
	_ =	sdelay $0x1  }
0xa3: {  	s24 =	simm.s32 $0x1B8B  }
0xa4: {  	_ =	swait.ge [sflag:s24], $0x1  }
0xa5: {  	[sflag:s24] =	ssyncset.done $0x0  }
0xa6: {  	s25 =	simm.s32 $0x1B8E;
	[sflag:s24] =	ssyncadd.s32 $0xFFFFFFFF  }
0xa7: {  	s26 =	simm.s32 $execute0_lowered;
	[smem:$0x3FD2] =	sst s25  }
0xa8: {  	s6 =	sshll.u32 s26, $0x1;
	_ =	strace $0x80000046;
	[dreg:$0x1] =	wrdreg $0xFFFFFFFF  }
0xa9: {  	s28 =	simm.s32 $_size_execute0_lowered;
	s5 =	sadd.s32 s5, s6;
	[dreg:$0x0] =	wrdreg $0x0  }
0xaa: {  	s6 =	sshll.u32 s28, $0x1;
	[dreg:$0x2] =	wrdreg s5  }
0xab: {  	[dreg:$0x3] =	wrdreg s6  }
0xac: {  	[dreg:$0x4] =	wrdreg $0xC0  }
0xad: {  	_ =	task [dreg:s9], $0x5FFFF  }
0xae: {  	[dreg:$0x1] =	wrdreg $0xFFFFFFFF  }
0xaf: {  	[dreg:$0x0] =	wrdreg $0x60  }
0xb0: {  	[dreg:$0x2] =	wrdreg s2  }
0xb1: {  	[dreg:$0x3] =	wrdreg s19  }
0xb2: {  	[dreg:$0x4] =	wrdreg s4  }
0xb3: {  	[dreg:$0x5] =	wrdreg $0x9  }
0xb4: {  	_ =	task.clear_ibuf [dreg:s9], $0x6FFFF;
	_ =	strace $0x90000046  }
0xb5: {  	s29 =	simm.s32 $0x9;
	_ =	strace $0x80000048  }
0xb6: {  	_ =	swait.ge [sflag:s29], $0x1  }
0xb7: {  	[sflag:s29] =	ssyncadd.s32 $0xFFFFFFFF  }
0xb8: {  	_ =	strace $0x90000048  }
0xb9: {  	_ =	sfence  }
0xba: {  	s30 =	sld [smem:$0x0];
	_ =	sdelay $0x2  }
0xbb: {  	s31 =	sshll.u32 s1, $0xD;
	s1 =	sshrl.u32 s1, $0x2  }
0xbc: {  	s3 =	sand.u32 $0x4000, s31;
	s1 =	sadd.s32 s1, s30  }
0xbd: {  	s0 =	sor.u32 s3, s0;
	s1 =	sshll.u32 s1, $0x11  }
0xbe: {  	s0 =	sor.u32 s1, s0  }
0xbf: {  	s0 =	sadd.s32 $0x8F2B, s0  }
0xc0: {  	[sflag:s0] =	ssyncadd.remote.s32 $0x1  }
0xc1: {  	_ =	sfence.sel $0xFFFF  }
0xc2: {  	[dreg:$0x0] =	wrdreg $0xFFFFFFFF;
	(pc) =	sbr.abs _section_cstart, $3  }
0xc3: {  	[dreg:$0x1] =	wrdreg $0xFFFFFFFF  }
0xc4: {  	_ =	task.clear_ibuf [dreg:s9], $0x2FFFF;
	_ =	strace $0x9FFFFFFF  }
0xc5: {  	(tm) =	ssettm $0x7FFFFFFF  }
tec
execute0_lowered:
.L_overlay_start_1:
0x0: {  	(tag) =	ssettag $0x1  }
0x1: {  	s0 =	rddreg [dreg:$0x0]  }
0x2: {  	s1 =	rddreg [dreg:$0x1]  }
0x3: {  	s3 =	rddreg [dreg:$0x2]  }
0x4: {  	s4 =	simm.s32 $0x0;
	s6 =	stileid.u32;
	s2 =	srdreg.scid  }
0x5: {  	s16 =	simm.s32 $0x400;
	s24 =	simm.s32 $0x4400;
	s22 =	simm.s32 $0x1  }
0x6: {  	s23 =	simm.s32 $0xC400;
	s30 =	simm.s32 $0xEC00;
	s31 =	simm.s32 $0xF400  }
0x7: {  	s15 =	simm.s32 $0x4;
	s17 =	simm.s32 $0x0;
	[smem:$0x7FF] =	sst s4  }
0x8: {  	s5 =	sshll.u32 s6, $0x1;
	s2 =	sand.u32 $0x1, s2;
	s6 =	sshrl.u32 s6, $0x2  }
0x9: {  	s10 =	sadd.s32 $0x300, s1;
	_ =	strace $0x80000047;
	s5 =	sand.u32 $0x6, s5  }
0xa: {  	s7 =	ssub.s32 $0x2, s2;
	s26 =	sshll.u32 s6, $0x4;
	s2 =	sor.u32 s2, s5  }
0xb: {  	s8 =	sshrl.u32 s7, $0x1;
	s0 =	sadd.s32 s0, s26;
	s9 =	sshll.u32 s2, $0x9  }
0xc: {  	s12 =	ssub.s32 s7, s8;
	s5 =	sshll.u32 s2, $0xA;
	s7 =	sadd.s32 $0x100, s1  }
0xd: {  	s8 =	sshll.u32 s6, $0x17;
	s28 =	sshll.u32 s2, $0x14;
	s2 =	simm.s32 $0x8400  }
0xe: {  	v2 =	vlaneseq.u32;
	s6 =	simm.s32 $0x2;
	s0 =	sadd.s32 s9, s0;
	s9 =	sadd.s32 $0x200, s1  }
0xf: {  	vm0 =	vmmov $0xffff;
	v1 =	vshrl.u32 v2, $0x3;
	s11 =	sor.u32 s8, s28;
	s29 =	smax.u32 s12, $0x1;
	[dreg:$0x4] =	wrdreg s0  }
0x10: {  	v0 =	vand.u32 $0x7, v2;
	v2 =	vor.u32 $0x8, v2;
	v1 =	vmul.u32 $0x8, v1;
	s12 =	simm.s32 $0x3;
	[dreg:$0x5] =	wrdreg s29;
	s0 =	simm.s32 $0xFC00  }
.LBB2_1:
0x11: {  	[dreg:$0x6] =	wrdreg s17  }
0x12: {  	s13 =	rddreg [dreg:$0x4]  }
0x13: {  	s14 =	simm.s32 $0x80;
	s20 =	simm.s32 $0x200;
	s21 =	simm.s32 $0x9  }
0x14: {  	[tilespmem:s4], [sflag:$0x9] =	stream.strided.gather [hbm4b:s13+s14], $0x400, s20, s14, $0x38;
	[tilespmem:$0x10400] =	vst v63  }
0x15: {  	_ =	swait.ge [sflag:s21], $0x400  }
0x16: {  	[sflag:s21] =	ssyncset.done $0x0  }
0x17: {  	[sflag:s21] =	ssyncadd.s32 $0xFFFFFC00  }
0x18: {  	v3 =	vld [tilespmem:$0x0];
	_ =	sdelay $0x4  }
0x19: {  	v4 =	vshll.u32 v3, $0x3  }
0x1a: {  	v3 =	vand.u32 $0x7, v3;
	v4 =	vand.u32 $0xFFFFFFC0, v4  }
0x1b: {  	v3 =	vor.u32 v3, v4  }
0x1c: {  	v4 =	vperm.xlane v3, v0;
	_ =	sdelay $0x1  }
0x1d: {  	v4 =	vadd.s32 v1, v4;
	_ =	sdelay $0x4  }
0x1e: {  	[tilespmem:s16], [sflag:$0x1] =	stream.indirect_vreg.gather [hbm4b:s1+s4], $0x80, v4, vm0, $0xb8;
	[tilespmem:$0x10400] =	vst v63  }
0x1f: {  	s25 =	simm.s32 $0xC00;
	v3 =	vperm.xlane v3, v2  }
0x20: {  	[tilespmem:s25], [sflag:$0x1] =	stream.indirect_vreg.gather [hbm4b:s7+s4], $0x80, v4, vm0, $0xb8;
	[tilespmem:$0x10400] =	vst v63  }
0x21: {  	s26 =	simm.s32 $0x1400;
	v3 =	vadd.s32 v1, v3  }
0x22: {  	[tilespmem:s26], [sflag:$0x1] =	stream.indirect_vreg.gather [hbm4b:s9+s4], $0x80, v4, vm0, $0xb8;
	[tilespmem:$0x10400] =	vst v63  }
0x23: {  	s28 =	simm.s32 $0x1C00  }
0x24: {  	[tilespmem:s28], [sflag:$0x1] =	stream.indirect_vreg.gather [hbm4b:s10+s4], $0x80, v4, vm0, $0xb8;
	[tilespmem:$0x10400] =	vst v63  }
0x25: {  	s29 =	simm.s32 $0x2400  }
0x26: {  	[tilespmem:s29], [sflag:$0x1] =	stream.indirect_vreg.gather [hbm4b:s1+s4], $0x80, v3, vm0, $0xb8;
	[tilespmem:$0x10400] =	vst v63  }
0x27: {  	s14 =	simm.s32 $0x2C00  }
0x28: {  	[tilespmem:s14], [sflag:$0x1] =	stream.indirect_vreg.gather [hbm4b:s7+s4], $0x80, v3, vm0, $0xb8;
	[tilespmem:$0x10400] =	vst v63  }
0x29: {  	s17 =	simm.s32 $0x3400  }
0x2a: {  	[tilespmem:s17], [sflag:$0x1] =	stream.indirect_vreg.gather [hbm4b:s9+s4], $0x80, v3, vm0, $0xb8;
	[tilespmem:$0x10400] =	vst v63  }
0x2b: {  	s18 =	simm.s32 $0x3C00  }
0x2c: {  	[tilespmem:s18], [sflag:$0x1] =	stream.indirect_vreg.gather [hbm4b:s10+s4], $0x80, v3, vm0, $0xb8;
	[tilespmem:$0x10400] =	vst v63  }
0x2d: {  	v3 =	vld [tilespmem:$0x10];
	_ =	sdelay $0x4  }
0x2e: {  	v63 =	vshll.u32 v3, $0x3  }
0x2f: {  	v3 =	vand.u32 $0x7, v3;
	v4 =	vand.u32 $0xFFFFFFC0, v63  }
0x30: {  	v3 =	vor.u32 v3, v4  }
0x31: {  	v4 =	vperm.xlane v3, v0;
	_ =	sdelay $0x1  }
0x32: {  	v4 =	vadd.s32 v1, v4;
	_ =	sdelay $0x4  }
0x33: {  	[tilespmem:s24], [sflag:$0x2] =	stream.indirect_vreg.gather [hbm4b:s1+s4], $0x80, v4, vm0, $0xb8;
	[tilespmem:$0x10400] =	vst v63  }
0x34: {  	s19 =	simm.s32 $0x4C00;
	v3 =	vperm.xlane v3, v2  }
0x35: {  	[tilespmem:s19], [sflag:$0x2] =	stream.indirect_vreg.gather [hbm4b:s7+s4], $0x80, v4, vm0, $0xb8;
	[tilespmem:$0x10400] =	vst v63  }
0x36: {  	s20 =	simm.s32 $0x5400;
	v3 =	vadd.s32 v1, v3  }
0x37: {  	[tilespmem:s20], [sflag:$0x2] =	stream.indirect_vreg.gather [hbm4b:s9+s4], $0x80, v4, vm0, $0xb8;
	[tilespmem:$0x10400] =	vst v63  }
0x38: {  	s21 =	simm.s32 $0x5C00  }
0x39: {  	[tilespmem:s21], [sflag:$0x2] =	stream.indirect_vreg.gather [hbm4b:s10+s4], $0x80, v4, vm0, $0xb8;
	[tilespmem:$0x10400] =	vst v63  }
0x3a: {  	s25 =	simm.s32 $0x6400  }
0x3b: {  	[tilespmem:s25], [sflag:$0x2] =	stream.indirect_vreg.gather [hbm4b:s1+s4], $0x80, v3, vm0, $0xb8;
	[tilespmem:$0x10400] =	vst v63  }
0x3c: {  	s26 =	simm.s32 $0x6C00  }
0x3d: {  	[tilespmem:s26], [sflag:$0x2] =	stream.indirect_vreg.gather [hbm4b:s7+s4], $0x80, v3, vm0, $0xb8;
	[tilespmem:$0x10400] =	vst v63  }
0x3e: {  	s28 =	simm.s32 $0x7400  }
0x3f: {  	[tilespmem:s28], [sflag:$0x2] =	stream.indirect_vreg.gather [hbm4b:s9+s4], $0x80, v3, vm0, $0xb8;
	[tilespmem:$0x10400] =	vst v63  }
0x40: {  	s13 =	simm.s32 $0x0;
	s29 =	simm.s32 $0x7C00  }
0x41: {  	[tilespmem:s29], [sflag:$0x2] =	stream.indirect_vreg.gather [hbm4b:s10+s4], $0x80, v3, vm0, $0xb8;
	[tilespmem:$0x10400] =	vst v63  }
.LBB2_2:
0x42: {  	p0 =	seq.s32 s13, $0x0  }
0x43: {  	s14 =	simm.s32 @!p0 $0x7  }
0x44: {  	_ =	swait.ge @!p0 [sflag:s14], $0x4000  }
0x45: {  	[sflag:s14] =	ssyncset.done @!p0 $0x0  }
0x46: {  	s18 =	sshll.u32 s13, $0x6;
	[sflag:s14] =	ssyncadd.s32 @!p0 $0xFFFFC000  }
0x47: {  	v3 =	vld [tilespmem:s18+$0x20];
	_ =	sdelay $0x4  }
0x48: {  	v4 =	vshll.u32 v3, $0x3  }
0x49: {  	v3 =	vand.u32 $0x7, v3;
	v4 =	vand.u32 $0xFFFFFFC0, v4  }
0x4a: {  	v3 =	vor.u32 v3, v4  }
0x4b: {  	v4 =	vperm.xlane v3, v0;
	_ =	sdelay $0x1  }
0x4c: {  	v4 =	vadd.s32 v1, v4;
	_ =	sdelay $0x3  }
0x4d: {  	s14 =	simm.s32 $0x0  }
0x4e: {  	[tilespmem:s2], [sflag:$0x3] =	stream.indirect_vreg.gather [hbm4b:s1+s14], $0x80, v4, vm0, $0xb8;
	[tilespmem:$0x10400] =	vst v63  }
0x4f: {  	s17 =	simm.s32 $0x8C00;
	v3 =	vperm.xlane v3, v2  }
0x50: {  	[tilespmem:s17], [sflag:$0x3] =	stream.indirect_vreg.gather [hbm4b:s7+s14], $0x80, v4, vm0, $0xb8;
	[tilespmem:$0x10400] =	vst v63  }
0x51: {  	s20 =	simm.s32 $0x9400;
	v3 =	vadd.s32 v1, v3  }
0x52: {  	[tilespmem:s20], [sflag:$0x3] =	stream.indirect_vreg.gather [hbm4b:s9+s14], $0x80, v4, vm0, $0xb8;
	[tilespmem:$0x10400] =	vst v63  }
0x53: {  	s21 =	simm.s32 $0x9C00  }
0x54: {  	[tilespmem:s21], [sflag:$0x3] =	stream.indirect_vreg.gather [hbm4b:s10+s14], $0x80, v4, vm0, $0xb8;
	[tilespmem:$0x10400] =	vst v63  }
0x55: {  	s25 =	simm.s32 $0xA400  }
0x56: {  	[tilespmem:s25], [sflag:$0x3] =	stream.indirect_vreg.gather [hbm4b:s1+s14], $0x80, v3, vm0, $0xb8;
	[tilespmem:$0x10400] =	vst v63  }
0x57: {  	s26 =	simm.s32 $0xAC00  }
0x58: {  	[tilespmem:s26], [sflag:$0x3] =	stream.indirect_vreg.gather [hbm4b:s7+s14], $0x80, v3, vm0, $0xb8;
	[tilespmem:$0x10400] =	vst v63  }
0x59: {  	s28 =	simm.s32 $0xB400  }
0x5a: {  	[tilespmem:s28], [sflag:$0x3] =	stream.indirect_vreg.gather [hbm4b:s9+s14], $0x80, v3, vm0, $0xb8;
	[tilespmem:$0x10400] =	vst v63  }
0x5b: {  	s29 =	simm.s32 $0xBC00  }
0x5c: {  	[tilespmem:s29], [sflag:$0x3] =	stream.indirect_vreg.gather [hbm4b:s10+s14], $0x80, v3, vm0, $0xb8;
	[tilespmem:$0x10400] =	vst v63  }
0x5d: {  	_ =	swait.ge [sflag:s22], $0x4000  }
0x5e: {  	s19 =	simm.s32 $0xFFFFC000;
	s17 =	sor.u32 $0x20, s18;
	[sflag:s22] =	ssyncset.done $0x0  }
0x5f: {  	s20 =	simm.s32 $0x0;
	s21 =	simm.s32 $0x0;
	[sflag:s22] =	ssyncadd.s32 $0xFFFFC000  }
.LBB2_3:
0x60: {  	s25 =	sadd.s32 $0x4000, s19  }
0x61: {  	s26 =	sand.u32 $0x380, s21;
	s25 =	sand.u32 $0x2000, s25  }
0x62: {  	s25 =	sor.u32 s26, s25  }
0x63: {  	v3 =	vld [tilespmem:s25+$0x400]  }
0x64: {  	v4 =	vld [tilespmem:s25+$0x410]  }
0x65: {  	v6 =	vld [tilespmem:s25+$0x430]  }
0x66: {  	v8 =	vld [tilespmem:s25+$0x460]  }
0x67: {  	v5 =	vld [tilespmem:s25+$0x420]  }
0x68: {  	v43 =	vld [tilespmem:s25+$0x800];
	v3 =	vmul.f32 $3.200000000e+01, v3  }
0x69: {  	v7 =	vld [tilespmem:s25+$0x450];
	v4 =	vmul.f32 $3.200000000e+01, v4  }
0x6a: {  	v46 =	vld [tilespmem:s25+$0x820];
	v44 =	vmul.f32 $3.200000000e+01, v6;
	[tilespmem:s25+$0x400] =	vst v3  }
0x6b: {  	v9 =	vld [tilespmem:s25+$0x470];
	v47 =	vmul.f32 $3.200000000e+01, v8;
	[tilespmem:s25+$0x410] =	vst v4  }
0x6c: {  	v49 =	vld [tilespmem:s25+$0x850];
	v3 =	vmul.f32 $3.200000000e+01, v5;
	[tilespmem:s25+$0x430] =	vst v44  }
0x6d: {  	v45 =	vld [tilespmem:s25+$0x810];
	v50 =	vmul.f32 $3.200000000e+01, v43;
	[tilespmem:s25+$0x460] =	vst v47  }
0x6e: {  	v52 =	vld [tilespmem:s25+$0x870];
	[tilespmem:s25+$0x420] =	vst v3;
	v3 =	vmul.f32 $3.200000000e+01, v7  }
0x6f: {  	v48 =	vld [tilespmem:s25+$0x830];
	v53 =	vmul.f32 $3.200000000e+01, v46;
	[tilespmem:s25+$0x800] =	vst v50  }
0x70: {  	v55 =	vld [tilespmem:s25+$0xC10];
	[tilespmem:s25+$0x450] =	vst v3;
	v3 =	vmul.f32 $3.200000000e+01, v9  }
0x71: {  	v51 =	vld [tilespmem:s25+$0x860];
	v56 =	vmul.f32 $3.200000000e+01, v49;
	[tilespmem:s25+$0x820] =	vst v53  }
0x72: {  	v58 =	vld [tilespmem:s25+$0xC30];
	[tilespmem:s25+$0x470] =	vst v3;
	v3 =	vmul.f32 $3.200000000e+01, v45  }
0x73: {  	v54 =	vld [tilespmem:s25+$0xC00];
	v59 =	vmul.f32 $3.200000000e+01, v52;
	[tilespmem:s25+$0x850] =	vst v56  }
0x74: {  	v61 =	vld [tilespmem:s25+$0xC60];
	[tilespmem:s25+$0x810] =	vst v3;
	v3 =	vmul.f32 $3.200000000e+01, v48  }
0x75: {  	v57 =	vld [tilespmem:s25+$0xC20];
	v62 =	vmul.f32 $3.200000000e+01, v55;
	[tilespmem:s25+$0x870] =	vst v59  }
0x76: {  	v12 =	vld [tilespmem:s25+$0x1000];
	[tilespmem:s25+$0x830] =	vst v3;
	v3 =	vmul.f32 $3.200000000e+01, v51  }
0x77: {  	v60 =	vld [tilespmem:s25+$0xC50];
	v13 =	vmul.f32 $3.200000000e+01, v58;
	[tilespmem:s25+$0xC10] =	vst v62  }
0x78: {  	v15 =	vld [tilespmem:s25+$0x1020];
	[tilespmem:s25+$0x860] =	vst v3;
	v3 =	vmul.f32 $3.200000000e+01, v54  }
0x79: {  	v63 =	vld [tilespmem:s25+$0xC70];
	v16 =	vmul.f32 $3.200000000e+01, v61;
	[tilespmem:s25+$0xC30] =	vst v13  }
0x7a: {  	v18 =	vld [tilespmem:s25+$0x1050];
	[tilespmem:s25+$0xC00] =	vst v3;
	v3 =	vmul.f32 $3.200000000e+01, v57  }
0x7b: {  	v14 =	vld [tilespmem:s25+$0x1010];
	v19 =	vmul.f32 $3.200000000e+01, v12;
	[tilespmem:s25+$0xC60] =	vst v16  }
0x7c: {  	v21 =	vld [tilespmem:s25+$0x1070];
	[tilespmem:s25+$0xC20] =	vst v3;
	v3 =	vmul.f32 $3.200000000e+01, v60  }
0x7d: {  	v17 =	vld [tilespmem:s25+$0x1030];
	v22 =	vmul.f32 $3.200000000e+01, v15;
	[tilespmem:s25+$0x1000] =	vst v19  }
0x7e: {  	v24 =	vld [tilespmem:s25+$0x1410];
	[tilespmem:s25+$0xC50] =	vst v3;
	v3 =	vmul.f32 $3.200000000e+01, v63  }
0x7f: {  	v20 =	vld [tilespmem:s25+$0x1060];
	v25 =	vmul.f32 $3.200000000e+01, v18;
	[tilespmem:s25+$0x1020] =	vst v22  }
0x80: {  	v27 =	vld [tilespmem:s25+$0x1430];
	[tilespmem:s25+$0xC70] =	vst v3;
	v3 =	vmul.f32 $3.200000000e+01, v14  }
0x81: {  	v23 =	vld [tilespmem:s25+$0x1400];
	v28 =	vmul.f32 $3.200000000e+01, v21;
	[tilespmem:s25+$0x1050] =	vst v25  }
0x82: {  	v30 =	vld [tilespmem:s25+$0x1460];
	[tilespmem:s25+$0x1010] =	vst v3;
	v3 =	vmul.f32 $3.200000000e+01, v17  }
0x83: {  	v26 =	vld [tilespmem:s25+$0x1420];
	v31 =	vmul.f32 $3.200000000e+01, v24;
	[tilespmem:s25+$0x1070] =	vst v28  }
0x84: {  	v33 =	vld [tilespmem:s25+$0x1800];
	[tilespmem:s25+$0x1030] =	vst v3;
	v3 =	vmul.f32 $3.200000000e+01, v20  }
0x85: {  	v29 =	vld [tilespmem:s25+$0x1450];
	v34 =	vmul.f32 $3.200000000e+01, v27;
	[tilespmem:s25+$0x1410] =	vst v31  }
0x86: {  	v36 =	vld [tilespmem:s25+$0x1820];
	[tilespmem:s25+$0x1060] =	vst v3;
	v3 =	vmul.f32 $3.200000000e+01, v23  }
0x87: {  	v32 =	vld [tilespmem:s25+$0x1470];
	v37 =	vmul.f32 $3.200000000e+01, v30;
	[tilespmem:s25+$0x1430] =	vst v34  }
0x88: {  	v39 =	vld [tilespmem:s25+$0x1850];
	[tilespmem:s25+$0x1400] =	vst v3;
	v3 =	vmul.f32 $3.200000000e+01, v26  }
0x89: {  	v35 =	vld [tilespmem:s25+$0x1810];
	v40 =	vmul.f32 $3.200000000e+01, v33;
	[tilespmem:s25+$0x1460] =	vst v37  }
0x8a: {  	v42 =	vld [tilespmem:s25+$0x1870];
	[tilespmem:s25+$0x1420] =	vst v3;
	v3 =	vmul.f32 $3.200000000e+01, v29  }
0x8b: {  	v38 =	vld [tilespmem:s25+$0x1830];
	v43 =	vmul.f32 $3.200000000e+01, v36;
	[tilespmem:s25+$0x1800] =	vst v40  }
0x8c: {  	v47 =	vld [tilespmem:s25+$0x1C20];
	[tilespmem:s25+$0x1450] =	vst v3;
	v3 =	vmul.f32 $3.200000000e+01, v32  }
0x8d: {  	v41 =	vld [tilespmem:s25+$0x1860];
	v46 =	vmul.f32 $3.200000000e+01, v39;
	[tilespmem:s25+$0x1820] =	vst v43  }
0x8e: {  	v50 =	vld [tilespmem:s25+$0x1C50];
	[tilespmem:s25+$0x1470] =	vst v3;
	v3 =	vmul.f32 $3.200000000e+01, v35  }
0x8f: {  	v49 =	vmul.f32 $3.200000000e+01, v42;
	v44 =	vld [tilespmem:s25+$0x1C00];
	[tilespmem:s25+$0x1850] =	vst v46  }
0x90: {  	v53 =	vld [tilespmem:s25+$0x1C70];
	[tilespmem:s25+$0x1810] =	vst v3;
	v3 =	vmul.f32 $3.200000000e+01, v38  }
0x91: {  	[tilespmem:s25+$0x1870] =	vst v49;
	v7 =	vmul.f32 $3.200000000e+01, v47;
	v45 =	vld [tilespmem:s25+$0x1C10]  }
0x92: {  	v48 =	vld [tilespmem:s25+$0x1C30];
	[tilespmem:s25+$0x1830] =	vst v3;
	v3 =	vmul.f32 $3.200000000e+01, v41  }
0x93: {  	v9 =	vmul.f32 $3.200000000e+01, v50;
	[tilespmem:s25+$0x1C20] =	vst v7;
	v51 =	vld [tilespmem:s25+$0x1C60]  }
0x94: {  	[tilespmem:s25+$0x1860] =	vst v3;
	v3 =	vmul.f32 $3.200000000e+01, v44  }
0x95: {  	v58 =	vld [tilespmem:s25+$0x1840];
	v6 =	vmul.f32 $3.200000000e+01, v53;
	[tilespmem:s25+$0x1C50] =	vst v9  }
0x96: {  	v52 =	vmul.f32 $3.200000000e+01, v45;
	[tilespmem:s25+$0x1C00] =	vst v3;
	v3 =	vld [tilespmem:s25+$0x440]  }
0x97: {  	s28 =	sand.u32 $0x7, s14;
	v56 =	vld [tilespmem:s25+$0x1040];
	[tilespmem:s25+$0x1C70] =	vst v6;
	v8 =	vmul.f32 $3.200000000e+01, v48  }
0x98: {  	s26 =	sshll.u32 s28, $0x7;
	v55 =	vld [tilespmem:s25+$0xC40];
	[tilespmem:s25+$0x1C10] =	vst v52;
	v5 =	vmul.f32 $3.200000000e+01, v51  }
0x99: {  	s26 =	sadd.s32 s26, s20;
	v54 =	vld [tilespmem:s25+$0x840];
	[tilespmem:s25+$0x1C30] =	vst v8  }
0x9a: {  	s28 =	sor.u32 $0x1C00, s26;
	v62 =	vmul.f32 $3.200000000e+01, v58;
	v57 =	vld [tilespmem:s25+$0x1440];
	[tilespmem:s25+$0x1C60] =	vst v5  }
0x9b: {  	v60 =	vld [tilespmem:s28+$0x400];
	v3 =	vmul.f32 $3.200000000e+01, v3  }
0x9c: {  	v59 =	vld [tilespmem:s25+$0x1C40];
	v61 =	vmul.f32 $3.200000000e+01, v56;
	[tilespmem:s25+$0x1840] =	vst v62  }
0x9d: {  	[tilespmem:s25+$0x440] =	vst v3;
	v3 =	vmul.f32 $3.200000000e+01, v55  }
0x9e: {  	[tilespmem:s25+$0x1040] =	vst v61;
	v4 =	vmul.f32 $3.200000000e+01, v54  }
0x9f: {  	[tilespmem:s25+$0xC40] =	vst v3;
	v3 =	vmul.f32 $3.200000000e+01, v57  }
0xa0: {  	[tilespmem:s25+$0x840] =	vst v4;
	v63 =	vmul.f32 $3.200000000e+01, v60  }
0xa1: {  	[tilespmem:s25+$0x1440] =	vst v3;
	v3 =	vmul.f32 $3.200000000e+01, v59  }
0xa2: {  	[tilespmem:s28+$0x400] =	vst v63  }
0xa3: {  	s29 =	sor.u32 $0x1C10, s26;
	[tilespmem:s25+$0x1C40] =	vst v3  }
0xa4: {  	v3 =	vld [tilespmem:s29+$0x400];
	_ =	sdelay $0x4  }
0xa5: {  	v3 =	vmul.f32 $3.200000000e+01, v3;
	_ =	sdelay $0x1  }
0xa6: {  	s28 =	sor.u32 $0x1C20, s26;
	[tilespmem:s29+$0x400] =	vst v3  }
0xa7: {  	v3 =	vld [tilespmem:s28+$0x400];
	_ =	sdelay $0x4  }
0xa8: {  	v3 =	vmul.f32 $3.200000000e+01, v3;
	_ =	sdelay $0x1  }
0xa9: {  	s29 =	sor.u32 $0x1C30, s26;
	[tilespmem:s28+$0x400] =	vst v3  }
0xaa: {  	v3 =	vld [tilespmem:s29+$0x400];
	_ =	sdelay $0x4  }
0xab: {  	v3 =	vmul.f32 $3.200000000e+01, v3;
	_ =	sdelay $0x1  }
0xac: {  	s28 =	sor.u32 $0x1C40, s26;
	[tilespmem:s29+$0x400] =	vst v3  }
0xad: {  	v3 =	vld [tilespmem:s28+$0x400];
	_ =	sdelay $0x4  }
0xae: {  	v3 =	vmul.f32 $3.200000000e+01, v3;
	_ =	sdelay $0x1  }
0xaf: {  	s29 =	sor.u32 $0x1C50, s26;
	[tilespmem:s28+$0x400] =	vst v3  }
0xb0: {  	v3 =	vld [tilespmem:s29+$0x400];
	_ =	sdelay $0x4  }
0xb1: {  	v3 =	vmul.f32 $3.200000000e+01, v3;
	_ =	sdelay $0x1  }
0xb2: {  	s28 =	sor.u32 $0x1C60, s26;
	[tilespmem:s29+$0x400] =	vst v3  }
0xb3: {  	v3 =	vld [tilespmem:s28+$0x400];
	_ =	sdelay $0x4  }
0xb4: {  	v3 =	vmul.f32 $3.200000000e+01, v3;
	_ =	sdelay $0x1  }
0xb5: {  	s29 =	sor.u32 $0x1C70, s26;
	[tilespmem:s28+$0x400] =	vst v3  }
0xb6: {  	v3 =	vld [tilespmem:s29+$0x400];
	_ =	sdelay $0x1  }
0xb7: {  	p1 =	sne.s32 s21, $0x780  }
.Ltmp0:
0xb8: {  	_ = 	snop;
	(pc) =	sbr.rel @p1 .LBB2_3-.Ltmp0, $4  }
0xb9: {  	_ = 	snop  }
0xba: {  	v3 =	vmul.f32 $3.200000000e+01, v3  }
0xbb: {  	s14 =	sadd.s32 $0x1, s14  }
0xbc: {  	s19 =	sadd.s32 $0x400, s19;
	s21 =	sadd.s32 $0x80, s21;
	s20 =	sadd.s32 $0x400, s20;
	[tilespmem:s29+$0x400] =	vst v3  }
0xbd: {  	s14 =	sshll.u32 s13, $0x10  }
0xbe: {  	s14 =	sadd.s32 s11, s14  }
0xbf: {  	s14 =	sshrl.u32 s14, $0x3  }
0xc0: {  	s14 =	sadd.s32 s3, s14  }
0xc1: {  	[hbm4b:s14+s4] =	stream.linear.scatter [tilespmem:s16], [sflag:$0x5], $0x4000, $0x38;
	[tilespmem:$0x10400] =	vst v63  }
0xc2: {  	s14 =	simm.s32 @!p0 $0x8  }
0xc3: {  	_ =	swait.ge @!p0 [sflag:s14], $0x4000  }
0xc4: {  	[sflag:s14] =	ssyncset.done @!p0 $0x0  }
0xc5: {  	[sflag:s14] =	ssyncadd.s32 @!p0 $0xFFFFC000;
	s14 =	sor.u32 $0x30, s18  }
0xc6: {  	v3 =	vld [tilespmem:s14+$0x0];
	_ =	sdelay $0x4  }
0xc7: {  	v4 =	vshll.u32 v3, $0x3  }
0xc8: {  	v3 =	vand.u32 $0x7, v3;
	v4 =	vand.u32 $0xFFFFFFC0, v4  }
0xc9: {  	v3 =	vor.u32 v3, v4  }
0xca: {  	v4 =	vperm.xlane v3, v0;
	_ =	sdelay $0x1  }
0xcb: {  	v4 =	vadd.s32 v1, v4;
	_ =	sdelay $0x3  }
0xcc: {  	s20 =	simm.s32 $0x0  }
0xcd: {  	[tilespmem:s23], [sflag:$0x4] =	stream.indirect_vreg.gather [hbm4b:s1+s20], $0x80, v4, vm0, $0xb8;
	[tilespmem:$0x10400] =	vst v63  }
0xce: {  	s19 =	simm.s32 $0xCC00;
	v3 =	vperm.xlane v3, v2  }
0xcf: {  	[tilespmem:s19], [sflag:$0x4] =	stream.indirect_vreg.gather [hbm4b:s7+s20], $0x80, v4, vm0, $0xb8;
	[tilespmem:$0x10400] =	vst v63  }
0xd0: {  	s29 =	simm.s32 $0xD400;
	v3 =	vadd.s32 v1, v3  }
0xd1: {  	[tilespmem:s29], [sflag:$0x4] =	stream.indirect_vreg.gather [hbm4b:s9+s20], $0x80, v4, vm0, $0xb8;
	[tilespmem:$0x10400] =	vst v63  }
0xd2: {  	s21 =	simm.s32 $0xDC00  }
0xd3: {  	[tilespmem:s21], [sflag:$0x4] =	stream.indirect_vreg.gather [hbm4b:s10+s20], $0x80, v4, vm0, $0xb8;
	[tilespmem:$0x10400] =	vst v63  }
0xd4: {  	s25 =	simm.s32 $0xE400  }
0xd5: {  	[tilespmem:s25], [sflag:$0x4] =	stream.indirect_vreg.gather [hbm4b:s1+s20], $0x80, v3, vm0, $0xb8;
	[tilespmem:$0x10400] =	vst v63  }
0xd6: {  	_ = 	snop  }
0xd7: {  	[tilespmem:s30], [sflag:$0x4] =	stream.indirect_vreg.gather [hbm4b:s7+s20], $0x80, v3, vm0, $0xb8;
	[tilespmem:$0x10400] =	vst v63  }
0xd8: {  	_ = 	snop  }
0xd9: {  	[tilespmem:s31], [sflag:$0x4] =	stream.indirect_vreg.gather [hbm4b:s9+s20], $0x80, v3, vm0, $0xb8;
	[tilespmem:$0x10400] =	vst v63  }
0xda: {  	_ = 	snop  }
0xdb: {  	[tilespmem:s0], [sflag:$0x4] =	stream.indirect_vreg.gather [hbm4b:s10+s20], $0x80, v3, vm0, $0xb8;
	[tilespmem:$0x10400] =	vst v63  }
0xdc: {  	_ =	swait.ge [sflag:s6], $0x4000  }
0xdd: {  	s26 =	sand.u32 $0x2000, s20;
	s21 =	sand.u32 $0x380, s20;
	[sflag:s6] =	ssyncset.done $0x0  }
0xde: {  	s19 =	sor.u32 s21, s26;
	[sflag:s6] =	ssyncadd.s32 $0xFFFFC000  }
0xdf: {  	v3 =	vld [tilespmem:s19+$0x4470]  }
0xe0: {  	v4 =	vld [tilespmem:s19+$0x4420]  }
0xe1: {  	v5 =	vld [tilespmem:s19+$0x4440]  }
0xe2: {  	v6 =	vld [tilespmem:s19+$0x4430]  }
0xe3: {  	v7 =	vld [tilespmem:s19+$0x4450]  }
0xe4: {  	v8 =	vld [tilespmem:s19+$0x4410];
	v3 =	vmul.f32 $3.200000000e+01, v3  }
0xe5: {  	v9 =	vld [tilespmem:s19+$0x4400];
	v4 =	vmul.f32 $3.200000000e+01, v4  }
0xe6: {  	v10 =	vld [tilespmem:s19+$0x4460];
	v5 =	vmul.f32 $3.200000000e+01, v5;
	[tilespmem:s19+$0x4470] =	vst v3  }
0xe7: {  	[tilespmem:s19+$0x4420] =	vst v4;
	v3 =	vmul.f32 $3.200000000e+01, v6  }
0xe8: {  	[tilespmem:s19+$0x4440] =	vst v5;
	v4 =	vmul.f32 $3.200000000e+01, v7  }
0xe9: {  	v5 =	vmul.f32 $3.200000000e+01, v8;
	[tilespmem:s19+$0x4430] =	vst v3  }
0xea: {  	v3 =	vmul.f32 $3.200000000e+01, v9;
	[tilespmem:s19+$0x4450] =	vst v4  }
0xeb: {  	s28 =	sand.u32 $0xFFFFE000, s20;
	[tilespmem:s19+$0x4410] =	vst v5;
	v4 =	vmul.f32 $3.200000000e+01, v10  }
0xec: {  	s26 =	sadd.s32 $0x0, s28;
	[tilespmem:s19+$0x4400] =	vst v3  }
0xed: {  	s21 =	sor.u32 $0x4400, s26;
	[tilespmem:s19+$0x4460] =	vst v4  }
0xee: {  	v3 =	vld [tilespmem:s21+$0x470]  }
0xef: {  	v4 =	vld [tilespmem:s21+$0x460]  }
0xf0: {  	v5 =	vld [tilespmem:s21+$0x450]  }
0xf1: {  	v6 =	vld [tilespmem:s21+$0x430]  }
0xf2: {  	v7 =	vld [tilespmem:s21+$0x440]  }
0xf3: {  	v8 =	vld [tilespmem:s21+$0x420];
	v3 =	vmul.f32 $3.200000000e+01, v3  }
0xf4: {  	v59 =	vld [tilespmem:s21+$0x410];
	v4 =	vmul.f32 $3.200000000e+01, v4  }
0xf5: {  	v60 =	vld [tilespmem:s21+$0x400];
	v5 =	vmul.f32 $3.200000000e+01, v5;
	[tilespmem:s21+$0x470] =	vst v3  }
0xf6: {  	v3 =	vmul.f32 $3.200000000e+01, v6;
	[tilespmem:s21+$0x460] =	vst v4  }
0xf7: {  	v4 =	vmul.f32 $3.200000000e+01, v7;
	[tilespmem:s21+$0x450] =	vst v5  }
0xf8: {  	v5 =	vmul.f32 $3.200000000e+01, v8;
	[tilespmem:s21+$0x430] =	vst v3  }
0xf9: {  	v3 =	vmul.f32 $3.200000000e+01, v59;
	[tilespmem:s21+$0x440] =	vst v4  }
0xfa: {  	v4 =	vmul.f32 $3.200000000e+01, v60;
	[tilespmem:s21+$0x420] =	vst v5  }
0xfb: {  	[tilespmem:s21+$0x410] =	vst v3  }
0xfc: {  	[tilespmem:s21+$0x400] =	vst v4;
	v3 =	vld [tilespmem:s19+$0x4C40]  }
0xfd: {  	v4 =	vld [tilespmem:s19+$0x4C70]  }
0xfe: {  	v5 =	vld [tilespmem:s19+$0x4C60]  }
0xff: {  	v6 =	vld [tilespmem:s19+$0x4C50]  }
0x100: {  	v7 =	vld [tilespmem:s19+$0x4C10]  }
0x101: {  	v8 =	vld [tilespmem:s19+$0x4C30];
	v3 =	vmul.f32 $3.200000000e+01, v3  }
0x102: {  	v61 =	vld [tilespmem:s19+$0x4C00];
	v4 =	vmul.f32 $3.200000000e+01, v4  }
0x103: {  	v62 =	vld [tilespmem:s19+$0x4C20];
	[tilespmem:s19+$0x4C40] =	vst v3;
	v3 =	vmul.f32 $3.200000000e+01, v5  }
0x104: {  	v5 =	vmul.f32 $3.200000000e+01, v6;
	[tilespmem:s19+$0x4C70] =	vst v4  }
0x105: {  	v4 =	vmul.f32 $3.200000000e+01, v7;
	[tilespmem:s19+$0x4C60] =	vst v3  }
0x106: {  	v3 =	vmul.f32 $3.200000000e+01, v8;
	[tilespmem:s19+$0x4C50] =	vst v5  }
0x107: {  	v5 =	vmul.f32 $3.200000000e+01, v61;
	[tilespmem:s19+$0x4C10] =	vst v4  }
0x108: {  	v4 =	vmul.f32 $3.200000000e+01, v62;
	[tilespmem:s19+$0x4C30] =	vst v3  }
0x109: {  	[tilespmem:s19+$0x4C00] =	vst v5  }
0x10a: {  	s29 =	sor.u32 $0x4C00, s26;
	[tilespmem:s19+$0x4C20] =	vst v4  }
0x10b: {  	v3 =	vld [tilespmem:s29+$0x460]  }
0x10c: {  	v4 =	vld [tilespmem:s29+$0x450]  }
0x10d: {  	v5 =	vld [tilespmem:s29+$0x440]  }
0x10e: {  	v6 =	vld [tilespmem:s29+$0x420]  }
0x10f: {  	v7 =	vld [tilespmem:s29+$0x400]  }
0x110: {  	v8 =	vld [tilespmem:s29+$0x430];
	v3 =	vmul.f32 $3.200000000e+01, v3  }
0x111: {  	v63 =	vld [tilespmem:s29+$0x410];
	v4 =	vmul.f32 $3.200000000e+01, v4  }
0x112: {  	v5 =	vmul.f32 $3.200000000e+01, v5;
	[tilespmem:s29+$0x460] =	vst v3;
	v3 =	vld [tilespmem:s29+$0x470]  }
0x113: {  	v6 =	vmul.f32 $3.200000000e+01, v6;
	[tilespmem:s29+$0x450] =	vst v4  }
0x114: {  	v4 =	vmul.f32 $3.200000000e+01, v7;
	[tilespmem:s29+$0x440] =	vst v5  }
0x115: {  	[tilespmem:s29+$0x420] =	vst v6;
	v5 =	vmul.f32 $3.200000000e+01, v8  }
0x116: {  	[tilespmem:s29+$0x400] =	vst v4;
	v4 =	vmul.f32 $3.200000000e+01, v63  }
0x117: {  	[tilespmem:s29+$0x430] =	vst v5;
	v3 =	vmul.f32 $3.200000000e+01, v3  }
0x118: {  	[tilespmem:s29+$0x410] =	vst v4  }
0x119: {  	[tilespmem:s29+$0x470] =	vst v3  }
0x11a: {  	v5 =	vld [tilespmem:s19+$0x5420]  }
0x11b: {  	v6 =	vld [tilespmem:s19+$0x5410]  }
0x11c: {  	v4 =	vld [tilespmem:s19+$0x5430]  }
0x11d: {  	s25 =	simm.s32 $0x400;
	s21 =	sor.u32 s20, s20;
	v3 =	vld [tilespmem:s19+$0x5400]  }
.LBB2_5:
0x11e: {  	p0 =	sne.s32 s25, $0x3C00  }
0x11f: {  	v7 =	vld [tilespmem:s19+$0x5440];
	s20 =	sadd.s32 $0x80, s20;
	s28 =	smov.u32 s25;
	s25 =	sadd.s32 $0x400, s25  }
0x120: {  	s29 =	sor.u32 s28, s20;
	v8 =	vld [tilespmem:s19+$0x5450]  }
0x121: {  	v6 =	vmul.f32 $3.200000000e+01, v6;
	v9 =	vld [tilespmem:s19+$0x5460]  }
0x122: {  	v5 =	vmul.f32 $3.200000000e+01, v5;
	v10 =	vld [tilespmem:s19+$0x5470]  }
0x123: {  	v4 =	vmul.f32 $3.200000000e+01, v4;
	v3 =	vmul.f32 $3.200000000e+01, v3;
	[tilespmem:s19+$0x5410] =	vst v6  }
0x124: {  	[tilespmem:s19+$0x5420] =	vst v5;
	v5 =	vmul.f32 $3.200000000e+01, v7  }
0x125: {  	[tilespmem:s19+$0x5430] =	vst v4;
	v4 =	vmul.f32 $3.200000000e+01, v8  }
0x126: {  	[tilespmem:s19+$0x5440] =	vst v5;
	v5 =	vmul.f32 $3.200000000e+01, v9  }
0x127: {  	[tilespmem:s19+$0x5450] =	vst v4;
	v4 =	vmul.f32 $3.200000000e+01, v10  }
0x128: {  	[tilespmem:s19+$0x5460] =	vst v5  }
0x129: {  	[tilespmem:s19+$0x5470] =	vst v4  }
0x12a: {  	s26 =	sor.u32 $0x5400, s26;
	[tilespmem:s19+$0x5400] =	vst v3  }
0x12b: {  	v3 =	vld [tilespmem:s26+$0x440]  }
0x12c: {  	v4 =	vld [tilespmem:s26+$0x410]  }
0x12d: {  	v5 =	vld [tilespmem:s26+$0x420]  }
0x12e: {  	v6 =	vld [tilespmem:s26+$0x430]  }
0x12f: {  	v7 =	vld [tilespmem:s26+$0x400]  }
0x130: {  	v8 =	vld [tilespmem:s26+$0x450]  }
0x131: {  	v4 =	vmul.f32 $3.200000000e+01, v4;
	v9 =	vld [tilespmem:s26+$0x460]  }
0x132: {  	v5 =	vmul.f32 $3.200000000e+01, v5;
	v10 =	vld [tilespmem:s26+$0x470]  }
0x133: {  	[tilespmem:s26+$0x410] =	vst v4;
	v4 =	vmul.f32 $3.200000000e+01, v6  }
0x134: {  	v3 =	vmul.f32 $3.200000000e+01, v3;
	v6 =	vmul.f32 $3.200000000e+01, v7;
	[tilespmem:s26+$0x420] =	vst v5  }
0x135: {  	[tilespmem:s26+$0x430] =	vst v4;
	v4 =	vmul.f32 $3.200000000e+01, v8  }
0x136: {  	[tilespmem:s26+$0x440] =	vst v3;
	v3 =	vmul.f32 $3.200000000e+01, v9  }
0x137: {  	[tilespmem:s26+$0x450] =	vst v4;
	v4 =	vmul.f32 $3.200000000e+01, v10  }
0x138: {  	[tilespmem:s26+$0x460] =	vst v3  }
0x139: {  	[tilespmem:s26+$0x470] =	vst v4  }
0x13a: {  	[tilespmem:s26+$0x400] =	vst v6;
	v3 =	vld [tilespmem:s19+$0x5C40]  }
0x13b: {  	v4 =	vld [tilespmem:s19+$0x5C30]  }
0x13c: {  	v5 =	vld [tilespmem:s19+$0x5C10]  }
0x13d: {  	v6 =	vld [tilespmem:s19+$0x5C20]  }
0x13e: {  	v7 =	vld [tilespmem:s19+$0x5C00]  }
0x13f: {  	v3 =	vmul.f32 $3.200000000e+01, v3;
	v8 =	vld [tilespmem:s19+$0x5C50]  }
0x140: {  	v9 =	vld [tilespmem:s19+$0x5C70]  }
0x141: {  	v5 =	vmul.f32 $3.200000000e+01, v5;
	[tilespmem:s19+$0x5C40] =	vst v3;
	v3 =	vld [tilespmem:s19+$0x5C60]  }
0x142: {  	v6 =	vmul.f32 $3.200000000e+01, v6  }
0x143: {  	v4 =	vmul.f32 $3.200000000e+01, v4;
	[tilespmem:s19+$0x5C10] =	vst v5  }
0x144: {  	[tilespmem:s19+$0x5C20] =	vst v6;
	v5 =	vmul.f32 $3.200000000e+01, v8  }
0x145: {  	v6 =	vmul.f32 $3.200000000e+01, v7;
	[tilespmem:s19+$0x5C30] =	vst v4  }
0x146: {  	[tilespmem:s19+$0x5C50] =	vst v5;
	v3 =	vmul.f32 $3.200000000e+01, v3  }
0x147: {  	v4 =	vmul.f32 $3.200000000e+01, v9;
	[tilespmem:s19+$0x5C00] =	vst v6  }
0x148: {  	[tilespmem:s19+$0x5C60] =	vst v3  }
0x149: {  	s26 =	sor.u32 $0x5C00, s21;
	s21 =	smov.u32 s29;
	[tilespmem:s19+$0x5C70] =	vst v4  }
0x14a: {  	v3 =	vld [tilespmem:s26+$0x400]  }
0x14b: {  	v4 =	vld [tilespmem:s26+$0x410]  }
0x14c: {  	v5 =	vld [tilespmem:s26+$0x420]  }
0x14d: {  	v6 =	vld [tilespmem:s26+$0x430]  }
0x14e: {  	v7 =	vld [tilespmem:s26+$0x440]  }
0x14f: {  	v3 =	vmul.f32 $3.200000000e+01, v3;
	v8 =	vld [tilespmem:s26+$0x450]  }
0x150: {  	v4 =	vmul.f32 $3.200000000e+01, v4;
	v9 =	vld [tilespmem:s26+$0x460]  }
0x151: {  	[tilespmem:s26+$0x400] =	vst v3;
	v3 =	vmul.f32 $3.200000000e+01, v5;
	v5 =	vld [tilespmem:s26+$0x470]  }
0x152: {  	[tilespmem:s26+$0x410] =	vst v4;
	v4 =	vmul.f32 $3.200000000e+01, v6  }
0x153: {  	[tilespmem:s26+$0x420] =	vst v3;
	v3 =	vmul.f32 $3.200000000e+01, v7  }
0x154: {  	[tilespmem:s26+$0x430] =	vst v4;
	v4 =	vmul.f32 $3.200000000e+01, v8  }
0x155: {  	[tilespmem:s26+$0x440] =	vst v3;
	v3 =	vmul.f32 $3.200000000e+01, v9  }
0x156: {  	[tilespmem:s26+$0x450] =	vst v4;
	v4 =	vmul.f32 $3.200000000e+01, v5  }
0x157: {  	s29 =	sand.u32 $0x380, s20;
	s19 =	sand.u32 $0x2000, s28;
	[tilespmem:s26+$0x460] =	vst v3  }
0x158: {  	s19 =	sor.u32 s29, s19;
	[tilespmem:s26+$0x470] =	vst v4  }
0x159: {  	v3 =	vld [tilespmem:s19+$0x4470]  }
0x15a: {  	v4 =	vld [tilespmem:s19+$0x4420]  }
0x15b: {  	v5 =	vld [tilespmem:s19+$0x4440]  }
0x15c: {  	v6 =	vld [tilespmem:s19+$0x4430]  }
0x15d: {  	v7 =	vld [tilespmem:s19+$0x4450]  }
0x15e: {  	v8 =	vld [tilespmem:s19+$0x4410];
	v3 =	vmul.f32 $3.200000000e+01, v3  }
0x15f: {  	v9 =	vld [tilespmem:s19+$0x4400];
	v4 =	vmul.f32 $3.200000000e+01, v4  }
0x160: {  	v5 =	vmul.f32 $3.200000000e+01, v5;
	v10 =	vld [tilespmem:s19+$0x4460];
	[tilespmem:s19+$0x4470] =	vst v3  }
0x161: {  	[tilespmem:s19+$0x4420] =	vst v4;
	v3 =	vmul.f32 $3.200000000e+01, v6  }
0x162: {  	[tilespmem:s19+$0x4440] =	vst v5;
	v4 =	vmul.f32 $3.200000000e+01, v7  }
0x163: {  	v5 =	vmul.f32 $3.200000000e+01, v8;
	[tilespmem:s19+$0x4430] =	vst v3  }
0x164: {  	v3 =	vmul.f32 $3.200000000e+01, v9;
	[tilespmem:s19+$0x4450] =	vst v4  }
0x165: {  	s26 =	sand.u32 $0xFFFFE000, s28;
	[tilespmem:s19+$0x4410] =	vst v5;
	v4 =	vmul.f32 $3.200000000e+01, v10  }
0x166: {  	s26 =	sadd.s32 s26, s20;
	[tilespmem:s19+$0x4400] =	vst v3  }
0x167: {  	s28 =	sor.u32 $0x4400, s26;
	[tilespmem:s19+$0x4460] =	vst v4  }
0x168: {  	v3 =	vld [tilespmem:s28+$0x470]  }
0x169: {  	v4 =	vld [tilespmem:s28+$0x460]  }
0x16a: {  	v5 =	vld [tilespmem:s28+$0x450]  }
0x16b: {  	v6 =	vld [tilespmem:s28+$0x430]  }
0x16c: {  	v7 =	vld [tilespmem:s28+$0x440]  }
0x16d: {  	v8 =	vld [tilespmem:s28+$0x420];
	v3 =	vmul.f32 $3.200000000e+01, v3  }
0x16e: {  	v9 =	vld [tilespmem:s28+$0x410];
	v4 =	vmul.f32 $3.200000000e+01, v4  }
0x16f: {  	v10 =	vld [tilespmem:s28+$0x400];
	v5 =	vmul.f32 $3.200000000e+01, v5;
	[tilespmem:s28+$0x470] =	vst v3  }
0x170: {  	v3 =	vmul.f32 $3.200000000e+01, v6;
	[tilespmem:s28+$0x460] =	vst v4  }
0x171: {  	v4 =	vmul.f32 $3.200000000e+01, v7;
	[tilespmem:s28+$0x450] =	vst v5  }
0x172: {  	v5 =	vmul.f32 $3.200000000e+01, v8;
	[tilespmem:s28+$0x430] =	vst v3  }
0x173: {  	v3 =	vmul.f32 $3.200000000e+01, v9;
	[tilespmem:s28+$0x440] =	vst v4  }
0x174: {  	v4 =	vmul.f32 $3.200000000e+01, v10;
	[tilespmem:s28+$0x420] =	vst v5  }
0x175: {  	[tilespmem:s28+$0x410] =	vst v3  }
0x176: {  	[tilespmem:s28+$0x400] =	vst v4;
	v3 =	vld [tilespmem:s19+$0x4C40]  }
0x177: {  	v4 =	vld [tilespmem:s19+$0x4C70]  }
0x178: {  	v5 =	vld [tilespmem:s19+$0x4C60]  }
0x179: {  	v6 =	vld [tilespmem:s19+$0x4C50]  }
0x17a: {  	v7 =	vld [tilespmem:s19+$0x4C10]  }
0x17b: {  	v8 =	vld [tilespmem:s19+$0x4C30];
	v3 =	vmul.f32 $3.200000000e+01, v3  }
0x17c: {  	v9 =	vld [tilespmem:s19+$0x4C00];
	v4 =	vmul.f32 $3.200000000e+01, v4  }
0x17d: {  	v10 =	vld [tilespmem:s19+$0x4C20];
	[tilespmem:s19+$0x4C40] =	vst v3;
	v3 =	vmul.f32 $3.200000000e+01, v5  }
0x17e: {  	v5 =	vmul.f32 $3.200000000e+01, v6;
	[tilespmem:s19+$0x4C70] =	vst v4  }
0x17f: {  	v4 =	vmul.f32 $3.200000000e+01, v7;
	[tilespmem:s19+$0x4C60] =	vst v3  }
0x180: {  	v3 =	vmul.f32 $3.200000000e+01, v8;
	[tilespmem:s19+$0x4C50] =	vst v5  }
0x181: {  	v5 =	vmul.f32 $3.200000000e+01, v9;
	[tilespmem:s19+$0x4C10] =	vst v4  }
0x182: {  	v4 =	vmul.f32 $3.200000000e+01, v10;
	[tilespmem:s19+$0x4C30] =	vst v3  }
0x183: {  	[tilespmem:s19+$0x4C00] =	vst v5  }
0x184: {  	s28 =	sor.u32 $0x4C00, s26;
	[tilespmem:s19+$0x4C20] =	vst v4  }
0x185: {  	v3 =	vld [tilespmem:s28+$0x460]  }
0x186: {  	v4 =	vld [tilespmem:s28+$0x450]  }
0x187: {  	v5 =	vld [tilespmem:s28+$0x440]  }
0x188: {  	v6 =	vld [tilespmem:s28+$0x420]  }
0x189: {  	v7 =	vld [tilespmem:s28+$0x400]  }
0x18a: {  	v8 =	vld [tilespmem:s28+$0x430];
	v3 =	vmul.f32 $3.200000000e+01, v3  }
0x18b: {  	v9 =	vld [tilespmem:s28+$0x410];
	v4 =	vmul.f32 $3.200000000e+01, v4  }
0x18c: {  	v5 =	vmul.f32 $3.200000000e+01, v5;
	[tilespmem:s28+$0x460] =	vst v3;
	v3 =	vld [tilespmem:s28+$0x470]  }
0x18d: {  	v6 =	vmul.f32 $3.200000000e+01, v6;
	[tilespmem:s28+$0x450] =	vst v4  }
0x18e: {  	v4 =	vmul.f32 $3.200000000e+01, v7;
	[tilespmem:s28+$0x440] =	vst v5  }
0x18f: {  	[tilespmem:s28+$0x420] =	vst v6;
	v5 =	vmul.f32 $3.200000000e+01, v8  }
0x190: {  	[tilespmem:s28+$0x400] =	vst v4;
	v4 =	vmul.f32 $3.200000000e+01, v9  }
0x191: {  	[tilespmem:s28+$0x430] =	vst v5;
	v3 =	vmul.f32 $3.200000000e+01, v3  }
0x192: {  	[tilespmem:s28+$0x410] =	vst v4  }
.Ltmp1:
0x193: {  	[tilespmem:s28+$0x470] =	vst v3;
	(pc) =	sbr.rel @p0 .LBB2_5-.Ltmp1, $4  }
0x194: {  	v5 =	vld [tilespmem:s19+$0x5420]  }
0x195: {  	v6 =	vld [tilespmem:s19+$0x5410]  }
0x196: {  	v4 =	vld [tilespmem:s19+$0x5430]  }
0x197: {  	v3 =	vld [tilespmem:s19+$0x5400]  }
0x198: {  	v7 =	vld [tilespmem:s19+$0x5440]  }
0x199: {  	v8 =	vld [tilespmem:s19+$0x5450];
	v5 =	vmul.f32 $3.200000000e+01, v5  }
0x19a: {  	v9 =	vld [tilespmem:s19+$0x5460];
	v6 =	vmul.f32 $3.200000000e+01, v6  }
0x19b: {  	v10 =	vld [tilespmem:s19+$0x5470];
	v4 =	vmul.f32 $3.200000000e+01, v4;
	[tilespmem:s19+$0x5420] =	vst v5  }
0x19c: {  	[tilespmem:s19+$0x5410] =	vst v6;
	v3 =	vmul.f32 $3.200000000e+01, v3  }
0x19d: {  	v5 =	vmul.f32 $3.200000000e+01, v7;
	[tilespmem:s19+$0x5430] =	vst v4  }
0x19e: {  	v4 =	vmul.f32 $3.200000000e+01, v8;
	[tilespmem:s19+$0x5400] =	vst v3  }
0x19f: {  	[tilespmem:s19+$0x5440] =	vst v5;
	v5 =	vmul.f32 $3.200000000e+01, v9  }
0x1a0: {  	[tilespmem:s19+$0x5450] =	vst v4;
	v4 =	vmul.f32 $3.200000000e+01, v10  }
0x1a1: {  	[tilespmem:s19+$0x5460] =	vst v5  }
0x1a2: {  	s20 =	sor.u32 $0x5400, s26;
	[tilespmem:s19+$0x5470] =	vst v4  }
0x1a3: {  	v3 =	vld [tilespmem:s20+$0x410]  }
0x1a4: {  	v4 =	vld [tilespmem:s20+$0x420]  }
0x1a5: {  	v5 =	vld [tilespmem:s20+$0x430]  }
0x1a6: {  	v6 =	vld [tilespmem:s20+$0x440]  }
0x1a7: {  	v7 =	vld [tilespmem:s20+$0x450]  }
0x1a8: {  	v8 =	vld [tilespmem:s20+$0x460];
	v3 =	vmul.f32 $3.200000000e+01, v3  }
0x1a9: {  	v54 =	vld [tilespmem:s20+$0x470];
	v4 =	vmul.f32 $3.200000000e+01, v4  }
0x1aa: {  	[tilespmem:s20+$0x410] =	vst v3;
	v3 =	vmul.f32 $3.200000000e+01, v5;
	v5 =	vld [tilespmem:s20+$0x400]  }
0x1ab: {  	[tilespmem:s20+$0x420] =	vst v4;
	v4 =	vmul.f32 $3.200000000e+01, v6  }
0x1ac: {  	[tilespmem:s20+$0x430] =	vst v3;
	v3 =	vmul.f32 $3.200000000e+01, v7  }
0x1ad: {  	[tilespmem:s20+$0x440] =	vst v4;
	v4 =	vmul.f32 $3.200000000e+01, v8  }
0x1ae: {  	[tilespmem:s20+$0x450] =	vst v3;
	v3 =	vmul.f32 $3.200000000e+01, v54  }
0x1af: {  	[tilespmem:s20+$0x460] =	vst v4;
	v4 =	vmul.f32 $3.200000000e+01, v5  }
0x1b0: {  	[tilespmem:s20+$0x470] =	vst v3  }
0x1b1: {  	v3 =	vld [tilespmem:s19+$0x5C40];
	[tilespmem:s20+$0x400] =	vst v4  }
0x1b2: {  	v4 =	vld [tilespmem:s19+$0x5C30]  }
0x1b3: {  	v6 =	vld [tilespmem:s19+$0x5C20]  }
0x1b4: {  	v5 =	vld [tilespmem:s19+$0x5C10]  }
0x1b5: {  	v55 =	vld [tilespmem:s19+$0x5C00]  }
0x1b6: {  	v7 =	vld [tilespmem:s19+$0x5C50]  }
0x1b7: {  	v3 =	vmul.f32 $3.200000000e+01, v3  }
0x1b8: {  	v8 =	vld [tilespmem:s19+$0x5C70];
	v6 =	vmul.f32 $3.200000000e+01, v6  }
0x1b9: {  	[tilespmem:s19+$0x5C40] =	vst v3;
	v3 =	vmul.f32 $3.200000000e+01, v5;
	v5 =	vld [tilespmem:s19+$0x5C60]  }
0x1ba: {  	[tilespmem:s19+$0x5C20] =	vst v6;
	v6 =	vmul.f32 $3.200000000e+01, v55  }
0x1bb: {  	[tilespmem:s19+$0x5C10] =	vst v3;
	v3 =	vmul.f32 $3.200000000e+01, v4;
	v4 =	vmul.f32 $3.200000000e+01, v7  }
0x1bc: {  	[tilespmem:s19+$0x5C00] =	vst v6  }
0x1bd: {  	[tilespmem:s19+$0x5C50] =	vst v4;
	v4 =	vmul.f32 $3.200000000e+01, v8  }
0x1be: {  	[tilespmem:s19+$0x5C30] =	vst v3;
	v3 =	vmul.f32 $3.200000000e+01, v5  }
0x1bf: {  	[tilespmem:s19+$0x5C70] =	vst v4  }
0x1c0: {  	s21 =	sor.u32 $0x5C00, s21;
	[tilespmem:s19+$0x5C60] =	vst v3  }
0x1c1: {  	v3 =	vld [tilespmem:s21+$0x400]  }
0x1c2: {  	v4 =	vld [tilespmem:s21+$0x410]  }
0x1c3: {  	v5 =	vld [tilespmem:s21+$0x420]  }
0x1c4: {  	v6 =	vld [tilespmem:s21+$0x430]  }
0x1c5: {  	v7 =	vld [tilespmem:s21+$0x440]  }
0x1c6: {  	v8 =	vld [tilespmem:s21+$0x450];
	v3 =	vmul.f32 $3.200000000e+01, v3  }
0x1c7: {  	v56 =	vld [tilespmem:s21+$0x460];
	v4 =	vmul.f32 $3.200000000e+01, v4  }
0x1c8: {  	[tilespmem:s21+$0x400] =	vst v3;
	v3 =	vmul.f32 $3.200000000e+01, v5;
	v5 =	vld [tilespmem:s21+$0x470]  }
0x1c9: {  	[tilespmem:s21+$0x410] =	vst v4;
	v4 =	vmul.f32 $3.200000000e+01, v6  }
0x1ca: {  	s18 =	sadd.s32 s18, s5;
	[tilespmem:s21+$0x420] =	vst v3;
	v3 =	vmul.f32 $3.200000000e+01, v7  }
0x1cb: {  	s18 =	sshll.u32 s18, $0xA;
	[tilespmem:s21+$0x430] =	vst v4;
	v4 =	vmul.f32 $3.200000000e+01, v8  }
0x1cc: {  	s18 =	sadd.s32 s8, s18;
	[tilespmem:s21+$0x440] =	vst v3;
	v3 =	vmul.f32 $3.200000000e+01, v56  }
0x1cd: {  	s18 =	sadd.s32 $0x4000, s18;
	[tilespmem:s21+$0x450] =	vst v4;
	v4 =	vmul.f32 $3.200000000e+01, v5  }
0x1ce: {  	s18 =	sshrl.u32 s18, $0x3;
	[tilespmem:s21+$0x460] =	vst v3  }
0x1cf: {  	p0 =	seq.s32 s13, $0xF;
	s18 =	sadd.s32 s3, s18;
	[tilespmem:s21+$0x470] =	vst v4  }
0x1d0: {  	[hbm4b:s18+s4] =	stream.linear.scatter [tilespmem:s24], [sflag:$0x6], $0x4000, $0x38;
	[tilespmem:$0x10400] =	vst v63  }
0x1d1: {  	s18 =	simm.s32 @!p0 $0x5  }
0x1d2: {  	_ =	swait.ge @!p0 [sflag:s18], $0x4000  }
0x1d3: {  	s19 =	sshll.u32 @!p0 s13, $0x6;
	[sflag:s18] =	ssyncset.done @!p0 $0x0  }
0x1d4: {  	[sflag:s18] =	ssyncadd.s32 @!p0 $0xFFFFC000;
	s18 =	sand.u32 @!p0 $0x3FFFFFC0, s19  }
0x1d5: {  	v3 =	vld @!p0 [tilespmem:s18+$0x40];
	_ =	sdelay $0x4  }
0x1d6: {  	v4 =	vshll.u32 @!p0 v3, $0x3  }
0x1d7: {  	v5 =	vlaneseq.u32 @!p0;
	v3 =	vand.u32 @!p0 $0x7, v3;
	v4 =	vand.u32 @!p0 $0xFFFFFFC0, v4  }
0x1d8: {  	v6 =	vshrl.u32 @!p0 v5, $0x3;
	v3 =	vor.u32 @!p0 v3, v4;
	v4 =	vand.u32 @!p0 $0x7, v5  }
0x1d9: {  	v6 =	vmul.u32 @!p0 $0x8, v6;
	v4 =	vperm.xlane @!p0 v3, v4;
	_ =	sdelay $0x1  }
0x1da: {  	v4 =	vadd.s32 @!p0 v6, v4;
	_ =	sdelay $0x3  }
0x1db: {  	vm1 =	vmmov @!p0 $0xffff;
	s20 =	simm.s32 @!p0 $0x400;
	s19 =	simm.s32 @!p0 $0x0  }
0x1dc: {  	v5 =	vor.u32 @!p0 $0x8, v5;
	[tilespmem:s20], [sflag:$0x1] =	stream.indirect_vreg.gather @!p0 [hbm4b:s1+s19], $0x80, v4, vm1, $0xb8;
	[tilespmem:$0x10400] =	vst v63  }
0x1dd: {  	v3 =	vperm.xlane @!p0 v3, v5;
	s20 =	simm.s32 @!p0 $0xC00  }
0x1de: {  	[tilespmem:s20], [sflag:$0x1] =	stream.indirect_vreg.gather @!p0 [hbm4b:s7+s19], $0x80, v4, vm1, $0xb8;
	[tilespmem:$0x10400] =	vst v63  }
0x1df: {  	v3 =	vadd.s32 @!p0 v6, v3;
	s20 =	simm.s32 @!p0 $0x1400  }
0x1e0: {  	[tilespmem:s20], [sflag:$0x1] =	stream.indirect_vreg.gather @!p0 [hbm4b:s9+s19], $0x80, v4, vm1, $0xb8;
	[tilespmem:$0x10400] =	vst v63  }
0x1e1: {  	s20 =	simm.s32 @!p0 $0x1C00  }
0x1e2: {  	[tilespmem:s20], [sflag:$0x1] =	stream.indirect_vreg.gather @!p0 [hbm4b:s10+s19], $0x80, v4, vm1, $0xb8;
	[tilespmem:$0x10400] =	vst v63  }
0x1e3: {  	s20 =	simm.s32 @!p0 $0x2400  }
0x1e4: {  	[tilespmem:s20], [sflag:$0x1] =	stream.indirect_vreg.gather @!p0 [hbm4b:s1+s19], $0x80, v3, vm1, $0xb8;
	[tilespmem:$0x10400] =	vst v63  }
0x1e5: {  	s20 =	simm.s32 @!p0 $0x2C00  }
0x1e6: {  	[tilespmem:s20], [sflag:$0x1] =	stream.indirect_vreg.gather @!p0 [hbm4b:s7+s19], $0x80, v3, vm1, $0xb8;
	[tilespmem:$0x10400] =	vst v63  }
0x1e7: {  	s20 =	simm.s32 @!p0 $0x3400  }
0x1e8: {  	[tilespmem:s20], [sflag:$0x1] =	stream.indirect_vreg.gather @!p0 [hbm4b:s9+s19], $0x80, v3, vm1, $0xb8;
	[tilespmem:$0x10400] =	vst v63  }
0x1e9: {  	s20 =	simm.s32 @!p0 $0x3C00  }
0x1ea: {  	[tilespmem:s20], [sflag:$0x1] =	stream.indirect_vreg.gather @!p0 [hbm4b:s10+s19], $0x80, v3, vm1, $0xb8;
	[tilespmem:$0x10400] =	vst v63  }
0x1eb: {  	s20 =	simm.s32 $0x0;
	_ =	swait.ge [sflag:s12], $0x4000  }
0x1ec: {  	s25 =	sand.u32 $0x2000, s20;
	s26 =	sand.u32 $0x380, s20;
	[sflag:s12] =	ssyncset.done $0x0  }
0x1ed: {  	s19 =	sor.u32 s26, s25;
	[sflag:s12] =	ssyncadd.s32 $0xFFFFC000  }
0x1ee: {  	v3 =	vld [tilespmem:s19+$0x8470]  }
0x1ef: {  	v4 =	vld [tilespmem:s19+$0x8420]  }
0x1f0: {  	v5 =	vld [tilespmem:s19+$0x8440]  }
0x1f1: {  	v6 =	vld [tilespmem:s19+$0x8430]  }
0x1f2: {  	v7 =	vld [tilespmem:s19+$0x8450]  }
0x1f3: {  	v8 =	vld [tilespmem:s19+$0x8410];
	v3 =	vmul.f32 $3.200000000e+01, v3  }
0x1f4: {  	v57 =	vld [tilespmem:s19+$0x8400];
	v4 =	vmul.f32 $3.200000000e+01, v4  }
0x1f5: {  	v58 =	vld [tilespmem:s19+$0x8460];
	v5 =	vmul.f32 $3.200000000e+01, v5;
	[tilespmem:s19+$0x8470] =	vst v3  }
0x1f6: {  	[tilespmem:s19+$0x8420] =	vst v4;
	v3 =	vmul.f32 $3.200000000e+01, v6  }
0x1f7: {  	[tilespmem:s19+$0x8440] =	vst v5;
	v4 =	vmul.f32 $3.200000000e+01, v7  }
0x1f8: {  	v5 =	vmul.f32 $3.200000000e+01, v8;
	[tilespmem:s19+$0x8430] =	vst v3  }
0x1f9: {  	v3 =	vmul.f32 $3.200000000e+01, v57;
	[tilespmem:s19+$0x8450] =	vst v4  }
0x1fa: {  	s28 =	sand.u32 $0xFFFFE000, s20;
	[tilespmem:s19+$0x8410] =	vst v5;
	v4 =	vmul.f32 $3.200000000e+01, v58  }
0x1fb: {  	s26 =	sadd.s32 $0x0, s28;
	[tilespmem:s19+$0x8400] =	vst v3  }
0x1fc: {  	s21 =	sor.u32 $0x8400, s26;
	[tilespmem:s19+$0x8460] =	vst v4  }
0x1fd: {  	v3 =	vld [tilespmem:s21+$0x470]  }
0x1fe: {  	v4 =	vld [tilespmem:s21+$0x460]  }
0x1ff: {  	v5 =	vld [tilespmem:s21+$0x450]  }
0x200: {  	v6 =	vld [tilespmem:s21+$0x430]  }
0x201: {  	v7 =	vld [tilespmem:s21+$0x440]  }
0x202: {  	v8 =	vld [tilespmem:s21+$0x420];
	v3 =	vmul.f32 $3.200000000e+01, v3  }
0x203: {  	v59 =	vld [tilespmem:s21+$0x410];
	v4 =	vmul.f32 $3.200000000e+01, v4  }
0x204: {  	v60 =	vld [tilespmem:s21+$0x400];
	v5 =	vmul.f32 $3.200000000e+01, v5;
	[tilespmem:s21+$0x470] =	vst v3  }
0x205: {  	v3 =	vmul.f32 $3.200000000e+01, v6;
	[tilespmem:s21+$0x460] =	vst v4  }
0x206: {  	v4 =	vmul.f32 $3.200000000e+01, v7;
	[tilespmem:s21+$0x450] =	vst v5  }
0x207: {  	v5 =	vmul.f32 $3.200000000e+01, v8;
	[tilespmem:s21+$0x430] =	vst v3  }
0x208: {  	v3 =	vmul.f32 $3.200000000e+01, v59;
	[tilespmem:s21+$0x440] =	vst v4  }
0x209: {  	v4 =	vmul.f32 $3.200000000e+01, v60;
	[tilespmem:s21+$0x420] =	vst v5  }
0x20a: {  	[tilespmem:s21+$0x410] =	vst v3  }
0x20b: {  	[tilespmem:s21+$0x400] =	vst v4;
	v3 =	vld [tilespmem:s19+$0x8C40]  }
0x20c: {  	v4 =	vld [tilespmem:s19+$0x8C70]  }
0x20d: {  	v5 =	vld [tilespmem:s19+$0x8C60]  }
0x20e: {  	v6 =	vld [tilespmem:s19+$0x8C50]  }
0x20f: {  	v7 =	vld [tilespmem:s19+$0x8C10]  }
0x210: {  	v8 =	vld [tilespmem:s19+$0x8C30];
	v3 =	vmul.f32 $3.200000000e+01, v3  }
0x211: {  	v61 =	vld [tilespmem:s19+$0x8C00];
	v4 =	vmul.f32 $3.200000000e+01, v4  }
0x212: {  	v62 =	vld [tilespmem:s19+$0x8C20];
	[tilespmem:s19+$0x8C40] =	vst v3;
	v3 =	vmul.f32 $3.200000000e+01, v5  }
0x213: {  	v5 =	vmul.f32 $3.200000000e+01, v6;
	[tilespmem:s19+$0x8C70] =	vst v4  }
0x214: {  	v4 =	vmul.f32 $3.200000000e+01, v7;
	[tilespmem:s19+$0x8C60] =	vst v3  }
0x215: {  	v3 =	vmul.f32 $3.200000000e+01, v8;
	[tilespmem:s19+$0x8C50] =	vst v5  }
0x216: {  	v5 =	vmul.f32 $3.200000000e+01, v61;
	[tilespmem:s19+$0x8C10] =	vst v4  }
0x217: {  	v4 =	vmul.f32 $3.200000000e+01, v62;
	[tilespmem:s19+$0x8C30] =	vst v3  }
0x218: {  	[tilespmem:s19+$0x8C00] =	vst v5  }
0x219: {  	s29 =	sor.u32 $0x8C00, s26;
	[tilespmem:s19+$0x8C20] =	vst v4  }
0x21a: {  	v3 =	vld [tilespmem:s29+$0x460]  }
0x21b: {  	v4 =	vld [tilespmem:s29+$0x450]  }
0x21c: {  	v5 =	vld [tilespmem:s29+$0x440]  }
0x21d: {  	v6 =	vld [tilespmem:s29+$0x420]  }
0x21e: {  	v7 =	vld [tilespmem:s29+$0x400]  }
0x21f: {  	v8 =	vld [tilespmem:s29+$0x430];
	v3 =	vmul.f32 $3.200000000e+01, v3  }
0x220: {  	v63 =	vld [tilespmem:s29+$0x410];
	v4 =	vmul.f32 $3.200000000e+01, v4  }
0x221: {  	v5 =	vmul.f32 $3.200000000e+01, v5;
	[tilespmem:s29+$0x460] =	vst v3;
	v3 =	vld [tilespmem:s29+$0x470]  }
0x222: {  	v6 =	vmul.f32 $3.200000000e+01, v6;
	[tilespmem:s29+$0x450] =	vst v4  }
0x223: {  	v4 =	vmul.f32 $3.200000000e+01, v7;
	[tilespmem:s29+$0x440] =	vst v5  }
0x224: {  	[tilespmem:s29+$0x420] =	vst v6;
	v5 =	vmul.f32 $3.200000000e+01, v8  }
0x225: {  	[tilespmem:s29+$0x400] =	vst v4;
	v4 =	vmul.f32 $3.200000000e+01, v63  }
0x226: {  	[tilespmem:s29+$0x430] =	vst v5;
	v3 =	vmul.f32 $3.200000000e+01, v3  }
0x227: {  	[tilespmem:s29+$0x410] =	vst v4  }
0x228: {  	[tilespmem:s29+$0x470] =	vst v3  }
0x229: {  	v5 =	vld [tilespmem:s19+$0x9420]  }
0x22a: {  	v6 =	vld [tilespmem:s19+$0x9410]  }
0x22b: {  	v4 =	vld [tilespmem:s19+$0x9430]  }
0x22c: {  	s25 =	simm.s32 $0x400;
	s21 =	sor.u32 s20, s20;
	v3 =	vld [tilespmem:s19+$0x9400]  }
.LBB2_7:
0x22d: {  	p1 =	sne.s32 s25, $0x3C00  }
0x22e: {  	v7 =	vld [tilespmem:s19+$0x9440];
	s20 =	sadd.s32 $0x80, s20;
	s28 =	smov.u32 s25;
	s25 =	sadd.s32 $0x400, s25  }
0x22f: {  	s29 =	sor.u32 s28, s20;
	v8 =	vld [tilespmem:s19+$0x9450]  }
0x230: {  	v6 =	vmul.f32 $3.200000000e+01, v6;
	v9 =	vld [tilespmem:s19+$0x9460]  }
0x231: {  	v5 =	vmul.f32 $3.200000000e+01, v5;
	v10 =	vld [tilespmem:s19+$0x9470]  }
0x232: {  	v4 =	vmul.f32 $3.200000000e+01, v4;
	v3 =	vmul.f32 $3.200000000e+01, v3;
	[tilespmem:s19+$0x9410] =	vst v6  }
0x233: {  	[tilespmem:s19+$0x9420] =	vst v5;
	v5 =	vmul.f32 $3.200000000e+01, v7  }
0x234: {  	[tilespmem:s19+$0x9430] =	vst v4;
	v4 =	vmul.f32 $3.200000000e+01, v8  }
0x235: {  	[tilespmem:s19+$0x9440] =	vst v5;
	v5 =	vmul.f32 $3.200000000e+01, v9  }
0x236: {  	[tilespmem:s19+$0x9450] =	vst v4;
	v4 =	vmul.f32 $3.200000000e+01, v10  }
0x237: {  	[tilespmem:s19+$0x9460] =	vst v5  }
0x238: {  	[tilespmem:s19+$0x9470] =	vst v4  }
0x239: {  	s26 =	sor.u32 $0x9400, s26;
	[tilespmem:s19+$0x9400] =	vst v3  }
0x23a: {  	v3 =	vld [tilespmem:s26+$0x440]  }
0x23b: {  	v4 =	vld [tilespmem:s26+$0x410]  }
0x23c: {  	v5 =	vld [tilespmem:s26+$0x420]  }
0x23d: {  	v6 =	vld [tilespmem:s26+$0x430]  }
0x23e: {  	v7 =	vld [tilespmem:s26+$0x400]  }
0x23f: {  	v8 =	vld [tilespmem:s26+$0x450]  }
0x240: {  	v4 =	vmul.f32 $3.200000000e+01, v4;
	v9 =	vld [tilespmem:s26+$0x460]  }
0x241: {  	v5 =	vmul.f32 $3.200000000e+01, v5;
	v10 =	vld [tilespmem:s26+$0x470]  }
0x242: {  	[tilespmem:s26+$0x410] =	vst v4;
	v4 =	vmul.f32 $3.200000000e+01, v6  }
0x243: {  	v3 =	vmul.f32 $3.200000000e+01, v3;
	v6 =	vmul.f32 $3.200000000e+01, v7;
	[tilespmem:s26+$0x420] =	vst v5  }
0x244: {  	[tilespmem:s26+$0x430] =	vst v4;
	v4 =	vmul.f32 $3.200000000e+01, v8  }
0x245: {  	[tilespmem:s26+$0x440] =	vst v3;
	v3 =	vmul.f32 $3.200000000e+01, v9  }
0x246: {  	[tilespmem:s26+$0x450] =	vst v4;
	v4 =	vmul.f32 $3.200000000e+01, v10  }
0x247: {  	[tilespmem:s26+$0x460] =	vst v3  }
0x248: {  	[tilespmem:s26+$0x470] =	vst v4  }
0x249: {  	[tilespmem:s26+$0x400] =	vst v6;
	v3 =	vld [tilespmem:s19+$0x9C40]  }
0x24a: {  	v4 =	vld [tilespmem:s19+$0x9C30]  }
0x24b: {  	v5 =	vld [tilespmem:s19+$0x9C10]  }
0x24c: {  	v6 =	vld [tilespmem:s19+$0x9C20]  }
0x24d: {  	v7 =	vld [tilespmem:s19+$0x9C00]  }
0x24e: {  	v3 =	vmul.f32 $3.200000000e+01, v3;
	v8 =	vld [tilespmem:s19+$0x9C50]  }
0x24f: {  	v9 =	vld [tilespmem:s19+$0x9C70]  }
0x250: {  	v5 =	vmul.f32 $3.200000000e+01, v5;
	[tilespmem:s19+$0x9C40] =	vst v3;
	v3 =	vld [tilespmem:s19+$0x9C60]  }
0x251: {  	v6 =	vmul.f32 $3.200000000e+01, v6  }
0x252: {  	v4 =	vmul.f32 $3.200000000e+01, v4;
	[tilespmem:s19+$0x9C10] =	vst v5  }
0x253: {  	[tilespmem:s19+$0x9C20] =	vst v6;
	v5 =	vmul.f32 $3.200000000e+01, v8  }
0x254: {  	v6 =	vmul.f32 $3.200000000e+01, v7;
	[tilespmem:s19+$0x9C30] =	vst v4  }
0x255: {  	[tilespmem:s19+$0x9C50] =	vst v5;
	v3 =	vmul.f32 $3.200000000e+01, v3  }
0x256: {  	v4 =	vmul.f32 $3.200000000e+01, v9;
	[tilespmem:s19+$0x9C00] =	vst v6  }
0x257: {  	[tilespmem:s19+$0x9C60] =	vst v3  }
0x258: {  	s26 =	sor.u32 $0x9C00, s21;
	s21 =	smov.u32 s29;
	[tilespmem:s19+$0x9C70] =	vst v4  }
0x259: {  	v3 =	vld [tilespmem:s26+$0x400]  }
0x25a: {  	v4 =	vld [tilespmem:s26+$0x410]  }
0x25b: {  	v5 =	vld [tilespmem:s26+$0x420]  }
0x25c: {  	v6 =	vld [tilespmem:s26+$0x430]  }
0x25d: {  	v7 =	vld [tilespmem:s26+$0x440]  }
0x25e: {  	v3 =	vmul.f32 $3.200000000e+01, v3;
	v8 =	vld [tilespmem:s26+$0x450]  }
0x25f: {  	v4 =	vmul.f32 $3.200000000e+01, v4;
	v9 =	vld [tilespmem:s26+$0x460]  }
0x260: {  	[tilespmem:s26+$0x400] =	vst v3;
	v3 =	vmul.f32 $3.200000000e+01, v5;
	v5 =	vld [tilespmem:s26+$0x470]  }
0x261: {  	[tilespmem:s26+$0x410] =	vst v4;
	v4 =	vmul.f32 $3.200000000e+01, v6  }
0x262: {  	[tilespmem:s26+$0x420] =	vst v3;
	v3 =	vmul.f32 $3.200000000e+01, v7  }
0x263: {  	[tilespmem:s26+$0x430] =	vst v4;
	v4 =	vmul.f32 $3.200000000e+01, v8  }
0x264: {  	[tilespmem:s26+$0x440] =	vst v3;
	v3 =	vmul.f32 $3.200000000e+01, v9  }
0x265: {  	[tilespmem:s26+$0x450] =	vst v4;
	v4 =	vmul.f32 $3.200000000e+01, v5  }
0x266: {  	s29 =	sand.u32 $0x380, s20;
	s19 =	sand.u32 $0x2000, s28;
	[tilespmem:s26+$0x460] =	vst v3  }
0x267: {  	s19 =	sor.u32 s29, s19;
	[tilespmem:s26+$0x470] =	vst v4  }
0x268: {  	v3 =	vld [tilespmem:s19+$0x8470]  }
0x269: {  	v4 =	vld [tilespmem:s19+$0x8420]  }
0x26a: {  	v5 =	vld [tilespmem:s19+$0x8440]  }
0x26b: {  	v6 =	vld [tilespmem:s19+$0x8430]  }
0x26c: {  	v7 =	vld [tilespmem:s19+$0x8450]  }
0x26d: {  	v8 =	vld [tilespmem:s19+$0x8410];
	v3 =	vmul.f32 $3.200000000e+01, v3  }
0x26e: {  	v9 =	vld [tilespmem:s19+$0x8400];
	v4 =	vmul.f32 $3.200000000e+01, v4  }
0x26f: {  	v5 =	vmul.f32 $3.200000000e+01, v5;
	v10 =	vld [tilespmem:s19+$0x8460];
	[tilespmem:s19+$0x8470] =	vst v3  }
0x270: {  	[tilespmem:s19+$0x8420] =	vst v4;
	v3 =	vmul.f32 $3.200000000e+01, v6  }
0x271: {  	[tilespmem:s19+$0x8440] =	vst v5;
	v4 =	vmul.f32 $3.200000000e+01, v7  }
0x272: {  	v5 =	vmul.f32 $3.200000000e+01, v8;
	[tilespmem:s19+$0x8430] =	vst v3  }
0x273: {  	v3 =	vmul.f32 $3.200000000e+01, v9;
	[tilespmem:s19+$0x8450] =	vst v4  }
0x274: {  	s26 =	sand.u32 $0xFFFFE000, s28;
	[tilespmem:s19+$0x8410] =	vst v5;
	v4 =	vmul.f32 $3.200000000e+01, v10  }
0x275: {  	s26 =	sadd.s32 s26, s20;
	[tilespmem:s19+$0x8400] =	vst v3  }
0x276: {  	s28 =	sor.u32 $0x8400, s26;
	[tilespmem:s19+$0x8460] =	vst v4  }
0x277: {  	v3 =	vld [tilespmem:s28+$0x470]  }
0x278: {  	v4 =	vld [tilespmem:s28+$0x460]  }
0x279: {  	v5 =	vld [tilespmem:s28+$0x450]  }
0x27a: {  	v6 =	vld [tilespmem:s28+$0x430]  }
0x27b: {  	v7 =	vld [tilespmem:s28+$0x440]  }
0x27c: {  	v8 =	vld [tilespmem:s28+$0x420];
	v3 =	vmul.f32 $3.200000000e+01, v3  }
0x27d: {  	v9 =	vld [tilespmem:s28+$0x410];
	v4 =	vmul.f32 $3.200000000e+01, v4  }
0x27e: {  	v10 =	vld [tilespmem:s28+$0x400];
	v5 =	vmul.f32 $3.200000000e+01, v5;
	[tilespmem:s28+$0x470] =	vst v3  }
0x27f: {  	v3 =	vmul.f32 $3.200000000e+01, v6;
	[tilespmem:s28+$0x460] =	vst v4  }
0x280: {  	v4 =	vmul.f32 $3.200000000e+01, v7;
	[tilespmem:s28+$0x450] =	vst v5  }
0x281: {  	v5 =	vmul.f32 $3.200000000e+01, v8;
	[tilespmem:s28+$0x430] =	vst v3  }
0x282: {  	v3 =	vmul.f32 $3.200000000e+01, v9;
	[tilespmem:s28+$0x440] =	vst v4  }
0x283: {  	v4 =	vmul.f32 $3.200000000e+01, v10;
	[tilespmem:s28+$0x420] =	vst v5  }
0x284: {  	[tilespmem:s28+$0x410] =	vst v3  }
0x285: {  	[tilespmem:s28+$0x400] =	vst v4;
	v3 =	vld [tilespmem:s19+$0x8C40]  }
0x286: {  	v4 =	vld [tilespmem:s19+$0x8C70]  }
0x287: {  	v5 =	vld [tilespmem:s19+$0x8C60]  }
0x288: {  	v6 =	vld [tilespmem:s19+$0x8C50]  }
0x289: {  	v7 =	vld [tilespmem:s19+$0x8C10]  }
0x28a: {  	v8 =	vld [tilespmem:s19+$0x8C30];
	v3 =	vmul.f32 $3.200000000e+01, v3  }
0x28b: {  	v9 =	vld [tilespmem:s19+$0x8C00];
	v4 =	vmul.f32 $3.200000000e+01, v4  }
0x28c: {  	v10 =	vld [tilespmem:s19+$0x8C20];
	[tilespmem:s19+$0x8C40] =	vst v3;
	v3 =	vmul.f32 $3.200000000e+01, v5  }
0x28d: {  	v5 =	vmul.f32 $3.200000000e+01, v6;
	[tilespmem:s19+$0x8C70] =	vst v4  }
0x28e: {  	v4 =	vmul.f32 $3.200000000e+01, v7;
	[tilespmem:s19+$0x8C60] =	vst v3  }
0x28f: {  	v3 =	vmul.f32 $3.200000000e+01, v8;
	[tilespmem:s19+$0x8C50] =	vst v5  }
0x290: {  	v5 =	vmul.f32 $3.200000000e+01, v9;
	[tilespmem:s19+$0x8C10] =	vst v4  }
0x291: {  	v4 =	vmul.f32 $3.200000000e+01, v10;
	[tilespmem:s19+$0x8C30] =	vst v3  }
0x292: {  	[tilespmem:s19+$0x8C00] =	vst v5  }
0x293: {  	s28 =	sor.u32 $0x8C00, s26;
	[tilespmem:s19+$0x8C20] =	vst v4  }
0x294: {  	v3 =	vld [tilespmem:s28+$0x460]  }
0x295: {  	v4 =	vld [tilespmem:s28+$0x450]  }
0x296: {  	v5 =	vld [tilespmem:s28+$0x440]  }
0x297: {  	v6 =	vld [tilespmem:s28+$0x420]  }
0x298: {  	v7 =	vld [tilespmem:s28+$0x400]  }
0x299: {  	v8 =	vld [tilespmem:s28+$0x430];
	v3 =	vmul.f32 $3.200000000e+01, v3  }
0x29a: {  	v9 =	vld [tilespmem:s28+$0x410];
	v4 =	vmul.f32 $3.200000000e+01, v4  }
0x29b: {  	v5 =	vmul.f32 $3.200000000e+01, v5;
	[tilespmem:s28+$0x460] =	vst v3;
	v3 =	vld [tilespmem:s28+$0x470]  }
0x29c: {  	v6 =	vmul.f32 $3.200000000e+01, v6;
	[tilespmem:s28+$0x450] =	vst v4  }
0x29d: {  	v4 =	vmul.f32 $3.200000000e+01, v7;
	[tilespmem:s28+$0x440] =	vst v5  }
0x29e: {  	[tilespmem:s28+$0x420] =	vst v6;
	v5 =	vmul.f32 $3.200000000e+01, v8  }
0x29f: {  	[tilespmem:s28+$0x400] =	vst v4;
	v4 =	vmul.f32 $3.200000000e+01, v9  }
0x2a0: {  	[tilespmem:s28+$0x430] =	vst v5;
	v3 =	vmul.f32 $3.200000000e+01, v3  }
0x2a1: {  	[tilespmem:s28+$0x410] =	vst v4  }
.Ltmp2:
0x2a2: {  	[tilespmem:s28+$0x470] =	vst v3;
	(pc) =	sbr.rel @p1 .LBB2_7-.Ltmp2, $4  }
0x2a3: {  	v5 =	vld [tilespmem:s19+$0x9420]  }
0x2a4: {  	v6 =	vld [tilespmem:s19+$0x9410]  }
0x2a5: {  	v4 =	vld [tilespmem:s19+$0x9430]  }
0x2a6: {  	v3 =	vld [tilespmem:s19+$0x9400]  }
0x2a7: {  	v7 =	vld [tilespmem:s19+$0x9440]  }
0x2a8: {  	v8 =	vld [tilespmem:s19+$0x9450];
	v5 =	vmul.f32 $3.200000000e+01, v5  }
0x2a9: {  	v9 =	vld [tilespmem:s19+$0x9460];
	v6 =	vmul.f32 $3.200000000e+01, v6  }
0x2aa: {  	v10 =	vld [tilespmem:s19+$0x9470];
	v4 =	vmul.f32 $3.200000000e+01, v4;
	[tilespmem:s19+$0x9420] =	vst v5  }
0x2ab: {  	[tilespmem:s19+$0x9410] =	vst v6;
	v3 =	vmul.f32 $3.200000000e+01, v3  }
0x2ac: {  	v5 =	vmul.f32 $3.200000000e+01, v7;
	[tilespmem:s19+$0x9430] =	vst v4  }
0x2ad: {  	v4 =	vmul.f32 $3.200000000e+01, v8;
	[tilespmem:s19+$0x9400] =	vst v3  }
0x2ae: {  	[tilespmem:s19+$0x9440] =	vst v5;
	v5 =	vmul.f32 $3.200000000e+01, v9  }
0x2af: {  	[tilespmem:s19+$0x9450] =	vst v4;
	v4 =	vmul.f32 $3.200000000e+01, v10  }
0x2b0: {  	[tilespmem:s19+$0x9460] =	vst v5  }
0x2b1: {  	s20 =	sor.u32 $0x9400, s26;
	[tilespmem:s19+$0x9470] =	vst v4  }
0x2b2: {  	v3 =	vld [tilespmem:s20+$0x410]  }
0x2b3: {  	v4 =	vld [tilespmem:s20+$0x420]  }
0x2b4: {  	v5 =	vld [tilespmem:s20+$0x430]  }
0x2b5: {  	v6 =	vld [tilespmem:s20+$0x440]  }
0x2b6: {  	v7 =	vld [tilespmem:s20+$0x450]  }
0x2b7: {  	v8 =	vld [tilespmem:s20+$0x460];
	v3 =	vmul.f32 $3.200000000e+01, v3  }
0x2b8: {  	v54 =	vld [tilespmem:s20+$0x470];
	v4 =	vmul.f32 $3.200000000e+01, v4  }
0x2b9: {  	[tilespmem:s20+$0x410] =	vst v3;
	v3 =	vmul.f32 $3.200000000e+01, v5;
	v5 =	vld [tilespmem:s20+$0x400]  }
0x2ba: {  	[tilespmem:s20+$0x420] =	vst v4;
	v4 =	vmul.f32 $3.200000000e+01, v6  }
0x2bb: {  	[tilespmem:s20+$0x430] =	vst v3;
	v3 =	vmul.f32 $3.200000000e+01, v7  }
0x2bc: {  	[tilespmem:s20+$0x440] =	vst v4;
	v4 =	vmul.f32 $3.200000000e+01, v8  }
0x2bd: {  	[tilespmem:s20+$0x450] =	vst v3;
	v3 =	vmul.f32 $3.200000000e+01, v54  }
0x2be: {  	[tilespmem:s20+$0x460] =	vst v4;
	v4 =	vmul.f32 $3.200000000e+01, v5  }
0x2bf: {  	[tilespmem:s20+$0x470] =	vst v3  }
0x2c0: {  	v3 =	vld [tilespmem:s19+$0x9C40];
	[tilespmem:s20+$0x400] =	vst v4  }
0x2c1: {  	v4 =	vld [tilespmem:s19+$0x9C30]  }
0x2c2: {  	v6 =	vld [tilespmem:s19+$0x9C20]  }
0x2c3: {  	v5 =	vld [tilespmem:s19+$0x9C10]  }
0x2c4: {  	v55 =	vld [tilespmem:s19+$0x9C00]  }
0x2c5: {  	v7 =	vld [tilespmem:s19+$0x9C50]  }
0x2c6: {  	v3 =	vmul.f32 $3.200000000e+01, v3  }
0x2c7: {  	v8 =	vld [tilespmem:s19+$0x9C70];
	v6 =	vmul.f32 $3.200000000e+01, v6  }
0x2c8: {  	[tilespmem:s19+$0x9C40] =	vst v3;
	v3 =	vmul.f32 $3.200000000e+01, v5;
	v5 =	vld [tilespmem:s19+$0x9C60]  }
0x2c9: {  	[tilespmem:s19+$0x9C20] =	vst v6;
	v6 =	vmul.f32 $3.200000000e+01, v55  }
0x2ca: {  	[tilespmem:s19+$0x9C10] =	vst v3;
	v3 =	vmul.f32 $3.200000000e+01, v4;
	v4 =	vmul.f32 $3.200000000e+01, v7  }
0x2cb: {  	[tilespmem:s19+$0x9C00] =	vst v6  }
0x2cc: {  	[tilespmem:s19+$0x9C50] =	vst v4;
	v4 =	vmul.f32 $3.200000000e+01, v8  }
0x2cd: {  	[tilespmem:s19+$0x9C30] =	vst v3;
	v3 =	vmul.f32 $3.200000000e+01, v5  }
0x2ce: {  	[tilespmem:s19+$0x9C70] =	vst v4  }
0x2cf: {  	s21 =	sor.u32 $0x9C00, s21;
	[tilespmem:s19+$0x9C60] =	vst v3  }
0x2d0: {  	v3 =	vld [tilespmem:s21+$0x400]  }
0x2d1: {  	v4 =	vld [tilespmem:s21+$0x410]  }
0x2d2: {  	v5 =	vld [tilespmem:s21+$0x420]  }
0x2d3: {  	v6 =	vld [tilespmem:s21+$0x430]  }
0x2d4: {  	v7 =	vld [tilespmem:s21+$0x440]  }
0x2d5: {  	v8 =	vld [tilespmem:s21+$0x450];
	v3 =	vmul.f32 $3.200000000e+01, v3  }
0x2d6: {  	v56 =	vld [tilespmem:s21+$0x460];
	v4 =	vmul.f32 $3.200000000e+01, v4  }
0x2d7: {  	[tilespmem:s21+$0x400] =	vst v3;
	v3 =	vmul.f32 $3.200000000e+01, v5;
	v5 =	vld [tilespmem:s21+$0x470]  }
0x2d8: {  	[tilespmem:s21+$0x410] =	vst v4;
	v4 =	vmul.f32 $3.200000000e+01, v6  }
0x2d9: {  	[tilespmem:s21+$0x420] =	vst v3;
	v3 =	vmul.f32 $3.200000000e+01, v7  }
0x2da: {  	s17 =	sadd.s32 s5, s17;
	[tilespmem:s21+$0x430] =	vst v4;
	v4 =	vmul.f32 $3.200000000e+01, v8  }
0x2db: {  	s17 =	sshll.u32 s17, $0xA;
	[tilespmem:s21+$0x440] =	vst v3;
	v3 =	vmul.f32 $3.200000000e+01, v56  }
0x2dc: {  	s17 =	sadd.s32 s8, s17;
	[tilespmem:s21+$0x450] =	vst v4;
	v4 =	vmul.f32 $3.200000000e+01, v5  }
0x2dd: {  	s17 =	sshrl.u32 s17, $0x3;
	[tilespmem:s21+$0x460] =	vst v3  }
0x2de: {  	s17 =	sadd.s32 s3, s17;
	[tilespmem:s21+$0x470] =	vst v4  }
0x2df: {  	[hbm4b:s17+s4] =	stream.linear.scatter [tilespmem:s2], [sflag:$0x7], $0x4000, $0x38;
	[tilespmem:$0x10400] =	vst v63  }
0x2e0: {  	s17 =	simm.s32 @!p0 $0x6  }
0x2e1: {  	_ =	swait.ge @!p0 [sflag:s17], $0x4000  }
0x2e2: {  	[sflag:s17] =	ssyncset.done @!p0 $0x0  }
0x2e3: {  	[sflag:s17] =	ssyncadd.s32 @!p0 $0xFFFFC000  }
0x2e4: {  	v3 =	vld @!p0 [tilespmem:s18+$0x50];
	_ =	sdelay $0x4  }
0x2e5: {  	v4 =	vshll.u32 @!p0 v3, $0x3  }
0x2e6: {  	v5 =	vlaneseq.u32 @!p0;
	v3 =	vand.u32 @!p0 $0x7, v3;
	v4 =	vand.u32 @!p0 $0xFFFFFFC0, v4  }
0x2e7: {  	v6 =	vshrl.u32 @!p0 v5, $0x3;
	v3 =	vor.u32 @!p0 v3, v4;
	v4 =	vand.u32 @!p0 $0x7, v5  }
0x2e8: {  	v6 =	vmul.u32 @!p0 $0x8, v6;
	v4 =	vperm.xlane @!p0 v3, v4;
	_ =	sdelay $0x1  }
0x2e9: {  	v4 =	vadd.s32 @!p0 v6, v4;
	_ =	sdelay $0x3  }
0x2ea: {  	s17 =	simm.s32 @!p0 $0x0;
	s18 =	simm.s32 @!p0 $0x4400  }
0x2eb: {  	v5 =	vor.u32 @!p0 $0x8, v5;
	[tilespmem:s18], [sflag:$0x2] =	stream.indirect_vreg.gather @!p0 [hbm4b:s1+s17], $0x80, v4, vm1, $0xb8;
	[tilespmem:$0x10400] =	vst v63  }
0x2ec: {  	v3 =	vperm.xlane @!p0 v3, v5;
	s18 =	simm.s32 @!p0 $0x4C00  }
0x2ed: {  	[tilespmem:s18], [sflag:$0x2] =	stream.indirect_vreg.gather @!p0 [hbm4b:s7+s17], $0x80, v4, vm1, $0xb8;
	[tilespmem:$0x10400] =	vst v63  }
0x2ee: {  	v3 =	vadd.s32 @!p0 v6, v3;
	s18 =	simm.s32 @!p0 $0x5400  }
0x2ef: {  	[tilespmem:s18], [sflag:$0x2] =	stream.indirect_vreg.gather @!p0 [hbm4b:s9+s17], $0x80, v4, vm1, $0xb8;
	[tilespmem:$0x10400] =	vst v63  }
0x2f0: {  	s18 =	simm.s32 @!p0 $0x5C00  }
0x2f1: {  	[tilespmem:s18], [sflag:$0x2] =	stream.indirect_vreg.gather @!p0 [hbm4b:s10+s17], $0x80, v4, vm1, $0xb8;
	[tilespmem:$0x10400] =	vst v63  }
0x2f2: {  	s18 =	simm.s32 @!p0 $0x6400  }
0x2f3: {  	[tilespmem:s18], [sflag:$0x2] =	stream.indirect_vreg.gather @!p0 [hbm4b:s1+s17], $0x80, v3, vm1, $0xb8;
	[tilespmem:$0x10400] =	vst v63  }
0x2f4: {  	s18 =	simm.s32 @!p0 $0x6C00  }
0x2f5: {  	[tilespmem:s18], [sflag:$0x2] =	stream.indirect_vreg.gather @!p0 [hbm4b:s7+s17], $0x80, v3, vm1, $0xb8;
	[tilespmem:$0x10400] =	vst v63  }
0x2f6: {  	s18 =	simm.s32 @!p0 $0x7400  }
0x2f7: {  	[tilespmem:s18], [sflag:$0x2] =	stream.indirect_vreg.gather @!p0 [hbm4b:s9+s17], $0x80, v3, vm1, $0xb8;
	[tilespmem:$0x10400] =	vst v63  }
0x2f8: {  	s18 =	simm.s32 @!p0 $0x7C00  }
0x2f9: {  	[tilespmem:s18], [sflag:$0x2] =	stream.indirect_vreg.gather @!p0 [hbm4b:s10+s17], $0x80, v3, vm1, $0xb8;
	[tilespmem:$0x10400] =	vst v63  }
0x2fa: {  	s18 =	simm.s32 $0x0;
	_ =	swait.ge [sflag:s15], $0x4000  }
0x2fb: {  	s25 =	sand.u32 $0x2000, s18;
	s26 =	sand.u32 $0x380, s18;
	[sflag:s15] =	ssyncset.done $0x0  }
0x2fc: {  	s17 =	sor.u32 s26, s25;
	[sflag:s15] =	ssyncadd.s32 $0xFFFFC000  }
0x2fd: {  	v3 =	vld [tilespmem:s17+$0xC470]  }
0x2fe: {  	v4 =	vld [tilespmem:s17+$0xC420]  }
0x2ff: {  	v5 =	vld [tilespmem:s17+$0xC440]  }
0x300: {  	v6 =	vld [tilespmem:s17+$0xC430]  }
0x301: {  	v7 =	vld [tilespmem:s17+$0xC450]  }
0x302: {  	v8 =	vld [tilespmem:s17+$0xC410];
	v3 =	vmul.f32 $3.200000000e+01, v3  }
0x303: {  	v57 =	vld [tilespmem:s17+$0xC400];
	v4 =	vmul.f32 $3.200000000e+01, v4  }
0x304: {  	v58 =	vld [tilespmem:s17+$0xC460];
	v5 =	vmul.f32 $3.200000000e+01, v5;
	[tilespmem:s17+$0xC470] =	vst v3  }
0x305: {  	[tilespmem:s17+$0xC420] =	vst v4;
	v3 =	vmul.f32 $3.200000000e+01, v6  }
0x306: {  	[tilespmem:s17+$0xC440] =	vst v5;
	v4 =	vmul.f32 $3.200000000e+01, v7  }
0x307: {  	v5 =	vmul.f32 $3.200000000e+01, v8;
	[tilespmem:s17+$0xC430] =	vst v3  }
0x308: {  	v3 =	vmul.f32 $3.200000000e+01, v57;
	[tilespmem:s17+$0xC450] =	vst v4  }
0x309: {  	s28 =	sand.u32 $0xFFFFE000, s18;
	[tilespmem:s17+$0xC410] =	vst v5;
	v4 =	vmul.f32 $3.200000000e+01, v58  }
0x30a: {  	s21 =	sadd.s32 $0x0, s28;
	[tilespmem:s17+$0xC400] =	vst v3  }
0x30b: {  	s19 =	sor.u32 $0xC400, s21;
	[tilespmem:s17+$0xC460] =	vst v4  }
0x30c: {  	v3 =	vld [tilespmem:s19+$0x470]  }
0x30d: {  	v4 =	vld [tilespmem:s19+$0x460]  }
0x30e: {  	v5 =	vld [tilespmem:s19+$0x450]  }
0x30f: {  	v6 =	vld [tilespmem:s19+$0x430]  }
0x310: {  	v7 =	vld [tilespmem:s19+$0x440]  }
0x311: {  	v8 =	vld [tilespmem:s19+$0x420];
	v3 =	vmul.f32 $3.200000000e+01, v3  }
0x312: {  	v59 =	vld [tilespmem:s19+$0x410];
	v4 =	vmul.f32 $3.200000000e+01, v4  }
0x313: {  	v60 =	vld [tilespmem:s19+$0x400];
	v5 =	vmul.f32 $3.200000000e+01, v5;
	[tilespmem:s19+$0x470] =	vst v3  }
0x314: {  	v3 =	vmul.f32 $3.200000000e+01, v6;
	[tilespmem:s19+$0x460] =	vst v4  }
0x315: {  	v4 =	vmul.f32 $3.200000000e+01, v7;
	[tilespmem:s19+$0x450] =	vst v5  }
0x316: {  	v5 =	vmul.f32 $3.200000000e+01, v8;
	[tilespmem:s19+$0x430] =	vst v3  }
0x317: {  	v3 =	vmul.f32 $3.200000000e+01, v59;
	[tilespmem:s19+$0x440] =	vst v4  }
0x318: {  	v4 =	vmul.f32 $3.200000000e+01, v60;
	[tilespmem:s19+$0x420] =	vst v5  }
0x319: {  	[tilespmem:s19+$0x410] =	vst v3  }
0x31a: {  	[tilespmem:s19+$0x400] =	vst v4;
	v3 =	vld [tilespmem:s17+$0xCC40]  }
0x31b: {  	v4 =	vld [tilespmem:s17+$0xCC70]  }
0x31c: {  	v5 =	vld [tilespmem:s17+$0xCC60]  }
0x31d: {  	v6 =	vld [tilespmem:s17+$0xCC50]  }
0x31e: {  	v7 =	vld [tilespmem:s17+$0xCC10]  }
0x31f: {  	v8 =	vld [tilespmem:s17+$0xCC30];
	v3 =	vmul.f32 $3.200000000e+01, v3  }
0x320: {  	v61 =	vld [tilespmem:s17+$0xCC00];
	v4 =	vmul.f32 $3.200000000e+01, v4  }
0x321: {  	v62 =	vld [tilespmem:s17+$0xCC20];
	[tilespmem:s17+$0xCC40] =	vst v3;
	v3 =	vmul.f32 $3.200000000e+01, v5  }
0x322: {  	v5 =	vmul.f32 $3.200000000e+01, v6;
	[tilespmem:s17+$0xCC70] =	vst v4  }
0x323: {  	v4 =	vmul.f32 $3.200000000e+01, v7;
	[tilespmem:s17+$0xCC60] =	vst v3  }
0x324: {  	v3 =	vmul.f32 $3.200000000e+01, v8;
	[tilespmem:s17+$0xCC50] =	vst v5  }
0x325: {  	v5 =	vmul.f32 $3.200000000e+01, v61;
	[tilespmem:s17+$0xCC10] =	vst v4  }
0x326: {  	v4 =	vmul.f32 $3.200000000e+01, v62;
	[tilespmem:s17+$0xCC30] =	vst v3  }
0x327: {  	[tilespmem:s17+$0xCC00] =	vst v5  }
0x328: {  	s29 =	sor.u32 $0xCC00, s21;
	[tilespmem:s17+$0xCC20] =	vst v4  }
0x329: {  	v3 =	vld [tilespmem:s29+$0x460]  }
0x32a: {  	v4 =	vld [tilespmem:s29+$0x450]  }
0x32b: {  	v5 =	vld [tilespmem:s29+$0x440]  }
0x32c: {  	v6 =	vld [tilespmem:s29+$0x420]  }
0x32d: {  	v7 =	vld [tilespmem:s29+$0x400]  }
0x32e: {  	v8 =	vld [tilespmem:s29+$0x430];
	v3 =	vmul.f32 $3.200000000e+01, v3  }
0x32f: {  	v63 =	vld [tilespmem:s29+$0x410];
	v4 =	vmul.f32 $3.200000000e+01, v4  }
0x330: {  	v5 =	vmul.f32 $3.200000000e+01, v5;
	[tilespmem:s29+$0x460] =	vst v3;
	v3 =	vld [tilespmem:s29+$0x470]  }
0x331: {  	v6 =	vmul.f32 $3.200000000e+01, v6;
	[tilespmem:s29+$0x450] =	vst v4  }
0x332: {  	v4 =	vmul.f32 $3.200000000e+01, v7;
	[tilespmem:s29+$0x440] =	vst v5  }
0x333: {  	[tilespmem:s29+$0x420] =	vst v6;
	v5 =	vmul.f32 $3.200000000e+01, v8  }
0x334: {  	[tilespmem:s29+$0x400] =	vst v4;
	v4 =	vmul.f32 $3.200000000e+01, v63  }
0x335: {  	[tilespmem:s29+$0x430] =	vst v5;
	v3 =	vmul.f32 $3.200000000e+01, v3  }
0x336: {  	[tilespmem:s29+$0x410] =	vst v4  }
0x337: {  	[tilespmem:s29+$0x470] =	vst v3  }
0x338: {  	v5 =	vld [tilespmem:s17+$0xD420]  }
0x339: {  	v6 =	vld [tilespmem:s17+$0xD410]  }
0x33a: {  	v4 =	vld [tilespmem:s17+$0xD430]  }
0x33b: {  	s20 =	simm.s32 $0x400;
	s19 =	sor.u32 s18, s18;
	v3 =	vld [tilespmem:s17+$0xD400]  }
.LBB2_9:
0x33c: {  	p0 =	sne.s32 s20, $0x3C00  }
0x33d: {  	v7 =	vld [tilespmem:s17+$0xD440];
	s18 =	sadd.s32 $0x80, s18;
	s25 =	smov.u32 s20;
	s20 =	sadd.s32 $0x400, s20  }
0x33e: {  	s26 =	sor.u32 s25, s18;
	v8 =	vld [tilespmem:s17+$0xD450]  }
0x33f: {  	v6 =	vmul.f32 $3.200000000e+01, v6;
	v9 =	vld [tilespmem:s17+$0xD460]  }
0x340: {  	v5 =	vmul.f32 $3.200000000e+01, v5;
	v10 =	vld [tilespmem:s17+$0xD470]  }
0x341: {  	v4 =	vmul.f32 $3.200000000e+01, v4;
	v3 =	vmul.f32 $3.200000000e+01, v3;
	[tilespmem:s17+$0xD410] =	vst v6  }
0x342: {  	[tilespmem:s17+$0xD420] =	vst v5;
	v5 =	vmul.f32 $3.200000000e+01, v7  }
0x343: {  	[tilespmem:s17+$0xD430] =	vst v4;
	v4 =	vmul.f32 $3.200000000e+01, v8  }
0x344: {  	[tilespmem:s17+$0xD440] =	vst v5;
	v5 =	vmul.f32 $3.200000000e+01, v9  }
0x345: {  	[tilespmem:s17+$0xD450] =	vst v4;
	v4 =	vmul.f32 $3.200000000e+01, v10  }
0x346: {  	[tilespmem:s17+$0xD460] =	vst v5  }
0x347: {  	[tilespmem:s17+$0xD470] =	vst v4  }
0x348: {  	s21 =	sor.u32 $0xD400, s21;
	[tilespmem:s17+$0xD400] =	vst v3  }
0x349: {  	v3 =	vld [tilespmem:s21+$0x440]  }
0x34a: {  	v4 =	vld [tilespmem:s21+$0x410]  }
0x34b: {  	v5 =	vld [tilespmem:s21+$0x420]  }
0x34c: {  	v6 =	vld [tilespmem:s21+$0x430]  }
0x34d: {  	v7 =	vld [tilespmem:s21+$0x400]  }
0x34e: {  	v8 =	vld [tilespmem:s21+$0x450]  }
0x34f: {  	v4 =	vmul.f32 $3.200000000e+01, v4;
	v9 =	vld [tilespmem:s21+$0x460]  }
0x350: {  	v5 =	vmul.f32 $3.200000000e+01, v5;
	v10 =	vld [tilespmem:s21+$0x470]  }
0x351: {  	[tilespmem:s21+$0x410] =	vst v4;
	v4 =	vmul.f32 $3.200000000e+01, v6  }
0x352: {  	v3 =	vmul.f32 $3.200000000e+01, v3;
	v6 =	vmul.f32 $3.200000000e+01, v7;
	[tilespmem:s21+$0x420] =	vst v5  }
0x353: {  	[tilespmem:s21+$0x430] =	vst v4;
	v4 =	vmul.f32 $3.200000000e+01, v8  }
0x354: {  	[tilespmem:s21+$0x440] =	vst v3;
	v3 =	vmul.f32 $3.200000000e+01, v9  }
0x355: {  	[tilespmem:s21+$0x450] =	vst v4;
	v4 =	vmul.f32 $3.200000000e+01, v10  }
0x356: {  	[tilespmem:s21+$0x460] =	vst v3  }
0x357: {  	[tilespmem:s21+$0x470] =	vst v4  }
0x358: {  	[tilespmem:s21+$0x400] =	vst v6;
	v3 =	vld [tilespmem:s17+$0xDC40]  }
0x359: {  	v4 =	vld [tilespmem:s17+$0xDC30]  }
0x35a: {  	v5 =	vld [tilespmem:s17+$0xDC10]  }
0x35b: {  	v6 =	vld [tilespmem:s17+$0xDC20]  }
0x35c: {  	v7 =	vld [tilespmem:s17+$0xDC00]  }
0x35d: {  	v3 =	vmul.f32 $3.200000000e+01, v3;
	v8 =	vld [tilespmem:s17+$0xDC50]  }
0x35e: {  	v9 =	vld [tilespmem:s17+$0xDC70]  }
0x35f: {  	v5 =	vmul.f32 $3.200000000e+01, v5;
	[tilespmem:s17+$0xDC40] =	vst v3;
	v3 =	vld [tilespmem:s17+$0xDC60]  }
0x360: {  	v6 =	vmul.f32 $3.200000000e+01, v6  }
0x361: {  	v4 =	vmul.f32 $3.200000000e+01, v4;
	[tilespmem:s17+$0xDC10] =	vst v5  }
0x362: {  	[tilespmem:s17+$0xDC20] =	vst v6;
	v5 =	vmul.f32 $3.200000000e+01, v8  }
0x363: {  	v6 =	vmul.f32 $3.200000000e+01, v7;
	[tilespmem:s17+$0xDC30] =	vst v4  }
0x364: {  	[tilespmem:s17+$0xDC50] =	vst v5;
	v3 =	vmul.f32 $3.200000000e+01, v3  }
0x365: {  	v4 =	vmul.f32 $3.200000000e+01, v9;
	[tilespmem:s17+$0xDC00] =	vst v6  }
0x366: {  	[tilespmem:s17+$0xDC60] =	vst v3  }
0x367: {  	s21 =	sor.u32 $0xDC00, s19;
	s19 =	smov.u32 s26;
	[tilespmem:s17+$0xDC70] =	vst v4  }
0x368: {  	v3 =	vld [tilespmem:s21+$0x400]  }
0x369: {  	v4 =	vld [tilespmem:s21+$0x410]  }
0x36a: {  	v5 =	vld [tilespmem:s21+$0x420]  }
0x36b: {  	v6 =	vld [tilespmem:s21+$0x430]  }
0x36c: {  	v7 =	vld [tilespmem:s21+$0x440]  }
0x36d: {  	v3 =	vmul.f32 $3.200000000e+01, v3;
	v8 =	vld [tilespmem:s21+$0x450]  }
0x36e: {  	v4 =	vmul.f32 $3.200000000e+01, v4;
	v9 =	vld [tilespmem:s21+$0x460]  }
0x36f: {  	[tilespmem:s21+$0x400] =	vst v3;
	v3 =	vmul.f32 $3.200000000e+01, v5;
	v5 =	vld [tilespmem:s21+$0x470]  }
0x370: {  	[tilespmem:s21+$0x410] =	vst v4;
	v4 =	vmul.f32 $3.200000000e+01, v6  }
0x371: {  	[tilespmem:s21+$0x420] =	vst v3;
	v3 =	vmul.f32 $3.200000000e+01, v7  }
0x372: {  	[tilespmem:s21+$0x430] =	vst v4;
	v4 =	vmul.f32 $3.200000000e+01, v8  }
0x373: {  	[tilespmem:s21+$0x440] =	vst v3;
	v3 =	vmul.f32 $3.200000000e+01, v9  }
0x374: {  	[tilespmem:s21+$0x450] =	vst v4;
	v4 =	vmul.f32 $3.200000000e+01, v5  }
0x375: {  	s26 =	sand.u32 $0x380, s18;
	s17 =	sand.u32 $0x2000, s25;
	[tilespmem:s21+$0x460] =	vst v3  }
0x376: {  	s17 =	sor.u32 s26, s17;
	[tilespmem:s21+$0x470] =	vst v4  }
0x377: {  	v3 =	vld [tilespmem:s17+$0xC470]  }
0x378: {  	v4 =	vld [tilespmem:s17+$0xC420]  }
0x379: {  	v5 =	vld [tilespmem:s17+$0xC440]  }
0x37a: {  	v6 =	vld [tilespmem:s17+$0xC430]  }
0x37b: {  	v7 =	vld [tilespmem:s17+$0xC450]  }
0x37c: {  	v8 =	vld [tilespmem:s17+$0xC410];
	v3 =	vmul.f32 $3.200000000e+01, v3  }
0x37d: {  	v9 =	vld [tilespmem:s17+$0xC400];
	v4 =	vmul.f32 $3.200000000e+01, v4  }
0x37e: {  	v5 =	vmul.f32 $3.200000000e+01, v5;
	v10 =	vld [tilespmem:s17+$0xC460];
	[tilespmem:s17+$0xC470] =	vst v3  }
0x37f: {  	[tilespmem:s17+$0xC420] =	vst v4;
	v3 =	vmul.f32 $3.200000000e+01, v6  }
0x380: {  	[tilespmem:s17+$0xC440] =	vst v5;
	v4 =	vmul.f32 $3.200000000e+01, v7  }
0x381: {  	v5 =	vmul.f32 $3.200000000e+01, v8;
	[tilespmem:s17+$0xC430] =	vst v3  }
0x382: {  	v3 =	vmul.f32 $3.200000000e+01, v9;
	[tilespmem:s17+$0xC450] =	vst v4  }
0x383: {  	s21 =	sand.u32 $0xFFFFE000, s25;
	[tilespmem:s17+$0xC410] =	vst v5;
	v4 =	vmul.f32 $3.200000000e+01, v10  }
0x384: {  	s21 =	sadd.s32 s21, s18;
	[tilespmem:s17+$0xC400] =	vst v3  }
0x385: {  	s25 =	sor.u32 $0xC400, s21;
	[tilespmem:s17+$0xC460] =	vst v4  }
0x386: {  	v3 =	vld [tilespmem:s25+$0x470]  }
0x387: {  	v4 =	vld [tilespmem:s25+$0x460]  }
0x388: {  	v5 =	vld [tilespmem:s25+$0x450]  }
0x389: {  	v6 =	vld [tilespmem:s25+$0x430]  }
0x38a: {  	v7 =	vld [tilespmem:s25+$0x440]  }
0x38b: {  	v8 =	vld [tilespmem:s25+$0x420];
	v3 =	vmul.f32 $3.200000000e+01, v3  }
0x38c: {  	v9 =	vld [tilespmem:s25+$0x410];
	v4 =	vmul.f32 $3.200000000e+01, v4  }
0x38d: {  	v10 =	vld [tilespmem:s25+$0x400];
	v5 =	vmul.f32 $3.200000000e+01, v5;
	[tilespmem:s25+$0x470] =	vst v3  }
0x38e: {  	v3 =	vmul.f32 $3.200000000e+01, v6;
	[tilespmem:s25+$0x460] =	vst v4  }
0x38f: {  	v4 =	vmul.f32 $3.200000000e+01, v7;
	[tilespmem:s25+$0x450] =	vst v5  }
0x390: {  	v5 =	vmul.f32 $3.200000000e+01, v8;
	[tilespmem:s25+$0x430] =	vst v3  }
0x391: {  	v3 =	vmul.f32 $3.200000000e+01, v9;
	[tilespmem:s25+$0x440] =	vst v4  }
0x392: {  	v4 =	vmul.f32 $3.200000000e+01, v10;
	[tilespmem:s25+$0x420] =	vst v5  }
0x393: {  	[tilespmem:s25+$0x410] =	vst v3  }
0x394: {  	[tilespmem:s25+$0x400] =	vst v4;
	v3 =	vld [tilespmem:s17+$0xCC40]  }
0x395: {  	v4 =	vld [tilespmem:s17+$0xCC70]  }
0x396: {  	v5 =	vld [tilespmem:s17+$0xCC60]  }
0x397: {  	v6 =	vld [tilespmem:s17+$0xCC50]  }
0x398: {  	v7 =	vld [tilespmem:s17+$0xCC10]  }
0x399: {  	v8 =	vld [tilespmem:s17+$0xCC30];
	v3 =	vmul.f32 $3.200000000e+01, v3  }
0x39a: {  	v9 =	vld [tilespmem:s17+$0xCC00];
	v4 =	vmul.f32 $3.200000000e+01, v4  }
0x39b: {  	v10 =	vld [tilespmem:s17+$0xCC20];
	[tilespmem:s17+$0xCC40] =	vst v3;
	v3 =	vmul.f32 $3.200000000e+01, v5  }
0x39c: {  	v5 =	vmul.f32 $3.200000000e+01, v6;
	[tilespmem:s17+$0xCC70] =	vst v4  }
0x39d: {  	v4 =	vmul.f32 $3.200000000e+01, v7;
	[tilespmem:s17+$0xCC60] =	vst v3  }
0x39e: {  	v3 =	vmul.f32 $3.200000000e+01, v8;
	[tilespmem:s17+$0xCC50] =	vst v5  }
0x39f: {  	v5 =	vmul.f32 $3.200000000e+01, v9;
	[tilespmem:s17+$0xCC10] =	vst v4  }
0x3a0: {  	v4 =	vmul.f32 $3.200000000e+01, v10;
	[tilespmem:s17+$0xCC30] =	vst v3  }
0x3a1: {  	[tilespmem:s17+$0xCC00] =	vst v5  }
0x3a2: {  	s25 =	sor.u32 $0xCC00, s21;
	[tilespmem:s17+$0xCC20] =	vst v4  }
0x3a3: {  	v3 =	vld [tilespmem:s25+$0x460]  }
0x3a4: {  	v4 =	vld [tilespmem:s25+$0x450]  }
0x3a5: {  	v5 =	vld [tilespmem:s25+$0x440]  }
0x3a6: {  	v6 =	vld [tilespmem:s25+$0x420]  }
0x3a7: {  	v7 =	vld [tilespmem:s25+$0x400]  }
0x3a8: {  	v8 =	vld [tilespmem:s25+$0x430];
	v3 =	vmul.f32 $3.200000000e+01, v3  }
0x3a9: {  	v9 =	vld [tilespmem:s25+$0x410];
	v4 =	vmul.f32 $3.200000000e+01, v4  }
0x3aa: {  	v5 =	vmul.f32 $3.200000000e+01, v5;
	[tilespmem:s25+$0x460] =	vst v3;
	v3 =	vld [tilespmem:s25+$0x470]  }
0x3ab: {  	v6 =	vmul.f32 $3.200000000e+01, v6;
	[tilespmem:s25+$0x450] =	vst v4  }
0x3ac: {  	v4 =	vmul.f32 $3.200000000e+01, v7;
	[tilespmem:s25+$0x440] =	vst v5  }
0x3ad: {  	[tilespmem:s25+$0x420] =	vst v6;
	v5 =	vmul.f32 $3.200000000e+01, v8  }
0x3ae: {  	[tilespmem:s25+$0x400] =	vst v4;
	v4 =	vmul.f32 $3.200000000e+01, v9  }
0x3af: {  	[tilespmem:s25+$0x430] =	vst v5;
	v3 =	vmul.f32 $3.200000000e+01, v3  }
0x3b0: {  	[tilespmem:s25+$0x410] =	vst v4  }
.Ltmp3:
0x3b1: {  	[tilespmem:s25+$0x470] =	vst v3;
	(pc) =	sbr.rel @p0 .LBB2_9-.Ltmp3, $4  }
0x3b2: {  	v5 =	vld [tilespmem:s17+$0xD420]  }
0x3b3: {  	v6 =	vld [tilespmem:s17+$0xD410]  }
0x3b4: {  	v4 =	vld [tilespmem:s17+$0xD430]  }
0x3b5: {  	v3 =	vld [tilespmem:s17+$0xD400]  }
0x3b6: {  	v7 =	vld [tilespmem:s17+$0xD440]  }
0x3b7: {  	v8 =	vld [tilespmem:s17+$0xD450];
	v5 =	vmul.f32 $3.200000000e+01, v5  }
0x3b8: {  	v9 =	vld [tilespmem:s17+$0xD460];
	v6 =	vmul.f32 $3.200000000e+01, v6  }
0x3b9: {  	v10 =	vld [tilespmem:s17+$0xD470];
	v4 =	vmul.f32 $3.200000000e+01, v4;
	[tilespmem:s17+$0xD420] =	vst v5  }
0x3ba: {  	[tilespmem:s17+$0xD410] =	vst v6;
	v3 =	vmul.f32 $3.200000000e+01, v3  }
0x3bb: {  	v36 =	vmul.f32 $3.200000000e+01, v7;
	[tilespmem:s17+$0xD430] =	vst v4  }
0x3bc: {  	v37 =	vmul.f32 $3.200000000e+01, v8;
	[tilespmem:s17+$0xD400] =	vst v3  }
0x3bd: {  	v38 =	vmul.f32 $3.200000000e+01, v9;
	[tilespmem:s17+$0xD440] =	vst v36  }
0x3be: {  	v39 =	vmul.f32 $3.200000000e+01, v10;
	[tilespmem:s17+$0xD450] =	vst v37  }
0x3bf: {  	[tilespmem:s17+$0xD460] =	vst v38  }
0x3c0: {  	s18 =	sor.u32 $0xD400, s21;
	[tilespmem:s17+$0xD470] =	vst v39  }
0x3c1: {  	v3 =	vld [tilespmem:s18+$0x410]  }
0x3c2: {  	v4 =	vld [tilespmem:s18+$0x420]  }
0x3c3: {  	v5 =	vld [tilespmem:s18+$0x430]  }
0x3c4: {  	v6 =	vld [tilespmem:s18+$0x440]  }
0x3c5: {  	v40 =	vld [tilespmem:s18+$0x450]  }
0x3c6: {  	v41 =	vld [tilespmem:s18+$0x460];
	v3 =	vmul.f32 $3.200000000e+01, v3  }
0x3c7: {  	v42 =	vld [tilespmem:s18+$0x470];
	v4 =	vmul.f32 $3.200000000e+01, v4  }
0x3c8: {  	v43 =	vld [tilespmem:s18+$0x400];
	[tilespmem:s18+$0x410] =	vst v3;
	v3 =	vmul.f32 $3.200000000e+01, v5  }
0x3c9: {  	v44 =	vmul.f32 $3.200000000e+01, v6;
	[tilespmem:s18+$0x420] =	vst v4  }
0x3ca: {  	[tilespmem:s18+$0x430] =	vst v3;
	v3 =	vmul.f32 $3.200000000e+01, v40  }
0x3cb: {  	v45 =	vmul.f32 $3.200000000e+01, v41;
	[tilespmem:s18+$0x440] =	vst v44  }
0x3cc: {  	[tilespmem:s18+$0x450] =	vst v3;
	v3 =	vmul.f32 $3.200000000e+01, v42  }
0x3cd: {  	v46 =	vmul.f32 $3.200000000e+01, v43;
	[tilespmem:s18+$0x460] =	vst v45  }
0x3ce: {  	[tilespmem:s18+$0x470] =	vst v3  }
0x3cf: {  	[tilespmem:s18+$0x400] =	vst v46;
	v3 =	vld [tilespmem:s17+$0xDC40]  }
0x3d0: {  	v48 =	vld [tilespmem:s17+$0xDC20]  }
0x3d1: {  	v49 =	vld [tilespmem:s17+$0xDC50]  }
0x3d2: {  	v47 =	vld [tilespmem:s17+$0xDC10]  }
0x3d3: {  	v51 =	vld [tilespmem:s17+$0xDC00]  }
0x3d4: {  	v4 =	vld [tilespmem:s17+$0xDC30];
	v3 =	vmul.f32 $3.200000000e+01, v3  }
0x3d5: {  	v50 =	vld [tilespmem:s17+$0xDC70];
	v6 =	vmul.f32 $3.200000000e+01, v48  }
0x3d6: {  	v52 =	vld [tilespmem:s17+$0xDC60];
	v53 =	vmul.f32 $3.200000000e+01, v49;
	[tilespmem:s17+$0xDC40] =	vst v3  }
0x3d7: {  	v3 =	vmul.f32 $3.200000000e+01, v47;
	[tilespmem:s17+$0xDC20] =	vst v6  }
0x3d8: {  	v54 =	vmul.f32 $3.200000000e+01, v51;
	[tilespmem:s17+$0xDC50] =	vst v53  }
0x3d9: {  	[tilespmem:s17+$0xDC10] =	vst v3;
	v3 =	vmul.f32 $3.200000000e+01, v4  }
0x3da: {  	v55 =	vmul.f32 $3.200000000e+01, v50;
	[tilespmem:s17+$0xDC00] =	vst v54  }
0x3db: {  	[tilespmem:s17+$0xDC30] =	vst v3;
	v3 =	vmul.f32 $3.200000000e+01, v52  }
0x3dc: {  	[tilespmem:s17+$0xDC70] =	vst v55  }
0x3dd: {  	s29 =	sor.u32 $0xDC00, s19;
	[tilespmem:s17+$0xDC60] =	vst v3  }
0x3de: {  	v3 =	vld [tilespmem:s29+$0x400]  }
0x3df: {  	v4 =	vld [tilespmem:s29+$0x410]  }
0x3e0: {  	v6 =	vld [tilespmem:s29+$0x430]  }
0x3e1: {  	v56 =	vld [tilespmem:s29+$0x420]  }
0x3e2: {  	v58 =	vld [tilespmem:s29+$0x450]  }
0x3e3: {  	v57 =	vld [tilespmem:s29+$0x440];
	v3 =	vmul.f32 $3.200000000e+01, v3  }
0x3e4: {  	v60 =	vld [tilespmem:s29+$0x470];
	v4 =	vmul.f32 $3.200000000e+01, v4  }
0x3e5: {  	v59 =	vld [tilespmem:s29+$0x460];
	v61 =	vmul.f32 $3.200000000e+01, v6;
	[tilespmem:s29+$0x400] =	vst v3  }
0x3e6: {  	v3 =	vmul.f32 $3.200000000e+01, v56;
	[tilespmem:s29+$0x410] =	vst v4  }
0x3e7: {  	s13 =	sadd.s32 $0x1, s13;
	v62 =	vmul.f32 $3.200000000e+01, v58;
	[tilespmem:s29+$0x430] =	vst v61  }
0x3e8: {  	s14 =	sadd.s32 s5, s14;
	p0 =	sne.s32 s13, $0x10;
	[tilespmem:s29+$0x420] =	vst v3;
	v3 =	vmul.f32 $3.200000000e+01, v57  }
.Ltmp4:
0x3e9: {  	s14 =	sshll.u32 s14, $0xA;
	v63 =	vmul.f32 $3.200000000e+01, v60;
	[tilespmem:s29+$0x450] =	vst v62;
	(pc) =	sbr.rel @p0 .LBB2_2-.Ltmp4, $4  }
0x3ea: {  	s14 =	sadd.s32 s8, s14;
	[tilespmem:s29+$0x440] =	vst v3;
	v3 =	vmul.f32 $3.200000000e+01, v59  }
0x3eb: {  	s14 =	sshrl.u32 s14, $0x3;
	[tilespmem:s29+$0x470] =	vst v63  }
0x3ec: {  	s14 =	sadd.s32 s3, s14;
	[tilespmem:s29+$0x460] =	vst v3  }
0x3ed: {  	[hbm4b:s14+s4] =	stream.linear.scatter [tilespmem:s23], [sflag:$0x8], $0x4000, $0x38;
	[tilespmem:$0x10400] =	vst v63  }
0x3ee: {  	s13 =	simm.s32 $0x5  }
0x3ef: {  	_ =	swait.ge [sflag:s13], $0x4000  }
0x3f0: {  	[sflag:s13] =	ssyncset.done $0x0  }
0x3f1: {  	s26 =	simm.s32 $0x6;
	[sflag:s13] =	ssyncadd.s32 $0xFFFFC000  }
0x3f2: {  	_ =	swait.ge [sflag:s26], $0x4000  }
0x3f3: {  	[sflag:s26] =	ssyncset.done $0x0  }
0x3f4: {  	s28 =	simm.s32 $0x7;
	[sflag:s26] =	ssyncadd.s32 $0xFFFFC000  }
0x3f5: {  	_ =	swait.ge [sflag:s28], $0x4000  }
0x3f6: {  	[sflag:s28] =	ssyncset.done $0x0  }
0x3f7: {  	s14 =	simm.s32 $0x8;
	[sflag:s28] =	ssyncadd.s32 $0xFFFFC000  }
0x3f8: {  	_ =	swait.ge [sflag:s14], $0x4000  }
0x3f9: {  	s17 =	rddreg [dreg:$0x6]  }
0x3fa: {  	s29 =	rddreg [dreg:$0x5];
	s17 =	sadd.s32 $0x1, s17  }
0x3fb: {  	p0 =	sne.s32 s17, s29  }
.Ltmp5:
0x3fc: {  	_ = 	snop;
	(pc) =	sbr.rel @p0 .LBB2_1-.Ltmp5, $3  }
0x3fd: {  	_ =	sdelay $0x1  }
0x3fe: {  	[sflag:s14] =	ssyncset.done $0x0  }
0x3ff: {  	[sflag:s14] =	ssyncadd.s32 $0xFFFFC000  }
0x400: {  	_ =	sfence.sel $0x180000  }
0x401: {  	[bflag:$0x0] =	sbarrier.arrive $0xFFFF  }
0x402: {  	_ =	strace $0x90000047  }
0x403: {  	s0 =	stileid.u32;
	[bflag:$0x2] =	sbarrier.arrive $0xFFFF  }
0x404: {  	p0 =	sne.s32 s0, $0x0;
	s0 =	rddreg [dreg:$0x3]  }
0x405: {  	s0 =	sadd.s32 @!p0 $0x100000, s0  }
0x406: {  	[sflag:s0] =	ssyncadd.tile.s32 @!p0 $0x1;
	_ =	shalt  }
.Lfunc_end2:
_tile_overlayer_lowered:
.L_overlay_start_2:
0x407: {  	(tag) =	ssettag $0x2  }
0x408: {  	s0 =	rddreg [dreg:$0x0];
	s2 =	stileid.u32  }
0x409: {  	s1 =	rddreg [dreg:$0x1];
	p0 =	sne.s32 s2, $0x0  }
0x40a: {  	s3 =	rddreg [dreg:$0x2];
	[bflag:$0x3] =	sbarrier.arrive $0xFFFF;
	s2 =	simm.s32 @!p0 $0x1C09  }
0x40b: {  	[timem:s3], [sflag:s2] =	dma.local @!p0 [hbm:s0], s1  }
0x40c: {  	s0 =	simm.s32 @!p0 $0x9  }
0x40d: {  	_ =	swait.ge @!p0 [sflag:s0], s1  }
0x40e: {  	s1 =	ssub.s32 @!p0 $0x0, s1;
	[sflag:s0] =	ssyncset.done @!p0 $0x0  }
0x40f: {  	[sflag:s0] =	ssyncadd.s32 @!p0 s1  }
0x410: {  	[bflag:$0x3] =	sbarrier.arrive $0xFFFF  }
0x411: {  	_ =	shalt  }

</sc_bundles>
